<compile_context>
chip_gen: v7x
topology: tpu7x:2x2x1
jax: 0.10.2.dev20260603
libtpu: 0.0.44.dev20260713+nightly
codegen_flags: <defaults>
</compile_context>

<pallas_src>
import functools

import jax
import jax.numpy as jnp
from jax import lax
from jax.experimental import pallas as pl
from jax.experimental.pallas import tpu as pltpu
from jax.experimental.pallas import tpu_sc as plsc

N = 10000
D = 128
E = 320000

NC, NS = 2, 16
NW = NC * NS
NPAD = 10240
RPT = NPAD // NS
DEGW = 16

CH = 125
GD = E // (NW * CH)
GE = E // (NS * CH)
QD = D // 4
NBUF = 4


def _sc_deg_body(dst_hbm, deg_out, idx_v, ones_v, zer_v, deg_sh):
    c = lax.axis_index("c")
    s = lax.axis_index("s")
    pltpu.sync_copy(dst_hbm.at[1, s, pl.ds(c * GD, GD)], idx_v)

    def fill_ones(r, _):
        ones_v[r, :] = jnp.ones((DEGW,), jnp.float32)
        return 0

    lax.fori_loop(0, CH, fill_ones, 0)

    def fill_zer(r, _):
        zer_v[r, :] = jnp.zeros((DEGW,), jnp.float32)
        return 0

    lax.fori_loop(0, RPT, fill_zer, 0)
    pltpu.sync_copy(zer_v, deg_sh.at[pl.ds(s * RPT, RPT)])
    plsc.subcore_barrier()

    def add_chunk(g, _):
        pltpu.sync_copy(ones_v, deg_sh.at[idx_v.at[g]], add=True)
        return 0

    lax.fori_loop(0, GD, add_chunk, 0)
    plsc.subcore_barrier()
    pltpu.sync_copy(deg_sh.at[pl.ds(s * RPT, RPT)],
                    deg_out.at[c, pl.ds(s * RPT, RPT)])


def _sc_edge_body(hp_hbm, ev_hbm, acc_out, src_v, dst_v, zbuf, bufs,
                  table_sh, acc_sh, gsems, ssems):
    c = lax.axis_index("c")
    s = lax.axis_index("s")
    pltpu.async_copy(ev_hbm.at[0, s], src_v, gsems[6])
    pltpu.async_copy(ev_hbm.at[1, s], dst_v, gsems[7])

    def fz(r, _):
        for k in range(QD // 16):
            zbuf[r, pl.ds(k * 16, 16)] = jnp.zeros((16,), jnp.float32)
        return 0

    lax.fori_loop(0, zbuf.shape[0], fz, 0)
    pltpu.make_async_copy(ev_hbm.at[0, s], src_v, gsems[6]).wait()
    pltpu.make_async_copy(ev_hbm.at[1, s], dst_v, gsems[7]).wait()

    ZR = zbuf.shape[0]

    for r in range(2):
        qc = 2 * r + c
        pltpu.async_copy(hp_hbm.at[pl.ds(s * RPT, RPT),
                                   pl.ds(qc * QD, QD)],
                         table_sh.at[pl.ds(s * RPT, RPT)], gsems[5])
        for k in range(RPT // ZR):
            pltpu.async_copy(zbuf, acc_sh.at[pl.ds(s * RPT + k * ZR, ZR)],
                             gsems[k])
        pltpu.make_async_copy(hp_hbm.at[pl.ds(s * RPT, RPT),
                                        pl.ds(qc * QD, QD)],
                              table_sh.at[pl.ds(s * RPT, RPT)],
                              gsems[5]).wait()
        for k in range(RPT // ZR):
            pltpu.make_async_copy(zbuf,
                                  acc_sh.at[pl.ds(s * RPT + k * ZR, ZR)],
                                  gsems[k]).wait()
        plsc.subcore_barrier()

        def fire_gather(g, j):
            pltpu.async_copy(table_sh.at[src_v.at[g]], bufs[j], gsems[j])

        def wait_gather(g, j):
            pltpu.make_async_copy(table_sh.at[src_v.at[g]], bufs[j],
                                  gsems[j]).wait()

        def fire_scatter(g, j):
            pltpu.async_copy(bufs[j], acc_sh.at[dst_v.at[g]], ssems[j],
                             add=True)

        def wait_scatter(g, j):
            pltpu.make_async_copy(bufs[j], acc_sh.at[dst_v.at[g]],
                                  ssems[j]).wait()

        NB2 = 2 * NBUF
        P = GE // NB2

        for j in range(NB2):
            fire_gather(j, j)

        def pair(p, fire_next):
            for half in range(2):
                base = NB2 * p + NBUF * half
                js = range(NBUF * half, NBUF * half + NBUF)
                for i, j in enumerate(js):
                    wait_gather(base + i, j)
                for i, j in enumerate(js):
                    fire_scatter(base + i, j)
                for i, j in enumerate(js):
                    wait_scatter(base + i, j)
                if fire_next:
                    for i, j in enumerate(js):
                        fire_gather(base + NB2 + i, j)

        def outer(p, _):
            pair(p, True)
            return 0

        lax.fori_loop(0, P - 1, outer, 0)
        pair(P - 1, False)

        plsc.subcore_barrier()
        pltpu.sync_copy(acc_sh.at[pl.ds(s * RPT, RPT)],
                        acc_out.at[pl.ds(s * RPT, RPT), pl.ds(qc * QD, QD)])


@functools.lru_cache(maxsize=None)
def _sc_kernels():
    mesh = plsc.VectorSubcoreMesh(
        core_axis_name="c", subcore_axis_name="s",
        num_cores=NC, num_subcores=NS)
    params = pltpu.CompilerParams(use_tc_tiling_on_sc=False)
    sc_deg = pl.kernel(
        _sc_deg_body,
        out_type=jax.ShapeDtypeStruct((NC, NPAD, DEGW), jnp.float32),
        mesh=mesh,
        compiler_params=params,
        scratch_types=[
            pltpu.VMEM((GD, CH), jnp.int32),
            pltpu.VMEM((CH, DEGW), jnp.float32),
            pltpu.VMEM((RPT, DEGW), jnp.float32),
            pltpu.VMEM_SHARED((NPAD, DEGW), jnp.float32),
        ],
    )
    sc_edge = pl.kernel(
        _sc_edge_body,
        out_type=jax.ShapeDtypeStruct((NPAD, D), jnp.float32),
        mesh=mesh,
        compiler_params=params,
        scratch_types=[
            pltpu.VMEM((GE, CH), jnp.int32),
            pltpu.VMEM((GE, CH), jnp.int32),
            pltpu.VMEM((128, QD), jnp.float32),
            [pltpu.VMEM((CH, QD), jnp.float32) for _ in range(2 * NBUF)],
            pltpu.VMEM_SHARED((NPAD, QD), jnp.float32),
            pltpu.VMEM_SHARED((NPAD, QD), jnp.float32),
            [pltpu.SemaphoreType.DMA for _ in range(2 * NBUF)],
            [pltpu.SemaphoreType.DMA for _ in range(2 * NBUF)],
        ],
    )
    return sc_deg, sc_edge


BLK = 1000
_GRID = N // BLK


def _row_spec():
    return pl.BlockSpec((BLK, D), lambda i: (i, 0))


def _deg_spec():
    return pl.BlockSpec((BLK, DEGW), lambda i: (i, 0))


def _full_spec(r):
    return pl.BlockSpec(r, lambda i: (0, 0))


def _dinv(dega_ref, degb_ref):
    deg = dega_ref[:, 0:1] + degb_ref[:, 0:1] + 1.0
    return lax.rsqrt(deg)


def _tc_pre_body(x_ref, w_ref, dega_ref, degb_ref, out_ref):
    dinv = _dinv(dega_ref, degb_ref)
    h = jnp.dot(x_ref[...], w_ref[...], preferred_element_type=jnp.float32)
    out_ref[...] = h * dinv


_tc_pre = pl.pallas_call(
    _tc_pre_body,
    grid=(_GRID,),
    in_specs=[_row_spec(), _full_spec((D, D)), _deg_spec(), _deg_spec()],
    out_specs=_row_spec(),
    out_shape=jax.ShapeDtypeStruct((NPAD, D), jnp.float32),
)


def _tc_mid_body(acc_ref, hp_ref, dega_ref, degb_ref, b_ref, w_ref, out_ref):
    dinv = _dinv(dega_ref, degb_ref)
    t = dinv * (acc_ref[...] + hp_ref[...]) + b_ref[...]
    t = jnp.maximum(t, 0.0)
    h = jnp.dot(t, w_ref[...], preferred_element_type=jnp.float32)
    out_ref[...] = h * dinv


_tc_mid = pl.pallas_call(
    _tc_mid_body,
    grid=(_GRID,),
    in_specs=[_row_spec(), _row_spec(), _deg_spec(), _deg_spec(),
              _full_spec((1, D)), _full_spec((D, D))],
    out_specs=_row_spec(),
    out_shape=jax.ShapeDtypeStruct((NPAD, D), jnp.float32),
)


def _tc_post_body(acc_ref, hp_ref, dega_ref, degb_ref, b_ref, out_ref):
    dinv = _dinv(dega_ref, degb_ref)
    out_ref[...] = dinv * (acc_ref[...] + hp_ref[...]) + b_ref[...]


_tc_post = pl.pallas_call(
    _tc_post_body,
    grid=(_GRID,),
    in_specs=[_row_spec(), _row_spec(), _deg_spec(), _deg_spec(),
              _full_spec((1, D))],
    out_specs=_row_spec(),
    out_shape=jax.ShapeDtypeStruct((N, D), jnp.float32),
)


def kernel(x, edge_index, W1, b1, W2, b2):
    ev = edge_index.reshape(2, NS, GE, CH)
    b1r = b1.reshape(1, D)
    b2r = b2.reshape(1, D)

    sc_deg, sc_edge = _sc_kernels()
    deg = sc_deg(ev)
    dega, degb = deg[0], deg[1]
    hp1 = _tc_pre(x, W1, dega, degb)
    acc1 = sc_edge(hp1, ev)
    hp2 = _tc_mid(acc1, hp1, dega, degb, b1r, W2)
    acc2 = sc_edge(hp2, ev)
    out = _tc_post(acc2, hp2, dega, degb, b2r)
    return out

# --- scband reference (transcript-rebuilt; emitter-appended) ---
"""Pipeline reference for scband-gcn-21672404975689 (READ-ONLY COPY).

The authoritative reference and input builder live on the scoring server;
editing this copy changes nothing except your own understanding.
"""

import jax, jax.numpy as jnp
import numpy as np

N = 10000
E = 320000
D_IN = 128
D_H = 128
D_OUT = 128


def setup_inputs(seed: int = 0) -> dict:
    key = jax.random.key(seed)
    k1, k2, k3, k4 = jax.random.split(key, 4)
    x = jax.random.normal(k1, (N, D_IN), dtype=jnp.float32)
    edge_index = jax.random.randint(k2, (2, E), 0, N, dtype=jnp.int32)
    W1 = jax.random.normal(k3, (D_IN, D_H), dtype=jnp.float32) * (1.0 / np.sqrt(D_IN))
    b1 = jnp.zeros((D_H,), dtype=jnp.float32)
    W2 = jax.random.normal(k4, (D_H, D_OUT), dtype=jnp.float32) * (1.0 / np.sqrt(D_H))
    b2 = jnp.zeros((D_OUT,), dtype=jnp.float32)
    return {"x": x, "edge_index": edge_index, "W1": W1, "b1": b1, "W2": W2, "b2": b2}


def _gcn_conv(x, src, dst, W, b, n_nodes):
    # x' = D^{-1/2} (A + I) D^{-1/2} (x W) + b   (PyG GCNConv with add_self_loops)
    h = x @ W
    deg = jnp.zeros((n_nodes,), dtype=h.dtype).at[dst].add(1.0)
    dinv = jnp.where(deg > 0, jax.lax.rsqrt(deg), 0.0)
    norm = dinv[src] * dinv[dst]
    msg = h[src] * norm[:, None]
    out = jnp.zeros_like(h).at[dst].add(msg)
    return out + b


def reference(x, edge_index, W1, b1, W2, b2):
    # Eval mode: F.dropout(training=False) is identity.
    loop = jnp.arange(N, dtype=edge_index.dtype)
    src = jnp.concatenate([edge_index[0], loop])
    dst = jnp.concatenate([edge_index[1], loop])
    h = _gcn_conv(x, src, dst, W1, b1, N)
    h = jax.nn.relu(h)
    out = _gcn_conv(h, src, dst, W2, b2, N)
    return out

if __name__ == "__main__":
    import jax
    _d = setup_inputs()
    print(jax.jit(kernel)(*tuple(_d.values())))

</pallas_src>

<mosaic_0001>
#map = affine_map<(d0, d1) -> (0, 0)>
#map1 = affine_map<(d0, d1) -> (0, 0, 0, 0)>
module attributes {stable_mosaic.version = 14 : i64} {
  func.func @_sc_edge_body(%arg0: i32, %arg1: i32, %arg2: memref<10240x128xf32, #tpu.memory_space<hbm>>, %arg3: memref<2x16x160x125xi32, #tpu.memory_space<hbm>>, %arg4: memref<10240x128xf32, #tpu.memory_space<hbm>>, %arg5: memref<160x125xi32, #tpu.memory_space<vmem>>, %arg6: memref<160x125xi32, #tpu.memory_space<vmem>>, %arg7: memref<128x32xf32, #tpu.memory_space<vmem>>, %arg8: memref<125x32xf32, #tpu.memory_space<vmem>>, %arg9: memref<125x32xf32, #tpu.memory_space<vmem>>, %arg10: memref<125x32xf32, #tpu.memory_space<vmem>>, %arg11: memref<125x32xf32, #tpu.memory_space<vmem>>, %arg12: memref<125x32xf32, #tpu.memory_space<vmem>>, %arg13: memref<125x32xf32, #tpu.memory_space<vmem>>, %arg14: memref<125x32xf32, #tpu.memory_space<vmem>>, %arg15: memref<125x32xf32, #tpu.memory_space<vmem>>, %arg16: memref<10240x32xf32, #tpu.memory_space<vmem_shared>>, %arg17: memref<10240x32xf32, #tpu.memory_space<vmem_shared>>, %arg18: memref<!tpu.dma_semaphore, #tpu.memory_space<semaphore_mem>>, %arg19: memref<!tpu.dma_semaphore, #tpu.memory_space<semaphore_mem>>, %arg20: memref<!tpu.dma_semaphore, #tpu.memory_space<semaphore_mem>>, %arg21: memref<!tpu.dma_semaphore, #tpu.memory_space<semaphore_mem>>, %arg22: memref<!tpu.dma_semaphore, #tpu.memory_space<semaphore_mem>>, %arg23: memref<!tpu.dma_semaphore, #tpu.memory_space<semaphore_mem>>, %arg24: memref<!tpu.dma_semaphore, #tpu.memory_space<semaphore_mem>>, %arg25: memref<!tpu.dma_semaphore, #tpu.memory_space<semaphore_mem>>, %arg26: memref<!tpu.dma_semaphore, #tpu.memory_space<semaphore_mem>>, %arg27: memref<!tpu.dma_semaphore, #tpu.memory_space<semaphore_mem>>, %arg28: memref<!tpu.dma_semaphore, #tpu.memory_space<semaphore_mem>>, %arg29: memref<!tpu.dma_semaphore, #tpu.memory_space<semaphore_mem>>, %arg30: memref<!tpu.dma_semaphore, #tpu.memory_space<semaphore_mem>>, %arg31: memref<!tpu.dma_semaphore, #tpu.memory_space<semaphore_mem>>, %arg32: memref<!tpu.dma_semaphore, #tpu.memory_space<semaphore_mem>>, %arg33: memref<!tpu.dma_semaphore, #tpu.memory_space<semaphore_mem>>) attributes {dimension_semantics = [#tpu.dimension_semantics<core_parallel>, #tpu.dimension_semantics<subcore_parallel>], iteration_bounds = array<i64: 2, 16>, scalar_prefetch = 0 : i64, scratch_operands = 29 : i64, tpu.core_type = #tpu.core_type<sc_vector_subcore>, window_params = [{transform_indices = #map}, {transform_indices = #map1}, {transform_indices = #map}]} {
    %dma_start3A = arith.constant 0 : i32
    %dma_start3A_0 = arith.constant 0 : i32
    %dma_start3A_1 = arith.constant 0 : i32
    %dma_start3A_2 = tpu.memref_slice %arg3[%dma_start3A, %arg1, %dma_start3A_0, %dma_start3A_1] : memref<2x16x160x125xi32, #tpu.memory_space<hbm>> -> memref<1x1x160x125xi32, #tpu.memory_space<hbm>>
    %dma_start3A_3 = tpu.memref_squeeze %dma_start3A_2 : memref<1x1x160x125xi32, #tpu.memory_space<hbm>> -> memref<160x125xi32, #tpu.memory_space<hbm>>
    %dma_start3A_4 = arith.constant 0 : i32
    %dma_start3A_5 = arith.constant 0 : i32
    %dma_start3A_6 = tpu.memref_slice %arg3[%dma_start3A, %arg1, %dma_start3A_4, %dma_start3A_5] : memref<2x16x160x125xi32, #tpu.memory_space<hbm>> -> memref<1x1x160x125xi32, #tpu.memory_space<hbm>>
    %dma_start3A_7 = tpu.memref_squeeze %dma_start3A_6 : memref<1x1x160x125xi32, #tpu.memory_space<hbm>> -> memref<160x125xi32, #tpu.memory_space<hbm>>
    tpu.enqueue_dma source(%dma_start3A_7 : memref<160x125xi32, #tpu.memory_space<hbm>>) target(%arg5 : memref<160x125xi32, #tpu.memory_space<vmem>>) target_semaphore(%arg24 : memref<!tpu.dma_semaphore, #tpu.memory_space<semaphore_mem>>)
    %dma_start3A_8 = arith.constant 1 : i32
    %dma_start3A_9 = arith.constant 0 : i32
    %dma_start3A_10 = arith.constant 0 : i32
    %dma_start3A_11 = tpu.memref_slice %arg3[%dma_start3A_8, %arg1, %dma_start3A_9, %dma_start3A_10] : memref<2x16x160x125xi32, #tpu.memory_space<hbm>> -> memref<1x1x160x125xi32, #tpu.memory_space<hbm>>
    %dma_start3A_12 = tpu.memref_squeeze %dma_start3A_11 : memref<1x1x160x125xi32, #tpu.memory_space<hbm>> -> memref<160x125xi32, #tpu.memory_space<hbm>>
    %dma_start3A_13 = arith.constant 0 : i32
    %dma_start3A_14 = arith.constant 0 : i32
    %dma_start3A_15 = tpu.memref_slice %arg3[%dma_start3A_8, %arg1, %dma_start3A_13, %dma_start3A_14] : memref<2x16x160x125xi32, #tpu.memory_space<hbm>> -> memref<1x1x160x125xi32, #tpu.memory_space<hbm>>
    %dma_start3A_16 = tpu.memref_squeeze %dma_start3A_15 : memref<1x1x160x125xi32, #tpu.memory_space<hbm>> -> memref<160x125xi32, #tpu.memory_space<hbm>>
    tpu.enqueue_dma source(%dma_start3A_16 : memref<160x125xi32, #tpu.memory_space<hbm>>) target(%arg6 : memref<160x125xi32, #tpu.memory_space<vmem>>) target_semaphore(%arg25 : memref<!tpu.dma_semaphore, #tpu.memory_space<semaphore_mem>>)
    %scan3A = arith.constant 0 : i32
    %scan3A_17 = arith.constant 0 : i32
    %scan3A_18 = arith.constant 128 : i32
    %scan3A_19 = arith.addi %scan3A_17, %scan3A_18 : i32
    %scan3A_20 = arith.constant 1 : i32
    %scan3A_21 = scf.for %scan3A_715 = %scan3A_17 to %scan3A_19 step %scan3A_20 iter_args(%scan3A_716 = %scan3A) -> (i32)  : i32 {
      %broadcast_in_dim3A = arith.constant 0.000000e+00 : f32
      %broadcast_in_dim3A_717 = vector.broadcast %broadcast_in_dim3A : f32 to vector<16xf32>
      %swap3A = arith.index_cast %scan3A_715 : i32 to index
      %swap3A_718 = arith.constant 0 : index
      %swap3A_719 = tpu.vector_load %arg7[%swap3A, %swap3A_718] {strides = array<i32>} : memref<128x32xf32, #tpu.memory_space<vmem>>, vector<1x16xf32>,
      %swap3A_720 = vector.shape_cast %swap3A_719 : vector<1x16xf32> to vector<16xf32>
      %swap3A_721 = vector.shape_cast %broadcast_in_dim3A_717 : vector<16xf32> to vector<1x16xf32>
      tpu.vector_store %arg7[%swap3A, %swap3A_718], %swap3A_721 {strides = array<i32>} : memref<128x32xf32, #tpu.memory_space<vmem>>, vector<1x16xf32>,
      %broadcast_in_dim3A_722 = arith.constant 0.000000e+00 : f32
      %broadcast_in_dim3A_723 = vector.broadcast %broadcast_in_dim3A_722 : f32 to vector<16xf32>
      %swap3A_724 = arith.index_cast %scan3A_715 : i32 to index
      %swap3A_725 = arith.constant 16 : index
      %swap3A_726 = tpu.vector_load %arg7[%swap3A_724, %swap3A_725] {strides = array<i32>} : memref<128x32xf32, #tpu.memory_space<vmem>>, vector<1x16xf32>,
      %swap3A_727 = vector.shape_cast %swap3A_726 : vector<1x16xf32> to vector<16xf32>
      %swap3A_728 = vector.shape_cast %broadcast_in_dim3A_723 : vector<16xf32> to vector<1x16xf32>
      tpu.vector_store %arg7[%swap3A_724, %swap3A_725], %swap3A_728 {strides = array<i32>} : memref<128x32xf32, #tpu.memory_space<vmem>>, vector<1x16xf32>,
      %scan3A_729 = arith.constant 0 : i32
      scf.yield %scan3A_729 : i32
    }
    %scan3A_22 = arith.constant 128 : i32
    %dma_wait3A = arith.constant 0 : i32
    %dma_wait3A_23 = arith.constant 0 : i32
    %dma_wait3A_24 = arith.constant 0 : i32
    %dma_wait3A_25 = tpu.memref_slice %arg3[%dma_wait3A, %arg1, %dma_wait3A_23, %dma_wait3A_24] : memref<2x16x160x125xi32, #tpu.memory_space<hbm>> -> memref<1x1x160x125xi32, #tpu.memory_space<hbm>>
    %dma_wait3A_26 = tpu.memref_squeeze %dma_wait3A_25 : memref<1x1x160x125xi32, #tpu.memory_space<hbm>> -> memref<160x125xi32, #tpu.memory_space<hbm>>
    %dma_wait3A_27 = arith.constant 0 : i32
    %dma_wait3A_28 = arith.constant 0 : i32
    %dma_wait3A_29 = tpu.memref_slice %arg3[%dma_wait3A, %arg1, %dma_wait3A_27, %dma_wait3A_28] : memref<2x16x160x125xi32, #tpu.memory_space<hbm>> -> memref<1x1x160x125xi32, #tpu.memory_space<hbm>>
    %dma_wait3A_30 = tpu.memref_squeeze %dma_wait3A_29 : memref<1x1x160x125xi32, #tpu.memory_space<hbm>> -> memref<160x125xi32, #tpu.memory_space<hbm>>
    tpu.wait_dma2 semaphore(%arg24 : memref<!tpu.dma_semaphore, #tpu.memory_space<semaphore_mem>>) src(%dma_wait3A_30 : memref<160x125xi32, #tpu.memory_space<hbm>>) dst(%arg5 : memref<160x125xi32, #tpu.memory_space<vmem>>)
    %dma_wait3A_31 = arith.constant 1 : i32
    %dma_wait3A_32 = arith.constant 0 : i32
    %dma_wait3A_33 = arith.constant 0 : i32
    %dma_wait3A_34 = tpu.memref_slice %arg3[%dma_wait3A_31, %arg1, %dma_wait3A_32, %dma_wait3A_33] : memref<2x16x160x125xi32, #tpu.memory_space<hbm>> -> memref<1x1x160x125xi32, #tpu.memory_space<hbm>>
    %dma_wait3A_35 = tpu.memref_squeeze %dma_wait3A_34 : memref<1x1x160x125xi32, #tpu.memory_space<hbm>> -> memref<160x125xi32, #tpu.memory_space<hbm>>
    %dma_wait3A_36 = arith.constant 0 : i32
    %dma_wait3A_37 = arith.constant 0 : i32
    %dma_wait3A_38 = tpu.memref_slice %arg3[%dma_wait3A_31, %arg1, %dma_wait3A_36, %dma_wait3A_37] : memref<2x16x160x125xi32, #tpu.memory_space<hbm>> -> memref<1x1x160x125xi32, #tpu.memory_space<hbm>>
    %dma_wait3A_39 = tpu.memref_squeeze %dma_wait3A_38 : memref<1x1x160x125xi32, #tpu.memory_space<hbm>> -> memref<160x125xi32, #tpu.memory_space<hbm>>
    tpu.wait_dma2 semaphore(%arg25 : memref<!tpu.dma_semaphore, #tpu.memory_space<semaphore_mem>>) src(%dma_wait3A_39 : memref<160x125xi32, #tpu.memory_space<hbm>>) dst(%arg6 : memref<160x125xi32, #tpu.memory_space<vmem>>)
    %add3A = arith.constant 0 : i32
    %add3A_40 = arith.addi %add3A, %arg0 : i32
    %mul3A = arith.constant 640 : i32
    %mul3A_41 = arith.muli %arg1, %mul3A : i32
    %mul3A_42 = arith.constant 32 : i32
    %mul3A_43 = arith.muli %add3A_40, %mul3A_42 : i32
    %mul3A_44 = arith.constant 640 : i32
    %mul3A_45 = arith.muli %arg1, %mul3A_44 : i32
    %dma_start3A_46 = arith.constant 0 : i32
    %dma_start3A_47 = tpu.memref_slice %arg16[%mul3A_45, %dma_start3A_46] : memref<10240x32xf32, #tpu.memory_space<vmem_shared>> -> memref<640x32xf32, #tpu.memory_space<vmem_shared>>
    %dma_start3A_48 = tpu.memref_slice %arg2[%mul3A_41, %mul3A_43] : memref<10240x128xf32, #tpu.memory_space<hbm>> -> memref<640x32xf32, #tpu.memory_space<hbm>>
    tpu.enqueue_dma source(%dma_start3A_48 : memref<640x32xf32, #tpu.memory_space<hbm>>) target(%dma_start3A_47 : memref<640x32xf32, #tpu.memory_space<vmem_shared>>) target_semaphore(%arg23 : memref<!tpu.dma_semaphore, #tpu.memory_space<semaphore_mem>>)
    %mul3A_49 = arith.constant 640 : i32
    %mul3A_50 = arith.muli %arg1, %mul3A_49 : i32
    %add3A_51 = arith.constant 0 : i32
    %add3A_52 = arith.addi %mul3A_50, %add3A_51 : i32
    %dma_start3A_53 = arith.constant 0 : i32
    %dma_start3A_54 = tpu.memref_slice %arg17[%add3A_52, %dma_start3A_53] : memref<10240x32xf32, #tpu.memory_space<vmem_shared>> -> memref<128x32xf32, #tpu.memory_space<vmem_shared>>
    %dma_start3A_55 = arith.constant 0 : i32
    %dma_start3A_56 = tpu.memref_slice %arg17[%add3A_52, %dma_start3A_55] : memref<10240x32xf32, #tpu.memory_space<vmem_shared>> -> memref<128x32xf32, #tpu.memory_space<vmem_shared>>
    tpu.enqueue_dma source(%arg7 : memref<128x32xf32, #tpu.memory_space<vmem>>) target(%dma_start3A_56 : memref<128x32xf32, #tpu.memory_space<vmem_shared>>) target_semaphore(%arg18 : memref<!tpu.dma_semaphore, #tpu.memory_space<semaphore_mem>>)
    %mul3A_57 = arith.constant 640 : i32
    %mul3A_58 = arith.muli %arg1, %mul3A_57 : i32
    %add3A_59 = arith.constant 128 : i32
    %add3A_60 = arith.addi %mul3A_58, %add3A_59 : i32
    %dma_start3A_61 = arith.constant 0 : i32
    %dma_start3A_62 = tpu.memref_slice %arg17[%add3A_60, %dma_start3A_61] : memref<10240x32xf32, #tpu.memory_space<vmem_shared>> -> memref<128x32xf32, #tpu.memory_space<vmem_shared>>
    %dma_start3A_63 = arith.constant 0 : i32
    %dma_start3A_64 = tpu.memref_slice %arg17[%add3A_60, %dma_start3A_63] : memref<10240x32xf32, #tpu.memory_space<vmem_shared>> -> memref<128x32xf32, #tpu.memory_space<vmem_shared>>
    tpu.enqueue_dma source(%arg7 : memref<128x32xf32, #tpu.memory_space<vmem>>) target(%dma_start3A_64 : memref<128x32xf32, #tpu.memory_space<vmem_shared>>) target_semaphore(%arg19 : memref<!tpu.dma_semaphore, #tpu.memory_space<semaphore_mem>>)
    %mul3A_65 = arith.constant 640 : i32
    %mul3A_66 = arith.muli %arg1, %mul3A_65 : i32
    %add3A_67 = arith.constant 256 : i32
    %add3A_68 = arith.addi %mul3A_66, %add3A_67 : i32
    %dma_start3A_69 = arith.constant 0 : i32
    %dma_start3A_70 = tpu.memref_slice %arg17[%add3A_68, %dma_start3A_69] : memref<10240x32xf32, #tpu.memory_space<vmem_shared>> -> memref<128x32xf32, #tpu.memory_space<vmem_shared>>
    %dma_start3A_71 = arith.constant 0 : i32
    %dma_start3A_72 = tpu.memref_slice %arg17[%add3A_68, %dma_start3A_71] : memref<10240x32xf32, #tpu.memory_space<vmem_shared>> -> memref<128x32xf32, #tpu.memory_space<vmem_shared>>
    tpu.enqueue_dma source(%arg7 : memref<128x32xf32, #tpu.memory_space<vmem>>) target(%dma_start3A_72 : memref<128x32xf32, #tpu.memory_space<vmem_shared>>) target_semaphore(%arg20 : memref<!tpu.dma_semaphore, #tpu.memory_space<semaphore_mem>>)
    %mul3A_73 = arith.constant 640 : i32
    %mul3A_74 = arith.muli %arg1, %mul3A_73 : i32
    %add3A_75 = arith.constant 384 : i32
    %add3A_76 = arith.addi %mul3A_74, %add3A_75 : i32
    %dma_start3A_77 = arith.constant 0 : i32
    %dma_start3A_78 = tpu.memref_slice %arg17[%add3A_76, %dma_start3A_77] : memref<10240x32xf32, #tpu.memory_space<vmem_shared>> -> memref<128x32xf32, #tpu.memory_space<vmem_shared>>
    %dma_start3A_79 = arith.constant 0 : i32
    %dma_start3A_80 = tpu.memref_slice %arg17[%add3A_76, %dma_start3A_79] : memref<10240x32xf32, #tpu.memory_space<vmem_shared>> -> memref<128x32xf32, #tpu.memory_space<vmem_shared>>
    tpu.enqueue_dma source(%arg7 : memref<128x32xf32, #tpu.memory_space<vmem>>) target(%dma_start3A_80 : memref<128x32xf32, #tpu.memory_space<vmem_shared>>) target_semaphore(%arg21 : memref<!tpu.dma_semaphore, #tpu.memory_space<semaphore_mem>>)
    %mul3A_81 = arith.constant 640 : i32
    %mul3A_82 = arith.muli %arg1, %mul3A_81 : i32
    %add3A_83 = arith.constant 512 : i32
    %add3A_84 = arith.addi %mul3A_82, %add3A_83 : i32
    %dma_start3A_85 = arith.constant 0 : i32
    %dma_start3A_86 = tpu.memref_slice %arg17[%add3A_84, %dma_start3A_85] : memref<10240x32xf32, #tpu.memory_space<vmem_shared>> -> memref<128x32xf32, #tpu.memory_space<vmem_shared>>
    %dma_start3A_87 = arith.constant 0 : i32
    %dma_start3A_88 = tpu.memref_slice %arg17[%add3A_84, %dma_start3A_87] : memref<10240x32xf32, #tpu.memory_space<vmem_shared>> -> memref<128x32xf32, #tpu.memory_space<vmem_shared>>
    tpu.enqueue_dma source(%arg7 : memref<128x32xf32, #tpu.memory_space<vmem>>) target(%dma_start3A_88 : memref<128x32xf32, #tpu.memory_space<vmem_shared>>) target_semaphore(%arg22 : memref<!tpu.dma_semaphore, #tpu.memory_space<semaphore_mem>>)
    %mul3A_89 = arith.constant 640 : i32
    %mul3A_90 = arith.muli %arg1, %mul3A_89 : i32
    %mul3A_91 = arith.constant 32 : i32
    %mul3A_92 = arith.muli %add3A_40, %mul3A_91 : i32
    %mul3A_93 = arith.constant 640 : i32
    %mul3A_94 = arith.muli %arg1, %mul3A_93 : i32
    %dma_wait3A_95 = arith.constant 0 : i32
    %dma_wait3A_96 = tpu.memref_slice %arg16[%mul3A_94, %dma_wait3A_95] : memref<10240x32xf32, #tpu.memory_space<vmem_shared>> -> memref<640x32xf32, #tpu.memory_space<vmem_shared>>
    %dma_wait3A_97 = tpu.memref_slice %arg2[%mul3A_90, %mul3A_92] : memref<10240x128xf32, #tpu.memory_space<hbm>> -> memref<640x32xf32, #tpu.memory_space<hbm>>
    tpu.wait_dma2 semaphore(%arg23 : memref<!tpu.dma_semaphore, #tpu.memory_space<semaphore_mem>>) src(%dma_wait3A_97 : memref<640x32xf32, #tpu.memory_space<hbm>>) dst(%dma_wait3A_96 : memref<640x32xf32, #tpu.memory_space<vmem_shared>>)
    %mul3A_98 = arith.constant 640 : i32
    %mul3A_99 = arith.muli %arg1, %mul3A_98 : i32
    %add3A_100 = arith.constant 0 : i32
    %add3A_101 = arith.addi %mul3A_99, %add3A_100 : i32
    %dma_wait3A_102 = arith.constant 0 : i32
    %dma_wait3A_103 = tpu.memref_slice %arg17[%add3A_101, %dma_wait3A_102] : memref<10240x32xf32, #tpu.memory_space<vmem_shared>> -> memref<128x32xf32, #tpu.memory_space<vmem_shared>>
    %dma_wait3A_104 = arith.constant 0 : i32
    %dma_wait3A_105 = tpu.memref_slice %arg17[%add3A_101, %dma_wait3A_104] : memref<10240x32xf32, #tpu.memory_space<vmem_shared>> -> memref<128x32xf32, #tpu.memory_space<vmem_shared>>
    tpu.wait_dma2 semaphore(%arg18 : memref<!tpu.dma_semaphore, #tpu.memory_space<semaphore_mem>>) src(%arg7 : memref<128x32xf32, #tpu.memory_space<vmem>>) dst(%dma_wait3A_105 : memref<128x32xf32, #tpu.memory_space<vmem_shared>>)
    %mul3A_106 = arith.constant 640 : i32
    %mul3A_107 = arith.muli %arg1, %mul3A_106 : i32
    %add3A_108 = arith.constant 128 : i32
    %add3A_109 = arith.addi %mul3A_107, %add3A_108 : i32
    %dma_wait3A_110 = arith.constant 0 : i32
    %dma_wait3A_111 = tpu.memref_slice %arg17[%add3A_109, %dma_wait3A_110] : memref<10240x32xf32, #tpu.memory_space<vmem_shared>> -> memref<128x32xf32, #tpu.memory_space<vmem_shared>>
    %dma_wait3A_112 = arith.constant 0 : i32
    %dma_wait3A_113 = tpu.memref_slice %arg17[%add3A_109, %dma_wait3A_112] : memref<10240x32xf32, #tpu.memory_space<vmem_shared>> -> memref<128x32xf32, #tpu.memory_space<vmem_shared>>
    tpu.wait_dma2 semaphore(%arg19 : memref<!tpu.dma_semaphore, #tpu.memory_space<semaphore_mem>>) src(%arg7 : memref<128x32xf32, #tpu.memory_space<vmem>>) dst(%dma_wait3A_113 : memref<128x32xf32, #tpu.memory_space<vmem_shared>>)
    %mul3A_114 = arith.constant 640 : i32
    %mul3A_115 = arith.muli %arg1, %mul3A_114 : i32
    %add3A_116 = arith.constant 256 : i32
    %add3A_117 = arith.addi %mul3A_115, %add3A_116 : i32
    %dma_wait3A_118 = arith.constant 0 : i32
    %dma_wait3A_119 = tpu.memref_slice %arg17[%add3A_117, %dma_wait3A_118] : memref<10240x32xf32, #tpu.memory_space<vmem_shared>> -> memref<128x32xf32, #tpu.memory_space<vmem_shared>>
    %dma_wait3A_120 = arith.constant 0 : i32
    %dma_wait3A_121 = tpu.memref_slice %arg17[%add3A_117, %dma_wait3A_120] : memref<10240x32xf32, #tpu.memory_space<vmem_shared>> -> memref<128x32xf32, #tpu.memory_space<vmem_shared>>
    tpu.wait_dma2 semaphore(%arg20 : memref<!tpu.dma_semaphore, #tpu.memory_space<semaphore_mem>>) src(%arg7 : memref<128x32xf32, #tpu.memory_space<vmem>>) dst(%dma_wait3A_121 : memref<128x32xf32, #tpu.memory_space<vmem_shared>>)
    %mul3A_122 = arith.constant 640 : i32
    %mul3A_123 = arith.muli %arg1, %mul3A_122 : i32
    %add3A_124 = arith.constant 384 : i32
    %add3A_125 = arith.addi %mul3A_123, %add3A_124 : i32
    %dma_wait3A_126 = arith.constant 0 : i32
    %dma_wait3A_127 = tpu.memref_slice %arg17[%add3A_125, %dma_wait3A_126] : memref<10240x32xf32, #tpu.memory_space<vmem_shared>> -> memref<128x32xf32, #tpu.memory_space<vmem_shared>>
    %dma_wait3A_128 = arith.constant 0 : i32
    %dma_wait3A_129 = tpu.memref_slice %arg17[%add3A_125, %dma_wait3A_128] : memref<10240x32xf32, #tpu.memory_space<vmem_shared>> -> memref<128x32xf32, #tpu.memory_space<vmem_shared>>
    tpu.wait_dma2 semaphore(%arg21 : memref<!tpu.dma_semaphore, #tpu.memory_space<semaphore_mem>>) src(%arg7 : memref<128x32xf32, #tpu.memory_space<vmem>>) dst(%dma_wait3A_129 : memref<128x32xf32, #tpu.memory_space<vmem_shared>>)
    %mul3A_130 = arith.constant 640 : i32
    %mul3A_131 = arith.muli %arg1, %mul3A_130 : i32
    %add3A_132 = arith.constant 512 : i32
    %add3A_133 = arith.addi %mul3A_131, %add3A_132 : i32
    %dma_wait3A_134 = arith.constant 0 : i32
    %dma_wait3A_135 = tpu.memref_slice %arg17[%add3A_133, %dma_wait3A_134] : memref<10240x32xf32, #tpu.memory_space<vmem_shared>> -> memref<128x32xf32, #tpu.memory_space<vmem_shared>>
    %dma_wait3A_136 = arith.constant 0 : i32
    %dma_wait3A_137 = tpu.memref_slice %arg17[%add3A_133, %dma_wait3A_136] : memref<10240x32xf32, #tpu.memory_space<vmem_shared>> -> memref<128x32xf32, #tpu.memory_space<vmem_shared>>
    tpu.wait_dma2 semaphore(%arg22 : memref<!tpu.dma_semaphore, #tpu.memory_space<semaphore_mem>>) src(%arg7 : memref<128x32xf32, #tpu.memory_space<vmem>>) dst(%dma_wait3A_137 : memref<128x32xf32, #tpu.memory_space<vmem_shared>>)
    %barrier3A = arith.constant 0 : index
    tpu.barrier barrier_id(%barrier3A)
    %dma_start3A_138 = arith.constant 0 : i32
    %dma_start3A_139 = arith.constant 0 : i32
    %dma_start3A_140 = tpu.memref_slice %arg5[%dma_start3A_138, %dma_start3A_139] : memref<160x125xi32, #tpu.memory_space<vmem>> -> memref<1x125xi32, #tpu.memory_space<vmem>>
    %dma_start3A_141 = tpu.memref_squeeze %dma_start3A_140 : memref<1x125xi32, #tpu.memory_space<vmem>> -> memref<125xi32, #tpu.memory_space<vmem>>
    %dma_start3A_142 = arith.constant 0 : i32
    %dma_start3A_143 = arith.constant 0 : i32
    %dma_start3A_144 = tpu.memref_slice %arg16[%dma_start3A_142, %dma_start3A_143] : memref<10240x32xf32, #tpu.memory_space<vmem_shared>> -> memref<10240x32xf32, #tpu.memory_space<vmem_shared>>
    tpu.enqueue_indirect_dma source(%dma_start3A_144 : memref<10240x32xf32, #tpu.memory_space<vmem_shared>>) target(%arg8 : memref<125x32xf32, #tpu.memory_space<vmem>>) offsets(%dma_start3A_141 : memref<125xi32, #tpu.memory_space<vmem>>) semaphore(%arg18 : memref<!tpu.dma_semaphore, #tpu.memory_space<semaphore_mem>>)
    %dma_start3A_145 = arith.constant 1 : i32
    %dma_start3A_146 = arith.constant 0 : i32
    %dma_start3A_147 = tpu.memref_slice %arg5[%dma_start3A_145, %dma_start3A_146] : memref<160x125xi32, #tpu.memory_space<vmem>> -> memref<1x125xi32, #tpu.memory_space<vmem>>
    %dma_start3A_148 = tpu.memref_squeeze %dma_start3A_147 : memref<1x125xi32, #tpu.memory_space<vmem>> -> memref<125xi32, #tpu.memory_space<vmem>>
    %dma_start3A_149 = arith.constant 0 : i32
    %dma_start3A_150 = arith.constant 0 : i32
    %dma_start3A_151 = tpu.memref_slice %arg16[%dma_start3A_149, %dma_start3A_150] : memref<10240x32xf32, #tpu.memory_space<vmem_shared>> -> memref<10240x32xf32, #tpu.memory_space<vmem_shared>>
    tpu.enqueue_indirect_dma source(%dma_start3A_151 : memref<10240x32xf32, #tpu.memory_space<vmem_shared>>) target(%arg9 : memref<125x32xf32, #tpu.memory_space<vmem>>) offsets(%dma_start3A_148 : memref<125xi32, #tpu.memory_space<vmem>>) semaphore(%arg19 : memref<!tpu.dma_semaphore, #tpu.memory_space<semaphore_mem>>)
    %dma_start3A_152 = arith.constant 2 : i32
    %dma_start3A_153 = arith.constant 0 : i32
    %dma_start3A_154 = tpu.memref_slice %arg5[%dma_start3A_152, %dma_start3A_153] : memref<160x125xi32, #tpu.memory_space<vmem>> -> memref<1x125xi32, #tpu.memory_space<vmem>>
    %dma_start3A_155 = tpu.memref_squeeze %dma_start3A_154 : memref<1x125xi32, #tpu.memory_space<vmem>> -> memref<125xi32, #tpu.memory_space<vmem>>
    %dma_start3A_156 = arith.constant 0 : i32
    %dma_start3A_157 = arith.constant 0 : i32
    %dma_start3A_158 = tpu.memref_slice %arg16[%dma_start3A_156, %dma_start3A_157] : memref<10240x32xf32, #tpu.memory_space<vmem_shared>> -> memref<10240x32xf32, #tpu.memory_space<vmem_shared>>
    tpu.enqueue_indirect_dma source(%dma_start3A_158 : memref<10240x32xf32, #tpu.memory_space<vmem_shared>>) target(%arg10 : memref<125x32xf32, #tpu.memory_space<vmem>>) offsets(%dma_start3A_155 : memref<125xi32, #tpu.memory_space<vmem>>) semaphore(%arg20 : memref<!tpu.dma_semaphore, #tpu.memory_space<semaphore_mem>>)
    %dma_start3A_159 = arith.constant 3 : i32
    %dma_start3A_160 = arith.constant 0 : i32
    %dma_start3A_161 = tpu.memref_slice %arg5[%dma_start3A_159, %dma_start3A_160] : memref<160x125xi32, #tpu.memory_space<vmem>> -> memref<1x125xi32, #tpu.memory_space<vmem>>
    %dma_start3A_162 = tpu.memref_squeeze %dma_start3A_161 : memref<1x125xi32, #tpu.memory_space<vmem>> -> memref<125xi32, #tpu.memory_space<vmem>>
    %dma_start3A_163 = arith.constant 0 : i32
    %dma_start3A_164 = arith.constant 0 : i32
    %dma_start3A_165 = tpu.memref_slice %arg16[%dma_start3A_163, %dma_start3A_164] : memref<10240x32xf32, #tpu.memory_space<vmem_shared>> -> memref<10240x32xf32, #tpu.memory_space<vmem_shared>>
    tpu.enqueue_indirect_dma source(%dma_start3A_165 : memref<10240x32xf32, #tpu.memory_space<vmem_shared>>) target(%arg11 : memref<125x32xf32, #tpu.memory_space<vmem>>) offsets(%dma_start3A_162 : memref<125xi32, #tpu.memory_space<vmem>>) semaphore(%arg21 : memref<!tpu.dma_semaphore, #tpu.memory_space<semaphore_mem>>)
    %dma_start3A_166 = arith.constant 4 : i32
    %dma_start3A_167 = arith.constant 0 : i32
    %dma_start3A_168 = tpu.memref_slice %arg5[%dma_start3A_166, %dma_start3A_167] : memref<160x125xi32, #tpu.memory_space<vmem>> -> memref<1x125xi32, #tpu.memory_space<vmem>>
    %dma_start3A_169 = tpu.memref_squeeze %dma_start3A_168 : memref<1x125xi32, #tpu.memory_space<vmem>> -> memref<125xi32, #tpu.memory_space<vmem>>
    %dma_start3A_170 = arith.constant 0 : i32
    %dma_start3A_171 = arith.constant 0 : i32
    %dma_start3A_172 = tpu.memref_slice %arg16[%dma_start3A_170, %dma_start3A_171] : memref<10240x32xf32, #tpu.memory_space<vmem_shared>> -> memref<10240x32xf32, #tpu.memory_space<vmem_shared>>
    tpu.enqueue_indirect_dma source(%dma_start3A_172 : memref<10240x32xf32, #tpu.memory_space<vmem_shared>>) target(%arg12 : memref<125x32xf32, #tpu.memory_space<vmem>>) offsets(%dma_start3A_169 : memref<125xi32, #tpu.memory_space<vmem>>) semaphore(%arg22 : memref<!tpu.dma_semaphore, #tpu.memory_space<semaphore_mem>>)
    %dma_start3A_173 = arith.constant 5 : i32
    %dma_start3A_174 = arith.constant 0 : i32
    %dma_start3A_175 = tpu.memref_slice %arg5[%dma_start3A_173, %dma_start3A_174] : memref<160x125xi32, #tpu.memory_space<vmem>> -> memref<1x125xi32, #tpu.memory_space<vmem>>
    %dma_start3A_176 = tpu.memref_squeeze %dma_start3A_175 : memref<1x125xi32, #tpu.memory_space<vmem>> -> memref<125xi32, #tpu.memory_space<vmem>>
    %dma_start3A_177 = arith.constant 0 : i32
    %dma_start3A_178 = arith.constant 0 : i32
    %dma_start3A_179 = tpu.memref_slice %arg16[%dma_start3A_177, %dma_start3A_178] : memref<10240x32xf32, #tpu.memory_space<vmem_shared>> -> memref<10240x32xf32, #tpu.memory_space<vmem_shared>>
    tpu.enqueue_indirect_dma source(%dma_start3A_179 : memref<10240x32xf32, #tpu.memory_space<vmem_shared>>) target(%arg13 : memref<125x32xf32, #tpu.memory_space<vmem>>) offsets(%dma_start3A_176 : memref<125xi32, #tpu.memory_space<vmem>>) semaphore(%arg23 : memref<!tpu.dma_semaphore, #tpu.memory_space<semaphore_mem>>)
    %dma_start3A_180 = arith.constant 6 : i32
    %dma_start3A_181 = arith.constant 0 : i32
    %dma_start3A_182 = tpu.memref_slice %arg5[%dma_start3A_180, %dma_start3A_181] : memref<160x125xi32, #tpu.memory_space<vmem>> -> memref<1x125xi32, #tpu.memory_space<vmem>>
    %dma_start3A_183 = tpu.memref_squeeze %dma_start3A_182 : memref<1x125xi32, #tpu.memory_space<vmem>> -> memref<125xi32, #tpu.memory_space<vmem>>
    %dma_start3A_184 = arith.constant 0 : i32
    %dma_start3A_185 = arith.constant 0 : i32
    %dma_start3A_186 = tpu.memref_slice %arg16[%dma_start3A_184, %dma_start3A_185] : memref<10240x32xf32, #tpu.memory_space<vmem_shared>> -> memref<10240x32xf32, #tpu.memory_space<vmem_shared>>
    tpu.enqueue_indirect_dma source(%dma_start3A_186 : memref<10240x32xf32, #tpu.memory_space<vmem_shared>>) target(%arg14 : memref<125x32xf32, #tpu.memory_space<vmem>>) offsets(%dma_start3A_183 : memref<125xi32, #tpu.memory_space<vmem>>) semaphore(%arg24 : memref<!tpu.dma_semaphore, #tpu.memory_space<semaphore_mem>>)
    %dma_start3A_187 = arith.constant 7 : i32
    %dma_start3A_188 = arith.constant 0 : i32
    %dma_start3A_189 = tpu.memref_slice %arg5[%dma_start3A_187, %dma_start3A_188] : memref<160x125xi32, #tpu.memory_space<vmem>> -> memref<1x125xi32, #tpu.memory_space<vmem>>
    %dma_start3A_190 = tpu.memref_squeeze %dma_start3A_189 : memref<1x125xi32, #tpu.memory_space<vmem>> -> memref<125xi32, #tpu.memory_space<vmem>>
    %dma_start3A_191 = arith.constant 0 : i32
    %dma_start3A_192 = arith.constant 0 : i32
    %dma_start3A_193 = tpu.memref_slice %arg16[%dma_start3A_191, %dma_start3A_192] : memref<10240x32xf32, #tpu.memory_space<vmem_shared>> -> memref<10240x32xf32, #tpu.memory_space<vmem_shared>>
    tpu.enqueue_indirect_dma source(%dma_start3A_193 : memref<10240x32xf32, #tpu.memory_space<vmem_shared>>) target(%arg15 : memref<125x32xf32, #tpu.memory_space<vmem>>) offsets(%dma_start3A_190 : memref<125xi32, #tpu.memory_space<vmem>>) semaphore(%arg25 : memref<!tpu.dma_semaphore, #tpu.memory_space<semaphore_mem>>)
    %scan3A_194 = arith.constant 0 : i32
    %scan3A_195 = arith.constant 0 : i32
    %scan3A_196 = arith.constant 19 : i32
    %scan3A_197 = arith.addi %scan3A_195, %scan3A_196 : i32
    %scan3A_198 = arith.constant 1 : i32
    %scan3A_199 = scf.for %scan3A_715 = %scan3A_195 to %scan3A_197 step %scan3A_198 iter_args(%scan3A_716 = %scan3A_194) -> (i32)  : i32 {
      %mul3A_717 = arith.constant 8 : i32
      %mul3A_718 = arith.muli %mul3A_717, %scan3A_715 : i32
      %add3A_719 = arith.constant 0 : i32
      %add3A_720 = arith.addi %mul3A_718, %add3A_719 : i32
      %add3A_721 = arith.constant 0 : i32
      %add3A_722 = arith.addi %add3A_720, %add3A_721 : i32
      %dma_wait3A_723 = arith.constant 0 : i32
      %dma_wait3A_724 = tpu.memref_slice %arg5[%add3A_722, %dma_wait3A_723] : memref<160x125xi32, #tpu.memory_space<vmem>> -> memref<1x125xi32, #tpu.memory_space<vmem>>
      %dma_wait3A_725 = tpu.memref_squeeze %dma_wait3A_724 : memref<1x125xi32, #tpu.memory_space<vmem>> -> memref<125xi32, #tpu.memory_space<vmem>>
      %dma_wait3A_726 = arith.constant 0 : i32
      %dma_wait3A_727 = arith.constant 0 : i32
      %dma_wait3A_728 = tpu.memref_slice %arg16[%dma_wait3A_726, %dma_wait3A_727] : memref<10240x32xf32, #tpu.memory_space<vmem_shared>> -> memref<10240x32xf32, #tpu.memory_space<vmem_shared>>
      tpu.wait_indirect_dma semaphore(%arg18 : memref<!tpu.dma_semaphore, #tpu.memory_space<semaphore_mem>>) src(%dma_wait3A_728 : memref<10240x32xf32, #tpu.memory_space<vmem_shared>>) dst(%arg8 : memref<125x32xf32, #tpu.memory_space<vmem>>)
      %add3A_729 = arith.constant 1 : i32
      %add3A_730 = arith.addi %add3A_720, %add3A_729 : i32
      %dma_wait3A_731 = arith.constant 0 : i32
      %dma_wait3A_732 = tpu.memref_slice %arg5[%add3A_730, %dma_wait3A_731] : memref<160x125xi32, #tpu.memory_space<vmem>> -> memref<1x125xi32, #tpu.memory_space<vmem>>
      %dma_wait3A_733 = tpu.memref_squeeze %dma_wait3A_732 : memref<1x125xi32, #tpu.memory_space<vmem>> -> memref<125xi32, #tpu.memory_space<vmem>>
      %dma_wait3A_734 = arith.constant 0 : i32
      %dma_wait3A_735 = arith.constant 0 : i32
      %dma_wait3A_736 = tpu.memref_slice %arg16[%dma_wait3A_734, %dma_wait3A_735] : memref<10240x32xf32, #tpu.memory_space<vmem_shared>> -> memref<10240x32xf32, #tpu.memory_space<vmem_shared>>
      tpu.wait_indirect_dma semaphore(%arg19 : memref<!tpu.dma_semaphore, #tpu.memory_space<semaphore_mem>>) src(%dma_wait3A_736 : memref<10240x32xf32, #tpu.memory_space<vmem_shared>>) dst(%arg9 : memref<125x32xf32, #tpu.memory_space<vmem>>)
      %add3A_737 = arith.constant 2 : i32
      %add3A_738 = arith.addi %add3A_720, %add3A_737 : i32
      %dma_wait3A_739 = arith.constant 0 : i32
      %dma_wait3A_740 = tpu.memref_slice %arg5[%add3A_738, %dma_wait3A_739] : memref<160x125xi32, #tpu.memory_space<vmem>> -> memref<1x125xi32, #tpu.memory_space<vmem>>
      %dma_wait3A_741 = tpu.memref_squeeze %dma_wait3A_740 : memref<1x125xi32, #tpu.memory_space<vmem>> -> memref<125xi32, #tpu.memory_space<vmem>>
      %dma_wait3A_742 = arith.constant 0 : i32
      %dma_wait3A_743 = arith.constant 0 : i32
      %dma_wait3A_744 = tpu.memref_slice %arg16[%dma_wait3A_742, %dma_wait3A_743] : memref<10240x32xf32, #tpu.memory_space<vmem_shared>> -> memref<10240x32xf32, #tpu.memory_space<vmem_shared>>
      tpu.wait_indirect_dma semaphore(%arg20 : memref<!tpu.dma_semaphore, #tpu.memory_space<semaphore_mem>>) src(%dma_wait3A_744 : memref<10240x32xf32, #tpu.memory_space<vmem_shared>>) dst(%arg10 : memref<125x32xf32, #tpu.memory_space<vmem>>)
      %add3A_745 = arith.constant 3 : i32
      %add3A_746 = arith.addi %add3A_720, %add3A_745 : i32
      %dma_wait3A_747 = arith.constant 0 : i32
      %dma_wait3A_748 = tpu.memref_slice %arg5[%add3A_746, %dma_wait3A_747] : memref<160x125xi32, #tpu.memory_space<vmem>> -> memref<1x125xi32, #tpu.memory_space<vmem>>
      %dma_wait3A_749 = tpu.memref_squeeze %dma_wait3A_748 : memref<1x125xi32, #tpu.memory_space<vmem>> -> memref<125xi32, #tpu.memory_space<vmem>>
      %dma_wait3A_750 = arith.constant 0 : i32
      %dma_wait3A_751 = arith.constant 0 : i32
      %dma_wait3A_752 = tpu.memref_slice %arg16[%dma_wait3A_750, %dma_wait3A_751] : memref<10240x32xf32, #tpu.memory_space<vmem_shared>> -> memref<10240x32xf32, #tpu.memory_space<vmem_shared>>
      tpu.wait_indirect_dma semaphore(%arg21 : memref<!tpu.dma_semaphore, #tpu.memory_space<semaphore_mem>>) src(%dma_wait3A_752 : memref<10240x32xf32, #tpu.memory_space<vmem_shared>>) dst(%arg11 : memref<125x32xf32, #tpu.memory_space<vmem>>)
      %add3A_753 = arith.constant 0 : i32
      %add3A_754 = arith.addi %add3A_720, %add3A_753 : i32
      %dma_start3A_755 = arith.constant 0 : i32
      %dma_start3A_756 = tpu.memref_slice %arg6[%add3A_754, %dma_start3A_755] : memref<160x125xi32, #tpu.memory_space<vmem>> -> memref<1x125xi32, #tpu.memory_space<vmem>>
      %dma_start3A_757 = tpu.memref_squeeze %dma_start3A_756 : memref<1x125xi32, #tpu.memory_space<vmem>> -> memref<125xi32, #tpu.memory_space<vmem>>
      %dma_start3A_758 = arith.constant 0 : i32
      %dma_start3A_759 = arith.constant 0 : i32
      %dma_start3A_760 = tpu.memref_slice %arg17[%dma_start3A_758, %dma_start3A_759] : memref<10240x32xf32, #tpu.memory_space<vmem_shared>> -> memref<10240x32xf32, #tpu.memory_space<vmem_shared>>
      tpu.enqueue_indirect_dma source(%arg8 : memref<125x32xf32, #tpu.memory_space<vmem>>) target(%dma_start3A_760 : memref<10240x32xf32, #tpu.memory_space<vmem_shared>>) offsets(%dma_start3A_757 : memref<125xi32, #tpu.memory_space<vmem>>) semaphore(%arg26 : memref<!tpu.dma_semaphore, #tpu.memory_space<semaphore_mem>>) {add = true}
      %add3A_761 = arith.constant 1 : i32
      %add3A_762 = arith.addi %add3A_720, %add3A_761 : i32
      %dma_start3A_763 = arith.constant 0 : i32
      %dma_start3A_764 = tpu.memref_slice %arg6[%add3A_762, %dma_start3A_763] : memref<160x125xi32, #tpu.memory_space<vmem>> -> memref<1x125xi32, #tpu.memory_space<vmem>>
      %dma_start3A_765 = tpu.memref_squeeze %dma_start3A_764 : memref<1x125xi32, #tpu.memory_space<vmem>> -> memref<125xi32, #tpu.memory_space<vmem>>
      %dma_start3A_766 = arith.constant 0 : i32
      %dma_start3A_767 = arith.constant 0 : i32
      %dma_start3A_768 = tpu.memref_slice %arg17[%dma_start3A_766, %dma_start3A_767] : memref<10240x32xf32, #tpu.memory_space<vmem_shared>> -> memref<10240x32xf32, #tpu.memory_space<vmem_shared>>
      tpu.enqueue_indirect_dma source(%arg9 : memref<125x32xf32, #tpu.memory_space<vmem>>) target(%dma_start3A_768 : memref<10240x32xf32, #tpu.memory_space<vmem_shared>>) offsets(%dma_start3A_765 : memref<125xi32, #tpu.memory_space<vmem>>) semaphore(%arg27 : memref<!tpu.dma_semaphore, #tpu.memory_space<semaphore_mem>>) {add = true}
      %add3A_769 = arith.constant 2 : i32
      %add3A_770 = arith.addi %add3A_720, %add3A_769 : i32
      %dma_start3A_771 = arith.constant 0 : i32
      %dma_start3A_772 = tpu.memref_slice %arg6[%add3A_770, %dma_start3A_771] : memref<160x125xi32, #tpu.memory_space<vmem>> -> memref<1x125xi32, #tpu.memory_space<vmem>>
      %dma_start3A_773 = tpu.memref_squeeze %dma_start3A_772 : memref<1x125xi32, #tpu.memory_space<vmem>> -> memref<125xi32, #tpu.memory_space<vmem>>
      %dma_start3A_774 = arith.constant 0 : i32
      %dma_start3A_775 = arith.constant 0 : i32
      %dma_start3A_776 = tpu.memref_slice %arg17[%dma_start3A_774, %dma_start3A_775] : memref<10240x32xf32, #tpu.memory_space<vmem_shared>> -> memref<10240x32xf32, #tpu.memory_space<vmem_shared>>
      tpu.enqueue_indirect_dma source(%arg10 : memref<125x32xf32, #tpu.memory_space<vmem>>) target(%dma_start3A_776 : memref<10240x32xf32, #tpu.memory_space<vmem_shared>>) offsets(%dma_start3A_773 : memref<125xi32, #tpu.memory_space<vmem>>) semaphore(%arg28 : memref<!tpu.dma_semaphore, #tpu.memory_space<semaphore_mem>>) {add = true}
      %add3A_777 = arith.constant 3 : i32
      %add3A_778 = arith.addi %add3A_720, %add3A_777 : i32
      %dma_start3A_779 = arith.constant 0 : i32
      %dma_start3A_780 = tpu.memref_slice %arg6[%add3A_778, %dma_start3A_779] : memref<160x125xi32, #tpu.memory_space<vmem>> -> memref<1x125xi32, #tpu.memory_space<vmem>>
      %dma_start3A_781 = tpu.memref_squeeze %dma_start3A_780 : memref<1x125xi32, #tpu.memory_space<vmem>> -> memref<125xi32, #tpu.memory_space<vmem>>
      %dma_start3A_782 = arith.constant 0 : i32
      %dma_start3A_783 = arith.constant 0 : i32
      %dma_start3A_784 = tpu.memref_slice %arg17[%dma_start3A_782, %dma_start3A_783] : memref<10240x32xf32, #tpu.memory_space<vmem_shared>> -> memref<10240x32xf32, #tpu.memory_space<vmem_shared>>
      tpu.enqueue_indirect_dma source(%arg11 : memref<125x32xf32, #tpu.memory_space<vmem>>) target(%dma_start3A_784 : memref<10240x32xf32, #tpu.memory_space<vmem_shared>>) offsets(%dma_start3A_781 : memref<125xi32, #tpu.memory_space<vmem>>) semaphore(%arg29 : memref<!tpu.dma_semaphore, #tpu.memory_space<semaphore_mem>>) {add = true}
      %add3A_785 = arith.constant 0 : i32
      %add3A_786 = arith.addi %add3A_720, %add3A_785 : i32
      %dma_wait3A_787 = arith.constant 0 : i32
      %dma_wait3A_788 = tpu.memref_slice %arg6[%add3A_786, %dma_wait3A_787] : memref<160x125xi32, #tpu.memory_space<vmem>> -> memref<1x125xi32, #tpu.memory_space<vmem>>
      %dma_wait3A_789 = tpu.memref_squeeze %dma_wait3A_788 : memref<1x125xi32, #tpu.memory_space<vmem>> -> memref<125xi32, #tpu.memory_space<vmem>>
      %dma_wait3A_790 = arith.constant 0 : i32
      %dma_wait3A_791 = arith.constant 0 : i32
      %dma_wait3A_792 = tpu.memref_slice %arg17[%dma_wait3A_790, %dma_wait3A_791] : memref<10240x32xf32, #tpu.memory_space<vmem_shared>> -> memref<10240x32xf32, #tpu.memory_space<vmem_shared>>
      tpu.wait_indirect_dma semaphore(%arg26 : memref<!tpu.dma_semaphore, #tpu.memory_space<semaphore_mem>>) src(%arg8 : memref<125x32xf32, #tpu.memory_space<vmem>>) dst(%dma_wait3A_792 : memref<10240x32xf32, #tpu.memory_space<vmem_shared>>)
      %add3A_793 = arith.constant 1 : i32
      %add3A_794 = arith.addi %add3A_720, %add3A_793 : i32
      %dma_wait3A_795 = arith.constant 0 : i32
      %dma_wait3A_796 = tpu.memref_slice %arg6[%add3A_794, %dma_wait3A_795] : memref<160x125xi32, #tpu.memory_space<vmem>> -> memref<1x125xi32, #tpu.memory_space<vmem>>
      %dma_wait3A_797 = tpu.memref_squeeze %dma_wait3A_796 : memref<1x125xi32, #tpu.memory_space<vmem>> -> memref<125xi32, #tpu.memory_space<vmem>>
      %dma_wait3A_798 = arith.constant 0 : i32
      %dma_wait3A_799 = arith.constant 0 : i32
      %dma_wait3A_800 = tpu.memref_slice %arg17[%dma_wait3A_798, %dma_wait3A_799] : memref<10240x32xf32, #tpu.memory_space<vmem_shared>> -> memref<10240x32xf32, #tpu.memory_space<vmem_shared>>
      tpu.wait_indirect_dma semaphore(%arg27 : memref<!tpu.dma_semaphore, #tpu.memory_space<semaphore_mem>>) src(%arg9 : memref<125x32xf32, #tpu.memory_space<vmem>>) dst(%dma_wait3A_800 : memref<10240x32xf32, #tpu.memory_space<vmem_shared>>)
      %add3A_801 = arith.constant 2 : i32
      %add3A_802 = arith.addi %add3A_720, %add3A_801 : i32
      %dma_wait3A_803 = arith.constant 0 : i32
      %dma_wait3A_804 = tpu.memref_slice %arg6[%add3A_802, %dma_wait3A_803] : memref<160x125xi32, #tpu.memory_space<vmem>> -> memref<1x125xi32, #tpu.memory_space<vmem>>
      %dma_wait3A_805 = tpu.memref_squeeze %dma_wait3A_804 : memref<1x125xi32, #tpu.memory_space<vmem>> -> memref<125xi32, #tpu.memory_space<vmem>>
      %dma_wait3A_806 = arith.constant 0 : i32
      %dma_wait3A_807 = arith.constant 0 : i32
      %dma_wait3A_808 = tpu.memref_slice %arg17[%dma_wait3A_806, %dma_wait3A_807] : memref<10240x32xf32, #tpu.memory_space<vmem_shared>> -> memref<10240x32xf32, #tpu.memory_space<vmem_shared>>
      tpu.wait_indirect_dma semaphore(%arg28 : memref<!tpu.dma_semaphore, #tpu.memory_space<semaphore_mem>>) src(%arg10 : memref<125x32xf32, #tpu.memory_space<vmem>>) dst(%dma_wait3A_808 : memref<10240x32xf32, #tpu.memory_space<vmem_shared>>)
      %add3A_809 = arith.constant 3 : i32
      %add3A_810 = arith.addi %add3A_720, %add3A_809 : i32
      %dma_wait3A_811 = arith.constant 0 : i32
      %dma_wait3A_812 = tpu.memref_slice %arg6[%add3A_810, %dma_wait3A_811] : memref<160x125xi32, #tpu.memory_space<vmem>> -> memref<1x125xi32, #tpu.memory_space<vmem>>
      %dma_wait3A_813 = tpu.memref_squeeze %dma_wait3A_812 : memref<1x125xi32, #tpu.memory_space<vmem>> -> memref<125xi32, #tpu.memory_space<vmem>>
      %dma_wait3A_814 = arith.constant 0 : i32
      %dma_wait3A_815 = arith.constant 0 : i32
      %dma_wait3A_816 = tpu.memref_slice %arg17[%dma_wait3A_814, %dma_wait3A_815] : memref<10240x32xf32, #tpu.memory_space<vmem_shared>> -> memref<10240x32xf32, #tpu.memory_space<vmem_shared>>
      tpu.wait_indirect_dma semaphore(%arg29 : memref<!tpu.dma_semaphore, #tpu.memory_space<semaphore_mem>>) src(%arg11 : memref<125x32xf32, #tpu.memory_space<vmem>>) dst(%dma_wait3A_816 : memref<10240x32xf32, #tpu.memory_space<vmem_shared>>)
      %add3A_817 = arith.constant 8 : i32
      %add3A_818 = arith.addi %add3A_720, %add3A_817 : i32
      %add3A_819 = arith.constant 0 : i32
      %add3A_820 = arith.addi %add3A_818, %add3A_819 : i32
      %dma_start3A_821 = arith.constant 0 : i32
      %dma_start3A_822 = tpu.memref_slice %arg5[%add3A_820, %dma_start3A_821] : memref<160x125xi32, #tpu.memory_space<vmem>> -> memref<1x125xi32, #tpu.memory_space<vmem>>
      %dma_start3A_823 = tpu.memref_squeeze %dma_start3A_822 : memref<1x125xi32, #tpu.memory_space<vmem>> -> memref<125xi32, #tpu.memory_space<vmem>>
      %dma_start3A_824 = arith.constant 0 : i32
      %dma_start3A_825 = arith.constant 0 : i32
      %dma_start3A_826 = tpu.memref_slice %arg16[%dma_start3A_824, %dma_start3A_825] : memref<10240x32xf32, #tpu.memory_space<vmem_shared>> -> memref<10240x32xf32, #tpu.memory_space<vmem_shared>>
      tpu.enqueue_indirect_dma source(%dma_start3A_826 : memref<10240x32xf32, #tpu.memory_space<vmem_shared>>) target(%arg8 : memref<125x32xf32, #tpu.memory_space<vmem>>) offsets(%dma_start3A_823 : memref<125xi32, #tpu.memory_space<vmem>>) semaphore(%arg18 : memref<!tpu.dma_semaphore, #tpu.memory_space<semaphore_mem>>)
      %add3A_827 = arith.constant 8 : i32
      %add3A_828 = arith.addi %add3A_720, %add3A_827 : i32
      %add3A_829 = arith.constant 1 : i32
      %add3A_830 = arith.addi %add3A_828, %add3A_829 : i32
      %dma_start3A_831 = arith.constant 0 : i32
      %dma_start3A_832 = tpu.memref_slice %arg5[%add3A_830, %dma_start3A_831] : memref<160x125xi32, #tpu.memory_space<vmem>> -> memref<1x125xi32, #tpu.memory_space<vmem>>
      %dma_start3A_833 = tpu.memref_squeeze %dma_start3A_832 : memref<1x125xi32, #tpu.memory_space<vmem>> -> memref<125xi32, #tpu.memory_space<vmem>>
      %dma_start3A_834 = arith.constant 0 : i32
      %dma_start3A_835 = arith.constant 0 : i32
      %dma_start3A_836 = tpu.memref_slice %arg16[%dma_start3A_834, %dma_start3A_835] : memref<10240x32xf32, #tpu.memory_space<vmem_shared>> -> memref<10240x32xf32, #tpu.memory_space<vmem_shared>>
      tpu.enqueue_indirect_dma source(%dma_start3A_836 : memref<10240x32xf32, #tpu.memory_space<vmem_shared>>) target(%arg9 : memref<125x32xf32, #tpu.memory_space<vmem>>) offsets(%dma_start3A_833 : memref<125xi32, #tpu.memory_space<vmem>>) semaphore(%arg19 : memref<!tpu.dma_semaphore, #tpu.memory_space<semaphore_mem>>)
      %add3A_837 = arith.constant 8 : i32
      %add3A_838 = arith.addi %add3A_720, %add3A_837 : i32
      %add3A_839 = arith.constant 2 : i32
      %add3A_840 = arith.addi %add3A_838, %add3A_839 : i32
      %dma_start3A_841 = arith.constant 0 : i32
      %dma_start3A_842 = tpu.memref_slice %arg5[%add3A_840, %dma_start3A_841] : memref<160x125xi32, #tpu.memory_space<vmem>> -> memref<1x125xi32, #tpu.memory_space<vmem>>
      %dma_start3A_843 = tpu.memref_squeeze %dma_start3A_842 : memref<1x125xi32, #tpu.memory_space<vmem>> -> memref<125xi32, #tpu.memory_space<vmem>>
      %dma_start3A_844 = arith.constant 0 : i32
      %dma_start3A_845 = arith.constant 0 : i32
      %dma_start3A_846 = tpu.memref_slice %arg16[%dma_start3A_844, %dma_start3A_845] : memref<10240x32xf32, #tpu.memory_space<vmem_shared>> -> memref<10240x32xf32, #tpu.memory_space<vmem_shared>>
      tpu.enqueue_indirect_dma source(%dma_start3A_846 : memref<10240x32xf32, #tpu.memory_space<vmem_shared>>) target(%arg10 : memref<125x32xf32, #tpu.memory_space<vmem>>) offsets(%dma_start3A_843 : memref<125xi32, #tpu.memory_space<vmem>>) semaphore(%arg20 : memref<!tpu.dma_semaphore, #tpu.memory_space<semaphore_mem>>)
      %add3A_847 = arith.constant 8 : i32
      %add3A_848 = arith.addi %add3A_720, %add3A_847 : i32
      %add3A_849 = arith.constant 3 : i32
      %add3A_850 = arith.addi %add3A_848, %add3A_849 : i32
      %dma_start3A_851 = arith.constant 0 : i32
      %dma_start3A_852 = tpu.memref_slice %arg5[%add3A_850, %dma_start3A_851] : memref<160x125xi32, #tpu.memory_space<vmem>> -> memref<1x125xi32, #tpu.memory_space<vmem>>
      %dma_start3A_853 = tpu.memref_squeeze %dma_start3A_852 : memref<1x125xi32, #tpu.memory_space<vmem>> -> memref<125xi32, #tpu.memory_space<vmem>>
      %dma_start3A_854 = arith.constant 0 : i32
      %dma_start3A_855 = arith.constant 0 : i32
      %dma_start3A_856 = tpu.memref_slice %arg16[%dma_start3A_854, %dma_start3A_855] : memref<10240x32xf32, #tpu.memory_space<vmem_shared>> -> memref<10240x32xf32, #tpu.memory_space<vmem_shared>>
      tpu.enqueue_indirect_dma source(%dma_start3A_856 : memref<10240x32xf32, #tpu.memory_space<vmem_shared>>) target(%arg11 : memref<125x32xf32, #tpu.memory_space<vmem>>) offsets(%dma_start3A_853 : memref<125xi32, #tpu.memory_space<vmem>>) semaphore(%arg21 : memref<!tpu.dma_semaphore, #tpu.memory_space<semaphore_mem>>)
      %mul3A_857 = arith.constant 8 : i32
      %mul3A_858 = arith.muli %mul3A_857, %scan3A_715 : i32
      %add3A_859 = arith.constant 4 : i32
      %add3A_860 = arith.addi %mul3A_858, %add3A_859 : i32
      %add3A_861 = arith.constant 0 : i32
      %add3A_862 = arith.addi %add3A_860, %add3A_861 : i32
      %dma_wait3A_863 = arith.constant 0 : i32
      %dma_wait3A_864 = tpu.memref_slice %arg5[%add3A_862, %dma_wait3A_863] : memref<160x125xi32, #tpu.memory_space<vmem>> -> memref<1x125xi32, #tpu.memory_space<vmem>>
      %dma_wait3A_865 = tpu.memref_squeeze %dma_wait3A_864 : memref<1x125xi32, #tpu.memory_space<vmem>> -> memref<125xi32, #tpu.memory_space<vmem>>
      %dma_wait3A_866 = arith.constant 0 : i32
      %dma_wait3A_867 = arith.constant 0 : i32
      %dma_wait3A_868 = tpu.memref_slice %arg16[%dma_wait3A_866, %dma_wait3A_867] : memref<10240x32xf32, #tpu.memory_space<vmem_shared>> -> memref<10240x32xf32, #tpu.memory_space<vmem_shared>>
      tpu.wait_indirect_dma semaphore(%arg22 : memref<!tpu.dma_semaphore, #tpu.memory_space<semaphore_mem>>) src(%dma_wait3A_868 : memref<10240x32xf32, #tpu.memory_space<vmem_shared>>) dst(%arg12 : memref<125x32xf32, #tpu.memory_space<vmem>>)
      %add3A_869 = arith.constant 1 : i32
      %add3A_870 = arith.addi %add3A_860, %add3A_869 : i32
      %dma_wait3A_871 = arith.constant 0 : i32
      %dma_wait3A_872 = tpu.memref_slice %arg5[%add3A_870, %dma_wait3A_871] : memref<160x125xi32, #tpu.memory_space<vmem>> -> memref<1x125xi32, #tpu.memory_space<vmem>>
      %dma_wait3A_873 = tpu.memref_squeeze %dma_wait3A_872 : memref<1x125xi32, #tpu.memory_space<vmem>> -> memref<125xi32, #tpu.memory_space<vmem>>
      %dma_wait3A_874 = arith.constant 0 : i32
      %dma_wait3A_875 = arith.constant 0 : i32
      %dma_wait3A_876 = tpu.memref_slice %arg16[%dma_wait3A_874, %dma_wait3A_875] : memref<10240x32xf32, #tpu.memory_space<vmem_shared>> -> memref<10240x32xf32, #tpu.memory_space<vmem_shared>>
      tpu.wait_indirect_dma semaphore(%arg23 : memref<!tpu.dma_semaphore, #tpu.memory_space<semaphore_mem>>) src(%dma_wait3A_876 : memref<10240x32xf32, #tpu.memory_space<vmem_shared>>) dst(%arg13 : memref<125x32xf32, #tpu.memory_space<vmem>>)
      %add3A_877 = arith.constant 2 : i32
      %add3A_878 = arith.addi %add3A_860, %add3A_877 : i32
      %dma_wait3A_879 = arith.constant 0 : i32
      %dma_wait3A_880 = tpu.memref_slice %arg5[%add3A_878, %dma_wait3A_879] : memref<160x125xi32, #tpu.memory_space<vmem>> -> memref<1x125xi32, #tpu.memory_space<vmem>>
      %dma_wait3A_881 = tpu.memref_squeeze %dma_wait3A_880 : memref<1x125xi32, #tpu.memory_space<vmem>> -> memref<125xi32, #tpu.memory_space<vmem>>
      %dma_wait3A_882 = arith.constant 0 : i32
      %dma_wait3A_883 = arith.constant 0 : i32
      %dma_wait3A_884 = tpu.memref_slice %arg16[%dma_wait3A_882, %dma_wait3A_883] : memref<10240x32xf32, #tpu.memory_space<vmem_shared>> -> memref<10240x32xf32, #tpu.memory_space<vmem_shared>>
      tpu.wait_indirect_dma semaphore(%arg24 : memref<!tpu.dma_semaphore, #tpu.memory_space<semaphore_mem>>) src(%dma_wait3A_884 : memref<10240x32xf32, #tpu.memory_space<vmem_shared>>) dst(%arg14 : memref<125x32xf32, #tpu.memory_space<vmem>>)
      %add3A_885 = arith.constant 3 : i32
      %add3A_886 = arith.addi %add3A_860, %add3A_885 : i32
      %dma_wait3A_887 = arith.constant 0 : i32
      %dma_wait3A_888 = tpu.memref_slice %arg5[%add3A_886, %dma_wait3A_887] : memref<160x125xi32, #tpu.memory_space<vmem>> -> memref<1x125xi32, #tpu.memory_space<vmem>>
      %dma_wait3A_889 = tpu.memref_squeeze %dma_wait3A_888 : memref<1x125xi32, #tpu.memory_space<vmem>> -> memref<125xi32, #tpu.memory_space<vmem>>
      %dma_wait3A_890 = arith.constant 0 : i32
      %dma_wait3A_891 = arith.constant 0 : i32
      %dma_wait3A_892 = tpu.memref_slice %arg16[%dma_wait3A_890, %dma_wait3A_891] : memref<10240x32xf32, #tpu.memory_space<vmem_shared>> -> memref<10240x32xf32, #tpu.memory_space<vmem_shared>>
      tpu.wait_indirect_dma semaphore(%arg25 : memref<!tpu.dma_semaphore, #tpu.memory_space<semaphore_mem>>) src(%dma_wait3A_892 : memref<10240x32xf32, #tpu.memory_space<vmem_shared>>) dst(%arg15 : memref<125x32xf32, #tpu.memory_space<vmem>>)
      %add3A_893 = arith.constant 0 : i32
      %add3A_894 = arith.addi %add3A_860, %add3A_893 : i32
      %dma_start3A_895 = arith.constant 0 : i32
      %dma_start3A_896 = tpu.memref_slice %arg6[%add3A_894, %dma_start3A_895] : memref<160x125xi32, #tpu.memory_space<vmem>> -> memref<1x125xi32, #tpu.memory_space<vmem>>
      %dma_start3A_897 = tpu.memref_squeeze %dma_start3A_896 : memref<1x125xi32, #tpu.memory_space<vmem>> -> memref<125xi32, #tpu.memory_space<vmem>>
      %dma_start3A_898 = arith.constant 0 : i32
      %dma_start3A_899 = arith.constant 0 : i32
      %dma_start3A_900 = tpu.memref_slice %arg17[%dma_start3A_898, %dma_start3A_899] : memref<10240x32xf32, #tpu.memory_space<vmem_shared>> -> memref<10240x32xf32, #tpu.memory_space<vmem_shared>>
      tpu.enqueue_indirect_dma source(%arg12 : memref<125x32xf32, #tpu.memory_space<vmem>>) target(%dma_start3A_900 : memref<10240x32xf32, #tpu.memory_space<vmem_shared>>) offsets(%dma_start3A_897 : memref<125xi32, #tpu.memory_space<vmem>>) semaphore(%arg30 : memref<!tpu.dma_semaphore, #tpu.memory_space<semaphore_mem>>) {add = true}
      %add3A_901 = arith.constant 1 : i32
      %add3A_902 = arith.addi %add3A_860, %add3A_901 : i32
      %dma_start3A_903 = arith.constant 0 : i32
      %dma_start3A_904 = tpu.memref_slice %arg6[%add3A_902, %dma_start3A_903] : memref<160x125xi32, #tpu.memory_space<vmem>> -> memref<1x125xi32, #tpu.memory_space<vmem>>
      %dma_start3A_905 = tpu.memref_squeeze %dma_start3A_904 : memref<1x125xi32, #tpu.memory_space<vmem>> -> memref<125xi32, #tpu.memory_space<vmem>>
      %dma_start3A_906 = arith.constant 0 : i32
      %dma_start3A_907 = arith.constant 0 : i32
      %dma_start3A_908 = tpu.memref_slice %arg17[%dma_start3A_906, %dma_start3A_907] : memref<10240x32xf32, #tpu.memory_space<vmem_shared>> -> memref<10240x32xf32, #tpu.memory_space<vmem_shared>>
      tpu.enqueue_indirect_dma source(%arg13 : memref<125x32xf32, #tpu.memory_space<vmem>>) target(%dma_start3A_908 : memref<10240x32xf32, #tpu.memory_space<vmem_shared>>) offsets(%dma_start3A_905 : memref<125xi32, #tpu.memory_space<vmem>>) semaphore(%arg31 : memref<!tpu.dma_semaphore, #tpu.memory_space<semaphore_mem>>) {add = true}
      %add3A_909 = arith.constant 2 : i32
      %add3A_910 = arith.addi %add3A_860, %add3A_909 : i32
      %dma_start3A_911 = arith.constant 0 : i32
      %dma_start3A_912 = tpu.memref_slice %arg6[%add3A_910, %dma_start3A_911] : memref<160x125xi32, #tpu.memory_space<vmem>> -> memref<1x125xi32, #tpu.memory_space<vmem>>
      %dma_start3A_913 = tpu.memref_squeeze %dma_start3A_912 : memref<1x125xi32, #tpu.memory_space<vmem>> -> memref<125xi32, #tpu.memory_space<vmem>>
      %dma_start3A_914 = arith.constant 0 : i32
      %dma_start3A_915 = arith.constant 0 : i32
      %dma_start3A_916 = tpu.memref_slice %arg17[%dma_start3A_914, %dma_start3A_915] : memref<10240x32xf32, #tpu.memory_space<vmem_shared>> -> memref<10240x32xf32, #tpu.memory_space<vmem_shared>>
      tpu.enqueue_indirect_dma source(%arg14 : memref<125x32xf32, #tpu.memory_space<vmem>>) target(%dma_start3A_916 : memref<10240x32xf32, #tpu.memory_space<vmem_shared>>) offsets(%dma_start3A_913 : memref<125xi32, #tpu.memory_space<vmem>>) semaphore(%arg32 : memref<!tpu.dma_semaphore, #tpu.memory_space<semaphore_mem>>) {add = true}
      %add3A_917 = arith.constant 3 : i32
      %add3A_918 = arith.addi %add3A_860, %add3A_917 : i32
      %dma_start3A_919 = arith.constant 0 : i32
      %dma_start3A_920 = tpu.memref_slice %arg6[%add3A_918, %dma_start3A_919] : memref<160x125xi32, #tpu.memory_space<vmem>> -> memref<1x125xi32, #tpu.memory_space<vmem>>
      %dma_start3A_921 = tpu.memref_squeeze %dma_start3A_920 : memref<1x125xi32, #tpu.memory_space<vmem>> -> memref<125xi32, #tpu.memory_space<vmem>>
      %dma_start3A_922 = arith.constant 0 : i32
      %dma_start3A_923 = arith.constant 0 : i32
      %dma_start3A_924 = tpu.memref_slice %arg17[%dma_start3A_922, %dma_start3A_923] : memref<10240x32xf32, #tpu.memory_space<vmem_shared>> -> memref<10240x32xf32, #tpu.memory_space<vmem_shared>>
      tpu.enqueue_indirect_dma source(%arg15 : memref<125x32xf32, #tpu.memory_space<vmem>>) target(%dma_start3A_924 : memref<10240x32xf32, #tpu.memory_space<vmem_shared>>) offsets(%dma_start3A_921 : memref<125xi32, #tpu.memory_space<vmem>>) semaphore(%arg33 : memref<!tpu.dma_semaphore, #tpu.memory_space<semaphore_mem>>) {add = true}
      %add3A_925 = arith.constant 0 : i32
      %add3A_926 = arith.addi %add3A_860, %add3A_925 : i32
      %dma_wait3A_927 = arith.constant 0 : i32
      %dma_wait3A_928 = tpu.memref_slice %arg6[%add3A_926, %dma_wait3A_927] : memref<160x125xi32, #tpu.memory_space<vmem>> -> memref<1x125xi32, #tpu.memory_space<vmem>>
      %dma_wait3A_929 = tpu.memref_squeeze %dma_wait3A_928 : memref<1x125xi32, #tpu.memory_space<vmem>> -> memref<125xi32, #tpu.memory_space<vmem>>
      %dma_wait3A_930 = arith.constant 0 : i32
      %dma_wait3A_931 = arith.constant 0 : i32
      %dma_wait3A_932 = tpu.memref_slice %arg17[%dma_wait3A_930, %dma_wait3A_931] : memref<10240x32xf32, #tpu.memory_space<vmem_shared>> -> memref<10240x32xf32, #tpu.memory_space<vmem_shared>>
      tpu.wait_indirect_dma semaphore(%arg30 : memref<!tpu.dma_semaphore, #tpu.memory_space<semaphore_mem>>) src(%arg12 : memref<125x32xf32, #tpu.memory_space<vmem>>) dst(%dma_wait3A_932 : memref<10240x32xf32, #tpu.memory_space<vmem_shared>>)
      %add3A_933 = arith.constant 1 : i32
      %add3A_934 = arith.addi %add3A_860, %add3A_933 : i32
      %dma_wait3A_935 = arith.constant 0 : i32
      %dma_wait3A_936 = tpu.memref_slice %arg6[%add3A_934, %dma_wait3A_935] : memref<160x125xi32, #tpu.memory_space<vmem>> -> memref<1x125xi32, #tpu.memory_space<vmem>>
      %dma_wait3A_937 = tpu.memref_squeeze %dma_wait3A_936 : memref<1x125xi32, #tpu.memory_space<vmem>> -> memref<125xi32, #tpu.memory_space<vmem>>
      %dma_wait3A_938 = arith.constant 0 : i32
      %dma_wait3A_939 = arith.constant 0 : i32
      %dma_wait3A_940 = tpu.memref_slice %arg17[%dma_wait3A_938, %dma_wait3A_939] : memref<10240x32xf32, #tpu.memory_space<vmem_shared>> -> memref<10240x32xf32, #tpu.memory_space<vmem_shared>>
      tpu.wait_indirect_dma semaphore(%arg31 : memref<!tpu.dma_semaphore, #tpu.memory_space<semaphore_mem>>) src(%arg13 : memref<125x32xf32, #tpu.memory_space<vmem>>) dst(%dma_wait3A_940 : memref<10240x32xf32, #tpu.memory_space<vmem_shared>>)
      %add3A_941 = arith.constant 2 : i32
      %add3A_942 = arith.addi %add3A_860, %add3A_941 : i32
      %dma_wait3A_943 = arith.constant 0 : i32
      %dma_wait3A_944 = tpu.memref_slice %arg6[%add3A_942, %dma_wait3A_943] : memref<160x125xi32, #tpu.memory_space<vmem>> -> memref<1x125xi32, #tpu.memory_space<vmem>>
      %dma_wait3A_945 = tpu.memref_squeeze %dma_wait3A_944 : memref<1x125xi32, #tpu.memory_space<vmem>> -> memref<125xi32, #tpu.memory_space<vmem>>
      %dma_wait3A_946 = arith.constant 0 : i32
      %dma_wait3A_947 = arith.constant 0 : i32
      %dma_wait3A_948 = tpu.memref_slice %arg17[%dma_wait3A_946, %dma_wait3A_947] : memref<10240x32xf32, #tpu.memory_space<vmem_shared>> -> memref<10240x32xf32, #tpu.memory_space<vmem_shared>>
      tpu.wait_indirect_dma semaphore(%arg32 : memref<!tpu.dma_semaphore, #tpu.memory_space<semaphore_mem>>) src(%arg14 : memref<125x32xf32, #tpu.memory_space<vmem>>) dst(%dma_wait3A_948 : memref<10240x32xf32, #tpu.memory_space<vmem_shared>>)
      %add3A_949 = arith.constant 3 : i32
      %add3A_950 = arith.addi %add3A_860, %add3A_949 : i32
      %dma_wait3A_951 = arith.constant 0 : i32
      %dma_wait3A_952 = tpu.memref_slice %arg6[%add3A_950, %dma_wait3A_951] : memref<160x125xi32, #tpu.memory_space<vmem>> -> memref<1x125xi32, #tpu.memory_space<vmem>>
      %dma_wait3A_953 = tpu.memref_squeeze %dma_wait3A_952 : memref<1x125xi32, #tpu.memory_space<vmem>> -> memref<125xi32, #tpu.memory_space<vmem>>
      %dma_wait3A_954 = arith.constant 0 : i32
      %dma_wait3A_955 = arith.constant 0 : i32
      %dma_wait3A_956 = tpu.memref_slice %arg17[%dma_wait3A_954, %dma_wait3A_955] : memref<10240x32xf32, #tpu.memory_space<vmem_shared>> -> memref<10240x32xf32, #tpu.memory_space<vmem_shared>>
      tpu.wait_indirect_dma semaphore(%arg33 : memref<!tpu.dma_semaphore, #tpu.memory_space<semaphore_mem>>) src(%arg15 : memref<125x32xf32, #tpu.memory_space<vmem>>) dst(%dma_wait3A_956 : memref<10240x32xf32, #tpu.memory_space<vmem_shared>>)
      %add3A_957 = arith.constant 8 : i32
      %add3A_958 = arith.addi %add3A_860, %add3A_957 : i32
      %add3A_959 = arith.constant 0 : i32
      %add3A_960 = arith.addi %add3A_958, %add3A_959 : i32
      %dma_start3A_961 = arith.constant 0 : i32
      %dma_start3A_962 = tpu.memref_slice %arg5[%add3A_960, %dma_start3A_961] : memref<160x125xi32, #tpu.memory_space<vmem>> -> memref<1x125xi32, #tpu.memory_space<vmem>>
      %dma_start3A_963 = tpu.memref_squeeze %dma_start3A_962 : memref<1x125xi32, #tpu.memory_space<vmem>> -> memref<125xi32, #tpu.memory_space<vmem>>
      %dma_start3A_964 = arith.constant 0 : i32
      %dma_start3A_965 = arith.constant 0 : i32
      %dma_start3A_966 = tpu.memref_slice %arg16[%dma_start3A_964, %dma_start3A_965] : memref<10240x32xf32, #tpu.memory_space<vmem_shared>> -> memref<10240x32xf32, #tpu.memory_space<vmem_shared>>
      tpu.enqueue_indirect_dma source(%dma_start3A_966 : memref<10240x32xf32, #tpu.memory_space<vmem_shared>>) target(%arg12 : memref<125x32xf32, #tpu.memory_space<vmem>>) offsets(%dma_start3A_963 : memref<125xi32, #tpu.memory_space<vmem>>) semaphore(%arg22 : memref<!tpu.dma_semaphore, #tpu.memory_space<semaphore_mem>>)
      %add3A_967 = arith.constant 8 : i32
      %add3A_968 = arith.addi %add3A_860, %add3A_967 : i32
      %add3A_969 = arith.constant 1 : i32
      %add3A_970 = arith.addi %add3A_968, %add3A_969 : i32
      %dma_start3A_971 = arith.constant 0 : i32
      %dma_start3A_972 = tpu.memref_slice %arg5[%add3A_970, %dma_start3A_971] : memref<160x125xi32, #tpu.memory_space<vmem>> -> memref<1x125xi32, #tpu.memory_space<vmem>>
      %dma_start3A_973 = tpu.memref_squeeze %dma_start3A_972 : memref<1x125xi32, #tpu.memory_space<vmem>> -> memref<125xi32, #tpu.memory_space<vmem>>
      %dma_start3A_974 = arith.constant 0 : i32
      %dma_start3A_975 = arith.constant 0 : i32
      %dma_start3A_976 = tpu.memref_slice %arg16[%dma_start3A_974, %dma_start3A_975] : memref<10240x32xf32, #tpu.memory_space<vmem_shared>> -> memref<10240x32xf32, #tpu.memory_space<vmem_shared>>
      tpu.enqueue_indirect_dma source(%dma_start3A_976 : memref<10240x32xf32, #tpu.memory_space<vmem_shared>>) target(%arg13 : memref<125x32xf32, #tpu.memory_space<vmem>>) offsets(%dma_start3A_973 : memref<125xi32, #tpu.memory_space<vmem>>) semaphore(%arg23 : memref<!tpu.dma_semaphore, #tpu.memory_space<semaphore_mem>>)
      %add3A_977 = arith.constant 8 : i32
      %add3A_978 = arith.addi %add3A_860, %add3A_977 : i32
      %add3A_979 = arith.constant 2 : i32
      %add3A_980 = arith.addi %add3A_978, %add3A_979 : i32
      %dma_start3A_981 = arith.constant 0 : i32
      %dma_start3A_982 = tpu.memref_slice %arg5[%add3A_980, %dma_start3A_981] : memref<160x125xi32, #tpu.memory_space<vmem>> -> memref<1x125xi32, #tpu.memory_space<vmem>>
      %dma_start3A_983 = tpu.memref_squeeze %dma_start3A_982 : memref<1x125xi32, #tpu.memory_space<vmem>> -> memref<125xi32, #tpu.memory_space<vmem>>
      %dma_start3A_984 = arith.constant 0 : i32
      %dma_start3A_985 = arith.constant 0 : i32
      %dma_start3A_986 = tpu.memref_slice %arg16[%dma_start3A_984, %dma_start3A_985] : memref<10240x32xf32, #tpu.memory_space<vmem_shared>> -> memref<10240x32xf32, #tpu.memory_space<vmem_shared>>
      tpu.enqueue_indirect_dma source(%dma_start3A_986 : memref<10240x32xf32, #tpu.memory_space<vmem_shared>>) target(%arg14 : memref<125x32xf32, #tpu.memory_space<vmem>>) offsets(%dma_start3A_983 : memref<125xi32, #tpu.memory_space<vmem>>) semaphore(%arg24 : memref<!tpu.dma_semaphore, #tpu.memory_space<semaphore_mem>>)
      %add3A_987 = arith.constant 8 : i32
      %add3A_988 = arith.addi %add3A_860, %add3A_987 : i32
      %add3A_989 = arith.constant 3 : i32
      %add3A_990 = arith.addi %add3A_988, %add3A_989 : i32
      %dma_start3A_991 = arith.constant 0 : i32
      %dma_start3A_992 = tpu.memref_slice %arg5[%add3A_990, %dma_start3A_991] : memref<160x125xi32, #tpu.memory_space<vmem>> -> memref<1x125xi32, #tpu.memory_space<vmem>>
      %dma_start3A_993 = tpu.memref_squeeze %dma_start3A_992 : memref<1x125xi32, #tpu.memory_space<vmem>> -> memref<125xi32, #tpu.memory_space<vmem>>
      %dma_start3A_994 = arith.constant 0 : i32
      %dma_start3A_995 = arith.constant 0 : i32
      %dma_start3A_996 = tpu.memref_slice %arg16[%dma_start3A_994, %dma_start3A_995] : memref<10240x32xf32, #tpu.memory_space<vmem_shared>> -> memref<10240x32xf32, #tpu.memory_space<vmem_shared>>
      tpu.enqueue_indirect_dma source(%dma_start3A_996 : memref<10240x32xf32, #tpu.memory_space<vmem_shared>>) target(%arg15 : memref<125x32xf32, #tpu.memory_space<vmem>>) offsets(%dma_start3A_993 : memref<125xi32, #tpu.memory_space<vmem>>) semaphore(%arg25 : memref<!tpu.dma_semaphore, #tpu.memory_space<semaphore_mem>>)
      %scan3A_997 = arith.constant 0 : i32
      scf.yield %scan3A_997 : i32
    }
    %scan3A_200 = arith.constant 19 : i32
    %dma_wait3A_201 = arith.constant 152 : i32
    %dma_wait3A_202 = arith.constant 0 : i32
    %dma_wait3A_203 = tpu.memref_slice %arg5[%dma_wait3A_201, %dma_wait3A_202] : memref<160x125xi32, #tpu.memory_space<vmem>> -> memref<1x125xi32, #tpu.memory_space<vmem>>
    %dma_wait3A_204 = tpu.memref_squeeze %dma_wait3A_203 : memref<1x125xi32, #tpu.memory_space<vmem>> -> memref<125xi32, #tpu.memory_space<vmem>>
    %dma_wait3A_205 = arith.constant 0 : i32
    %dma_wait3A_206 = arith.constant 0 : i32
    %dma_wait3A_207 = tpu.memref_slice %arg16[%dma_wait3A_205, %dma_wait3A_206] : memref<10240x32xf32, #tpu.memory_space<vmem_shared>> -> memref<10240x32xf32, #tpu.memory_space<vmem_shared>>
    tpu.wait_indirect_dma semaphore(%arg18 : memref<!tpu.dma_semaphore, #tpu.memory_space<semaphore_mem>>) src(%dma_wait3A_207 : memref<10240x32xf32, #tpu.memory_space<vmem_shared>>) dst(%arg8 : memref<125x32xf32, #tpu.memory_space<vmem>>)
    %dma_wait3A_208 = arith.constant 153 : i32
    %dma_wait3A_209 = arith.constant 0 : i32
    %dma_wait3A_210 = tpu.memref_slice %arg5[%dma_wait3A_208, %dma_wait3A_209] : memref<160x125xi32, #tpu.memory_space<vmem>> -> memref<1x125xi32, #tpu.memory_space<vmem>>
    %dma_wait3A_211 = tpu.memref_squeeze %dma_wait3A_210 : memref<1x125xi32, #tpu.memory_space<vmem>> -> memref<125xi32, #tpu.memory_space<vmem>>
    %dma_wait3A_212 = arith.constant 0 : i32
    %dma_wait3A_213 = arith.constant 0 : i32
    %dma_wait3A_214 = tpu.memref_slice %arg16[%dma_wait3A_212, %dma_wait3A_213] : memref<10240x32xf32, #tpu.memory_space<vmem_shared>> -> memref<10240x32xf32, #tpu.memory_space<vmem_shared>>
    tpu.wait_indirect_dma semaphore(%arg19 : memref<!tpu.dma_semaphore, #tpu.memory_space<semaphore_mem>>) src(%dma_wait3A_214 : memref<10240x32xf32, #tpu.memory_space<vmem_shared>>) dst(%arg9 : memref<125x32xf32, #tpu.memory_space<vmem>>)
    %dma_wait3A_215 = arith.constant 154 : i32
    %dma_wait3A_216 = arith.constant 0 : i32
    %dma_wait3A_217 = tpu.memref_slice %arg5[%dma_wait3A_215, %dma_wait3A_216] : memref<160x125xi32, #tpu.memory_space<vmem>> -> memref<1x125xi32, #tpu.memory_space<vmem>>
    %dma_wait3A_218 = tpu.memref_squeeze %dma_wait3A_217 : memref<1x125xi32, #tpu.memory_space<vmem>> -> memref<125xi32, #tpu.memory_space<vmem>>
    %dma_wait3A_219 = arith.constant 0 : i32
    %dma_wait3A_220 = arith.constant 0 : i32
    %dma_wait3A_221 = tpu.memref_slice %arg16[%dma_wait3A_219, %dma_wait3A_220] : memref<10240x32xf32, #tpu.memory_space<vmem_shared>> -> memref<10240x32xf32, #tpu.memory_space<vmem_shared>>
    tpu.wait_indirect_dma semaphore(%arg20 : memref<!tpu.dma_semaphore, #tpu.memory_space<semaphore_mem>>) src(%dma_wait3A_221 : memref<10240x32xf32, #tpu.memory_space<vmem_shared>>) dst(%arg10 : memref<125x32xf32, #tpu.memory_space<vmem>>)
    %dma_wait3A_222 = arith.constant 155 : i32
    %dma_wait3A_223 = arith.constant 0 : i32
    %dma_wait3A_224 = tpu.memref_slice %arg5[%dma_wait3A_222, %dma_wait3A_223] : memref<160x125xi32, #tpu.memory_space<vmem>> -> memref<1x125xi32, #tpu.memory_space<vmem>>
    %dma_wait3A_225 = tpu.memref_squeeze %dma_wait3A_224 : memref<1x125xi32, #tpu.memory_space<vmem>> -> memref<125xi32, #tpu.memory_space<vmem>>
    %dma_wait3A_226 = arith.constant 0 : i32
    %dma_wait3A_227 = arith.constant 0 : i32
    %dma_wait3A_228 = tpu.memref_slice %arg16[%dma_wait3A_226, %dma_wait3A_227] : memref<10240x32xf32, #tpu.memory_space<vmem_shared>> -> memref<10240x32xf32, #tpu.memory_space<vmem_shared>>
    tpu.wait_indirect_dma semaphore(%arg21 : memref<!tpu.dma_semaphore, #tpu.memory_space<semaphore_mem>>) src(%dma_wait3A_228 : memref<10240x32xf32, #tpu.memory_space<vmem_shared>>) dst(%arg11 : memref<125x32xf32, #tpu.memory_space<vmem>>)
    %dma_start3A_229 = arith.constant 152 : i32
    %dma_start3A_230 = arith.constant 0 : i32
    %dma_start3A_231 = tpu.memref_slice %arg6[%dma_start3A_229, %dma_start3A_230] : memref<160x125xi32, #tpu.memory_space<vmem>> -> memref<1x125xi32, #tpu.memory_space<vmem>>
    %dma_start3A_232 = tpu.memref_squeeze %dma_start3A_231 : memref<1x125xi32, #tpu.memory_space<vmem>> -> memref<125xi32, #tpu.memory_space<vmem>>
    %dma_start3A_233 = arith.constant 0 : i32
    %dma_start3A_234 = arith.constant 0 : i32
    %dma_start3A_235 = tpu.memref_slice %arg17[%dma_start3A_233, %dma_start3A_234] : memref<10240x32xf32, #tpu.memory_space<vmem_shared>> -> memref<10240x32xf32, #tpu.memory_space<vmem_shared>>
    tpu.enqueue_indirect_dma source(%arg8 : memref<125x32xf32, #tpu.memory_space<vmem>>) target(%dma_start3A_235 : memref<10240x32xf32, #tpu.memory_space<vmem_shared>>) offsets(%dma_start3A_232 : memref<125xi32, #tpu.memory_space<vmem>>) semaphore(%arg26 : memref<!tpu.dma_semaphore, #tpu.memory_space<semaphore_mem>>) {add = true}
    %dma_start3A_236 = arith.constant 153 : i32
    %dma_start3A_237 = arith.constant 0 : i32
    %dma_start3A_238 = tpu.memref_slice %arg6[%dma_start3A_236, %dma_start3A_237] : memref<160x125xi32, #tpu.memory_space<vmem>> -> memref<1x125xi32, #tpu.memory_space<vmem>>
    %dma_start3A_239 = tpu.memref_squeeze %dma_start3A_238 : memref<1x125xi32, #tpu.memory_space<vmem>> -> memref<125xi32, #tpu.memory_space<vmem>>
    %dma_start3A_240 = arith.constant 0 : i32
    %dma_start3A_241 = arith.constant 0 : i32
    %dma_start3A_242 = tpu.memref_slice %arg17[%dma_start3A_240, %dma_start3A_241] : memref<10240x32xf32, #tpu.memory_space<vmem_shared>> -> memref<10240x32xf32, #tpu.memory_space<vmem_shared>>
    tpu.enqueue_indirect_dma source(%arg9 : memref<125x32xf32, #tpu.memory_space<vmem>>) target(%dma_start3A_242 : memref<10240x32xf32, #tpu.memory_space<vmem_shared>>) offsets(%dma_start3A_239 : memref<125xi32, #tpu.memory_space<vmem>>) semaphore(%arg27 : memref<!tpu.dma_semaphore, #tpu.memory_space<semaphore_mem>>) {add = true}
    %dma_start3A_243 = arith.constant 154 : i32
    %dma_start3A_244 = arith.constant 0 : i32
    %dma_start3A_245 = tpu.memref_slice %arg6[%dma_start3A_243, %dma_start3A_244] : memref<160x125xi32, #tpu.memory_space<vmem>> -> memref<1x125xi32, #tpu.memory_space<vmem>>
    %dma_start3A_246 = tpu.memref_squeeze %dma_start3A_245 : memref<1x125xi32, #tpu.memory_space<vmem>> -> memref<125xi32, #tpu.memory_space<vmem>>
    %dma_start3A_247 = arith.constant 0 : i32
    %dma_start3A_248 = arith.constant 0 : i32
    %dma_start3A_249 = tpu.memref_slice %arg17[%dma_start3A_247, %dma_start3A_248] : memref<10240x32xf32, #tpu.memory_space<vmem_shared>> -> memref<10240x32xf32, #tpu.memory_space<vmem_shared>>
    tpu.enqueue_indirect_dma source(%arg10 : memref<125x32xf32, #tpu.memory_space<vmem>>) target(%dma_start3A_249 : memref<10240x32xf32, #tpu.memory_space<vmem_shared>>) offsets(%dma_start3A_246 : memref<125xi32, #tpu.memory_space<vmem>>) semaphore(%arg28 : memref<!tpu.dma_semaphore, #tpu.memory_space<semaphore_mem>>) {add = true}
    %dma_start3A_250 = arith.constant 155 : i32
    %dma_start3A_251 = arith.constant 0 : i32
    %dma_start3A_252 = tpu.memref_slice %arg6[%dma_start3A_250, %dma_start3A_251] : memref<160x125xi32, #tpu.memory_space<vmem>> -> memref<1x125xi32, #tpu.memory_space<vmem>>
    %dma_start3A_253 = tpu.memref_squeeze %dma_start3A_252 : memref<1x125xi32, #tpu.memory_space<vmem>> -> memref<125xi32, #tpu.memory_space<vmem>>
    %dma_start3A_254 = arith.constant 0 : i32
    %dma_start3A_255 = arith.constant 0 : i32
    %dma_start3A_256 = tpu.memref_slice %arg17[%dma_start3A_254, %dma_start3A_255] : memref<10240x32xf32, #tpu.memory_space<vmem_shared>> -> memref<10240x32xf32, #tpu.memory_space<vmem_shared>>
    tpu.enqueue_indirect_dma source(%arg11 : memref<125x32xf32, #tpu.memory_space<vmem>>) target(%dma_start3A_256 : memref<10240x32xf32, #tpu.memory_space<vmem_shared>>) offsets(%dma_start3A_253 : memref<125xi32, #tpu.memory_space<vmem>>) semaphore(%arg29 : memref<!tpu.dma_semaphore, #tpu.memory_space<semaphore_mem>>) {add = true}
    %dma_wait3A_257 = arith.constant 152 : i32
    %dma_wait3A_258 = arith.constant 0 : i32
    %dma_wait3A_259 = tpu.memref_slice %arg6[%dma_wait3A_257, %dma_wait3A_258] : memref<160x125xi32, #tpu.memory_space<vmem>> -> memref<1x125xi32, #tpu.memory_space<vmem>>
    %dma_wait3A_260 = tpu.memref_squeeze %dma_wait3A_259 : memref<1x125xi32, #tpu.memory_space<vmem>> -> memref<125xi32, #tpu.memory_space<vmem>>
    %dma_wait3A_261 = arith.constant 0 : i32
    %dma_wait3A_262 = arith.constant 0 : i32
    %dma_wait3A_263 = tpu.memref_slice %arg17[%dma_wait3A_261, %dma_wait3A_262] : memref<10240x32xf32, #tpu.memory_space<vmem_shared>> -> memref<10240x32xf32, #tpu.memory_space<vmem_shared>>
    tpu.wait_indirect_dma semaphore(%arg26 : memref<!tpu.dma_semaphore, #tpu.memory_space<semaphore_mem>>) src(%arg8 : memref<125x32xf32, #tpu.memory_space<vmem>>) dst(%dma_wait3A_263 : memref<10240x32xf32, #tpu.memory_space<vmem_shared>>)
    %dma_wait3A_264 = arith.constant 153 : i32
    %dma_wait3A_265 = arith.constant 0 : i32
    %dma_wait3A_266 = tpu.memref_slice %arg6[%dma_wait3A_264, %dma_wait3A_265] : memref<160x125xi32, #tpu.memory_space<vmem>> -> memref<1x125xi32, #tpu.memory_space<vmem>>
    %dma_wait3A_267 = tpu.memref_squeeze %dma_wait3A_266 : memref<1x125xi32, #tpu.memory_space<vmem>> -> memref<125xi32, #tpu.memory_space<vmem>>
    %dma_wait3A_268 = arith.constant 0 : i32
    %dma_wait3A_269 = arith.constant 0 : i32
    %dma_wait3A_270 = tpu.memref_slice %arg17[%dma_wait3A_268, %dma_wait3A_269] : memref<10240x32xf32, #tpu.memory_space<vmem_shared>> -> memref<10240x32xf32, #tpu.memory_space<vmem_shared>>
    tpu.wait_indirect_dma semaphore(%arg27 : memref<!tpu.dma_semaphore, #tpu.memory_space<semaphore_mem>>) src(%arg9 : memref<125x32xf32, #tpu.memory_space<vmem>>) dst(%dma_wait3A_270 : memref<10240x32xf32, #tpu.memory_space<vmem_shared>>)
    %dma_wait3A_271 = arith.constant 154 : i32
    %dma_wait3A_272 = arith.constant 0 : i32
    %dma_wait3A_273 = tpu.memref_slice %arg6[%dma_wait3A_271, %dma_wait3A_272] : memref<160x125xi32, #tpu.memory_space<vmem>> -> memref<1x125xi32, #tpu.memory_space<vmem>>
    %dma_wait3A_274 = tpu.memref_squeeze %dma_wait3A_273 : memref<1x125xi32, #tpu.memory_space<vmem>> -> memref<125xi32, #tpu.memory_space<vmem>>
    %dma_wait3A_275 = arith.constant 0 : i32
    %dma_wait3A_276 = arith.constant 0 : i32
    %dma_wait3A_277 = tpu.memref_slice %arg17[%dma_wait3A_275, %dma_wait3A_276] : memref<10240x32xf32, #tpu.memory_space<vmem_shared>> -> memref<10240x32xf32, #tpu.memory_space<vmem_shared>>
    tpu.wait_indirect_dma semaphore(%arg28 : memref<!tpu.dma_semaphore, #tpu.memory_space<semaphore_mem>>) src(%arg10 : memref<125x32xf32, #tpu.memory_space<vmem>>) dst(%dma_wait3A_277 : memref<10240x32xf32, #tpu.memory_space<vmem_shared>>)
    %dma_wait3A_278 = arith.constant 155 : i32
    %dma_wait3A_279 = arith.constant 0 : i32
    %dma_wait3A_280 = tpu.memref_slice %arg6[%dma_wait3A_278, %dma_wait3A_279] : memref<160x125xi32, #tpu.memory_space<vmem>> -> memref<1x125xi32, #tpu.memory_space<vmem>>
    %dma_wait3A_281 = tpu.memref_squeeze %dma_wait3A_280 : memref<1x125xi32, #tpu.memory_space<vmem>> -> memref<125xi32, #tpu.memory_space<vmem>>
    %dma_wait3A_282 = arith.constant 0 : i32
    %dma_wait3A_283 = arith.constant 0 : i32
    %dma_wait3A_284 = tpu.memref_slice %arg17[%dma_wait3A_282, %dma_wait3A_283] : memref<10240x32xf32, #tpu.memory_space<vmem_shared>> -> memref<10240x32xf32, #tpu.memory_space<vmem_shared>>
    tpu.wait_indirect_dma semaphore(%arg29 : memref<!tpu.dma_semaphore, #tpu.memory_space<semaphore_mem>>) src(%arg11 : memref<125x32xf32, #tpu.memory_space<vmem>>) dst(%dma_wait3A_284 : memref<10240x32xf32, #tpu.memory_space<vmem_shared>>)
    %dma_wait3A_285 = arith.constant 156 : i32
    %dma_wait3A_286 = arith.constant 0 : i32
    %dma_wait3A_287 = tpu.memref_slice %arg5[%dma_wait3A_285, %dma_wait3A_286] : memref<160x125xi32, #tpu.memory_space<vmem>> -> memref<1x125xi32, #tpu.memory_space<vmem>>
    %dma_wait3A_288 = tpu.memref_squeeze %dma_wait3A_287 : memref<1x125xi32, #tpu.memory_space<vmem>> -> memref<125xi32, #tpu.memory_space<vmem>>
    %dma_wait3A_289 = arith.constant 0 : i32
    %dma_wait3A_290 = arith.constant 0 : i32
    %dma_wait3A_291 = tpu.memref_slice %arg16[%dma_wait3A_289, %dma_wait3A_290] : memref<10240x32xf32, #tpu.memory_space<vmem_shared>> -> memref<10240x32xf32, #tpu.memory_space<vmem_shared>>
    tpu.wait_indirect_dma semaphore(%arg22 : memref<!tpu.dma_semaphore, #tpu.memory_space<semaphore_mem>>) src(%dma_wait3A_291 : memref<10240x32xf32, #tpu.memory_space<vmem_shared>>) dst(%arg12 : memref<125x32xf32, #tpu.memory_space<vmem>>)
    %dma_wait3A_292 = arith.constant 157 : i32
    %dma_wait3A_293 = arith.constant 0 : i32
    %dma_wait3A_294 = tpu.memref_slice %arg5[%dma_wait3A_292, %dma_wait3A_293] : memref<160x125xi32, #tpu.memory_space<vmem>> -> memref<1x125xi32, #tpu.memory_space<vmem>>
    %dma_wait3A_295 = tpu.memref_squeeze %dma_wait3A_294 : memref<1x125xi32, #tpu.memory_space<vmem>> -> memref<125xi32, #tpu.memory_space<vmem>>
    %dma_wait3A_296 = arith.constant 0 : i32
    %dma_wait3A_297 = arith.constant 0 : i32
    %dma_wait3A_298 = tpu.memref_slice %arg16[%dma_wait3A_296, %dma_wait3A_297] : memref<10240x32xf32, #tpu.memory_space<vmem_shared>> -> memref<10240x32xf32, #tpu.memory_space<vmem_shared>>
    tpu.wait_indirect_dma semaphore(%arg23 : memref<!tpu.dma_semaphore, #tpu.memory_space<semaphore_mem>>) src(%dma_wait3A_298 : memref<10240x32xf32, #tpu.memory_space<vmem_shared>>) dst(%arg13 : memref<125x32xf32, #tpu.memory_space<vmem>>)
    %dma_wait3A_299 = arith.constant 158 : i32
    %dma_wait3A_300 = arith.constant 0 : i32
    %dma_wait3A_301 = tpu.memref_slice %arg5[%dma_wait3A_299, %dma_wait3A_300] : memref<160x125xi32, #tpu.memory_space<vmem>> -> memref<1x125xi32, #tpu.memory_space<vmem>>
    %dma_wait3A_302 = tpu.memref_squeeze %dma_wait3A_301 : memref<1x125xi32, #tpu.memory_space<vmem>> -> memref<125xi32, #tpu.memory_space<vmem>>
    %dma_wait3A_303 = arith.constant 0 : i32
    %dma_wait3A_304 = arith.constant 0 : i32
    %dma_wait3A_305 = tpu.memref_slice %arg16[%dma_wait3A_303, %dma_wait3A_304] : memref<10240x32xf32, #tpu.memory_space<vmem_shared>> -> memref<10240x32xf32, #tpu.memory_space<vmem_shared>>
    tpu.wait_indirect_dma semaphore(%arg24 : memref<!tpu.dma_semaphore, #tpu.memory_space<semaphore_mem>>) src(%dma_wait3A_305 : memref<10240x32xf32, #tpu.memory_space<vmem_shared>>) dst(%arg14 : memref<125x32xf32, #tpu.memory_space<vmem>>)
    %dma_wait3A_306 = arith.constant 159 : i32
    %dma_wait3A_307 = arith.constant 0 : i32
    %dma_wait3A_308 = tpu.memref_slice %arg5[%dma_wait3A_306, %dma_wait3A_307] : memref<160x125xi32, #tpu.memory_space<vmem>> -> memref<1x125xi32, #tpu.memory_space<vmem>>
    %dma_wait3A_309 = tpu.memref_squeeze %dma_wait3A_308 : memref<1x125xi32, #tpu.memory_space<vmem>> -> memref<125xi32, #tpu.memory_space<vmem>>
    %dma_wait3A_310 = arith.constant 0 : i32
    %dma_wait3A_311 = arith.constant 0 : i32
    %dma_wait3A_312 = tpu.memref_slice %arg16[%dma_wait3A_310, %dma_wait3A_311] : memref<10240x32xf32, #tpu.memory_space<vmem_shared>> -> memref<10240x32xf32, #tpu.memory_space<vmem_shared>>
    tpu.wait_indirect_dma semaphore(%arg25 : memref<!tpu.dma_semaphore, #tpu.memory_space<semaphore_mem>>) src(%dma_wait3A_312 : memref<10240x32xf32, #tpu.memory_space<vmem_shared>>) dst(%arg15 : memref<125x32xf32, #tpu.memory_space<vmem>>)
    %dma_start3A_313 = arith.constant 156 : i32
    %dma_start3A_314 = arith.constant 0 : i32
    %dma_start3A_315 = tpu.memref_slice %arg6[%dma_start3A_313, %dma_start3A_314] : memref<160x125xi32, #tpu.memory_space<vmem>> -> memref<1x125xi32, #tpu.memory_space<vmem>>
    %dma_start3A_316 = tpu.memref_squeeze %dma_start3A_315 : memref<1x125xi32, #tpu.memory_space<vmem>> -> memref<125xi32, #tpu.memory_space<vmem>>
    %dma_start3A_317 = arith.constant 0 : i32
    %dma_start3A_318 = arith.constant 0 : i32
    %dma_start3A_319 = tpu.memref_slice %arg17[%dma_start3A_317, %dma_start3A_318] : memref<10240x32xf32, #tpu.memory_space<vmem_shared>> -> memref<10240x32xf32, #tpu.memory_space<vmem_shared>>
    tpu.enqueue_indirect_dma source(%arg12 : memref<125x32xf32, #tpu.memory_space<vmem>>) target(%dma_start3A_319 : memref<10240x32xf32, #tpu.memory_space<vmem_shared>>) offsets(%dma_start3A_316 : memref<125xi32, #tpu.memory_space<vmem>>) semaphore(%arg30 : memref<!tpu.dma_semaphore, #tpu.memory_space<semaphore_mem>>) {add = true}
    %dma_start3A_320 = arith.constant 157 : i32
    %dma_start3A_321 = arith.constant 0 : i32
    %dma_start3A_322 = tpu.memref_slice %arg6[%dma_start3A_320, %dma_start3A_321] : memref<160x125xi32, #tpu.memory_space<vmem>> -> memref<1x125xi32, #tpu.memory_space<vmem>>
    %dma_start3A_323 = tpu.memref_squeeze %dma_start3A_322 : memref<1x125xi32, #tpu.memory_space<vmem>> -> memref<125xi32, #tpu.memory_space<vmem>>
    %dma_start3A_324 = arith.constant 0 : i32
    %dma_start3A_325 = arith.constant 0 : i32
    %dma_start3A_326 = tpu.memref_slice %arg17[%dma_start3A_324, %dma_start3A_325] : memref<10240x32xf32, #tpu.memory_space<vmem_shared>> -> memref<10240x32xf32, #tpu.memory_space<vmem_shared>>
    tpu.enqueue_indirect_dma source(%arg13 : memref<125x32xf32, #tpu.memory_space<vmem>>) target(%dma_start3A_326 : memref<10240x32xf32, #tpu.memory_space<vmem_shared>>) offsets(%dma_start3A_323 : memref<125xi32, #tpu.memory_space<vmem>>) semaphore(%arg31 : memref<!tpu.dma_semaphore, #tpu.memory_space<semaphore_mem>>) {add = true}
    %dma_start3A_327 = arith.constant 158 : i32
    %dma_start3A_328 = arith.constant 0 : i32
    %dma_start3A_329 = tpu.memref_slice %arg6[%dma_start3A_327, %dma_start3A_328] : memref<160x125xi32, #tpu.memory_space<vmem>> -> memref<1x125xi32, #tpu.memory_space<vmem>>
    %dma_start3A_330 = tpu.memref_squeeze %dma_start3A_329 : memref<1x125xi32, #tpu.memory_space<vmem>> -> memref<125xi32, #tpu.memory_space<vmem>>
    %dma_start3A_331 = arith.constant 0 : i32
    %dma_start3A_332 = arith.constant 0 : i32
    %dma_start3A_333 = tpu.memref_slice %arg17[%dma_start3A_331, %dma_start3A_332] : memref<10240x32xf32, #tpu.memory_space<vmem_shared>> -> memref<10240x32xf32, #tpu.memory_space<vmem_shared>>
    tpu.enqueue_indirect_dma source(%arg14 : memref<125x32xf32, #tpu.memory_space<vmem>>) target(%dma_start3A_333 : memref<10240x32xf32, #tpu.memory_space<vmem_shared>>) offsets(%dma_start3A_330 : memref<125xi32, #tpu.memory_space<vmem>>) semaphore(%arg32 : memref<!tpu.dma_semaphore, #tpu.memory_space<semaphore_mem>>) {add = true}
    %dma_start3A_334 = arith.constant 159 : i32
    %dma_start3A_335 = arith.constant 0 : i32
    %dma_start3A_336 = tpu.memref_slice %arg6[%dma_start3A_334, %dma_start3A_335] : memref<160x125xi32, #tpu.memory_space<vmem>> -> memref<1x125xi32, #tpu.memory_space<vmem>>
    %dma_start3A_337 = tpu.memref_squeeze %dma_start3A_336 : memref<1x125xi32, #tpu.memory_space<vmem>> -> memref<125xi32, #tpu.memory_space<vmem>>
    %dma_start3A_338 = arith.constant 0 : i32
    %dma_start3A_339 = arith.constant 0 : i32
    %dma_start3A_340 = tpu.memref_slice %arg17[%dma_start3A_338, %dma_start3A_339] : memref<10240x32xf32, #tpu.memory_space<vmem_shared>> -> memref<10240x32xf32, #tpu.memory_space<vmem_shared>>
    tpu.enqueue_indirect_dma source(%arg15 : memref<125x32xf32, #tpu.memory_space<vmem>>) target(%dma_start3A_340 : memref<10240x32xf32, #tpu.memory_space<vmem_shared>>) offsets(%dma_start3A_337 : memref<125xi32, #tpu.memory_space<vmem>>) semaphore(%arg33 : memref<!tpu.dma_semaphore, #tpu.memory_space<semaphore_mem>>) {add = true}
    %dma_wait3A_341 = arith.constant 156 : i32
    %dma_wait3A_342 = arith.constant 0 : i32
    %dma_wait3A_343 = tpu.memref_slice %arg6[%dma_wait3A_341, %dma_wait3A_342] : memref<160x125xi32, #tpu.memory_space<vmem>> -> memref<1x125xi32, #tpu.memory_space<vmem>>
    %dma_wait3A_344 = tpu.memref_squeeze %dma_wait3A_343 : memref<1x125xi32, #tpu.memory_space<vmem>> -> memref<125xi32, #tpu.memory_space<vmem>>
    %dma_wait3A_345 = arith.constant 0 : i32
    %dma_wait3A_346 = arith.constant 0 : i32
    %dma_wait3A_347 = tpu.memref_slice %arg17[%dma_wait3A_345, %dma_wait3A_346] : memref<10240x32xf32, #tpu.memory_space<vmem_shared>> -> memref<10240x32xf32, #tpu.memory_space<vmem_shared>>
    tpu.wait_indirect_dma semaphore(%arg30 : memref<!tpu.dma_semaphore, #tpu.memory_space<semaphore_mem>>) src(%arg12 : memref<125x32xf32, #tpu.memory_space<vmem>>) dst(%dma_wait3A_347 : memref<10240x32xf32, #tpu.memory_space<vmem_shared>>)
    %dma_wait3A_348 = arith.constant 157 : i32
    %dma_wait3A_349 = arith.constant 0 : i32
    %dma_wait3A_350 = tpu.memref_slice %arg6[%dma_wait3A_348, %dma_wait3A_349] : memref<160x125xi32, #tpu.memory_space<vmem>> -> memref<1x125xi32, #tpu.memory_space<vmem>>
    %dma_wait3A_351 = tpu.memref_squeeze %dma_wait3A_350 : memref<1x125xi32, #tpu.memory_space<vmem>> -> memref<125xi32, #tpu.memory_space<vmem>>
    %dma_wait3A_352 = arith.constant 0 : i32
    %dma_wait3A_353 = arith.constant 0 : i32
    %dma_wait3A_354 = tpu.memref_slice %arg17[%dma_wait3A_352, %dma_wait3A_353] : memref<10240x32xf32, #tpu.memory_space<vmem_shared>> -> memref<10240x32xf32, #tpu.memory_space<vmem_shared>>
    tpu.wait_indirect_dma semaphore(%arg31 : memref<!tpu.dma_semaphore, #tpu.memory_space<semaphore_mem>>) src(%arg13 : memref<125x32xf32, #tpu.memory_space<vmem>>) dst(%dma_wait3A_354 : memref<10240x32xf32, #tpu.memory_space<vmem_shared>>)
    %dma_wait3A_355 = arith.constant 158 : i32
    %dma_wait3A_356 = arith.constant 0 : i32
    %dma_wait3A_357 = tpu.memref_slice %arg6[%dma_wait3A_355, %dma_wait3A_356] : memref<160x125xi32, #tpu.memory_space<vmem>> -> memref<1x125xi32, #tpu.memory_space<vmem>>
    %dma_wait3A_358 = tpu.memref_squeeze %dma_wait3A_357 : memref<1x125xi32, #tpu.memory_space<vmem>> -> memref<125xi32, #tpu.memory_space<vmem>>
    %dma_wait3A_359 = arith.constant 0 : i32
    %dma_wait3A_360 = arith.constant 0 : i32
    %dma_wait3A_361 = tpu.memref_slice %arg17[%dma_wait3A_359, %dma_wait3A_360] : memref<10240x32xf32, #tpu.memory_space<vmem_shared>> -> memref<10240x32xf32, #tpu.memory_space<vmem_shared>>
    tpu.wait_indirect_dma semaphore(%arg32 : memref<!tpu.dma_semaphore, #tpu.memory_space<semaphore_mem>>) src(%arg14 : memref<125x32xf32, #tpu.memory_space<vmem>>) dst(%dma_wait3A_361 : memref<10240x32xf32, #tpu.memory_space<vmem_shared>>)
    %dma_wait3A_362 = arith.constant 159 : i32
    %dma_wait3A_363 = arith.constant 0 : i32
    %dma_wait3A_364 = tpu.memref_slice %arg6[%dma_wait3A_362, %dma_wait3A_363] : memref<160x125xi32, #tpu.memory_space<vmem>> -> memref<1x125xi32, #tpu.memory_space<vmem>>
    %dma_wait3A_365 = tpu.memref_squeeze %dma_wait3A_364 : memref<1x125xi32, #tpu.memory_space<vmem>> -> memref<125xi32, #tpu.memory_space<vmem>>
    %dma_wait3A_366 = arith.constant 0 : i32
    %dma_wait3A_367 = arith.constant 0 : i32
    %dma_wait3A_368 = tpu.memref_slice %arg17[%dma_wait3A_366, %dma_wait3A_367] : memref<10240x32xf32, #tpu.memory_space<vmem_shared>> -> memref<10240x32xf32, #tpu.memory_space<vmem_shared>>
    tpu.wait_indirect_dma semaphore(%arg33 : memref<!tpu.dma_semaphore, #tpu.memory_space<semaphore_mem>>) src(%arg15 : memref<125x32xf32, #tpu.memory_space<vmem>>) dst(%dma_wait3A_368 : memref<10240x32xf32, #tpu.memory_space<vmem_shared>>)
    %barrier3A_369 = arith.constant 0 : index
    tpu.barrier barrier_id(%barrier3A_369)
    %mul3A_370 = arith.constant 640 : i32
    %mul3A_371 = arith.muli %arg1, %mul3A_370 : i32
    %mul3A_372 = arith.constant 640 : i32
    %mul3A_373 = arith.muli %arg1, %mul3A_372 : i32
    %mul3A_374 = arith.constant 32 : i32
    %mul3A_375 = arith.muli %add3A_40, %mul3A_374 : i32
    "tpu.region"() ({
      %run_scoped3A = tpu.sem_alloc : memref<!tpu.dma_semaphore, #tpu.memory_space<semaphore_mem>>
      %dma_start3A_715 = tpu.memref_slice %arg4[%mul3A_373, %mul3A_375] : memref<10240x128xf32, #tpu.memory_space<hbm>> -> memref<640x32xf32, #tpu.memory_space<hbm>>
      %dma_start3A_716 = arith.constant 0 : i32
      %dma_start3A_717 = tpu.memref_slice %arg17[%mul3A_371, %dma_start3A_716] : memref<10240x32xf32, #tpu.memory_space<vmem_shared>> -> memref<640x32xf32, #tpu.memory_space<vmem_shared>>
      tpu.enqueue_dma source(%dma_start3A_717 : memref<640x32xf32, #tpu.memory_space<vmem_shared>>) target(%dma_start3A_715 : memref<640x32xf32, #tpu.memory_space<hbm>>) target_semaphore(%run_scoped3A : memref<!tpu.dma_semaphore, #tpu.memory_space<semaphore_mem>>)
      %dma_wait3A_718 = tpu.memref_slice %arg4[%mul3A_373, %mul3A_375] : memref<10240x128xf32, #tpu.memory_space<hbm>> -> memref<640x32xf32, #tpu.memory_space<hbm>>
      %dma_wait3A_719 = arith.constant 0 : i32
      %dma_wait3A_720 = tpu.memref_slice %arg17[%mul3A_371, %dma_wait3A_719] : memref<10240x32xf32, #tpu.memory_space<vmem_shared>> -> memref<640x32xf32, #tpu.memory_space<vmem_shared>>
      tpu.wait_dma2 semaphore(%run_scoped3A : memref<!tpu.dma_semaphore, #tpu.memory_space<semaphore_mem>>) src(%dma_wait3A_720 : memref<640x32xf32, #tpu.memory_space<vmem_shared>>) dst(%dma_wait3A_718 : memref<640x32xf32, #tpu.memory_space<hbm>>)
      tpu.yield
    }) : () -> ()
    %add3A_376 = arith.constant 2 : i32
    %add3A_377 = arith.addi %add3A_376, %arg0 : i32
    %mul3A_378 = arith.constant 640 : i32
    %mul3A_379 = arith.muli %arg1, %mul3A_378 : i32
    %mul3A_380 = arith.constant 32 : i32
    %mul3A_381 = arith.muli %add3A_377, %mul3A_380 : i32
    %mul3A_382 = arith.constant 640 : i32
    %mul3A_383 = arith.muli %arg1, %mul3A_382 : i32
    %dma_start3A_384 = arith.constant 0 : i32
    %dma_start3A_385 = tpu.memref_slice %arg16[%mul3A_383, %dma_start3A_384] : memref<10240x32xf32, #tpu.memory_space<vmem_shared>> -> memref<640x32xf32, #tpu.memory_space<vmem_shared>>
    %dma_start3A_386 = tpu.memref_slice %arg2[%mul3A_379, %mul3A_381] : memref<10240x128xf32, #tpu.memory_space<hbm>> -> memref<640x32xf32, #tpu.memory_space<hbm>>
    tpu.enqueue_dma source(%dma_start3A_386 : memref<640x32xf32, #tpu.memory_space<hbm>>) target(%dma_start3A_385 : memref<640x32xf32, #tpu.memory_space<vmem_shared>>) target_semaphore(%arg23 : memref<!tpu.dma_semaphore, #tpu.memory_space<semaphore_mem>>)
    %mul3A_387 = arith.constant 640 : i32
    %mul3A_388 = arith.muli %arg1, %mul3A_387 : i32
    %add3A_389 = arith.constant 0 : i32
    %add3A_390 = arith.addi %mul3A_388, %add3A_389 : i32
    %dma_start3A_391 = arith.constant 0 : i32
    %dma_start3A_392 = tpu.memref_slice %arg17[%add3A_390, %dma_start3A_391] : memref<10240x32xf32, #tpu.memory_space<vmem_shared>> -> memref<128x32xf32, #tpu.memory_space<vmem_shared>>
    %dma_start3A_393 = arith.constant 0 : i32
    %dma_start3A_394 = tpu.memref_slice %arg17[%add3A_390, %dma_start3A_393] : memref<10240x32xf32, #tpu.memory_space<vmem_shared>> -> memref<128x32xf32, #tpu.memory_space<vmem_shared>>
    tpu.enqueue_dma source(%arg7 : memref<128x32xf32, #tpu.memory_space<vmem>>) target(%dma_start3A_394 : memref<128x32xf32, #tpu.memory_space<vmem_shared>>) target_semaphore(%arg18 : memref<!tpu.dma_semaphore, #tpu.memory_space<semaphore_mem>>)
    %mul3A_395 = arith.constant 640 : i32
    %mul3A_396 = arith.muli %arg1, %mul3A_395 : i32
    %add3A_397 = arith.constant 128 : i32
    %add3A_398 = arith.addi %mul3A_396, %add3A_397 : i32
    %dma_start3A_399 = arith.constant 0 : i32
    %dma_start3A_400 = tpu.memref_slice %arg17[%add3A_398, %dma_start3A_399] : memref<10240x32xf32, #tpu.memory_space<vmem_shared>> -> memref<128x32xf32, #tpu.memory_space<vmem_shared>>
    %dma_start3A_401 = arith.constant 0 : i32
    %dma_start3A_402 = tpu.memref_slice %arg17[%add3A_398, %dma_start3A_401] : memref<10240x32xf32, #tpu.memory_space<vmem_shared>> -> memref<128x32xf32, #tpu.memory_space<vmem_shared>>
    tpu.enqueue_dma source(%arg7 : memref<128x32xf32, #tpu.memory_space<vmem>>) target(%dma_start3A_402 : memref<128x32xf32, #tpu.memory_space<vmem_shared>>) target_semaphore(%arg19 : memref<!tpu.dma_semaphore, #tpu.memory_space<semaphore_mem>>)
    %mul3A_403 = arith.constant 640 : i32
    %mul3A_404 = arith.muli %arg1, %mul3A_403 : i32
    %add3A_405 = arith.constant 256 : i32
    %add3A_406 = arith.addi %mul3A_404, %add3A_405 : i32
    %dma_start3A_407 = arith.constant 0 : i32
    %dma_start3A_408 = tpu.memref_slice %arg17[%add3A_406, %dma_start3A_407] : memref<10240x32xf32, #tpu.memory_space<vmem_shared>> -> memref<128x32xf32, #tpu.memory_space<vmem_shared>>
    %dma_start3A_409 = arith.constant 0 : i32
    %dma_start3A_410 = tpu.memref_slice %arg17[%add3A_406, %dma_start3A_409] : memref<10240x32xf32, #tpu.memory_space<vmem_shared>> -> memref<128x32xf32, #tpu.memory_space<vmem_shared>>
    tpu.enqueue_dma source(%arg7 : memref<128x32xf32, #tpu.memory_space<vmem>>) target(%dma_start3A_410 : memref<128x32xf32, #tpu.memory_space<vmem_shared>>) target_semaphore(%arg20 : memref<!tpu.dma_semaphore, #tpu.memory_space<semaphore_mem>>)
    %mul3A_411 = arith.constant 640 : i32
    %mul3A_412 = arith.muli %arg1, %mul3A_411 : i32
    %add3A_413 = arith.constant 384 : i32
    %add3A_414 = arith.addi %mul3A_412, %add3A_413 : i32
    %dma_start3A_415 = arith.constant 0 : i32
    %dma_start3A_416 = tpu.memref_slice %arg17[%add3A_414, %dma_start3A_415] : memref<10240x32xf32, #tpu.memory_space<vmem_shared>> -> memref<128x32xf32, #tpu.memory_space<vmem_shared>>
    %dma_start3A_417 = arith.constant 0 : i32
    %dma_start3A_418 = tpu.memref_slice %arg17[%add3A_414, %dma_start3A_417] : memref<10240x32xf32, #tpu.memory_space<vmem_shared>> -> memref<128x32xf32, #tpu.memory_space<vmem_shared>>
    tpu.enqueue_dma source(%arg7 : memref<128x32xf32, #tpu.memory_space<vmem>>) target(%dma_start3A_418 : memref<128x32xf32, #tpu.memory_space<vmem_shared>>) target_semaphore(%arg21 : memref<!tpu.dma_semaphore, #tpu.memory_space<semaphore_mem>>)
    %mul3A_419 = arith.constant 640 : i32
    %mul3A_420 = arith.muli %arg1, %mul3A_419 : i32
    %add3A_421 = arith.constant 512 : i32
    %add3A_422 = arith.addi %mul3A_420, %add3A_421 : i32
    %dma_start3A_423 = arith.constant 0 : i32
    %dma_start3A_424 = tpu.memref_slice %arg17[%add3A_422, %dma_start3A_423] : memref<10240x32xf32, #tpu.memory_space<vmem_shared>> -> memref<128x32xf32, #tpu.memory_space<vmem_shared>>
    %dma_start3A_425 = arith.constant 0 : i32
    %dma_start3A_426 = tpu.memref_slice %arg17[%add3A_422, %dma_start3A_425] : memref<10240x32xf32, #tpu.memory_space<vmem_shared>> -> memref<128x32xf32, #tpu.memory_space<vmem_shared>>
    tpu.enqueue_dma source(%arg7 : memref<128x32xf32, #tpu.memory_space<vmem>>) target(%dma_start3A_426 : memref<128x32xf32, #tpu.memory_space<vmem_shared>>) target_semaphore(%arg22 : memref<!tpu.dma_semaphore, #tpu.memory_space<semaphore_mem>>)
    %mul3A_427 = arith.constant 640 : i32
    %mul3A_428 = arith.muli %arg1, %mul3A_427 : i32
    %mul3A_429 = arith.constant 32 : i32
    %mul3A_430 = arith.muli %add3A_377, %mul3A_429 : i32
    %mul3A_431 = arith.constant 640 : i32
    %mul3A_432 = arith.muli %arg1, %mul3A_431 : i32
    %dma_wait3A_433 = arith.constant 0 : i32
    %dma_wait3A_434 = tpu.memref_slice %arg16[%mul3A_432, %dma_wait3A_433] : memref<10240x32xf32, #tpu.memory_space<vmem_shared>> -> memref<640x32xf32, #tpu.memory_space<vmem_shared>>
    %dma_wait3A_435 = tpu.memref_slice %arg2[%mul3A_428, %mul3A_430] : memref<10240x128xf32, #tpu.memory_space<hbm>> -> memref<640x32xf32, #tpu.memory_space<hbm>>
    tpu.wait_dma2 semaphore(%arg23 : memref<!tpu.dma_semaphore, #tpu.memory_space<semaphore_mem>>) src(%dma_wait3A_435 : memref<640x32xf32, #tpu.memory_space<hbm>>) dst(%dma_wait3A_434 : memref<640x32xf32, #tpu.memory_space<vmem_shared>>)
    %mul3A_436 = arith.constant 640 : i32
    %mul3A_437 = arith.muli %arg1, %mul3A_436 : i32
    %add3A_438 = arith.constant 0 : i32
    %add3A_439 = arith.addi %mul3A_437, %add3A_438 : i32
    %dma_wait3A_440 = arith.constant 0 : i32
    %dma_wait3A_441 = tpu.memref_slice %arg17[%add3A_439, %dma_wait3A_440] : memref<10240x32xf32, #tpu.memory_space<vmem_shared>> -> memref<128x32xf32, #tpu.memory_space<vmem_shared>>
    %dma_wait3A_442 = arith.constant 0 : i32
    %dma_wait3A_443 = tpu.memref_slice %arg17[%add3A_439, %dma_wait3A_442] : memref<10240x32xf32, #tpu.memory_space<vmem_shared>> -> memref<128x32xf32, #tpu.memory_space<vmem_shared>>
    tpu.wait_dma2 semaphore(%arg18 : memref<!tpu.dma_semaphore, #tpu.memory_space<semaphore_mem>>) src(%arg7 : memref<128x32xf32, #tpu.memory_space<vmem>>) dst(%dma_wait3A_443 : memref<128x32xf32, #tpu.memory_space<vmem_shared>>)
    %mul3A_444 = arith.constant 640 : i32
    %mul3A_445 = arith.muli %arg1, %mul3A_444 : i32
    %add3A_446 = arith.constant 128 : i32
    %add3A_447 = arith.addi %mul3A_445, %add3A_446 : i32
    %dma_wait3A_448 = arith.constant 0 : i32
    %dma_wait3A_449 = tpu.memref_slice %arg17[%add3A_447, %dma_wait3A_448] : memref<10240x32xf32, #tpu.memory_space<vmem_shared>> -> memref<128x32xf32, #tpu.memory_space<vmem_shared>>
    %dma_wait3A_450 = arith.constant 0 : i32
    %dma_wait3A_451 = tpu.memref_slice %arg17[%add3A_447, %dma_wait3A_450] : memref<10240x32xf32, #tpu.memory_space<vmem_shared>> -> memref<128x32xf32, #tpu.memory_space<vmem_shared>>
    tpu.wait_dma2 semaphore(%arg19 : memref<!tpu.dma_semaphore, #tpu.memory_space<semaphore_mem>>) src(%arg7 : memref<128x32xf32, #tpu.memory_space<vmem>>) dst(%dma_wait3A_451 : memref<128x32xf32, #tpu.memory_space<vmem_shared>>)
    %mul3A_452 = arith.constant 640 : i32
    %mul3A_453 = arith.muli %arg1, %mul3A_452 : i32
    %add3A_454 = arith.constant 256 : i32
    %add3A_455 = arith.addi %mul3A_453, %add3A_454 : i32
    %dma_wait3A_456 = arith.constant 0 : i32
    %dma_wait3A_457 = tpu.memref_slice %arg17[%add3A_455, %dma_wait3A_456] : memref<10240x32xf32, #tpu.memory_space<vmem_shared>> -> memref<128x32xf32, #tpu.memory_space<vmem_shared>>
    %dma_wait3A_458 = arith.constant 0 : i32
    %dma_wait3A_459 = tpu.memref_slice %arg17[%add3A_455, %dma_wait3A_458] : memref<10240x32xf32, #tpu.memory_space<vmem_shared>> -> memref<128x32xf32, #tpu.memory_space<vmem_shared>>
    tpu.wait_dma2 semaphore(%arg20 : memref<!tpu.dma_semaphore, #tpu.memory_space<semaphore_mem>>) src(%arg7 : memref<128x32xf32, #tpu.memory_space<vmem>>) dst(%dma_wait3A_459 : memref<128x32xf32, #tpu.memory_space<vmem_shared>>)
    %mul3A_460 = arith.constant 640 : i32
    %mul3A_461 = arith.muli %arg1, %mul3A_460 : i32
    %add3A_462 = arith.constant 384 : i32
    %add3A_463 = arith.addi %mul3A_461, %add3A_462 : i32
    %dma_wait3A_464 = arith.constant 0 : i32
    %dma_wait3A_465 = tpu.memref_slice %arg17[%add3A_463, %dma_wait3A_464] : memref<10240x32xf32, #tpu.memory_space<vmem_shared>> -> memref<128x32xf32, #tpu.memory_space<vmem_shared>>
    %dma_wait3A_466 = arith.constant 0 : i32
    %dma_wait3A_467 = tpu.memref_slice %arg17[%add3A_463, %dma_wait3A_466] : memref<10240x32xf32, #tpu.memory_space<vmem_shared>> -> memref<128x32xf32, #tpu.memory_space<vmem_shared>>
    tpu.wait_dma2 semaphore(%arg21 : memref<!tpu.dma_semaphore, #tpu.memory_space<semaphore_mem>>) src(%arg7 : memref<128x32xf32, #tpu.memory_space<vmem>>) dst(%dma_wait3A_467 : memref<128x32xf32, #tpu.memory_space<vmem_shared>>)
    %mul3A_468 = arith.constant 640 : i32
    %mul3A_469 = arith.muli %arg1, %mul3A_468 : i32
    %add3A_470 = arith.constant 512 : i32
    %add3A_471 = arith.addi %mul3A_469, %add3A_470 : i32
    %dma_wait3A_472 = arith.constant 0 : i32
    %dma_wait3A_473 = tpu.memref_slice %arg17[%add3A_471, %dma_wait3A_472] : memref<10240x32xf32, #tpu.memory_space<vmem_shared>> -> memref<128x32xf32, #tpu.memory_space<vmem_shared>>
    %dma_wait3A_474 = arith.constant 0 : i32
    %dma_wait3A_475 = tpu.memref_slice %arg17[%add3A_471, %dma_wait3A_474] : memref<10240x32xf32, #tpu.memory_space<vmem_shared>> -> memref<128x32xf32, #tpu.memory_space<vmem_shared>>
    tpu.wait_dma2 semaphore(%arg22 : memref<!tpu.dma_semaphore, #tpu.memory_space<semaphore_mem>>) src(%arg7 : memref<128x32xf32, #tpu.memory_space<vmem>>) dst(%dma_wait3A_475 : memref<128x32xf32, #tpu.memory_space<vmem_shared>>)
    %barrier3A_476 = arith.constant 0 : index
    tpu.barrier barrier_id(%barrier3A_476)
    %dma_start3A_477 = arith.constant 0 : i32
    %dma_start3A_478 = arith.constant 0 : i32
    %dma_start3A_479 = tpu.memref_slice %arg5[%dma_start3A_477, %dma_start3A_478] : memref<160x125xi32, #tpu.memory_space<vmem>> -> memref<1x125xi32, #tpu.memory_space<vmem>>
    %dma_start3A_480 = tpu.memref_squeeze %dma_start3A_479 : memref<1x125xi32, #tpu.memory_space<vmem>> -> memref<125xi32, #tpu.memory_space<vmem>>
    %dma_start3A_481 = arith.constant 0 : i32
    %dma_start3A_482 = arith.constant 0 : i32
    %dma_start3A_483 = tpu.memref_slice %arg16[%dma_start3A_481, %dma_start3A_482] : memref<10240x32xf32, #tpu.memory_space<vmem_shared>> -> memref<10240x32xf32, #tpu.memory_space<vmem_shared>>
    tpu.enqueue_indirect_dma source(%dma_start3A_483 : memref<10240x32xf32, #tpu.memory_space<vmem_shared>>) target(%arg8 : memref<125x32xf32, #tpu.memory_space<vmem>>) offsets(%dma_start3A_480 : memref<125xi32, #tpu.memory_space<vmem>>) semaphore(%arg18 : memref<!tpu.dma_semaphore, #tpu.memory_space<semaphore_mem>>)
    %dma_start3A_484 = arith.constant 1 : i32
    %dma_start3A_485 = arith.constant 0 : i32
    %dma_start3A_486 = tpu.memref_slice %arg5[%dma_start3A_484, %dma_start3A_485] : memref<160x125xi32, #tpu.memory_space<vmem>> -> memref<1x125xi32, #tpu.memory_space<vmem>>
    %dma_start3A_487 = tpu.memref_squeeze %dma_start3A_486 : memref<1x125xi32, #tpu.memory_space<vmem>> -> memref<125xi32, #tpu.memory_space<vmem>>
    %dma_start3A_488 = arith.constant 0 : i32
    %dma_start3A_489 = arith.constant 0 : i32
    %dma_start3A_490 = tpu.memref_slice %arg16[%dma_start3A_488, %dma_start3A_489] : memref<10240x32xf32, #tpu.memory_space<vmem_shared>> -> memref<10240x32xf32, #tpu.memory_space<vmem_shared>>
    tpu.enqueue_indirect_dma source(%dma_start3A_490 : memref<10240x32xf32, #tpu.memory_space<vmem_shared>>) target(%arg9 : memref<125x32xf32, #tpu.memory_space<vmem>>) offsets(%dma_start3A_487 : memref<125xi32, #tpu.memory_space<vmem>>) semaphore(%arg19 : memref<!tpu.dma_semaphore, #tpu.memory_space<semaphore_mem>>)
    %dma_start3A_491 = arith.constant 2 : i32
    %dma_start3A_492 = arith.constant 0 : i32
    %dma_start3A_493 = tpu.memref_slice %arg5[%dma_start3A_491, %dma_start3A_492] : memref<160x125xi32, #tpu.memory_space<vmem>> -> memref<1x125xi32, #tpu.memory_space<vmem>>
    %dma_start3A_494 = tpu.memref_squeeze %dma_start3A_493 : memref<1x125xi32, #tpu.memory_space<vmem>> -> memref<125xi32, #tpu.memory_space<vmem>>
    %dma_start3A_495 = arith.constant 0 : i32
    %dma_start3A_496 = arith.constant 0 : i32
    %dma_start3A_497 = tpu.memref_slice %arg16[%dma_start3A_495, %dma_start3A_496] : memref<10240x32xf32, #tpu.memory_space<vmem_shared>> -> memref<10240x32xf32, #tpu.memory_space<vmem_shared>>
    tpu.enqueue_indirect_dma source(%dma_start3A_497 : memref<10240x32xf32, #tpu.memory_space<vmem_shared>>) target(%arg10 : memref<125x32xf32, #tpu.memory_space<vmem>>) offsets(%dma_start3A_494 : memref<125xi32, #tpu.memory_space<vmem>>) semaphore(%arg20 : memref<!tpu.dma_semaphore, #tpu.memory_space<semaphore_mem>>)
    %dma_start3A_498 = arith.constant 3 : i32
    %dma_start3A_499 = arith.constant 0 : i32
    %dma_start3A_500 = tpu.memref_slice %arg5[%dma_start3A_498, %dma_start3A_499] : memref<160x125xi32, #tpu.memory_space<vmem>> -> memref<1x125xi32, #tpu.memory_space<vmem>>
    %dma_start3A_501 = tpu.memref_squeeze %dma_start3A_500 : memref<1x125xi32, #tpu.memory_space<vmem>> -> memref<125xi32, #tpu.memory_space<vmem>>
    %dma_start3A_502 = arith.constant 0 : i32
    %dma_start3A_503 = arith.constant 0 : i32
    %dma_start3A_504 = tpu.memref_slice %arg16[%dma_start3A_502, %dma_start3A_503] : memref<10240x32xf32, #tpu.memory_space<vmem_shared>> -> memref<10240x32xf32, #tpu.memory_space<vmem_shared>>
    tpu.enqueue_indirect_dma source(%dma_start3A_504 : memref<10240x32xf32, #tpu.memory_space<vmem_shared>>) target(%arg11 : memref<125x32xf32, #tpu.memory_space<vmem>>) offsets(%dma_start3A_501 : memref<125xi32, #tpu.memory_space<vmem>>) semaphore(%arg21 : memref<!tpu.dma_semaphore, #tpu.memory_space<semaphore_mem>>)
    %dma_start3A_505 = arith.constant 4 : i32
    %dma_start3A_506 = arith.constant 0 : i32
    %dma_start3A_507 = tpu.memref_slice %arg5[%dma_start3A_505, %dma_start3A_506] : memref<160x125xi32, #tpu.memory_space<vmem>> -> memref<1x125xi32, #tpu.memory_space<vmem>>
    %dma_start3A_508 = tpu.memref_squeeze %dma_start3A_507 : memref<1x125xi32, #tpu.memory_space<vmem>> -> memref<125xi32, #tpu.memory_space<vmem>>
    %dma_start3A_509 = arith.constant 0 : i32
    %dma_start3A_510 = arith.constant 0 : i32
    %dma_start3A_511 = tpu.memref_slice %arg16[%dma_start3A_509, %dma_start3A_510] : memref<10240x32xf32, #tpu.memory_space<vmem_shared>> -> memref<10240x32xf32, #tpu.memory_space<vmem_shared>>
    tpu.enqueue_indirect_dma source(%dma_start3A_511 : memref<10240x32xf32, #tpu.memory_space<vmem_shared>>) target(%arg12 : memref<125x32xf32, #tpu.memory_space<vmem>>) offsets(%dma_start3A_508 : memref<125xi32, #tpu.memory_space<vmem>>) semaphore(%arg22 : memref<!tpu.dma_semaphore, #tpu.memory_space<semaphore_mem>>)
    %dma_start3A_512 = arith.constant 5 : i32
    %dma_start3A_513 = arith.constant 0 : i32
    %dma_start3A_514 = tpu.memref_slice %arg5[%dma_start3A_512, %dma_start3A_513] : memref<160x125xi32, #tpu.memory_space<vmem>> -> memref<1x125xi32, #tpu.memory_space<vmem>>
    %dma_start3A_515 = tpu.memref_squeeze %dma_start3A_514 : memref<1x125xi32, #tpu.memory_space<vmem>> -> memref<125xi32, #tpu.memory_space<vmem>>
    %dma_start3A_516 = arith.constant 0 : i32
    %dma_start3A_517 = arith.constant 0 : i32
    %dma_start3A_518 = tpu.memref_slice %arg16[%dma_start3A_516, %dma_start3A_517] : memref<10240x32xf32, #tpu.memory_space<vmem_shared>> -> memref<10240x32xf32, #tpu.memory_space<vmem_shared>>
    tpu.enqueue_indirect_dma source(%dma_start3A_518 : memref<10240x32xf32, #tpu.memory_space<vmem_shared>>) target(%arg13 : memref<125x32xf32, #tpu.memory_space<vmem>>) offsets(%dma_start3A_515 : memref<125xi32, #tpu.memory_space<vmem>>) semaphore(%arg23 : memref<!tpu.dma_semaphore, #tpu.memory_space<semaphore_mem>>)
    %dma_start3A_519 = arith.constant 6 : i32
    %dma_start3A_520 = arith.constant 0 : i32
    %dma_start3A_521 = tpu.memref_slice %arg5[%dma_start3A_519, %dma_start3A_520] : memref<160x125xi32, #tpu.memory_space<vmem>> -> memref<1x125xi32, #tpu.memory_space<vmem>>
    %dma_start3A_522 = tpu.memref_squeeze %dma_start3A_521 : memref<1x125xi32, #tpu.memory_space<vmem>> -> memref<125xi32, #tpu.memory_space<vmem>>
    %dma_start3A_523 = arith.constant 0 : i32
    %dma_start3A_524 = arith.constant 0 : i32
    %dma_start3A_525 = tpu.memref_slice %arg16[%dma_start3A_523, %dma_start3A_524] : memref<10240x32xf32, #tpu.memory_space<vmem_shared>> -> memref<10240x32xf32, #tpu.memory_space<vmem_shared>>
    tpu.enqueue_indirect_dma source(%dma_start3A_525 : memref<10240x32xf32, #tpu.memory_space<vmem_shared>>) target(%arg14 : memref<125x32xf32, #tpu.memory_space<vmem>>) offsets(%dma_start3A_522 : memref<125xi32, #tpu.memory_space<vmem>>) semaphore(%arg24 : memref<!tpu.dma_semaphore, #tpu.memory_space<semaphore_mem>>)
    %dma_start3A_526 = arith.constant 7 : i32
    %dma_start3A_527 = arith.constant 0 : i32
    %dma_start3A_528 = tpu.memref_slice %arg5[%dma_start3A_526, %dma_start3A_527] : memref<160x125xi32, #tpu.memory_space<vmem>> -> memref<1x125xi32, #tpu.memory_space<vmem>>
    %dma_start3A_529 = tpu.memref_squeeze %dma_start3A_528 : memref<1x125xi32, #tpu.memory_space<vmem>> -> memref<125xi32, #tpu.memory_space<vmem>>
    %dma_start3A_530 = arith.constant 0 : i32
    %dma_start3A_531 = arith.constant 0 : i32
    %dma_start3A_532 = tpu.memref_slice %arg16[%dma_start3A_530, %dma_start3A_531] : memref<10240x32xf32, #tpu.memory_space<vmem_shared>> -> memref<10240x32xf32, #tpu.memory_space<vmem_shared>>
    tpu.enqueue_indirect_dma source(%dma_start3A_532 : memref<10240x32xf32, #tpu.memory_space<vmem_shared>>) target(%arg15 : memref<125x32xf32, #tpu.memory_space<vmem>>) offsets(%dma_start3A_529 : memref<125xi32, #tpu.memory_space<vmem>>) semaphore(%arg25 : memref<!tpu.dma_semaphore, #tpu.memory_space<semaphore_mem>>)
    %scan3A_533 = arith.constant 0 : i32
    %scan3A_534 = arith.constant 0 : i32
    %scan3A_535 = arith.constant 19 : i32
    %scan3A_536 = arith.addi %scan3A_534, %scan3A_535 : i32
    %scan3A_537 = arith.constant 1 : i32
    %scan3A_538 = scf.for %scan3A_715 = %scan3A_534 to %scan3A_536 step %scan3A_537 iter_args(%scan3A_716 = %scan3A_533) -> (i32)  : i32 {
      %mul3A_717 = arith.constant 8 : i32
      %mul3A_718 = arith.muli %mul3A_717, %scan3A_715 : i32
      %add3A_719 = arith.constant 0 : i32
      %add3A_720 = arith.addi %mul3A_718, %add3A_719 : i32
      %add3A_721 = arith.constant 0 : i32
      %add3A_722 = arith.addi %add3A_720, %add3A_721 : i32
      %dma_wait3A_723 = arith.constant 0 : i32
      %dma_wait3A_724 = tpu.memref_slice %arg5[%add3A_722, %dma_wait3A_723] : memref<160x125xi32, #tpu.memory_space<vmem>> -> memref<1x125xi32, #tpu.memory_space<vmem>>
      %dma_wait3A_725 = tpu.memref_squeeze %dma_wait3A_724 : memref<1x125xi32, #tpu.memory_space<vmem>> -> memref<125xi32, #tpu.memory_space<vmem>>
      %dma_wait3A_726 = arith.constant 0 : i32
      %dma_wait3A_727 = arith.constant 0 : i32
      %dma_wait3A_728 = tpu.memref_slice %arg16[%dma_wait3A_726, %dma_wait3A_727] : memref<10240x32xf32, #tpu.memory_space<vmem_shared>> -> memref<10240x32xf32, #tpu.memory_space<vmem_shared>>
      tpu.wait_indirect_dma semaphore(%arg18 : memref<!tpu.dma_semaphore, #tpu.memory_space<semaphore_mem>>) src(%dma_wait3A_728 : memref<10240x32xf32, #tpu.memory_space<vmem_shared>>) dst(%arg8 : memref<125x32xf32, #tpu.memory_space<vmem>>)
      %add3A_729 = arith.constant 1 : i32
      %add3A_730 = arith.addi %add3A_720, %add3A_729 : i32
      %dma_wait3A_731 = arith.constant 0 : i32
      %dma_wait3A_732 = tpu.memref_slice %arg5[%add3A_730, %dma_wait3A_731] : memref<160x125xi32, #tpu.memory_space<vmem>> -> memref<1x125xi32, #tpu.memory_space<vmem>>
      %dma_wait3A_733 = tpu.memref_squeeze %dma_wait3A_732 : memref<1x125xi32, #tpu.memory_space<vmem>> -> memref<125xi32, #tpu.memory_space<vmem>>
      %dma_wait3A_734 = arith.constant 0 : i32
      %dma_wait3A_735 = arith.constant 0 : i32
      %dma_wait3A_736 = tpu.memref_slice %arg16[%dma_wait3A_734, %dma_wait3A_735] : memref<10240x32xf32, #tpu.memory_space<vmem_shared>> -> memref<10240x32xf32, #tpu.memory_space<vmem_shared>>
      tpu.wait_indirect_dma semaphore(%arg19 : memref<!tpu.dma_semaphore, #tpu.memory_space<semaphore_mem>>) src(%dma_wait3A_736 : memref<10240x32xf32, #tpu.memory_space<vmem_shared>>) dst(%arg9 : memref<125x32xf32, #tpu.memory_space<vmem>>)
      %add3A_737 = arith.constant 2 : i32
      %add3A_738 = arith.addi %add3A_720, %add3A_737 : i32
      %dma_wait3A_739 = arith.constant 0 : i32
      %dma_wait3A_740 = tpu.memref_slice %arg5[%add3A_738, %dma_wait3A_739] : memref<160x125xi32, #tpu.memory_space<vmem>> -> memref<1x125xi32, #tpu.memory_space<vmem>>
      %dma_wait3A_741 = tpu.memref_squeeze %dma_wait3A_740 : memref<1x125xi32, #tpu.memory_space<vmem>> -> memref<125xi32, #tpu.memory_space<vmem>>
      %dma_wait3A_742 = arith.constant 0 : i32
      %dma_wait3A_743 = arith.constant 0 : i32
      %dma_wait3A_744 = tpu.memref_slice %arg16[%dma_wait3A_742, %dma_wait3A_743] : memref<10240x32xf32, #tpu.memory_space<vmem_shared>> -> memref<10240x32xf32, #tpu.memory_space<vmem_shared>>
      tpu.wait_indirect_dma semaphore(%arg20 : memref<!tpu.dma_semaphore, #tpu.memory_space<semaphore_mem>>) src(%dma_wait3A_744 : memref<10240x32xf32, #tpu.memory_space<vmem_shared>>) dst(%arg10 : memref<125x32xf32, #tpu.memory_space<vmem>>)
      %add3A_745 = arith.constant 3 : i32
      %add3A_746 = arith.addi %add3A_720, %add3A_745 : i32
      %dma_wait3A_747 = arith.constant 0 : i32
      %dma_wait3A_748 = tpu.memref_slice %arg5[%add3A_746, %dma_wait3A_747] : memref<160x125xi32, #tpu.memory_space<vmem>> -> memref<1x125xi32, #tpu.memory_space<vmem>>
      %dma_wait3A_749 = tpu.memref_squeeze %dma_wait3A_748 : memref<1x125xi32, #tpu.memory_space<vmem>> -> memref<125xi32, #tpu.memory_space<vmem>>
      %dma_wait3A_750 = arith.constant 0 : i32
      %dma_wait3A_751 = arith.constant 0 : i32
      %dma_wait3A_752 = tpu.memref_slice %arg16[%dma_wait3A_750, %dma_wait3A_751] : memref<10240x32xf32, #tpu.memory_space<vmem_shared>> -> memref<10240x32xf32, #tpu.memory_space<vmem_shared>>
      tpu.wait_indirect_dma semaphore(%arg21 : memref<!tpu.dma_semaphore, #tpu.memory_space<semaphore_mem>>) src(%dma_wait3A_752 : memref<10240x32xf32, #tpu.memory_space<vmem_shared>>) dst(%arg11 : memref<125x32xf32, #tpu.memory_space<vmem>>)
      %add3A_753 = arith.constant 0 : i32
      %add3A_754 = arith.addi %add3A_720, %add3A_753 : i32
      %dma_start3A_755 = arith.constant 0 : i32
      %dma_start3A_756 = tpu.memref_slice %arg6[%add3A_754, %dma_start3A_755] : memref<160x125xi32, #tpu.memory_space<vmem>> -> memref<1x125xi32, #tpu.memory_space<vmem>>
      %dma_start3A_757 = tpu.memref_squeeze %dma_start3A_756 : memref<1x125xi32, #tpu.memory_space<vmem>> -> memref<125xi32, #tpu.memory_space<vmem>>
      %dma_start3A_758 = arith.constant 0 : i32
      %dma_start3A_759 = arith.constant 0 : i32
      %dma_start3A_760 = tpu.memref_slice %arg17[%dma_start3A_758, %dma_start3A_759] : memref<10240x32xf32, #tpu.memory_space<vmem_shared>> -> memref<10240x32xf32, #tpu.memory_space<vmem_shared>>
      tpu.enqueue_indirect_dma source(%arg8 : memref<125x32xf32, #tpu.memory_space<vmem>>) target(%dma_start3A_760 : memref<10240x32xf32, #tpu.memory_space<vmem_shared>>) offsets(%dma_start3A_757 : memref<125xi32, #tpu.memory_space<vmem>>) semaphore(%arg26 : memref<!tpu.dma_semaphore, #tpu.memory_space<semaphore_mem>>) {add = true}
      %add3A_761 = arith.constant 1 : i32
      %add3A_762 = arith.addi %add3A_720, %add3A_761 : i32
      %dma_start3A_763 = arith.constant 0 : i32
      %dma_start3A_764 = tpu.memref_slice %arg6[%add3A_762, %dma_start3A_763] : memref<160x125xi32, #tpu.memory_space<vmem>> -> memref<1x125xi32, #tpu.memory_space<vmem>>
      %dma_start3A_765 = tpu.memref_squeeze %dma_start3A_764 : memref<1x125xi32, #tpu.memory_space<vmem>> -> memref<125xi32, #tpu.memory_space<vmem>>
      %dma_start3A_766 = arith.constant 0 : i32
      %dma_start3A_767 = arith.constant 0 : i32
      %dma_start3A_768 = tpu.memref_slice %arg17[%dma_start3A_766, %dma_start3A_767] : memref<10240x32xf32, #tpu.memory_space<vmem_shared>> -> memref<10240x32xf32, #tpu.memory_space<vmem_shared>>
      tpu.enqueue_indirect_dma source(%arg9 : memref<125x32xf32, #tpu.memory_space<vmem>>) target(%dma_start3A_768 : memref<10240x32xf32, #tpu.memory_space<vmem_shared>>) offsets(%dma_start3A_765 : memref<125xi32, #tpu.memory_space<vmem>>) semaphore(%arg27 : memref<!tpu.dma_semaphore, #tpu.memory_space<semaphore_mem>>) {add = true}
      %add3A_769 = arith.constant 2 : i32
      %add3A_770 = arith.addi %add3A_720, %add3A_769 : i32
      %dma_start3A_771 = arith.constant 0 : i32
      %dma_start3A_772 = tpu.memref_slice %arg6[%add3A_770, %dma_start3A_771] : memref<160x125xi32, #tpu.memory_space<vmem>> -> memref<1x125xi32, #tpu.memory_space<vmem>>
      %dma_start3A_773 = tpu.memref_squeeze %dma_start3A_772 : memref<1x125xi32, #tpu.memory_space<vmem>> -> memref<125xi32, #tpu.memory_space<vmem>>
      %dma_start3A_774 = arith.constant 0 : i32
      %dma_start3A_775 = arith.constant 0 : i32
      %dma_start3A_776 = tpu.memref_slice %arg17[%dma_start3A_774, %dma_start3A_775] : memref<10240x32xf32, #tpu.memory_space<vmem_shared>> -> memref<10240x32xf32, #tpu.memory_space<vmem_shared>>
      tpu.enqueue_indirect_dma source(%arg10 : memref<125x32xf32, #tpu.memory_space<vmem>>) target(%dma_start3A_776 : memref<10240x32xf32, #tpu.memory_space<vmem_shared>>) offsets(%dma_start3A_773 : memref<125xi32, #tpu.memory_space<vmem>>) semaphore(%arg28 : memref<!tpu.dma_semaphore, #tpu.memory_space<semaphore_mem>>) {add = true}
      %add3A_777 = arith.constant 3 : i32
      %add3A_778 = arith.addi %add3A_720, %add3A_777 : i32
      %dma_start3A_779 = arith.constant 0 : i32
      %dma_start3A_780 = tpu.memref_slice %arg6[%add3A_778, %dma_start3A_779] : memref<160x125xi32, #tpu.memory_space<vmem>> -> memref<1x125xi32, #tpu.memory_space<vmem>>
      %dma_start3A_781 = tpu.memref_squeeze %dma_start3A_780 : memref<1x125xi32, #tpu.memory_space<vmem>> -> memref<125xi32, #tpu.memory_space<vmem>>
      %dma_start3A_782 = arith.constant 0 : i32
      %dma_start3A_783 = arith.constant 0 : i32
      %dma_start3A_784 = tpu.memref_slice %arg17[%dma_start3A_782, %dma_start3A_783] : memref<10240x32xf32, #tpu.memory_space<vmem_shared>> -> memref<10240x32xf32, #tpu.memory_space<vmem_shared>>
      tpu.enqueue_indirect_dma source(%arg11 : memref<125x32xf32, #tpu.memory_space<vmem>>) target(%dma_start3A_784 : memref<10240x32xf32, #tpu.memory_space<vmem_shared>>) offsets(%dma_start3A_781 : memref<125xi32, #tpu.memory_space<vmem>>) semaphore(%arg29 : memref<!tpu.dma_semaphore, #tpu.memory_space<semaphore_mem>>) {add = true}
      %add3A_785 = arith.constant 0 : i32
      %add3A_786 = arith.addi %add3A_720, %add3A_785 : i32
      %dma_wait3A_787 = arith.constant 0 : i32
      %dma_wait3A_788 = tpu.memref_slice %arg6[%add3A_786, %dma_wait3A_787] : memref<160x125xi32, #tpu.memory_space<vmem>> -> memref<1x125xi32, #tpu.memory_space<vmem>>
      %dma_wait3A_789 = tpu.memref_squeeze %dma_wait3A_788 : memref<1x125xi32, #tpu.memory_space<vmem>> -> memref<125xi32, #tpu.memory_space<vmem>>
      %dma_wait3A_790 = arith.constant 0 : i32
      %dma_wait3A_791 = arith.constant 0 : i32
      %dma_wait3A_792 = tpu.memref_slice %arg17[%dma_wait3A_790, %dma_wait3A_791] : memref<10240x32xf32, #tpu.memory_space<vmem_shared>> -> memref<10240x32xf32, #tpu.memory_space<vmem_shared>>
      tpu.wait_indirect_dma semaphore(%arg26 : memref<!tpu.dma_semaphore, #tpu.memory_space<semaphore_mem>>) src(%arg8 : memref<125x32xf32, #tpu.memory_space<vmem>>) dst(%dma_wait3A_792 : memref<10240x32xf32, #tpu.memory_space<vmem_shared>>)
      %add3A_793 = arith.constant 1 : i32
      %add3A_794 = arith.addi %add3A_720, %add3A_793 : i32
      %dma_wait3A_795 = arith.constant 0 : i32
      %dma_wait3A_796 = tpu.memref_slice %arg6[%add3A_794, %dma_wait3A_795] : memref<160x125xi32, #tpu.memory_space<vmem>> -> memref<1x125xi32, #tpu.memory_space<vmem>>
      %dma_wait3A_797 = tpu.memref_squeeze %dma_wait3A_796 : memref<1x125xi32, #tpu.memory_space<vmem>> -> memref<125xi32, #tpu.memory_space<vmem>>
      %dma_wait3A_798 = arith.constant 0 : i32
      %dma_wait3A_799 = arith.constant 0 : i32
      %dma_wait3A_800 = tpu.memref_slice %arg17[%dma_wait3A_798, %dma_wait3A_799] : memref<10240x32xf32, #tpu.memory_space<vmem_shared>> -> memref<10240x32xf32, #tpu.memory_space<vmem_shared>>
      tpu.wait_indirect_dma semaphore(%arg27 : memref<!tpu.dma_semaphore, #tpu.memory_space<semaphore_mem>>) src(%arg9 : memref<125x32xf32, #tpu.memory_space<vmem>>) dst(%dma_wait3A_800 : memref<10240x32xf32, #tpu.memory_space<vmem_shared>>)
      %add3A_801 = arith.constant 2 : i32
      %add3A_802 = arith.addi %add3A_720, %add3A_801 : i32
      %dma_wait3A_803 = arith.constant 0 : i32
      %dma_wait3A_804 = tpu.memref_slice %arg6[%add3A_802, %dma_wait3A_803] : memref<160x125xi32, #tpu.memory_space<vmem>> -> memref<1x125xi32, #tpu.memory_space<vmem>>
      %dma_wait3A_805 = tpu.memref_squeeze %dma_wait3A_804 : memref<1x125xi32, #tpu.memory_space<vmem>> -> memref<125xi32, #tpu.memory_space<vmem>>
      %dma_wait3A_806 = arith.constant 0 : i32
      %dma_wait3A_807 = arith.constant 0 : i32
      %dma_wait3A_808 = tpu.memref_slice %arg17[%dma_wait3A_806, %dma_wait3A_807] : memref<10240x32xf32, #tpu.memory_space<vmem_shared>> -> memref<10240x32xf32, #tpu.memory_space<vmem_shared>>
      tpu.wait_indirect_dma semaphore(%arg28 : memref<!tpu.dma_semaphore, #tpu.memory_space<semaphore_mem>>) src(%arg10 : memref<125x32xf32, #tpu.memory_space<vmem>>) dst(%dma_wait3A_808 : memref<10240x32xf32, #tpu.memory_space<vmem_shared>>)
      %add3A_809 = arith.constant 3 : i32
      %add3A_810 = arith.addi %add3A_720, %add3A_809 : i32
      %dma_wait3A_811 = arith.constant 0 : i32
      %dma_wait3A_812 = tpu.memref_slice %arg6[%add3A_810, %dma_wait3A_811] : memref<160x125xi32, #tpu.memory_space<vmem>> -> memref<1x125xi32, #tpu.memory_space<vmem>>
      %dma_wait3A_813 = tpu.memref_squeeze %dma_wait3A_812 : memref<1x125xi32, #tpu.memory_space<vmem>> -> memref<125xi32, #tpu.memory_space<vmem>>
      %dma_wait3A_814 = arith.constant 0 : i32
      %dma_wait3A_815 = arith.constant 0 : i32
      %dma_wait3A_816 = tpu.memref_slice %arg17[%dma_wait3A_814, %dma_wait3A_815] : memref<10240x32xf32, #tpu.memory_space<vmem_shared>> -> memref<10240x32xf32, #tpu.memory_space<vmem_shared>>
      tpu.wait_indirect_dma semaphore(%arg29 : memref<!tpu.dma_semaphore, #tpu.memory_space<semaphore_mem>>) src(%arg11 : memref<125x32xf32, #tpu.memory_space<vmem>>) dst(%dma_wait3A_816 : memref<10240x32xf32, #tpu.memory_space<vmem_shared>>)
      %add3A_817 = arith.constant 8 : i32
      %add3A_818 = arith.addi %add3A_720, %add3A_817 : i32
      %add3A_819 = arith.constant 0 : i32
      %add3A_820 = arith.addi %add3A_818, %add3A_819 : i32
      %dma_start3A_821 = arith.constant 0 : i32
      %dma_start3A_822 = tpu.memref_slice %arg5[%add3A_820, %dma_start3A_821] : memref<160x125xi32, #tpu.memory_space<vmem>> -> memref<1x125xi32, #tpu.memory_space<vmem>>
      %dma_start3A_823 = tpu.memref_squeeze %dma_start3A_822 : memref<1x125xi32, #tpu.memory_space<vmem>> -> memref<125xi32, #tpu.memory_space<vmem>>
      %dma_start3A_824 = arith.constant 0 : i32
      %dma_start3A_825 = arith.constant 0 : i32
      %dma_start3A_826 = tpu.memref_slice %arg16[%dma_start3A_824, %dma_start3A_825] : memref<10240x32xf32, #tpu.memory_space<vmem_shared>> -> memref<10240x32xf32, #tpu.memory_space<vmem_shared>>
      tpu.enqueue_indirect_dma source(%dma_start3A_826 : memref<10240x32xf32, #tpu.memory_space<vmem_shared>>) target(%arg8 : memref<125x32xf32, #tpu.memory_space<vmem>>) offsets(%dma_start3A_823 : memref<125xi32, #tpu.memory_space<vmem>>) semaphore(%arg18 : memref<!tpu.dma_semaphore, #tpu.memory_space<semaphore_mem>>)
      %add3A_827 = arith.constant 8 : i32
      %add3A_828 = arith.addi %add3A_720, %add3A_827 : i32
      %add3A_829 = arith.constant 1 : i32
      %add3A_830 = arith.addi %add3A_828, %add3A_829 : i32
      %dma_start3A_831 = arith.constant 0 : i32
      %dma_start3A_832 = tpu.memref_slice %arg5[%add3A_830, %dma_start3A_831] : memref<160x125xi32, #tpu.memory_space<vmem>> -> memref<1x125xi32, #tpu.memory_space<vmem>>
      %dma_start3A_833 = tpu.memref_squeeze %dma_start3A_832 : memref<1x125xi32, #tpu.memory_space<vmem>> -> memref<125xi32, #tpu.memory_space<vmem>>
      %dma_start3A_834 = arith.constant 0 : i32
      %dma_start3A_835 = arith.constant 0 : i32
      %dma_start3A_836 = tpu.memref_slice %arg16[%dma_start3A_834, %dma_start3A_835] : memref<10240x32xf32, #tpu.memory_space<vmem_shared>> -> memref<10240x32xf32, #tpu.memory_space<vmem_shared>>
      tpu.enqueue_indirect_dma source(%dma_start3A_836 : memref<10240x32xf32, #tpu.memory_space<vmem_shared>>) target(%arg9 : memref<125x32xf32, #tpu.memory_space<vmem>>) offsets(%dma_start3A_833 : memref<125xi32, #tpu.memory_space<vmem>>) semaphore(%arg19 : memref<!tpu.dma_semaphore, #tpu.memory_space<semaphore_mem>>)
      %add3A_837 = arith.constant 8 : i32
      %add3A_838 = arith.addi %add3A_720, %add3A_837 : i32
      %add3A_839 = arith.constant 2 : i32
      %add3A_840 = arith.addi %add3A_838, %add3A_839 : i32
      %dma_start3A_841 = arith.constant 0 : i32
      %dma_start3A_842 = tpu.memref_slice %arg5[%add3A_840, %dma_start3A_841] : memref<160x125xi32, #tpu.memory_space<vmem>> -> memref<1x125xi32, #tpu.memory_space<vmem>>
      %dma_start3A_843 = tpu.memref_squeeze %dma_start3A_842 : memref<1x125xi32, #tpu.memory_space<vmem>> -> memref<125xi32, #tpu.memory_space<vmem>>
      %dma_start3A_844 = arith.constant 0 : i32
      %dma_start3A_845 = arith.constant 0 : i32
      %dma_start3A_846 = tpu.memref_slice %arg16[%dma_start3A_844, %dma_start3A_845] : memref<10240x32xf32, #tpu.memory_space<vmem_shared>> -> memref<10240x32xf32, #tpu.memory_space<vmem_shared>>
      tpu.enqueue_indirect_dma source(%dma_start3A_846 : memref<10240x32xf32, #tpu.memory_space<vmem_shared>>) target(%arg10 : memref<125x32xf32, #tpu.memory_space<vmem>>) offsets(%dma_start3A_843 : memref<125xi32, #tpu.memory_space<vmem>>) semaphore(%arg20 : memref<!tpu.dma_semaphore, #tpu.memory_space<semaphore_mem>>)
      %add3A_847 = arith.constant 8 : i32
      %add3A_848 = arith.addi %add3A_720, %add3A_847 : i32
      %add3A_849 = arith.constant 3 : i32
      %add3A_850 = arith.addi %add3A_848, %add3A_849 : i32
      %dma_start3A_851 = arith.constant 0 : i32
      %dma_start3A_852 = tpu.memref_slice %arg5[%add3A_850, %dma_start3A_851] : memref<160x125xi32, #tpu.memory_space<vmem>> -> memref<1x125xi32, #tpu.memory_space<vmem>>
      %dma_start3A_853 = tpu.memref_squeeze %dma_start3A_852 : memref<1x125xi32, #tpu.memory_space<vmem>> -> memref<125xi32, #tpu.memory_space<vmem>>
      %dma_start3A_854 = arith.constant 0 : i32
      %dma_start3A_855 = arith.constant 0 : i32
      %dma_start3A_856 = tpu.memref_slice %arg16[%dma_start3A_854, %dma_start3A_855] : memref<10240x32xf32, #tpu.memory_space<vmem_shared>> -> memref<10240x32xf32, #tpu.memory_space<vmem_shared>>
      tpu.enqueue_indirect_dma source(%dma_start3A_856 : memref<10240x32xf32, #tpu.memory_space<vmem_shared>>) target(%arg11 : memref<125x32xf32, #tpu.memory_space<vmem>>) offsets(%dma_start3A_853 : memref<125xi32, #tpu.memory_space<vmem>>) semaphore(%arg21 : memref<!tpu.dma_semaphore, #tpu.memory_space<semaphore_mem>>)
      %mul3A_857 = arith.constant 8 : i32
      %mul3A_858 = arith.muli %mul3A_857, %scan3A_715 : i32
      %add3A_859 = arith.constant 4 : i32
      %add3A_860 = arith.addi %mul3A_858, %add3A_859 : i32
      %add3A_861 = arith.constant 0 : i32
      %add3A_862 = arith.addi %add3A_860, %add3A_861 : i32
      %dma_wait3A_863 = arith.constant 0 : i32
      %dma_wait3A_864 = tpu.memref_slice %arg5[%add3A_862, %dma_wait3A_863] : memref<160x125xi32, #tpu.memory_space<vmem>> -> memref<1x125xi32, #tpu.memory_space<vmem>>
      %dma_wait3A_865 = tpu.memref_squeeze %dma_wait3A_864 : memref<1x125xi32, #tpu.memory_space<vmem>> -> memref<125xi32, #tpu.memory_space<vmem>>
      %dma_wait3A_866 = arith.constant 0 : i32
      %dma_wait3A_867 = arith.constant 0 : i32
      %dma_wait3A_868 = tpu.memref_slice %arg16[%dma_wait3A_866, %dma_wait3A_867] : memref<10240x32xf32, #tpu.memory_space<vmem_shared>> -> memref<10240x32xf32, #tpu.memory_space<vmem_shared>>
      tpu.wait_indirect_dma semaphore(%arg22 : memref<!tpu.dma_semaphore, #tpu.memory_space<semaphore_mem>>) src(%dma_wait3A_868 : memref<10240x32xf32, #tpu.memory_space<vmem_shared>>) dst(%arg12 : memref<125x32xf32, #tpu.memory_space<vmem>>)
      %add3A_869 = arith.constant 1 : i32
      %add3A_870 = arith.addi %add3A_860, %add3A_869 : i32
      %dma_wait3A_871 = arith.constant 0 : i32
      %dma_wait3A_872 = tpu.memref_slice %arg5[%add3A_870, %dma_wait3A_871] : memref<160x125xi32, #tpu.memory_space<vmem>> -> memref<1x125xi32, #tpu.memory_space<vmem>>
      %dma_wait3A_873 = tpu.memref_squeeze %dma_wait3A_872 : memref<1x125xi32, #tpu.memory_space<vmem>> -> memref<125xi32, #tpu.memory_space<vmem>>
      %dma_wait3A_874 = arith.constant 0 : i32
      %dma_wait3A_875 = arith.constant 0 : i32
      %dma_wait3A_876 = tpu.memref_slice %arg16[%dma_wait3A_874, %dma_wait3A_875] : memref<10240x32xf32, #tpu.memory_space<vmem_shared>> -> memref<10240x32xf32, #tpu.memory_space<vmem_shared>>
      tpu.wait_indirect_dma semaphore(%arg23 : memref<!tpu.dma_semaphore, #tpu.memory_space<semaphore_mem>>) src(%dma_wait3A_876 : memref<10240x32xf32, #tpu.memory_space<vmem_shared>>) dst(%arg13 : memref<125x32xf32, #tpu.memory_space<vmem>>)
      %add3A_877 = arith.constant 2 : i32
      %add3A_878 = arith.addi %add3A_860, %add3A_877 : i32
      %dma_wait3A_879 = arith.constant 0 : i32
      %dma_wait3A_880 = tpu.memref_slice %arg5[%add3A_878, %dma_wait3A_879] : memref<160x125xi32, #tpu.memory_space<vmem>> -> memref<1x125xi32, #tpu.memory_space<vmem>>
      %dma_wait3A_881 = tpu.memref_squeeze %dma_wait3A_880 : memref<1x125xi32, #tpu.memory_space<vmem>> -> memref<125xi32, #tpu.memory_space<vmem>>
      %dma_wait3A_882 = arith.constant 0 : i32
      %dma_wait3A_883 = arith.constant 0 : i32
      %dma_wait3A_884 = tpu.memref_slice %arg16[%dma_wait3A_882, %dma_wait3A_883] : memref<10240x32xf32, #tpu.memory_space<vmem_shared>> -> memref<10240x32xf32, #tpu.memory_space<vmem_shared>>
      tpu.wait_indirect_dma semaphore(%arg24 : memref<!tpu.dma_semaphore, #tpu.memory_space<semaphore_mem>>) src(%dma_wait3A_884 : memref<10240x32xf32, #tpu.memory_space<vmem_shared>>) dst(%arg14 : memref<125x32xf32, #tpu.memory_space<vmem>>)
      %add3A_885 = arith.constant 3 : i32
      %add3A_886 = arith.addi %add3A_860, %add3A_885 : i32
      %dma_wait3A_887 = arith.constant 0 : i32
      %dma_wait3A_888 = tpu.memref_slice %arg5[%add3A_886, %dma_wait3A_887] : memref<160x125xi32, #tpu.memory_space<vmem>> -> memref<1x125xi32, #tpu.memory_space<vmem>>
      %dma_wait3A_889 = tpu.memref_squeeze %dma_wait3A_888 : memref<1x125xi32, #tpu.memory_space<vmem>> -> memref<125xi32, #tpu.memory_space<vmem>>
      %dma_wait3A_890 = arith.constant 0 : i32
      %dma_wait3A_891 = arith.constant 0 : i32
      %dma_wait3A_892 = tpu.memref_slice %arg16[%dma_wait3A_890, %dma_wait3A_891] : memref<10240x32xf32, #tpu.memory_space<vmem_shared>> -> memref<10240x32xf32, #tpu.memory_space<vmem_shared>>
      tpu.wait_indirect_dma semaphore(%arg25 : memref<!tpu.dma_semaphore, #tpu.memory_space<semaphore_mem>>) src(%dma_wait3A_892 : memref<10240x32xf32, #tpu.memory_space<vmem_shared>>) dst(%arg15 : memref<125x32xf32, #tpu.memory_space<vmem>>)
      %add3A_893 = arith.constant 0 : i32
      %add3A_894 = arith.addi %add3A_860, %add3A_893 : i32
      %dma_start3A_895 = arith.constant 0 : i32
      %dma_start3A_896 = tpu.memref_slice %arg6[%add3A_894, %dma_start3A_895] : memref<160x125xi32, #tpu.memory_space<vmem>> -> memref<1x125xi32, #tpu.memory_space<vmem>>
      %dma_start3A_897 = tpu.memref_squeeze %dma_start3A_896 : memref<1x125xi32, #tpu.memory_space<vmem>> -> memref<125xi32, #tpu.memory_space<vmem>>
      %dma_start3A_898 = arith.constant 0 : i32
      %dma_start3A_899 = arith.constant 0 : i32
      %dma_start3A_900 = tpu.memref_slice %arg17[%dma_start3A_898, %dma_start3A_899] : memref<10240x32xf32, #tpu.memory_space<vmem_shared>> -> memref<10240x32xf32, #tpu.memory_space<vmem_shared>>
      tpu.enqueue_indirect_dma source(%arg12 : memref<125x32xf32, #tpu.memory_space<vmem>>) target(%dma_start3A_900 : memref<10240x32xf32, #tpu.memory_space<vmem_shared>>) offsets(%dma_start3A_897 : memref<125xi32, #tpu.memory_space<vmem>>) semaphore(%arg30 : memref<!tpu.dma_semaphore, #tpu.memory_space<semaphore_mem>>) {add = true}
      %add3A_901 = arith.constant 1 : i32
      %add3A_902 = arith.addi %add3A_860, %add3A_901 : i32
      %dma_start3A_903 = arith.constant 0 : i32
      %dma_start3A_904 = tpu.memref_slice %arg6[%add3A_902, %dma_start3A_903] : memref<160x125xi32, #tpu.memory_space<vmem>> -> memref<1x125xi32, #tpu.memory_space<vmem>>
      %dma_start3A_905 = tpu.memref_squeeze %dma_start3A_904 : memref<1x125xi32, #tpu.memory_space<vmem>> -> memref<125xi32, #tpu.memory_space<vmem>>
      %dma_start3A_906 = arith.constant 0 : i32
      %dma_start3A_907 = arith.constant 0 : i32
      %dma_start3A_908 = tpu.memref_slice %arg17[%dma_start3A_906, %dma_start3A_907] : memref<10240x32xf32, #tpu.memory_space<vmem_shared>> -> memref<10240x32xf32, #tpu.memory_space<vmem_shared>>
      tpu.enqueue_indirect_dma source(%arg13 : memref<125x32xf32, #tpu.memory_space<vmem>>) target(%dma_start3A_908 : memref<10240x32xf32, #tpu.memory_space<vmem_shared>>) offsets(%dma_start3A_905 : memref<125xi32, #tpu.memory_space<vmem>>) semaphore(%arg31 : memref<!tpu.dma_semaphore, #tpu.memory_space<semaphore_mem>>) {add = true}
      %add3A_909 = arith.constant 2 : i32
      %add3A_910 = arith.addi %add3A_860, %add3A_909 : i32
      %dma_start3A_911 = arith.constant 0 : i32
      %dma_start3A_912 = tpu.memref_slice %arg6[%add3A_910, %dma_start3A_911] : memref<160x125xi32, #tpu.memory_space<vmem>> -> memref<1x125xi32, #tpu.memory_space<vmem>>
      %dma_start3A_913 = tpu.memref_squeeze %dma_start3A_912 : memref<1x125xi32, #tpu.memory_space<vmem>> -> memref<125xi32, #tpu.memory_space<vmem>>
      %dma_start3A_914 = arith.constant 0 : i32
      %dma_start3A_915 = arith.constant 0 : i32
      %dma_start3A_916 = tpu.memref_slice %arg17[%dma_start3A_914, %dma_start3A_915] : memref<10240x32xf32, #tpu.memory_space<vmem_shared>> -> memref<10240x32xf32, #tpu.memory_space<vmem_shared>>
      tpu.enqueue_indirect_dma source(%arg14 : memref<125x32xf32, #tpu.memory_space<vmem>>) target(%dma_start3A_916 : memref<10240x32xf32, #tpu.memory_space<vmem_shared>>) offsets(%dma_start3A_913 : memref<125xi32, #tpu.memory_space<vmem>>) semaphore(%arg32 : memref<!tpu.dma_semaphore, #tpu.memory_space<semaphore_mem>>) {add = true}
      %add3A_917 = arith.constant 3 : i32
      %add3A_918 = arith.addi %add3A_860, %add3A_917 : i32
      %dma_start3A_919 = arith.constant 0 : i32
      %dma_start3A_920 = tpu.memref_slice %arg6[%add3A_918, %dma_start3A_919] : memref<160x125xi32, #tpu.memory_space<vmem>> -> memref<1x125xi32, #tpu.memory_space<vmem>>
      %dma_start3A_921 = tpu.memref_squeeze %dma_start3A_920 : memref<1x125xi32, #tpu.memory_space<vmem>> -> memref<125xi32, #tpu.memory_space<vmem>>
      %dma_start3A_922 = arith.constant 0 : i32
      %dma_start3A_923 = arith.constant 0 : i32
      %dma_start3A_924 = tpu.memref_slice %arg17[%dma_start3A_922, %dma_start3A_923] : memref<10240x32xf32, #tpu.memory_space<vmem_shared>> -> memref<10240x32xf32, #tpu.memory_space<vmem_shared>>
      tpu.enqueue_indirect_dma source(%arg15 : memref<125x32xf32, #tpu.memory_space<vmem>>) target(%dma_start3A_924 : memref<10240x32xf32, #tpu.memory_space<vmem_shared>>) offsets(%dma_start3A_921 : memref<125xi32, #tpu.memory_space<vmem>>) semaphore(%arg33 : memref<!tpu.dma_semaphore, #tpu.memory_space<semaphore_mem>>) {add = true}
      %add3A_925 = arith.constant 0 : i32
      %add3A_926 = arith.addi %add3A_860, %add3A_925 : i32
      %dma_wait3A_927 = arith.constant 0 : i32
      %dma_wait3A_928 = tpu.memref_slice %arg6[%add3A_926, %dma_wait3A_927] : memref<160x125xi32, #tpu.memory_space<vmem>> -> memref<1x125xi32, #tpu.memory_space<vmem>>
      %dma_wait3A_929 = tpu.memref_squeeze %dma_wait3A_928 : memref<1x125xi32, #tpu.memory_space<vmem>> -> memref<125xi32, #tpu.memory_space<vmem>>
      %dma_wait3A_930 = arith.constant 0 : i32
      %dma_wait3A_931 = arith.constant 0 : i32
      %dma_wait3A_932 = tpu.memref_slice %arg17[%dma_wait3A_930, %dma_wait3A_931] : memref<10240x32xf32, #tpu.memory_space<vmem_shared>> -> memref<10240x32xf32, #tpu.memory_space<vmem_shared>>
      tpu.wait_indirect_dma semaphore(%arg30 : memref<!tpu.dma_semaphore, #tpu.memory_space<semaphore_mem>>) src(%arg12 : memref<125x32xf32, #tpu.memory_space<vmem>>) dst(%dma_wait3A_932 : memref<10240x32xf32, #tpu.memory_space<vmem_shared>>)
      %add3A_933 = arith.constant 1 : i32
      %add3A_934 = arith.addi %add3A_860, %add3A_933 : i32
      %dma_wait3A_935 = arith.constant 0 : i32
      %dma_wait3A_936 = tpu.memref_slice %arg6[%add3A_934, %dma_wait3A_935] : memref<160x125xi32, #tpu.memory_space<vmem>> -> memref<1x125xi32, #tpu.memory_space<vmem>>
      %dma_wait3A_937 = tpu.memref_squeeze %dma_wait3A_936 : memref<1x125xi32, #tpu.memory_space<vmem>> -> memref<125xi32, #tpu.memory_space<vmem>>
      %dma_wait3A_938 = arith.constant 0 : i32
      %dma_wait3A_939 = arith.constant 0 : i32
      %dma_wait3A_940 = tpu.memref_slice %arg17[%dma_wait3A_938, %dma_wait3A_939] : memref<10240x32xf32, #tpu.memory_space<vmem_shared>> -> memref<10240x32xf32, #tpu.memory_space<vmem_shared>>
      tpu.wait_indirect_dma semaphore(%arg31 : memref<!tpu.dma_semaphore, #tpu.memory_space<semaphore_mem>>) src(%arg13 : memref<125x32xf32, #tpu.memory_space<vmem>>) dst(%dma_wait3A_940 : memref<10240x32xf32, #tpu.memory_space<vmem_shared>>)
      %add3A_941 = arith.constant 2 : i32
      %add3A_942 = arith.addi %add3A_860, %add3A_941 : i32
      %dma_wait3A_943 = arith.constant 0 : i32
      %dma_wait3A_944 = tpu.memref_slice %arg6[%add3A_942, %dma_wait3A_943] : memref<160x125xi32, #tpu.memory_space<vmem>> -> memref<1x125xi32, #tpu.memory_space<vmem>>
      %dma_wait3A_945 = tpu.memref_squeeze %dma_wait3A_944 : memref<1x125xi32, #tpu.memory_space<vmem>> -> memref<125xi32, #tpu.memory_space<vmem>>
      %dma_wait3A_946 = arith.constant 0 : i32
      %dma_wait3A_947 = arith.constant 0 : i32
      %dma_wait3A_948 = tpu.memref_slice %arg17[%dma_wait3A_946, %dma_wait3A_947] : memref<10240x32xf32, #tpu.memory_space<vmem_shared>> -> memref<10240x32xf32, #tpu.memory_space<vmem_shared>>
      tpu.wait_indirect_dma semaphore(%arg32 : memref<!tpu.dma_semaphore, #tpu.memory_space<semaphore_mem>>) src(%arg14 : memref<125x32xf32, #tpu.memory_space<vmem>>) dst(%dma_wait3A_948 : memref<10240x32xf32, #tpu.memory_space<vmem_shared>>)
      %add3A_949 = arith.constant 3 : i32
      %add3A_950 = arith.addi %add3A_860, %add3A_949 : i32
      %dma_wait3A_951 = arith.constant 0 : i32
      %dma_wait3A_952 = tpu.memref_slice %arg6[%add3A_950, %dma_wait3A_951] : memref<160x125xi32, #tpu.memory_space<vmem>> -> memref<1x125xi32, #tpu.memory_space<vmem>>
      %dma_wait3A_953 = tpu.memref_squeeze %dma_wait3A_952 : memref<1x125xi32, #tpu.memory_space<vmem>> -> memref<125xi32, #tpu.memory_space<vmem>>
      %dma_wait3A_954 = arith.constant 0 : i32
      %dma_wait3A_955 = arith.constant 0 : i32
      %dma_wait3A_956 = tpu.memref_slice %arg17[%dma_wait3A_954, %dma_wait3A_955] : memref<10240x32xf32, #tpu.memory_space<vmem_shared>> -> memref<10240x32xf32, #tpu.memory_space<vmem_shared>>
      tpu.wait_indirect_dma semaphore(%arg33 : memref<!tpu.dma_semaphore, #tpu.memory_space<semaphore_mem>>) src(%arg15 : memref<125x32xf32, #tpu.memory_space<vmem>>) dst(%dma_wait3A_956 : memref<10240x32xf32, #tpu.memory_space<vmem_shared>>)
      %add3A_957 = arith.constant 8 : i32
      %add3A_958 = arith.addi %add3A_860, %add3A_957 : i32
      %add3A_959 = arith.constant 0 : i32
      %add3A_960 = arith.addi %add3A_958, %add3A_959 : i32
      %dma_start3A_961 = arith.constant 0 : i32
      %dma_start3A_962 = tpu.memref_slice %arg5[%add3A_960, %dma_start3A_961] : memref<160x125xi32, #tpu.memory_space<vmem>> -> memref<1x125xi32, #tpu.memory_space<vmem>>
      %dma_start3A_963 = tpu.memref_squeeze %dma_start3A_962 : memref<1x125xi32, #tpu.memory_space<vmem>> -> memref<125xi32, #tpu.memory_space<vmem>>
      %dma_start3A_964 = arith.constant 0 : i32
      %dma_start3A_965 = arith.constant 0 : i32
      %dma_start3A_966 = tpu.memref_slice %arg16[%dma_start3A_964, %dma_start3A_965] : memref<10240x32xf32, #tpu.memory_space<vmem_shared>> -> memref<10240x32xf32, #tpu.memory_space<vmem_shared>>
      tpu.enqueue_indirect_dma source(%dma_start3A_966 : memref<10240x32xf32, #tpu.memory_space<vmem_shared>>) target(%arg12 : memref<125x32xf32, #tpu.memory_space<vmem>>) offsets(%dma_start3A_963 : memref<125xi32, #tpu.memory_space<vmem>>) semaphore(%arg22 : memref<!tpu.dma_semaphore, #tpu.memory_space<semaphore_mem>>)
      %add3A_967 = arith.constant 8 : i32
      %add3A_968 = arith.addi %add3A_860, %add3A_967 : i32
      %add3A_969 = arith.constant 1 : i32
      %add3A_970 = arith.addi %add3A_968, %add3A_969 : i32
      %dma_start3A_971 = arith.constant 0 : i32
      %dma_start3A_972 = tpu.memref_slice %arg5[%add3A_970, %dma_start3A_971] : memref<160x125xi32, #tpu.memory_space<vmem>> -> memref<1x125xi32, #tpu.memory_space<vmem>>
      %dma_start3A_973 = tpu.memref_squeeze %dma_start3A_972 : memref<1x125xi32, #tpu.memory_space<vmem>> -> memref<125xi32, #tpu.memory_space<vmem>>
      %dma_start3A_974 = arith.constant 0 : i32
      %dma_start3A_975 = arith.constant 0 : i32
      %dma_start3A_976 = tpu.memref_slice %arg16[%dma_start3A_974, %dma_start3A_975] : memref<10240x32xf32, #tpu.memory_space<vmem_shared>> -> memref<10240x32xf32, #tpu.memory_space<vmem_shared>>
      tpu.enqueue_indirect_dma source(%dma_start3A_976 : memref<10240x32xf32, #tpu.memory_space<vmem_shared>>) target(%arg13 : memref<125x32xf32, #tpu.memory_space<vmem>>) offsets(%dma_start3A_973 : memref<125xi32, #tpu.memory_space<vmem>>) semaphore(%arg23 : memref<!tpu.dma_semaphore, #tpu.memory_space<semaphore_mem>>)
      %add3A_977 = arith.constant 8 : i32
      %add3A_978 = arith.addi %add3A_860, %add3A_977 : i32
      %add3A_979 = arith.constant 2 : i32
      %add3A_980 = arith.addi %add3A_978, %add3A_979 : i32
      %dma_start3A_981 = arith.constant 0 : i32
      %dma_start3A_982 = tpu.memref_slice %arg5[%add3A_980, %dma_start3A_981] : memref<160x125xi32, #tpu.memory_space<vmem>> -> memref<1x125xi32, #tpu.memory_space<vmem>>
      %dma_start3A_983 = tpu.memref_squeeze %dma_start3A_982 : memref<1x125xi32, #tpu.memory_space<vmem>> -> memref<125xi32, #tpu.memory_space<vmem>>
      %dma_start3A_984 = arith.constant 0 : i32
      %dma_start3A_985 = arith.constant 0 : i32
      %dma_start3A_986 = tpu.memref_slice %arg16[%dma_start3A_984, %dma_start3A_985] : memref<10240x32xf32, #tpu.memory_space<vmem_shared>> -> memref<10240x32xf32, #tpu.memory_space<vmem_shared>>
      tpu.enqueue_indirect_dma source(%dma_start3A_986 : memref<10240x32xf32, #tpu.memory_space<vmem_shared>>) target(%arg14 : memref<125x32xf32, #tpu.memory_space<vmem>>) offsets(%dma_start3A_983 : memref<125xi32, #tpu.memory_space<vmem>>) semaphore(%arg24 : memref<!tpu.dma_semaphore, #tpu.memory_space<semaphore_mem>>)
      %add3A_987 = arith.constant 8 : i32
      %add3A_988 = arith.addi %add3A_860, %add3A_987 : i32
      %add3A_989 = arith.constant 3 : i32
      %add3A_990 = arith.addi %add3A_988, %add3A_989 : i32
      %dma_start3A_991 = arith.constant 0 : i32
      %dma_start3A_992 = tpu.memref_slice %arg5[%add3A_990, %dma_start3A_991] : memref<160x125xi32, #tpu.memory_space<vmem>> -> memref<1x125xi32, #tpu.memory_space<vmem>>
      %dma_start3A_993 = tpu.memref_squeeze %dma_start3A_992 : memref<1x125xi32, #tpu.memory_space<vmem>> -> memref<125xi32, #tpu.memory_space<vmem>>
      %dma_start3A_994 = arith.constant 0 : i32
      %dma_start3A_995 = arith.constant 0 : i32
      %dma_start3A_996 = tpu.memref_slice %arg16[%dma_start3A_994, %dma_start3A_995] : memref<10240x32xf32, #tpu.memory_space<vmem_shared>> -> memref<10240x32xf32, #tpu.memory_space<vmem_shared>>
      tpu.enqueue_indirect_dma source(%dma_start3A_996 : memref<10240x32xf32, #tpu.memory_space<vmem_shared>>) target(%arg15 : memref<125x32xf32, #tpu.memory_space<vmem>>) offsets(%dma_start3A_993 : memref<125xi32, #tpu.memory_space<vmem>>) semaphore(%arg25 : memref<!tpu.dma_semaphore, #tpu.memory_space<semaphore_mem>>)
      %scan3A_997 = arith.constant 0 : i32
      scf.yield %scan3A_997 : i32
    }
    %scan3A_539 = arith.constant 19 : i32
    %dma_wait3A_540 = arith.constant 152 : i32
    %dma_wait3A_541 = arith.constant 0 : i32
    %dma_wait3A_542 = tpu.memref_slice %arg5[%dma_wait3A_540, %dma_wait3A_541] : memref<160x125xi32, #tpu.memory_space<vmem>> -> memref<1x125xi32, #tpu.memory_space<vmem>>
    %dma_wait3A_543 = tpu.memref_squeeze %dma_wait3A_542 : memref<1x125xi32, #tpu.memory_space<vmem>> -> memref<125xi32, #tpu.memory_space<vmem>>
    %dma_wait3A_544 = arith.constant 0 : i32
    %dma_wait3A_545 = arith.constant 0 : i32
    %dma_wait3A_546 = tpu.memref_slice %arg16[%dma_wait3A_544, %dma_wait3A_545] : memref<10240x32xf32, #tpu.memory_space<vmem_shared>> -> memref<10240x32xf32, #tpu.memory_space<vmem_shared>>
    tpu.wait_indirect_dma semaphore(%arg18 : memref<!tpu.dma_semaphore, #tpu.memory_space<semaphore_mem>>) src(%dma_wait3A_546 : memref<10240x32xf32, #tpu.memory_space<vmem_shared>>) dst(%arg8 : memref<125x32xf32, #tpu.memory_space<vmem>>)
    %dma_wait3A_547 = arith.constant 153 : i32
    %dma_wait3A_548 = arith.constant 0 : i32
    %dma_wait3A_549 = tpu.memref_slice %arg5[%dma_wait3A_547, %dma_wait3A_548] : memref<160x125xi32, #tpu.memory_space<vmem>> -> memref<1x125xi32, #tpu.memory_space<vmem>>
    %dma_wait3A_550 = tpu.memref_squeeze %dma_wait3A_549 : memref<1x125xi32, #tpu.memory_space<vmem>> -> memref<125xi32, #tpu.memory_space<vmem>>
    %dma_wait3A_551 = arith.constant 0 : i32
    %dma_wait3A_552 = arith.constant 0 : i32
    %dma_wait3A_553 = tpu.memref_slice %arg16[%dma_wait3A_551, %dma_wait3A_552] : memref<10240x32xf32, #tpu.memory_space<vmem_shared>> -> memref<10240x32xf32, #tpu.memory_space<vmem_shared>>
    tpu.wait_indirect_dma semaphore(%arg19 : memref<!tpu.dma_semaphore, #tpu.memory_space<semaphore_mem>>) src(%dma_wait3A_553 : memref<10240x32xf32, #tpu.memory_space<vmem_shared>>) dst(%arg9 : memref<125x32xf32, #tpu.memory_space<vmem>>)
    %dma_wait3A_554 = arith.constant 154 : i32
    %dma_wait3A_555 = arith.constant 0 : i32
    %dma_wait3A_556 = tpu.memref_slice %arg5[%dma_wait3A_554, %dma_wait3A_555] : memref<160x125xi32, #tpu.memory_space<vmem>> -> memref<1x125xi32, #tpu.memory_space<vmem>>
    %dma_wait3A_557 = tpu.memref_squeeze %dma_wait3A_556 : memref<1x125xi32, #tpu.memory_space<vmem>> -> memref<125xi32, #tpu.memory_space<vmem>>
    %dma_wait3A_558 = arith.constant 0 : i32
    %dma_wait3A_559 = arith.constant 0 : i32
    %dma_wait3A_560 = tpu.memref_slice %arg16[%dma_wait3A_558, %dma_wait3A_559] : memref<10240x32xf32, #tpu.memory_space<vmem_shared>> -> memref<10240x32xf32, #tpu.memory_space<vmem_shared>>
    tpu.wait_indirect_dma semaphore(%arg20 : memref<!tpu.dma_semaphore, #tpu.memory_space<semaphore_mem>>) src(%dma_wait3A_560 : memref<10240x32xf32, #tpu.memory_space<vmem_shared>>) dst(%arg10 : memref<125x32xf32, #tpu.memory_space<vmem>>)
    %dma_wait3A_561 = arith.constant 155 : i32
    %dma_wait3A_562 = arith.constant 0 : i32
    %dma_wait3A_563 = tpu.memref_slice %arg5[%dma_wait3A_561, %dma_wait3A_562] : memref<160x125xi32, #tpu.memory_space<vmem>> -> memref<1x125xi32, #tpu.memory_space<vmem>>
    %dma_wait3A_564 = tpu.memref_squeeze %dma_wait3A_563 : memref<1x125xi32, #tpu.memory_space<vmem>> -> memref<125xi32, #tpu.memory_space<vmem>>
    %dma_wait3A_565 = arith.constant 0 : i32
    %dma_wait3A_566 = arith.constant 0 : i32
    %dma_wait3A_567 = tpu.memref_slice %arg16[%dma_wait3A_565, %dma_wait3A_566] : memref<10240x32xf32, #tpu.memory_space<vmem_shared>> -> memref<10240x32xf32, #tpu.memory_space<vmem_shared>>
    tpu.wait_indirect_dma semaphore(%arg21 : memref<!tpu.dma_semaphore, #tpu.memory_space<semaphore_mem>>) src(%dma_wait3A_567 : memref<10240x32xf32, #tpu.memory_space<vmem_shared>>) dst(%arg11 : memref<125x32xf32, #tpu.memory_space<vmem>>)
    %dma_start3A_568 = arith.constant 152 : i32
    %dma_start3A_569 = arith.constant 0 : i32
    %dma_start3A_570 = tpu.memref_slice %arg6[%dma_start3A_568, %dma_start3A_569] : memref<160x125xi32, #tpu.memory_space<vmem>> -> memref<1x125xi32, #tpu.memory_space<vmem>>
    %dma_start3A_571 = tpu.memref_squeeze %dma_start3A_570 : memref<1x125xi32, #tpu.memory_space<vmem>> -> memref<125xi32, #tpu.memory_space<vmem>>
    %dma_start3A_572 = arith.constant 0 : i32
    %dma_start3A_573 = arith.constant 0 : i32
    %dma_start3A_574 = tpu.memref_slice %arg17[%dma_start3A_572, %dma_start3A_573] : memref<10240x32xf32, #tpu.memory_space<vmem_shared>> -> memref<10240x32xf32, #tpu.memory_space<vmem_shared>>
    tpu.enqueue_indirect_dma source(%arg8 : memref<125x32xf32, #tpu.memory_space<vmem>>) target(%dma_start3A_574 : memref<10240x32xf32, #tpu.memory_space<vmem_shared>>) offsets(%dma_start3A_571 : memref<125xi32, #tpu.memory_space<vmem>>) semaphore(%arg26 : memref<!tpu.dma_semaphore, #tpu.memory_space<semaphore_mem>>) {add = true}
    %dma_start3A_575 = arith.constant 153 : i32
    %dma_start3A_576 = arith.constant 0 : i32
    %dma_start3A_577 = tpu.memref_slice %arg6[%dma_start3A_575, %dma_start3A_576] : memref<160x125xi32, #tpu.memory_space<vmem>> -> memref<1x125xi32, #tpu.memory_space<vmem>>
    %dma_start3A_578 = tpu.memref_squeeze %dma_start3A_577 : memref<1x125xi32, #tpu.memory_space<vmem>> -> memref<125xi32, #tpu.memory_space<vmem>>
    %dma_start3A_579 = arith.constant 0 : i32
    %dma_start3A_580 = arith.constant 0 : i32
    %dma_start3A_581 = tpu.memref_slice %arg17[%dma_start3A_579, %dma_start3A_580] : memref<10240x32xf32, #tpu.memory_space<vmem_shared>> -> memref<10240x32xf32, #tpu.memory_space<vmem_shared>>
    tpu.enqueue_indirect_dma source(%arg9 : memref<125x32xf32, #tpu.memory_space<vmem>>) target(%dma_start3A_581 : memref<10240x32xf32, #tpu.memory_space<vmem_shared>>) offsets(%dma_start3A_578 : memref<125xi32, #tpu.memory_space<vmem>>) semaphore(%arg27 : memref<!tpu.dma_semaphore, #tpu.memory_space<semaphore_mem>>) {add = true}
    %dma_start3A_582 = arith.constant 154 : i32
    %dma_start3A_583 = arith.constant 0 : i32
    %dma_start3A_584 = tpu.memref_slice %arg6[%dma_start3A_582, %dma_start3A_583] : memref<160x125xi32, #tpu.memory_space<vmem>> -> memref<1x125xi32, #tpu.memory_space<vmem>>
    %dma_start3A_585 = tpu.memref_squeeze %dma_start3A_584 : memref<1x125xi32, #tpu.memory_space<vmem>> -> memref<125xi32, #tpu.memory_space<vmem>>
    %dma_start3A_586 = arith.constant 0 : i32
    %dma_start3A_587 = arith.constant 0 : i32
    %dma_start3A_588 = tpu.memref_slice %arg17[%dma_start3A_586, %dma_start3A_587] : memref<10240x32xf32, #tpu.memory_space<vmem_shared>> -> memref<10240x32xf32, #tpu.memory_space<vmem_shared>>
    tpu.enqueue_indirect_dma source(%arg10 : memref<125x32xf32, #tpu.memory_space<vmem>>) target(%dma_start3A_588 : memref<10240x32xf32, #tpu.memory_space<vmem_shared>>) offsets(%dma_start3A_585 : memref<125xi32, #tpu.memory_space<vmem>>) semaphore(%arg28 : memref<!tpu.dma_semaphore, #tpu.memory_space<semaphore_mem>>) {add = true}
    %dma_start3A_589 = arith.constant 155 : i32
    %dma_start3A_590 = arith.constant 0 : i32
    %dma_start3A_591 = tpu.memref_slice %arg6[%dma_start3A_589, %dma_start3A_590] : memref<160x125xi32, #tpu.memory_space<vmem>> -> memref<1x125xi32, #tpu.memory_space<vmem>>
    %dma_start3A_592 = tpu.memref_squeeze %dma_start3A_591 : memref<1x125xi32, #tpu.memory_space<vmem>> -> memref<125xi32, #tpu.memory_space<vmem>>
    %dma_start3A_593 = arith.constant 0 : i32
    %dma_start3A_594 = arith.constant 0 : i32
    %dma_start3A_595 = tpu.memref_slice %arg17[%dma_start3A_593, %dma_start3A_594] : memref<10240x32xf32, #tpu.memory_space<vmem_shared>> -> memref<10240x32xf32, #tpu.memory_space<vmem_shared>>
    tpu.enqueue_indirect_dma source(%arg11 : memref<125x32xf32, #tpu.memory_space<vmem>>) target(%dma_start3A_595 : memref<10240x32xf32, #tpu.memory_space<vmem_shared>>) offsets(%dma_start3A_592 : memref<125xi32, #tpu.memory_space<vmem>>) semaphore(%arg29 : memref<!tpu.dma_semaphore, #tpu.memory_space<semaphore_mem>>) {add = true}
    %dma_wait3A_596 = arith.constant 152 : i32
    %dma_wait3A_597 = arith.constant 0 : i32
    %dma_wait3A_598 = tpu.memref_slice %arg6[%dma_wait3A_596, %dma_wait3A_597] : memref<160x125xi32, #tpu.memory_space<vmem>> -> memref<1x125xi32, #tpu.memory_space<vmem>>
    %dma_wait3A_599 = tpu.memref_squeeze %dma_wait3A_598 : memref<1x125xi32, #tpu.memory_space<vmem>> -> memref<125xi32, #tpu.memory_space<vmem>>
    %dma_wait3A_600 = arith.constant 0 : i32
    %dma_wait3A_601 = arith.constant 0 : i32
    %dma_wait3A_602 = tpu.memref_slice %arg17[%dma_wait3A_600, %dma_wait3A_601] : memref<10240x32xf32, #tpu.memory_space<vmem_shared>> -> memref<10240x32xf32, #tpu.memory_space<vmem_shared>>
    tpu.wait_indirect_dma semaphore(%arg26 : memref<!tpu.dma_semaphore, #tpu.memory_space<semaphore_mem>>) src(%arg8 : memref<125x32xf32, #tpu.memory_space<vmem>>) dst(%dma_wait3A_602 : memref<10240x32xf32, #tpu.memory_space<vmem_shared>>)
    %dma_wait3A_603 = arith.constant 153 : i32
    %dma_wait3A_604 = arith.constant 0 : i32
    %dma_wait3A_605 = tpu.memref_slice %arg6[%dma_wait3A_603, %dma_wait3A_604] : memref<160x125xi32, #tpu.memory_space<vmem>> -> memref<1x125xi32, #tpu.memory_space<vmem>>
    %dma_wait3A_606 = tpu.memref_squeeze %dma_wait3A_605 : memref<1x125xi32, #tpu.memory_space<vmem>> -> memref<125xi32, #tpu.memory_space<vmem>>
    %dma_wait3A_607 = arith.constant 0 : i32
    %dma_wait3A_608 = arith.constant 0 : i32
    %dma_wait3A_609 = tpu.memref_slice %arg17[%dma_wait3A_607, %dma_wait3A_608] : memref<10240x32xf32, #tpu.memory_space<vmem_shared>> -> memref<10240x32xf32, #tpu.memory_space<vmem_shared>>
    tpu.wait_indirect_dma semaphore(%arg27 : memref<!tpu.dma_semaphore, #tpu.memory_space<semaphore_mem>>) src(%arg9 : memref<125x32xf32, #tpu.memory_space<vmem>>) dst(%dma_wait3A_609 : memref<10240x32xf32, #tpu.memory_space<vmem_shared>>)
    %dma_wait3A_610 = arith.constant 154 : i32
    %dma_wait3A_611 = arith.constant 0 : i32
    %dma_wait3A_612 = tpu.memref_slice %arg6[%dma_wait3A_610, %dma_wait3A_611] : memref<160x125xi32, #tpu.memory_space<vmem>> -> memref<1x125xi32, #tpu.memory_space<vmem>>
    %dma_wait3A_613 = tpu.memref_squeeze %dma_wait3A_612 : memref<1x125xi32, #tpu.memory_space<vmem>> -> memref<125xi32, #tpu.memory_space<vmem>>
    %dma_wait3A_614 = arith.constant 0 : i32
    %dma_wait3A_615 = arith.constant 0 : i32
    %dma_wait3A_616 = tpu.memref_slice %arg17[%dma_wait3A_614, %dma_wait3A_615] : memref<10240x32xf32, #tpu.memory_space<vmem_shared>> -> memref<10240x32xf32, #tpu.memory_space<vmem_shared>>
    tpu.wait_indirect_dma semaphore(%arg28 : memref<!tpu.dma_semaphore, #tpu.memory_space<semaphore_mem>>) src(%arg10 : memref<125x32xf32, #tpu.memory_space<vmem>>) dst(%dma_wait3A_616 : memref<10240x32xf32, #tpu.memory_space<vmem_shared>>)
    %dma_wait3A_617 = arith.constant 155 : i32
    %dma_wait3A_618 = arith.constant 0 : i32
    %dma_wait3A_619 = tpu.memref_slice %arg6[%dma_wait3A_617, %dma_wait3A_618] : memref<160x125xi32, #tpu.memory_space<vmem>> -> memref<1x125xi32, #tpu.memory_space<vmem>>
    %dma_wait3A_620 = tpu.memref_squeeze %dma_wait3A_619 : memref<1x125xi32, #tpu.memory_space<vmem>> -> memref<125xi32, #tpu.memory_space<vmem>>
    %dma_wait3A_621 = arith.constant 0 : i32
    %dma_wait3A_622 = arith.constant 0 : i32
    %dma_wait3A_623 = tpu.memref_slice %arg17[%dma_wait3A_621, %dma_wait3A_622] : memref<10240x32xf32, #tpu.memory_space<vmem_shared>> -> memref<10240x32xf32, #tpu.memory_space<vmem_shared>>
    tpu.wait_indirect_dma semaphore(%arg29 : memref<!tpu.dma_semaphore, #tpu.memory_space<semaphore_mem>>) src(%arg11 : memref<125x32xf32, #tpu.memory_space<vmem>>) dst(%dma_wait3A_623 : memref<10240x32xf32, #tpu.memory_space<vmem_shared>>)
    %dma_wait3A_624 = arith.constant 156 : i32
    %dma_wait3A_625 = arith.constant 0 : i32
    %dma_wait3A_626 = tpu.memref_slice %arg5[%dma_wait3A_624, %dma_wait3A_625] : memref<160x125xi32, #tpu.memory_space<vmem>> -> memref<1x125xi32, #tpu.memory_space<vmem>>
    %dma_wait3A_627 = tpu.memref_squeeze %dma_wait3A_626 : memref<1x125xi32, #tpu.memory_space<vmem>> -> memref<125xi32, #tpu.memory_space<vmem>>
    %dma_wait3A_628 = arith.constant 0 : i32
    %dma_wait3A_629 = arith.constant 0 : i32
    %dma_wait3A_630 = tpu.memref_slice %arg16[%dma_wait3A_628, %dma_wait3A_629] : memref<10240x32xf32, #tpu.memory_space<vmem_shared>> -> memref<10240x32xf32, #tpu.memory_space<vmem_shared>>
    tpu.wait_indirect_dma semaphore(%arg22 : memref<!tpu.dma_semaphore, #tpu.memory_space<semaphore_mem>>) src(%dma_wait3A_630 : memref<10240x32xf32, #tpu.memory_space<vmem_shared>>) dst(%arg12 : memref<125x32xf32, #tpu.memory_space<vmem>>)
    %dma_wait3A_631 = arith.constant 157 : i32
    %dma_wait3A_632 = arith.constant 0 : i32
    %dma_wait3A_633 = tpu.memref_slice %arg5[%dma_wait3A_631, %dma_wait3A_632] : memref<160x125xi32, #tpu.memory_space<vmem>> -> memref<1x125xi32, #tpu.memory_space<vmem>>
    %dma_wait3A_634 = tpu.memref_squeeze %dma_wait3A_633 : memref<1x125xi32, #tpu.memory_space<vmem>> -> memref<125xi32, #tpu.memory_space<vmem>>
    %dma_wait3A_635 = arith.constant 0 : i32
    %dma_wait3A_636 = arith.constant 0 : i32
    %dma_wait3A_637 = tpu.memref_slice %arg16[%dma_wait3A_635, %dma_wait3A_636] : memref<10240x32xf32, #tpu.memory_space<vmem_shared>> -> memref<10240x32xf32, #tpu.memory_space<vmem_shared>>
    tpu.wait_indirect_dma semaphore(%arg23 : memref<!tpu.dma_semaphore, #tpu.memory_space<semaphore_mem>>) src(%dma_wait3A_637 : memref<10240x32xf32, #tpu.memory_space<vmem_shared>>) dst(%arg13 : memref<125x32xf32, #tpu.memory_space<vmem>>)
    %dma_wait3A_638 = arith.constant 158 : i32
    %dma_wait3A_639 = arith.constant 0 : i32
    %dma_wait3A_640 = tpu.memref_slice %arg5[%dma_wait3A_638, %dma_wait3A_639] : memref<160x125xi32, #tpu.memory_space<vmem>> -> memref<1x125xi32, #tpu.memory_space<vmem>>
    %dma_wait3A_641 = tpu.memref_squeeze %dma_wait3A_640 : memref<1x125xi32, #tpu.memory_space<vmem>> -> memref<125xi32, #tpu.memory_space<vmem>>
    %dma_wait3A_642 = arith.constant 0 : i32
    %dma_wait3A_643 = arith.constant 0 : i32
    %dma_wait3A_644 = tpu.memref_slice %arg16[%dma_wait3A_642, %dma_wait3A_643] : memref<10240x32xf32, #tpu.memory_space<vmem_shared>> -> memref<10240x32xf32, #tpu.memory_space<vmem_shared>>
    tpu.wait_indirect_dma semaphore(%arg24 : memref<!tpu.dma_semaphore, #tpu.memory_space<semaphore_mem>>) src(%dma_wait3A_644 : memref<10240x32xf32, #tpu.memory_space<vmem_shared>>) dst(%arg14 : memref<125x32xf32, #tpu.memory_space<vmem>>)
    %dma_wait3A_645 = arith.constant 159 : i32
    %dma_wait3A_646 = arith.constant 0 : i32
    %dma_wait3A_647 = tpu.memref_slice %arg5[%dma_wait3A_645, %dma_wait3A_646] : memref<160x125xi32, #tpu.memory_space<vmem>> -> memref<1x125xi32, #tpu.memory_space<vmem>>
    %dma_wait3A_648 = tpu.memref_squeeze %dma_wait3A_647 : memref<1x125xi32, #tpu.memory_space<vmem>> -> memref<125xi32, #tpu.memory_space<vmem>>
    %dma_wait3A_649 = arith.constant 0 : i32
    %dma_wait3A_650 = arith.constant 0 : i32
    %dma_wait3A_651 = tpu.memref_slice %arg16[%dma_wait3A_649, %dma_wait3A_650] : memref<10240x32xf32, #tpu.memory_space<vmem_shared>> -> memref<10240x32xf32, #tpu.memory_space<vmem_shared>>
    tpu.wait_indirect_dma semaphore(%arg25 : memref<!tpu.dma_semaphore, #tpu.memory_space<semaphore_mem>>) src(%dma_wait3A_651 : memref<10240x32xf32, #tpu.memory_space<vmem_shared>>) dst(%arg15 : memref<125x32xf32, #tpu.memory_space<vmem>>)
    %dma_start3A_652 = arith.constant 156 : i32
    %dma_start3A_653 = arith.constant 0 : i32
    %dma_start3A_654 = tpu.memref_slice %arg6[%dma_start3A_652, %dma_start3A_653] : memref<160x125xi32, #tpu.memory_space<vmem>> -> memref<1x125xi32, #tpu.memory_space<vmem>>
    %dma_start3A_655 = tpu.memref_squeeze %dma_start3A_654 : memref<1x125xi32, #tpu.memory_space<vmem>> -> memref<125xi32, #tpu.memory_space<vmem>>
    %dma_start3A_656 = arith.constant 0 : i32
    %dma_start3A_657 = arith.constant 0 : i32
    %dma_start3A_658 = tpu.memref_slice %arg17[%dma_start3A_656, %dma_start3A_657] : memref<10240x32xf32, #tpu.memory_space<vmem_shared>> -> memref<10240x32xf32, #tpu.memory_space<vmem_shared>>
    tpu.enqueue_indirect_dma source(%arg12 : memref<125x32xf32, #tpu.memory_space<vmem>>) target(%dma_start3A_658 : memref<10240x32xf32, #tpu.memory_space<vmem_shared>>) offsets(%dma_start3A_655 : memref<125xi32, #tpu.memory_space<vmem>>) semaphore(%arg30 : memref<!tpu.dma_semaphore, #tpu.memory_space<semaphore_mem>>) {add = true}
    %dma_start3A_659 = arith.constant 157 : i32
    %dma_start3A_660 = arith.constant 0 : i32
    %dma_start3A_661 = tpu.memref_slice %arg6[%dma_start3A_659, %dma_start3A_660] : memref<160x125xi32, #tpu.memory_space<vmem>> -> memref<1x125xi32, #tpu.memory_space<vmem>>
    %dma_start3A_662 = tpu.memref_squeeze %dma_start3A_661 : memref<1x125xi32, #tpu.memory_space<vmem>> -> memref<125xi32, #tpu.memory_space<vmem>>
    %dma_start3A_663 = arith.constant 0 : i32
    %dma_start3A_664 = arith.constant 0 : i32
    %dma_start3A_665 = tpu.memref_slice %arg17[%dma_start3A_663, %dma_start3A_664] : memref<10240x32xf32, #tpu.memory_space<vmem_shared>> -> memref<10240x32xf32, #tpu.memory_space<vmem_shared>>
    tpu.enqueue_indirect_dma source(%arg13 : memref<125x32xf32, #tpu.memory_space<vmem>>) target(%dma_start3A_665 : memref<10240x32xf32, #tpu.memory_space<vmem_shared>>) offsets(%dma_start3A_662 : memref<125xi32, #tpu.memory_space<vmem>>) semaphore(%arg31 : memref<!tpu.dma_semaphore, #tpu.memory_space<semaphore_mem>>) {add = true}
    %dma_start3A_666 = arith.constant 158 : i32
    %dma_start3A_667 = arith.constant 0 : i32
    %dma_start3A_668 = tpu.memref_slice %arg6[%dma_start3A_666, %dma_start3A_667] : memref<160x125xi32, #tpu.memory_space<vmem>> -> memref<1x125xi32, #tpu.memory_space<vmem>>
    %dma_start3A_669 = tpu.memref_squeeze %dma_start3A_668 : memref<1x125xi32, #tpu.memory_space<vmem>> -> memref<125xi32, #tpu.memory_space<vmem>>
    %dma_start3A_670 = arith.constant 0 : i32
    %dma_start3A_671 = arith.constant 0 : i32
    %dma_start3A_672 = tpu.memref_slice %arg17[%dma_start3A_670, %dma_start3A_671] : memref<10240x32xf32, #tpu.memory_space<vmem_shared>> -> memref<10240x32xf32, #tpu.memory_space<vmem_shared>>
    tpu.enqueue_indirect_dma source(%arg14 : memref<125x32xf32, #tpu.memory_space<vmem>>) target(%dma_start3A_672 : memref<10240x32xf32, #tpu.memory_space<vmem_shared>>) offsets(%dma_start3A_669 : memref<125xi32, #tpu.memory_space<vmem>>) semaphore(%arg32 : memref<!tpu.dma_semaphore, #tpu.memory_space<semaphore_mem>>) {add = true}
    %dma_start3A_673 = arith.constant 159 : i32
    %dma_start3A_674 = arith.constant 0 : i32
    %dma_start3A_675 = tpu.memref_slice %arg6[%dma_start3A_673, %dma_start3A_674] : memref<160x125xi32, #tpu.memory_space<vmem>> -> memref<1x125xi32, #tpu.memory_space<vmem>>
    %dma_start3A_676 = tpu.memref_squeeze %dma_start3A_675 : memref<1x125xi32, #tpu.memory_space<vmem>> -> memref<125xi32, #tpu.memory_space<vmem>>
    %dma_start3A_677 = arith.constant 0 : i32
    %dma_start3A_678 = arith.constant 0 : i32
    %dma_start3A_679 = tpu.memref_slice %arg17[%dma_start3A_677, %dma_start3A_678] : memref<10240x32xf32, #tpu.memory_space<vmem_shared>> -> memref<10240x32xf32, #tpu.memory_space<vmem_shared>>
    tpu.enqueue_indirect_dma source(%arg15 : memref<125x32xf32, #tpu.memory_space<vmem>>) target(%dma_start3A_679 : memref<10240x32xf32, #tpu.memory_space<vmem_shared>>) offsets(%dma_start3A_676 : memref<125xi32, #tpu.memory_space<vmem>>) semaphore(%arg33 : memref<!tpu.dma_semaphore, #tpu.memory_space<semaphore_mem>>) {add = true}
    %dma_wait3A_680 = arith.constant 156 : i32
    %dma_wait3A_681 = arith.constant 0 : i32
    %dma_wait3A_682 = tpu.memref_slice %arg6[%dma_wait3A_680, %dma_wait3A_681] : memref<160x125xi32, #tpu.memory_space<vmem>> -> memref<1x125xi32, #tpu.memory_space<vmem>>
    %dma_wait3A_683 = tpu.memref_squeeze %dma_wait3A_682 : memref<1x125xi32, #tpu.memory_space<vmem>> -> memref<125xi32, #tpu.memory_space<vmem>>
    %dma_wait3A_684 = arith.constant 0 : i32
    %dma_wait3A_685 = arith.constant 0 : i32
    %dma_wait3A_686 = tpu.memref_slice %arg17[%dma_wait3A_684, %dma_wait3A_685] : memref<10240x32xf32, #tpu.memory_space<vmem_shared>> -> memref<10240x32xf32, #tpu.memory_space<vmem_shared>>
    tpu.wait_indirect_dma semaphore(%arg30 : memref<!tpu.dma_semaphore, #tpu.memory_space<semaphore_mem>>) src(%arg12 : memref<125x32xf32, #tpu.memory_space<vmem>>) dst(%dma_wait3A_686 : memref<10240x32xf32, #tpu.memory_space<vmem_shared>>)
    %dma_wait3A_687 = arith.constant 157 : i32
    %dma_wait3A_688 = arith.constant 0 : i32
    %dma_wait3A_689 = tpu.memref_slice %arg6[%dma_wait3A_687, %dma_wait3A_688] : memref<160x125xi32, #tpu.memory_space<vmem>> -> memref<1x125xi32, #tpu.memory_space<vmem>>
    %dma_wait3A_690 = tpu.memref_squeeze %dma_wait3A_689 : memref<1x125xi32, #tpu.memory_space<vmem>> -> memref<125xi32, #tpu.memory_space<vmem>>
    %dma_wait3A_691 = arith.constant 0 : i32
    %dma_wait3A_692 = arith.constant 0 : i32
    %dma_wait3A_693 = tpu.memref_slice %arg17[%dma_wait3A_691, %dma_wait3A_692] : memref<10240x32xf32, #tpu.memory_space<vmem_shared>> -> memref<10240x32xf32, #tpu.memory_space<vmem_shared>>
    tpu.wait_indirect_dma semaphore(%arg31 : memref<!tpu.dma_semaphore, #tpu.memory_space<semaphore_mem>>) src(%arg13 : memref<125x32xf32, #tpu.memory_space<vmem>>) dst(%dma_wait3A_693 : memref<10240x32xf32, #tpu.memory_space<vmem_shared>>)
    %dma_wait3A_694 = arith.constant 158 : i32
    %dma_wait3A_695 = arith.constant 0 : i32
    %dma_wait3A_696 = tpu.memref_slice %arg6[%dma_wait3A_694, %dma_wait3A_695] : memref<160x125xi32, #tpu.memory_space<vmem>> -> memref<1x125xi32, #tpu.memory_space<vmem>>
    %dma_wait3A_697 = tpu.memref_squeeze %dma_wait3A_696 : memref<1x125xi32, #tpu.memory_space<vmem>> -> memref<125xi32, #tpu.memory_space<vmem>>
    %dma_wait3A_698 = arith.constant 0 : i32
    %dma_wait3A_699 = arith.constant 0 : i32
    %dma_wait3A_700 = tpu.memref_slice %arg17[%dma_wait3A_698, %dma_wait3A_699] : memref<10240x32xf32, #tpu.memory_space<vmem_shared>> -> memref<10240x32xf32, #tpu.memory_space<vmem_shared>>
    tpu.wait_indirect_dma semaphore(%arg32 : memref<!tpu.dma_semaphore, #tpu.memory_space<semaphore_mem>>) src(%arg14 : memref<125x32xf32, #tpu.memory_space<vmem>>) dst(%dma_wait3A_700 : memref<10240x32xf32, #tpu.memory_space<vmem_shared>>)
    %dma_wait3A_701 = arith.constant 159 : i32
    %dma_wait3A_702 = arith.constant 0 : i32
    %dma_wait3A_703 = tpu.memref_slice %arg6[%dma_wait3A_701, %dma_wait3A_702] : memref<160x125xi32, #tpu.memory_space<vmem>> -> memref<1x125xi32, #tpu.memory_space<vmem>>
    %dma_wait3A_704 = tpu.memref_squeeze %dma_wait3A_703 : memref<1x125xi32, #tpu.memory_space<vmem>> -> memref<125xi32, #tpu.memory_space<vmem>>
    %dma_wait3A_705 = arith.constant 0 : i32
    %dma_wait3A_706 = arith.constant 0 : i32
    %dma_wait3A_707 = tpu.memref_slice %arg17[%dma_wait3A_705, %dma_wait3A_706] : memref<10240x32xf32, #tpu.memory_space<vmem_shared>> -> memref<10240x32xf32, #tpu.memory_space<vmem_shared>>
    tpu.wait_indirect_dma semaphore(%arg33 : memref<!tpu.dma_semaphore, #tpu.memory_space<semaphore_mem>>) src(%arg15 : memref<125x32xf32, #tpu.memory_space<vmem>>) dst(%dma_wait3A_707 : memref<10240x32xf32, #tpu.memory_space<vmem_shared>>)
    %barrier3A_708 = arith.constant 0 : index
    tpu.barrier barrier_id(%barrier3A_708)
    %mul3A_709 = arith.constant 640 : i32
    %mul3A_710 = arith.muli %arg1, %mul3A_709 : i32
    %mul3A_711 = arith.constant 640 : i32
    %mul3A_712 = arith.muli %arg1, %mul3A_711 : i32
    %mul3A_713 = arith.constant 32 : i32
    %mul3A_714 = arith.muli %add3A_377, %mul3A_713 : i32
    "tpu.region"() ({
      %run_scoped3A = tpu.sem_alloc : memref<!tpu.dma_semaphore, #tpu.memory_space<semaphore_mem>>
      %dma_start3A_715 = tpu.memref_slice %arg4[%mul3A_712, %mul3A_714] : memref<10240x128xf32, #tpu.memory_space<hbm>> -> memref<640x32xf32, #tpu.memory_space<hbm>>
      %dma_start3A_716 = arith.constant 0 : i32
      %dma_start3A_717 = tpu.memref_slice %arg17[%mul3A_710, %dma_start3A_716] : memref<10240x32xf32, #tpu.memory_space<vmem_shared>> -> memref<640x32xf32, #tpu.memory_space<vmem_shared>>
      tpu.enqueue_dma source(%dma_start3A_717 : memref<640x32xf32, #tpu.memory_space<vmem_shared>>) target(%dma_start3A_715 : memref<640x32xf32, #tpu.memory_space<hbm>>) target_semaphore(%run_scoped3A : memref<!tpu.dma_semaphore, #tpu.memory_space<semaphore_mem>>)
      %dma_wait3A_718 = tpu.memref_slice %arg4[%mul3A_712, %mul3A_714] : memref<10240x128xf32, #tpu.memory_space<hbm>> -> memref<640x32xf32, #tpu.memory_space<hbm>>
      %dma_wait3A_719 = arith.constant 0 : i32
      %dma_wait3A_720 = tpu.memref_slice %arg17[%mul3A_710, %dma_wait3A_719] : memref<10240x32xf32, #tpu.memory_space<vmem_shared>> -> memref<640x32xf32, #tpu.memory_space<vmem_shared>>
      tpu.wait_dma2 semaphore(%run_scoped3A : memref<!tpu.dma_semaphore, #tpu.memory_space<semaphore_mem>>) src(%dma_wait3A_720 : memref<640x32xf32, #tpu.memory_space<vmem_shared>>) dst(%dma_wait3A_718 : memref<640x32xf32, #tpu.memory_space<hbm>>)
      tpu.yield
    }) : () -> ()
    return
  }
}

#map = affine_map<(d0, d1) -> (0, 0, 0, 0)>
#map1 = affine_map<(d0, d1) -> (0, 0, 0)>
module attributes {stable_mosaic.version = 14 : i64} {
  func.func @_sc_deg_body(%arg0: i32, %arg1: i32, %arg2: memref<2x16x160x125xi32, #tpu.memory_space<hbm>>, %arg3: memref<2x10240x16xf32, #tpu.memory_space<hbm>>, %arg4: memref<80x125xi32, #tpu.memory_space<vmem>>, %arg5: memref<125x16xf32, #tpu.memory_space<vmem>>, %arg6: memref<640x16xf32, #tpu.memory_space<vmem>>, %arg7: memref<10240x16xf32, #tpu.memory_space<vmem_shared>>) attributes {dimension_semantics = [#tpu.dimension_semantics<core_parallel>, #tpu.dimension_semantics<subcore_parallel>], iteration_bounds = array<i64: 2, 16>, scalar_prefetch = 0 : i64, scratch_operands = 4 : i64, tpu.core_type = #tpu.core_type<sc_vector_subcore>, window_params = [{transform_indices = #map}, {transform_indices = #map1}]} {
    %mul3A = arith.constant 80 : i32
    %mul3A_0 = arith.muli %arg0, %mul3A : i32
    %run_scoped3A = arith.constant 1 : i32
    "tpu.region"() ({
      %run_scoped3A_28 = tpu.sem_alloc : memref<!tpu.dma_semaphore, #tpu.memory_space<semaphore_mem>>
      %dma_start3A = arith.constant 0 : i32
      %dma_start3A_29 = tpu.memref_slice %arg2[%run_scoped3A, %arg1, %mul3A_0, %dma_start3A] : memref<2x16x160x125xi32, #tpu.memory_space<hbm>> -> memref<1x1x80x125xi32, #tpu.memory_space<hbm>>
      %dma_start3A_30 = tpu.memref_squeeze %dma_start3A_29 : memref<1x1x80x125xi32, #tpu.memory_space<hbm>> -> memref<80x125xi32, #tpu.memory_space<hbm>>
      %dma_start3A_31 = arith.constant 0 : i32
      %dma_start3A_32 = tpu.memref_slice %arg2[%run_scoped3A, %arg1, %mul3A_0, %dma_start3A_31] : memref<2x16x160x125xi32, #tpu.memory_space<hbm>> -> memref<1x1x80x125xi32, #tpu.memory_space<hbm>>
      %dma_start3A_33 = tpu.memref_squeeze %dma_start3A_32 : memref<1x1x80x125xi32, #tpu.memory_space<hbm>> -> memref<80x125xi32, #tpu.memory_space<hbm>>
      tpu.enqueue_dma source(%dma_start3A_33 : memref<80x125xi32, #tpu.memory_space<hbm>>) target(%arg4 : memref<80x125xi32, #tpu.memory_space<vmem>>) target_semaphore(%run_scoped3A_28 : memref<!tpu.dma_semaphore, #tpu.memory_space<semaphore_mem>>)
      %dma_wait3A = arith.constant 0 : i32
      %dma_wait3A_34 = tpu.memref_slice %arg2[%run_scoped3A, %arg1, %mul3A_0, %dma_wait3A] : memref<2x16x160x125xi32, #tpu.memory_space<hbm>> -> memref<1x1x80x125xi32, #tpu.memory_space<hbm>>
      %dma_wait3A_35 = tpu.memref_squeeze %dma_wait3A_34 : memref<1x1x80x125xi32, #tpu.memory_space<hbm>> -> memref<80x125xi32, #tpu.memory_space<hbm>>
      %dma_wait3A_36 = arith.constant 0 : i32
      %dma_wait3A_37 = tpu.memref_slice %arg2[%run_scoped3A, %arg1, %mul3A_0, %dma_wait3A_36] : memref<2x16x160x125xi32, #tpu.memory_space<hbm>> -> memref<1x1x80x125xi32, #tpu.memory_space<hbm>>
      %dma_wait3A_38 = tpu.memref_squeeze %dma_wait3A_37 : memref<1x1x80x125xi32, #tpu.memory_space<hbm>> -> memref<80x125xi32, #tpu.memory_space<hbm>>
      tpu.wait_dma2 semaphore(%run_scoped3A_28 : memref<!tpu.dma_semaphore, #tpu.memory_space<semaphore_mem>>) src(%dma_wait3A_38 : memref<80x125xi32, #tpu.memory_space<hbm>>) dst(%arg4 : memref<80x125xi32, #tpu.memory_space<vmem>>)
      tpu.yield
    }) : () -> ()
    %scan3A = arith.constant 0 : i32
    %scan3A_1 = arith.constant 0 : i32
    %scan3A_2 = arith.constant 125 : i32
    %scan3A_3 = arith.addi %scan3A_1, %scan3A_2 : i32
    %scan3A_4 = arith.constant 1 : i32
    %scan3A_5 = scf.for %scan3A_28 = %scan3A_1 to %scan3A_3 step %scan3A_4 iter_args(%scan3A_29 = %scan3A) -> (i32)  : i32 {
      %broadcast_in_dim3A = arith.constant 1.000000e+00 : f32
      %broadcast_in_dim3A_30 = vector.broadcast %broadcast_in_dim3A : f32 to vector<16xf32>
      %swap3A = arith.index_cast %scan3A_28 : i32 to index
      %swap3A_31 = arith.constant 0 : index
      %swap3A_32 = tpu.vector_load %arg5[%swap3A, %swap3A_31] {strides = array<i32>} : memref<125x16xf32, #tpu.memory_space<vmem>>, vector<1x16xf32>,
      %swap3A_33 = vector.shape_cast %swap3A_32 : vector<1x16xf32> to vector<16xf32>
      %swap3A_34 = vector.shape_cast %broadcast_in_dim3A_30 : vector<16xf32> to vector<1x16xf32>
      tpu.vector_store %arg5[%swap3A, %swap3A_31], %swap3A_34 {strides = array<i32>} : memref<125x16xf32, #tpu.memory_space<vmem>>, vector<1x16xf32>,
      %scan3A_35 = arith.constant 0 : i32
      scf.yield %scan3A_35 : i32
    }
    %scan3A_6 = arith.constant 125 : i32
    %scan3A_7 = arith.constant 0 : i32
    %scan3A_8 = arith.constant 0 : i32
    %scan3A_9 = arith.constant 640 : i32
    %scan3A_10 = arith.addi %scan3A_8, %scan3A_9 : i32
    %scan3A_11 = arith.constant 1 : i32
    %scan3A_12 = scf.for %scan3A_28 = %scan3A_8 to %scan3A_10 step %scan3A_11 iter_args(%scan3A_29 = %scan3A_7) -> (i32)  : i32 {
      %broadcast_in_dim3A = arith.constant 0.000000e+00 : f32
      %broadcast_in_dim3A_30 = vector.broadcast %broadcast_in_dim3A : f32 to vector<16xf32>
      %swap3A = arith.index_cast %scan3A_28 : i32 to index
      %swap3A_31 = arith.constant 0 : index
      %swap3A_32 = tpu.vector_load %arg6[%swap3A, %swap3A_31] {strides = array<i32>} : memref<640x16xf32, #tpu.memory_space<vmem>>, vector<1x16xf32>,
      %swap3A_33 = vector.shape_cast %swap3A_32 : vector<1x16xf32> to vector<16xf32>
      %swap3A_34 = vector.shape_cast %broadcast_in_dim3A_30 : vector<16xf32> to vector<1x16xf32>
      tpu.vector_store %arg6[%swap3A, %swap3A_31], %swap3A_34 {strides = array<i32>} : memref<640x16xf32, #tpu.memory_space<vmem>>, vector<1x16xf32>,
      %scan3A_35 = arith.constant 0 : i32
      scf.yield %scan3A_35 : i32
    }
    %scan3A_13 = arith.constant 640 : i32
    %mul3A_14 = arith.constant 640 : i32
    %mul3A_15 = arith.muli %arg1, %mul3A_14 : i32
    "tpu.region"() ({
      %run_scoped3A_28 = tpu.sem_alloc : memref<!tpu.dma_semaphore, #tpu.memory_space<semaphore_mem>>
      %dma_start3A = arith.constant 0 : i32
      %dma_start3A_29 = tpu.memref_slice %arg7[%mul3A_15, %dma_start3A] : memref<10240x16xf32, #tpu.memory_space<vmem_shared>> -> memref<640x16xf32, #tpu.memory_space<vmem_shared>>
      %dma_start3A_30 = arith.constant 0 : i32
      %dma_start3A_31 = tpu.memref_slice %arg7[%mul3A_15, %dma_start3A_30] : memref<10240x16xf32, #tpu.memory_space<vmem_shared>> -> memref<640x16xf32, #tpu.memory_space<vmem_shared>>
      tpu.enqueue_dma source(%arg6 : memref<640x16xf32, #tpu.memory_space<vmem>>) target(%dma_start3A_31 : memref<640x16xf32, #tpu.memory_space<vmem_shared>>) target_semaphore(%run_scoped3A_28 : memref<!tpu.dma_semaphore, #tpu.memory_space<semaphore_mem>>)
      %dma_wait3A = arith.constant 0 : i32
      %dma_wait3A_32 = tpu.memref_slice %arg7[%mul3A_15, %dma_wait3A] : memref<10240x16xf32, #tpu.memory_space<vmem_shared>> -> memref<640x16xf32, #tpu.memory_space<vmem_shared>>
      %dma_wait3A_33 = arith.constant 0 : i32
      %dma_wait3A_34 = tpu.memref_slice %arg7[%mul3A_15, %dma_wait3A_33] : memref<10240x16xf32, #tpu.memory_space<vmem_shared>> -> memref<640x16xf32, #tpu.memory_space<vmem_shared>>
      tpu.wait_dma2 semaphore(%run_scoped3A_28 : memref<!tpu.dma_semaphore, #tpu.memory_space<semaphore_mem>>) src(%arg6 : memref<640x16xf32, #tpu.memory_space<vmem>>) dst(%dma_wait3A_34 : memref<640x16xf32, #tpu.memory_space<vmem_shared>>)
      tpu.yield
    }) : () -> ()
    %barrier3A = arith.constant 0 : index
    tpu.barrier barrier_id(%barrier3A)
    %scan3A_16 = arith.constant 0 : i32
    %scan3A_17 = arith.constant 0 : i32
    %scan3A_18 = arith.constant 80 : i32
    %scan3A_19 = arith.addi %scan3A_17, %scan3A_18 : i32
    %scan3A_20 = arith.constant 1 : i32
    %scan3A_21 = scf.for %scan3A_28 = %scan3A_17 to %scan3A_19 step %scan3A_20 iter_args(%scan3A_29 = %scan3A_16) -> (i32)  : i32 {
      "tpu.region"() ({
        %run_scoped3A_31 = tpu.sem_alloc : memref<!tpu.dma_semaphore, #tpu.memory_space<semaphore_mem>>
        %dma_start3A = arith.constant 0 : i32
        %dma_start3A_32 = tpu.memref_slice %arg4[%scan3A_28, %dma_start3A] : memref<80x125xi32, #tpu.memory_space<vmem>> -> memref<1x125xi32, #tpu.memory_space<vmem>>
        %dma_start3A_33 = tpu.memref_squeeze %dma_start3A_32 : memref<1x125xi32, #tpu.memory_space<vmem>> -> memref<125xi32, #tpu.memory_space<vmem>>
        %dma_start3A_34 = arith.constant 0 : i32
        %dma_start3A_35 = arith.constant 0 : i32
        %dma_start3A_36 = tpu.memref_slice %arg7[%dma_start3A_34, %dma_start3A_35] : memref<10240x16xf32, #tpu.memory_space<vmem_shared>> -> memref<10240x16xf32, #tpu.memory_space<vmem_shared>>
        tpu.enqueue_indirect_dma source(%arg5 : memref<125x16xf32, #tpu.memory_space<vmem>>) target(%dma_start3A_36 : memref<10240x16xf32, #tpu.memory_space<vmem_shared>>) offsets(%dma_start3A_33 : memref<125xi32, #tpu.memory_space<vmem>>) semaphore(%run_scoped3A_31 : memref<!tpu.dma_semaphore, #tpu.memory_space<semaphore_mem>>) {add = true}
        %dma_wait3A = arith.constant 0 : i32
        %dma_wait3A_37 = tpu.memref_slice %arg4[%scan3A_28, %dma_wait3A] : memref<80x125xi32, #tpu.memory_space<vmem>> -> memref<1x125xi32, #tpu.memory_space<vmem>>
        %dma_wait3A_38 = tpu.memref_squeeze %dma_wait3A_37 : memref<1x125xi32, #tpu.memory_space<vmem>> -> memref<125xi32, #tpu.memory_space<vmem>>
        %dma_wait3A_39 = arith.constant 0 : i32
        %dma_wait3A_40 = arith.constant 0 : i32
        %dma_wait3A_41 = tpu.memref_slice %arg7[%dma_wait3A_39, %dma_wait3A_40] : memref<10240x16xf32, #tpu.memory_space<vmem_shared>> -> memref<10240x16xf32, #tpu.memory_space<vmem_shared>>
        tpu.wait_indirect_dma semaphore(%run_scoped3A_31 : memref<!tpu.dma_semaphore, #tpu.memory_space<semaphore_mem>>) src(%arg5 : memref<125x16xf32, #tpu.memory_space<vmem>>) dst(%dma_wait3A_41 : memref<10240x16xf32, #tpu.memory_space<vmem_shared>>)
        tpu.yield
      }) : () -> ()
      %scan3A_30 = arith.constant 0 : i32
      scf.yield %scan3A_30 : i32
    }
    %scan3A_22 = arith.constant 80 : i32
    %barrier3A_23 = arith.constant 0 : index
    tpu.barrier barrier_id(%barrier3A_23)
    %mul3A_24 = arith.constant 640 : i32
    %mul3A_25 = arith.muli %arg1, %mul3A_24 : i32
    %mul3A_26 = arith.constant 640 : i32
    %mul3A_27 = arith.muli %arg1, %mul3A_26 : i32
    "tpu.region"() ({
      %run_scoped3A_28 = tpu.sem_alloc : memref<!tpu.dma_semaphore, #tpu.memory_space<semaphore_mem>>
      %dma_start3A = arith.constant 0 : i32
      %dma_start3A_29 = tpu.memref_slice %arg3[%arg0, %mul3A_27, %dma_start3A] : memref<2x10240x16xf32, #tpu.memory_space<hbm>> -> memref<1x640x16xf32, #tpu.memory_space<hbm>>
      %dma_start3A_30 = tpu.memref_squeeze %dma_start3A_29 : memref<1x640x16xf32, #tpu.memory_space<hbm>> -> memref<640x16xf32, #tpu.memory_space<hbm>>
      %dma_start3A_31 = arith.constant 0 : i32
      %dma_start3A_32 = tpu.memref_slice %arg7[%mul3A_25, %dma_start3A_31] : memref<10240x16xf32, #tpu.memory_space<vmem_shared>> -> memref<640x16xf32, #tpu.memory_space<vmem_shared>>
      tpu.enqueue_dma source(%dma_start3A_32 : memref<640x16xf32, #tpu.memory_space<vmem_shared>>) target(%dma_start3A_30 : memref<640x16xf32, #tpu.memory_space<hbm>>) target_semaphore(%run_scoped3A_28 : memref<!tpu.dma_semaphore, #tpu.memory_space<semaphore_mem>>)
      %dma_wait3A = arith.constant 0 : i32
      %dma_wait3A_33 = tpu.memref_slice %arg3[%arg0, %mul3A_27, %dma_wait3A] : memref<2x10240x16xf32, #tpu.memory_space<hbm>> -> memref<1x640x16xf32, #tpu.memory_space<hbm>>
      %dma_wait3A_34 = tpu.memref_squeeze %dma_wait3A_33 : memref<1x640x16xf32, #tpu.memory_space<hbm>> -> memref<640x16xf32, #tpu.memory_space<hbm>>
      %dma_wait3A_35 = arith.constant 0 : i32
      %dma_wait3A_36 = tpu.memref_slice %arg7[%mul3A_25, %dma_wait3A_35] : memref<10240x16xf32, #tpu.memory_space<vmem_shared>> -> memref<640x16xf32, #tpu.memory_space<vmem_shared>>
      tpu.wait_dma2 semaphore(%run_scoped3A_28 : memref<!tpu.dma_semaphore, #tpu.memory_space<semaphore_mem>>) src(%dma_wait3A_36 : memref<640x16xf32, #tpu.memory_space<vmem_shared>>) dst(%dma_wait3A_34 : memref<640x16xf32, #tpu.memory_space<hbm>>)
      tpu.yield
    }) : () -> ()
    return
  }
}

#map = affine_map<(d0, d1) -> (0, 0)>
#map1 = affine_map<(d0, d1) -> (0, 0, 0, 0)>
module attributes {stable_mosaic.version = 14 : i64} {
  func.func @_sc_edge_body(%arg0: i32, %arg1: i32, %arg2: memref<10240x128xf32, #tpu.memory_space<hbm>>, %arg3: memref<2x16x160x125xi32, #tpu.memory_space<hbm>>, %arg4: memref<10240x128xf32, #tpu.memory_space<hbm>>, %arg5: memref<160x125xi32, #tpu.memory_space<vmem>>, %arg6: memref<160x125xi32, #tpu.memory_space<vmem>>, %arg7: memref<128x32xf32, #tpu.memory_space<vmem>>, %arg8: memref<125x32xf32, #tpu.memory_space<vmem>>, %arg9: memref<125x32xf32, #tpu.memory_space<vmem>>, %arg10: memref<125x32xf32, #tpu.memory_space<vmem>>, %arg11: memref<125x32xf32, #tpu.memory_space<vmem>>, %arg12: memref<125x32xf32, #tpu.memory_space<vmem>>, %arg13: memref<125x32xf32, #tpu.memory_space<vmem>>, %arg14: memref<125x32xf32, #tpu.memory_space<vmem>>, %arg15: memref<125x32xf32, #tpu.memory_space<vmem>>, %arg16: memref<10240x32xf32, #tpu.memory_space<vmem_shared>>, %arg17: memref<10240x32xf32, #tpu.memory_space<vmem_shared>>, %arg18: memref<!tpu.dma_semaphore, #tpu.memory_space<semaphore_mem>>, %arg19: memref<!tpu.dma_semaphore, #tpu.memory_space<semaphore_mem>>, %arg20: memref<!tpu.dma_semaphore, #tpu.memory_space<semaphore_mem>>, %arg21: memref<!tpu.dma_semaphore, #tpu.memory_space<semaphore_mem>>, %arg22: memref<!tpu.dma_semaphore, #tpu.memory_space<semaphore_mem>>, %arg23: memref<!tpu.dma_semaphore, #tpu.memory_space<semaphore_mem>>, %arg24: memref<!tpu.dma_semaphore, #tpu.memory_space<semaphore_mem>>, %arg25: memref<!tpu.dma_semaphore, #tpu.memory_space<semaphore_mem>>, %arg26: memref<!tpu.dma_semaphore, #tpu.memory_space<semaphore_mem>>, %arg27: memref<!tpu.dma_semaphore, #tpu.memory_space<semaphore_mem>>, %arg28: memref<!tpu.dma_semaphore, #tpu.memory_space<semaphore_mem>>, %arg29: memref<!tpu.dma_semaphore, #tpu.memory_space<semaphore_mem>>, %arg30: memref<!tpu.dma_semaphore, #tpu.memory_space<semaphore_mem>>, %arg31: memref<!tpu.dma_semaphore, #tpu.memory_space<semaphore_mem>>, %arg32: memref<!tpu.dma_semaphore, #tpu.memory_space<semaphore_mem>>, %arg33: memref<!tpu.dma_semaphore, #tpu.memory_space<semaphore_mem>>) attributes {dimension_semantics = [#tpu.dimension_semantics<core_parallel>, #tpu.dimension_semantics<subcore_parallel>], iteration_bounds = array<i64: 2, 16>, scalar_prefetch = 0 : i64, scratch_operands = 29 : i64, tpu.core_type = #tpu.core_type<sc_vector_subcore>, window_params = [{transform_indices = #map}, {transform_indices = #map1}, {transform_indices = #map}]} {
    %dma_start3A = arith.constant 0 : i32
    %dma_start3A_0 = arith.constant 0 : i32
    %dma_start3A_1 = arith.constant 0 : i32
    %dma_start3A_2 = tpu.memref_slice %arg3[%dma_start3A, %arg1, %dma_start3A_0, %dma_start3A_1] : memref<2x16x160x125xi32, #tpu.memory_space<hbm>> -> memref<1x1x160x125xi32, #tpu.memory_space<hbm>>
    %dma_start3A_3 = tpu.memref_squeeze %dma_start3A_2 : memref<1x1x160x125xi32, #tpu.memory_space<hbm>> -> memref<160x125xi32, #tpu.memory_space<hbm>>
    %dma_start3A_4 = arith.constant 0 : i32
    %dma_start3A_5 = arith.constant 0 : i32
    %dma_start3A_6 = tpu.memref_slice %arg3[%dma_start3A, %arg1, %dma_start3A_4, %dma_start3A_5] : memref<2x16x160x125xi32, #tpu.memory_space<hbm>> -> memref<1x1x160x125xi32, #tpu.memory_space<hbm>>
    %dma_start3A_7 = tpu.memref_squeeze %dma_start3A_6 : memref<1x1x160x125xi32, #tpu.memory_space<hbm>> -> memref<160x125xi32, #tpu.memory_space<hbm>>
    tpu.enqueue_dma source(%dma_start3A_7 : memref<160x125xi32, #tpu.memory_space<hbm>>) target(%arg5 : memref<160x125xi32, #tpu.memory_space<vmem>>) target_semaphore(%arg24 : memref<!tpu.dma_semaphore, #tpu.memory_space<semaphore_mem>>)
    %dma_start3A_8 = arith.constant 1 : i32
    %dma_start3A_9 = arith.constant 0 : i32
    %dma_start3A_10 = arith.constant 0 : i32
    %dma_start3A_11 = tpu.memref_slice %arg3[%dma_start3A_8, %arg1, %dma_start3A_9, %dma_start3A_10] : memref<2x16x160x125xi32, #tpu.memory_space<hbm>> -> memref<1x1x160x125xi32, #tpu.memory_space<hbm>>
    %dma_start3A_12 = tpu.memref_squeeze %dma_start3A_11 : memref<1x1x160x125xi32, #tpu.memory_space<hbm>> -> memref<160x125xi32, #tpu.memory_space<hbm>>
    %dma_start3A_13 = arith.constant 0 : i32
    %dma_start3A_14 = arith.constant 0 : i32
    %dma_start3A_15 = tpu.memref_slice %arg3[%dma_start3A_8, %arg1, %dma_start3A_13, %dma_start3A_14] : memref<2x16x160x125xi32, #tpu.memory_space<hbm>> -> memref<1x1x160x125xi32, #tpu.memory_space<hbm>>
    %dma_start3A_16 = tpu.memref_squeeze %dma_start3A_15 : memref<1x1x160x125xi32, #tpu.memory_space<hbm>> -> memref<160x125xi32, #tpu.memory_space<hbm>>
    tpu.enqueue_dma source(%dma_start3A_16 : memref<160x125xi32, #tpu.memory_space<hbm>>) target(%arg6 : memref<160x125xi32, #tpu.memory_space<vmem>>) target_semaphore(%arg25 : memref<!tpu.dma_semaphore, #tpu.memory_space<semaphore_mem>>)
    %scan3A = arith.constant 0 : i32
    %scan3A_17 = arith.constant 0 : i32
    %scan3A_18 = arith.constant 128 : i32
    %scan3A_19 = arith.addi %scan3A_17, %scan3A_18 : i32
    %scan3A_20 = arith.constant 1 : i32
    %scan3A_21 = scf.for %scan3A_715 = %scan3A_17 to %scan3A_19 step %scan3A_20 iter_args(%scan3A_716 = %scan3A) -> (i32)  : i32 {
      %broadcast_in_dim3A = arith.constant 0.000000e+00 : f32
      %broadcast_in_dim3A_717 = vector.broadcast %broadcast_in_dim3A : f32 to vector<16xf32>
      %swap3A = arith.index_cast %scan3A_715 : i32 to index
      %swap3A_718 = arith.constant 0 : index
      %swap3A_719 = tpu.vector_load %arg7[%swap3A, %swap3A_718] {strides = array<i32>} : memref<128x32xf32, #tpu.memory_space<vmem>>, vector<1x16xf32>,
      %swap3A_720 = vector.shape_cast %swap3A_719 : vector<1x16xf32> to vector<16xf32>
      %swap3A_721 = vector.shape_cast %broadcast_in_dim3A_717 : vector<16xf32> to vector<1x16xf32>
      tpu.vector_store %arg7[%swap3A, %swap3A_718], %swap3A_721 {strides = array<i32>} : memref<128x32xf32, #tpu.memory_space<vmem>>, vector<1x16xf32>,
      %broadcast_in_dim3A_722 = arith.constant 0.000000e+00 : f32
      %broadcast_in_dim3A_723 = vector.broadcast %broadcast_in_dim3A_722 : f32 to vector<16xf32>
      %swap3A_724 = arith.index_cast %scan3A_715 : i32 to index
      %swap3A_725 = arith.constant 16 : index
      %swap3A_726 = tpu.vector_load %arg7[%swap3A_724, %swap3A_725] {strides = array<i32>} : memref<128x32xf32, #tpu.memory_space<vmem>>, vector<1x16xf32>,
      %swap3A_727 = vector.shape_cast %swap3A_726 : vector<1x16xf32> to vector<16xf32>
      %swap3A_728 = vector.shape_cast %broadcast_in_dim3A_723 : vector<16xf32> to vector<1x16xf32>
      tpu.vector_store %arg7[%swap3A_724, %swap3A_725], %swap3A_728 {strides = array<i32>} : memref<128x32xf32, #tpu.memory_space<vmem>>, vector<1x16xf32>,
      %scan3A_729 = arith.constant 0 : i32
      scf.yield %scan3A_729 : i32
    }
    %scan3A_22 = arith.constant 128 : i32
    %dma_wait3A = arith.constant 0 : i32
    %dma_wait3A_23 = arith.constant 0 : i32
    %dma_wait3A_24 = arith.constant 0 : i32
    %dma_wait3A_25 = tpu.memref_slice %arg3[%dma_wait3A, %arg1, %dma_wait3A_23, %dma_wait3A_24] : memref<2x16x160x125xi32, #tpu.memory_space<hbm>> -> memref<1x1x160x125xi32, #tpu.memory_space<hbm>>
    %dma_wait3A_26 = tpu.memref_squeeze %dma_wait3A_25 : memref<1x1x160x125xi32, #tpu.memory_space<hbm>> -> memref<160x125xi32, #tpu.memory_space<hbm>>
    %dma_wait3A_27 = arith.constant 0 : i32
    %dma_wait3A_28 = arith.constant 0 : i32
    %dma_wait3A_29 = tpu.memref_slice %arg3[%dma_wait3A, %arg1, %dma_wait3A_27, %dma_wait3A_28] : memref<2x16x160x125xi32, #tpu.memory_space<hbm>> -> memref<1x1x160x125xi32, #tpu.memory_space<hbm>>
    %dma_wait3A_30 = tpu.memref_squeeze %dma_wait3A_29 : memref<1x1x160x125xi32, #tpu.memory_space<hbm>> -> memref<160x125xi32, #tpu.memory_space<hbm>>
    tpu.wait_dma2 semaphore(%arg24 : memref<!tpu.dma_semaphore, #tpu.memory_space<semaphore_mem>>) src(%dma_wait3A_30 : memref<160x125xi32, #tpu.memory_space<hbm>>) dst(%arg5 : memref<160x125xi32, #tpu.memory_space<vmem>>)
    %dma_wait3A_31 = arith.constant 1 : i32
    %dma_wait3A_32 = arith.constant 0 : i32
    %dma_wait3A_33 = arith.constant 0 : i32
    %dma_wait3A_34 = tpu.memref_slice %arg3[%dma_wait3A_31, %arg1, %dma_wait3A_32, %dma_wait3A_33] : memref<2x16x160x125xi32, #tpu.memory_space<hbm>> -> memref<1x1x160x125xi32, #tpu.memory_space<hbm>>
    %dma_wait3A_35 = tpu.memref_squeeze %dma_wait3A_34 : memref<1x1x160x125xi32, #tpu.memory_space<hbm>> -> memref<160x125xi32, #tpu.memory_space<hbm>>
    %dma_wait3A_36 = arith.constant 0 : i32
    %dma_wait3A_37 = arith.constant 0 : i32
    %dma_wait3A_38 = tpu.memref_slice %arg3[%dma_wait3A_31, %arg1, %dma_wait3A_36, %dma_wait3A_37] : memref<2x16x160x125xi32, #tpu.memory_space<hbm>> -> memref<1x1x160x125xi32, #tpu.memory_space<hbm>>
    %dma_wait3A_39 = tpu.memref_squeeze %dma_wait3A_38 : memref<1x1x160x125xi32, #tpu.memory_space<hbm>> -> memref<160x125xi32, #tpu.memory_space<hbm>>
    tpu.wait_dma2 semaphore(%arg25 : memref<!tpu.dma_semaphore, #tpu.memory_space<semaphore_mem>>) src(%dma_wait3A_39 : memref<160x125xi32, #tpu.memory_space<hbm>>) dst(%arg6 : memref<160x125xi32, #tpu.memory_space<vmem>>)
    %add3A = arith.constant 0 : i32
    %add3A_40 = arith.addi %add3A, %arg0 : i32
    %mul3A = arith.constant 640 : i32
    %mul3A_41 = arith.muli %arg1, %mul3A : i32
    %mul3A_42 = arith.constant 32 : i32
    %mul3A_43 = arith.muli %add3A_40, %mul3A_42 : i32
    %mul3A_44 = arith.constant 640 : i32
    %mul3A_45 = arith.muli %arg1, %mul3A_44 : i32
    %dma_start3A_46 = arith.constant 0 : i32
    %dma_start3A_47 = tpu.memref_slice %arg16[%mul3A_45, %dma_start3A_46] : memref<10240x32xf32, #tpu.memory_space<vmem_shared>> -> memref<640x32xf32, #tpu.memory_space<vmem_shared>>
    %dma_start3A_48 = tpu.memref_slice %arg2[%mul3A_41, %mul3A_43] : memref<10240x128xf32, #tpu.memory_space<hbm>> -> memref<640x32xf32, #tpu.memory_space<hbm>>
    tpu.enqueue_dma source(%dma_start3A_48 : memref<640x32xf32, #tpu.memory_space<hbm>>) target(%dma_start3A_47 : memref<640x32xf32, #tpu.memory_space<vmem_shared>>) target_semaphore(%arg23 : memref<!tpu.dma_semaphore, #tpu.memory_space<semaphore_mem>>)
    %mul3A_49 = arith.constant 640 : i32
    %mul3A_50 = arith.muli %arg1, %mul3A_49 : i32
    %add3A_51 = arith.constant 0 : i32
    %add3A_52 = arith.addi %mul3A_50, %add3A_51 : i32
    %dma_start3A_53 = arith.constant 0 : i32
    %dma_start3A_54 = tpu.memref_slice %arg17[%add3A_52, %dma_start3A_53] : memref<10240x32xf32, #tpu.memory_space<vmem_shared>> -> memref<128x32xf32, #tpu.memory_space<vmem_shared>>
    %dma_start3A_55 = arith.constant 0 : i32
    %dma_start3A_56 = tpu.memref_slice %arg17[%add3A_52, %dma_start3A_55] : memref<10240x32xf32, #tpu.memory_space<vmem_shared>> -> memref<128x32xf32, #tpu.memory_space<vmem_shared>>
    tpu.enqueue_dma source(%arg7 : memref<128x32xf32, #tpu.memory_space<vmem>>) target(%dma_start3A_56 : memref<128x32xf32, #tpu.memory_space<vmem_shared>>) target_semaphore(%arg18 : memref<!tpu.dma_semaphore, #tpu.memory_space<semaphore_mem>>)
    %mul3A_57 = arith.constant 640 : i32
    %mul3A_58 = arith.muli %arg1, %mul3A_57 : i32
    %add3A_59 = arith.constant 128 : i32
    %add3A_60 = arith.addi %mul3A_58, %add3A_59 : i32
    %dma_start3A_61 = arith.constant 0 : i32
    %dma_start3A_62 = tpu.memref_slice %arg17[%add3A_60, %dma_start3A_61] : memref<10240x32xf32, #tpu.memory_space<vmem_shared>> -> memref<128x32xf32, #tpu.memory_space<vmem_shared>>
    %dma_start3A_63 = arith.constant 0 : i32
    %dma_start3A_64 = tpu.memref_slice %arg17[%add3A_60, %dma_start3A_63] : memref<10240x32xf32, #tpu.memory_space<vmem_shared>> -> memref<128x32xf32, #tpu.memory_space<vmem_shared>>
    tpu.enqueue_dma source(%arg7 : memref<128x32xf32, #tpu.memory_space<vmem>>) target(%dma_start3A_64 : memref<128x32xf32, #tpu.memory_space<vmem_shared>>) target_semaphore(%arg19 : memref<!tpu.dma_semaphore, #tpu.memory_space<semaphore_mem>>)
    %mul3A_65 = arith.constant 640 : i32
    %mul3A_66 = arith.muli %arg1, %mul3A_65 : i32
    %add3A_67 = arith.constant 256 : i32
    %add3A_68 = arith.addi %mul3A_66, %add3A_67 : i32
    %dma_start3A_69 = arith.constant 0 : i32
    %dma_start3A_70 = tpu.memref_slice %arg17[%add3A_68, %dma_start3A_69] : memref<10240x32xf32, #tpu.memory_space<vmem_shared>> -> memref<128x32xf32, #tpu.memory_space<vmem_shared>>
    %dma_start3A_71 = arith.constant 0 : i32
    %dma_start3A_72 = tpu.memref_slice %arg17[%add3A_68, %dma_start3A_71] : memref<10240x32xf32, #tpu.memory_space<vmem_shared>> -> memref<128x32xf32, #tpu.memory_space<vmem_shared>>
    tpu.enqueue_dma source(%arg7 : memref<128x32xf32, #tpu.memory_space<vmem>>) target(%dma_start3A_72 : memref<128x32xf32, #tpu.memory_space<vmem_shared>>) target_semaphore(%arg20 : memref<!tpu.dma_semaphore, #tpu.memory_space<semaphore_mem>>)
    %mul3A_73 = arith.constant 640 : i32
    %mul3A_74 = arith.muli %arg1, %mul3A_73 : i32
    %add3A_75 = arith.constant 384 : i32
    %add3A_76 = arith.addi %mul3A_74, %add3A_75 : i32
    %dma_start3A_77 = arith.constant 0 : i32
    %dma_start3A_78 = tpu.memref_slice %arg17[%add3A_76, %dma_start3A_77] : memref<10240x32xf32, #tpu.memory_space<vmem_shared>> -> memref<128x32xf32, #tpu.memory_space<vmem_shared>>
    %dma_start3A_79 = arith.constant 0 : i32
    %dma_start3A_80 = tpu.memref_slice %arg17[%add3A_76, %dma_start3A_79] : memref<10240x32xf32, #tpu.memory_space<vmem_shared>> -> memref<128x32xf32, #tpu.memory_space<vmem_shared>>
    tpu.enqueue_dma source(%arg7 : memref<128x32xf32, #tpu.memory_space<vmem>>) target(%dma_start3A_80 : memref<128x32xf32, #tpu.memory_space<vmem_shared>>) target_semaphore(%arg21 : memref<!tpu.dma_semaphore, #tpu.memory_space<semaphore_mem>>)
    %mul3A_81 = arith.constant 640 : i32
    %mul3A_82 = arith.muli %arg1, %mul3A_81 : i32
    %add3A_83 = arith.constant 512 : i32
    %add3A_84 = arith.addi %mul3A_82, %add3A_83 : i32
    %dma_start3A_85 = arith.constant 0 : i32
    %dma_start3A_86 = tpu.memref_slice %arg17[%add3A_84, %dma_start3A_85] : memref<10240x32xf32, #tpu.memory_space<vmem_shared>> -> memref<128x32xf32, #tpu.memory_space<vmem_shared>>
    %dma_start3A_87 = arith.constant 0 : i32
    %dma_start3A_88 = tpu.memref_slice %arg17[%add3A_84, %dma_start3A_87] : memref<10240x32xf32, #tpu.memory_space<vmem_shared>> -> memref<128x32xf32, #tpu.memory_space<vmem_shared>>
    tpu.enqueue_dma source(%arg7 : memref<128x32xf32, #tpu.memory_space<vmem>>) target(%dma_start3A_88 : memref<128x32xf32, #tpu.memory_space<vmem_shared>>) target_semaphore(%arg22 : memref<!tpu.dma_semaphore, #tpu.memory_space<semaphore_mem>>)
    %mul3A_89 = arith.constant 640 : i32
    %mul3A_90 = arith.muli %arg1, %mul3A_89 : i32
    %mul3A_91 = arith.constant 32 : i32
    %mul3A_92 = arith.muli %add3A_40, %mul3A_91 : i32
    %mul3A_93 = arith.constant 640 : i32
    %mul3A_94 = arith.muli %arg1, %mul3A_93 : i32
    %dma_wait3A_95 = arith.constant 0 : i32
    %dma_wait3A_96 = tpu.memref_slice %arg16[%mul3A_94, %dma_wait3A_95] : memref<10240x32xf32, #tpu.memory_space<vmem_shared>> -> memref<640x32xf32, #tpu.memory_space<vmem_shared>>
    %dma_wait3A_97 = tpu.memref_slice %arg2[%mul3A_90, %mul3A_92] : memref<10240x128xf32, #tpu.memory_space<hbm>> -> memref<640x32xf32, #tpu.memory_space<hbm>>
    tpu.wait_dma2 semaphore(%arg23 : memref<!tpu.dma_semaphore, #tpu.memory_space<semaphore_mem>>) src(%dma_wait3A_97 : memref<640x32xf32, #tpu.memory_space<hbm>>) dst(%dma_wait3A_96 : memref<640x32xf32, #tpu.memory_space<vmem_shared>>)
    %mul3A_98 = arith.constant 640 : i32
    %mul3A_99 = arith.muli %arg1, %mul3A_98 : i32
    %add3A_100 = arith.constant 0 : i32
    %add3A_101 = arith.addi %mul3A_99, %add3A_100 : i32
    %dma_wait3A_102 = arith.constant 0 : i32
    %dma_wait3A_103 = tpu.memref_slice %arg17[%add3A_101, %dma_wait3A_102] : memref<10240x32xf32, #tpu.memory_space<vmem_shared>> -> memref<128x32xf32, #tpu.memory_space<vmem_shared>>
    %dma_wait3A_104 = arith.constant 0 : i32
    %dma_wait3A_105 = tpu.memref_slice %arg17[%add3A_101, %dma_wait3A_104] : memref<10240x32xf32, #tpu.memory_space<vmem_shared>> -> memref<128x32xf32, #tpu.memory_space<vmem_shared>>
    tpu.wait_dma2 semaphore(%arg18 : memref<!tpu.dma_semaphore, #tpu.memory_space<semaphore_mem>>) src(%arg7 : memref<128x32xf32, #tpu.memory_space<vmem>>) dst(%dma_wait3A_105 : memref<128x32xf32, #tpu.memory_space<vmem_shared>>)
    %mul3A_106 = arith.constant 640 : i32
    %mul3A_107 = arith.muli %arg1, %mul3A_106 : i32
    %add3A_108 = arith.constant 128 : i32
    %add3A_109 = arith.addi %mul3A_107, %add3A_108 : i32
    %dma_wait3A_110 = arith.constant 0 : i32
    %dma_wait3A_111 = tpu.memref_slice %arg17[%add3A_109, %dma_wait3A_110] : memref<10240x32xf32, #tpu.memory_space<vmem_shared>> -> memref<128x32xf32, #tpu.memory_space<vmem_shared>>
    %dma_wait3A_112 = arith.constant 0 : i32
    %dma_wait3A_113 = tpu.memref_slice %arg17[%add3A_109, %dma_wait3A_112] : memref<10240x32xf32, #tpu.memory_space<vmem_shared>> -> memref<128x32xf32, #tpu.memory_space<vmem_shared>>
    tpu.wait_dma2 semaphore(%arg19 : memref<!tpu.dma_semaphore, #tpu.memory_space<semaphore_mem>>) src(%arg7 : memref<128x32xf32, #tpu.memory_space<vmem>>) dst(%dma_wait3A_113 : memref<128x32xf32, #tpu.memory_space<vmem_shared>>)
    %mul3A_114 = arith.constant 640 : i32
    %mul3A_115 = arith.muli %arg1, %mul3A_114 : i32
    %add3A_116 = arith.constant 256 : i32
    %add3A_117 = arith.addi %mul3A_115, %add3A_116 : i32
    %dma_wait3A_118 = arith.constant 0 : i32
    %dma_wait3A_119 = tpu.memref_slice %arg17[%add3A_117, %dma_wait3A_118] : memref<10240x32xf32, #tpu.memory_space<vmem_shared>> -> memref<128x32xf32, #tpu.memory_space<vmem_shared>>
    %dma_wait3A_120 = arith.constant 0 : i32
    %dma_wait3A_121 = tpu.memref_slice %arg17[%add3A_117, %dma_wait3A_120] : memref<10240x32xf32, #tpu.memory_space<vmem_shared>> -> memref<128x32xf32, #tpu.memory_space<vmem_shared>>
    tpu.wait_dma2 semaphore(%arg20 : memref<!tpu.dma_semaphore, #tpu.memory_space<semaphore_mem>>) src(%arg7 : memref<128x32xf32, #tpu.memory_space<vmem>>) dst(%dma_wait3A_121 : memref<128x32xf32, #tpu.memory_space<vmem_shared>>)
    %mul3A_122 = arith.constant 640 : i32
    %mul3A_123 = arith.muli %arg1, %mul3A_122 : i32
    %add3A_124 = arith.constant 384 : i32
    %add3A_125 = arith.addi %mul3A_123, %add3A_124 : i32
    %dma_wait3A_126 = arith.constant 0 : i32
    %dma_wait3A_127 = tpu.memref_slice %arg17[%add3A_125, %dma_wait3A_126] : memref<10240x32xf32, #tpu.memory_space<vmem_shared>> -> memref<128x32xf32, #tpu.memory_space<vmem_shared>>
    %dma_wait3A_128 = arith.constant 0 : i32
    %dma_wait3A_129 = tpu.memref_slice %arg17[%add3A_125, %dma_wait3A_128] : memref<10240x32xf32, #tpu.memory_space<vmem_shared>> -> memref<128x32xf32, #tpu.memory_space<vmem_shared>>
    tpu.wait_dma2 semaphore(%arg21 : memref<!tpu.dma_semaphore, #tpu.memory_space<semaphore_mem>>) src(%arg7 : memref<128x32xf32, #tpu.memory_space<vmem>>) dst(%dma_wait3A_129 : memref<128x32xf32, #tpu.memory_space<vmem_shared>>)
    %mul3A_130 = arith.constant 640 : i32
    %mul3A_131 = arith.muli %arg1, %mul3A_130 : i32
    %add3A_132 = arith.constant 512 : i32
    %add3A_133 = arith.addi %mul3A_131, %add3A_132 : i32
    %dma_wait3A_134 = arith.constant 0 : i32
    %dma_wait3A_135 = tpu.memref_slice %arg17[%add3A_133, %dma_wait3A_134] : memref<10240x32xf32, #tpu.memory_space<vmem_shared>> -> memref<128x32xf32, #tpu.memory_space<vmem_shared>>
    %dma_wait3A_136 = arith.constant 0 : i32
    %dma_wait3A_137 = tpu.memref_slice %arg17[%add3A_133, %dma_wait3A_136] : memref<10240x32xf32, #tpu.memory_space<vmem_shared>> -> memref<128x32xf32, #tpu.memory_space<vmem_shared>>
    tpu.wait_dma2 semaphore(%arg22 : memref<!tpu.dma_semaphore, #tpu.memory_space<semaphore_mem>>) src(%arg7 : memref<128x32xf32, #tpu.memory_space<vmem>>) dst(%dma_wait3A_137 : memref<128x32xf32, #tpu.memory_space<vmem_shared>>)
    %barrier3A = arith.constant 0 : index
    tpu.barrier barrier_id(%barrier3A)
    %dma_start3A_138 = arith.constant 0 : i32
    %dma_start3A_139 = arith.constant 0 : i32
    %dma_start3A_140 = tpu.memref_slice %arg5[%dma_start3A_138, %dma_start3A_139] : memref<160x125xi32, #tpu.memory_space<vmem>> -> memref<1x125xi32, #tpu.memory_space<vmem>>
    %dma_start3A_141 = tpu.memref_squeeze %dma_start3A_140 : memref<1x125xi32, #tpu.memory_space<vmem>> -> memref<125xi32, #tpu.memory_space<vmem>>
    %dma_start3A_142 = arith.constant 0 : i32
    %dma_start3A_143 = arith.constant 0 : i32
    %dma_start3A_144 = tpu.memref_slice %arg16[%dma_start3A_142, %dma_start3A_143] : memref<10240x32xf32, #tpu.memory_space<vmem_shared>> -> memref<10240x32xf32, #tpu.memory_space<vmem_shared>>
    tpu.enqueue_indirect_dma source(%dma_start3A_144 : memref<10240x32xf32, #tpu.memory_space<vmem_shared>>) target(%arg8 : memref<125x32xf32, #tpu.memory_space<vmem>>) offsets(%dma_start3A_141 : memref<125xi32, #tpu.memory_space<vmem>>) semaphore(%arg18 : memref<!tpu.dma_semaphore, #tpu.memory_space<semaphore_mem>>)
    %dma_start3A_145 = arith.constant 1 : i32
    %dma_start3A_146 = arith.constant 0 : i32
    %dma_start3A_147 = tpu.memref_slice %arg5[%dma_start3A_145, %dma_start3A_146] : memref<160x125xi32, #tpu.memory_space<vmem>> -> memref<1x125xi32, #tpu.memory_space<vmem>>
    %dma_start3A_148 = tpu.memref_squeeze %dma_start3A_147 : memref<1x125xi32, #tpu.memory_space<vmem>> -> memref<125xi32, #tpu.memory_space<vmem>>
    %dma_start3A_149 = arith.constant 0 : i32
    %dma_start3A_150 = arith.constant 0 : i32
    %dma_start3A_151 = tpu.memref_slice %arg16[%dma_start3A_149, %dma_start3A_150] : memref<10240x32xf32, #tpu.memory_space<vmem_shared>> -> memref<10240x32xf32, #tpu.memory_space<vmem_shared>>
    tpu.enqueue_indirect_dma source(%dma_start3A_151 : memref<10240x32xf32, #tpu.memory_space<vmem_shared>>) target(%arg9 : memref<125x32xf32, #tpu.memory_space<vmem>>) offsets(%dma_start3A_148 : memref<125xi32, #tpu.memory_space<vmem>>) semaphore(%arg19 : memref<!tpu.dma_semaphore, #tpu.memory_space<semaphore_mem>>)
    %dma_start3A_152 = arith.constant 2 : i32
    %dma_start3A_153 = arith.constant 0 : i32
    %dma_start3A_154 = tpu.memref_slice %arg5[%dma_start3A_152, %dma_start3A_153] : memref<160x125xi32, #tpu.memory_space<vmem>> -> memref<1x125xi32, #tpu.memory_space<vmem>>
    %dma_start3A_155 = tpu.memref_squeeze %dma_start3A_154 : memref<1x125xi32, #tpu.memory_space<vmem>> -> memref<125xi32, #tpu.memory_space<vmem>>
    %dma_start3A_156 = arith.constant 0 : i32
    %dma_start3A_157 = arith.constant 0 : i32
    %dma_start3A_158 = tpu.memref_slice %arg16[%dma_start3A_156, %dma_start3A_157] : memref<10240x32xf32, #tpu.memory_space<vmem_shared>> -> memref<10240x32xf32, #tpu.memory_space<vmem_shared>>
    tpu.enqueue_indirect_dma source(%dma_start3A_158 : memref<10240x32xf32, #tpu.memory_space<vmem_shared>>) target(%arg10 : memref<125x32xf32, #tpu.memory_space<vmem>>) offsets(%dma_start3A_155 : memref<125xi32, #tpu.memory_space<vmem>>) semaphore(%arg20 : memref<!tpu.dma_semaphore, #tpu.memory_space<semaphore_mem>>)
    %dma_start3A_159 = arith.constant 3 : i32
    %dma_start3A_160 = arith.constant 0 : i32
    %dma_start3A_161 = tpu.memref_slice %arg5[%dma_start3A_159, %dma_start3A_160] : memref<160x125xi32, #tpu.memory_space<vmem>> -> memref<1x125xi32, #tpu.memory_space<vmem>>
    %dma_start3A_162 = tpu.memref_squeeze %dma_start3A_161 : memref<1x125xi32, #tpu.memory_space<vmem>> -> memref<125xi32, #tpu.memory_space<vmem>>
    %dma_start3A_163 = arith.constant 0 : i32
    %dma_start3A_164 = arith.constant 0 : i32
    %dma_start3A_165 = tpu.memref_slice %arg16[%dma_start3A_163, %dma_start3A_164] : memref<10240x32xf32, #tpu.memory_space<vmem_shared>> -> memref<10240x32xf32, #tpu.memory_space<vmem_shared>>
    tpu.enqueue_indirect_dma source(%dma_start3A_165 : memref<10240x32xf32, #tpu.memory_space<vmem_shared>>) target(%arg11 : memref<125x32xf32, #tpu.memory_space<vmem>>) offsets(%dma_start3A_162 : memref<125xi32, #tpu.memory_space<vmem>>) semaphore(%arg21 : memref<!tpu.dma_semaphore, #tpu.memory_space<semaphore_mem>>)
    %dma_start3A_166 = arith.constant 4 : i32
    %dma_start3A_167 = arith.constant 0 : i32
    %dma_start3A_168 = tpu.memref_slice %arg5[%dma_start3A_166, %dma_start3A_167] : memref<160x125xi32, #tpu.memory_space<vmem>> -> memref<1x125xi32, #tpu.memory_space<vmem>>
    %dma_start3A_169 = tpu.memref_squeeze %dma_start3A_168 : memref<1x125xi32, #tpu.memory_space<vmem>> -> memref<125xi32, #tpu.memory_space<vmem>>
    %dma_start3A_170 = arith.constant 0 : i32
    %dma_start3A_171 = arith.constant 0 : i32
    %dma_start3A_172 = tpu.memref_slice %arg16[%dma_start3A_170, %dma_start3A_171] : memref<10240x32xf32, #tpu.memory_space<vmem_shared>> -> memref<10240x32xf32, #tpu.memory_space<vmem_shared>>
    tpu.enqueue_indirect_dma source(%dma_start3A_172 : memref<10240x32xf32, #tpu.memory_space<vmem_shared>>) target(%arg12 : memref<125x32xf32, #tpu.memory_space<vmem>>) offsets(%dma_start3A_169 : memref<125xi32, #tpu.memory_space<vmem>>) semaphore(%arg22 : memref<!tpu.dma_semaphore, #tpu.memory_space<semaphore_mem>>)
    %dma_start3A_173 = arith.constant 5 : i32
    %dma_start3A_174 = arith.constant 0 : i32
    %dma_start3A_175 = tpu.memref_slice %arg5[%dma_start3A_173, %dma_start3A_174] : memref<160x125xi32, #tpu.memory_space<vmem>> -> memref<1x125xi32, #tpu.memory_space<vmem>>
    %dma_start3A_176 = tpu.memref_squeeze %dma_start3A_175 : memref<1x125xi32, #tpu.memory_space<vmem>> -> memref<125xi32, #tpu.memory_space<vmem>>
    %dma_start3A_177 = arith.constant 0 : i32
    %dma_start3A_178 = arith.constant 0 : i32
    %dma_start3A_179 = tpu.memref_slice %arg16[%dma_start3A_177, %dma_start3A_178] : memref<10240x32xf32, #tpu.memory_space<vmem_shared>> -> memref<10240x32xf32, #tpu.memory_space<vmem_shared>>
    tpu.enqueue_indirect_dma source(%dma_start3A_179 : memref<10240x32xf32, #tpu.memory_space<vmem_shared>>) target(%arg13 : memref<125x32xf32, #tpu.memory_space<vmem>>) offsets(%dma_start3A_176 : memref<125xi32, #tpu.memory_space<vmem>>) semaphore(%arg23 : memref<!tpu.dma_semaphore, #tpu.memory_space<semaphore_mem>>)
    %dma_start3A_180 = arith.constant 6 : i32
    %dma_start3A_181 = arith.constant 0 : i32
    %dma_start3A_182 = tpu.memref_slice %arg5[%dma_start3A_180, %dma_start3A_181] : memref<160x125xi32, #tpu.memory_space<vmem>> -> memref<1x125xi32, #tpu.memory_space<vmem>>
    %dma_start3A_183 = tpu.memref_squeeze %dma_start3A_182 : memref<1x125xi32, #tpu.memory_space<vmem>> -> memref<125xi32, #tpu.memory_space<vmem>>
    %dma_start3A_184 = arith.constant 0 : i32
    %dma_start3A_185 = arith.constant 0 : i32
    %dma_start3A_186 = tpu.memref_slice %arg16[%dma_start3A_184, %dma_start3A_185] : memref<10240x32xf32, #tpu.memory_space<vmem_shared>> -> memref<10240x32xf32, #tpu.memory_space<vmem_shared>>
    tpu.enqueue_indirect_dma source(%dma_start3A_186 : memref<10240x32xf32, #tpu.memory_space<vmem_shared>>) target(%arg14 : memref<125x32xf32, #tpu.memory_space<vmem>>) offsets(%dma_start3A_183 : memref<125xi32, #tpu.memory_space<vmem>>) semaphore(%arg24 : memref<!tpu.dma_semaphore, #tpu.memory_space<semaphore_mem>>)
    %dma_start3A_187 = arith.constant 7 : i32
    %dma_start3A_188 = arith.constant 0 : i32
    %dma_start3A_189 = tpu.memref_slice %arg5[%dma_start3A_187, %dma_start3A_188] : memref<160x125xi32, #tpu.memory_space<vmem>> -> memref<1x125xi32, #tpu.memory_space<vmem>>
    %dma_start3A_190 = tpu.memref_squeeze %dma_start3A_189 : memref<1x125xi32, #tpu.memory_space<vmem>> -> memref<125xi32, #tpu.memory_space<vmem>>
    %dma_start3A_191 = arith.constant 0 : i32
    %dma_start3A_192 = arith.constant 0 : i32
    %dma_start3A_193 = tpu.memref_slice %arg16[%dma_start3A_191, %dma_start3A_192] : memref<10240x32xf32, #tpu.memory_space<vmem_shared>> -> memref<10240x32xf32, #tpu.memory_space<vmem_shared>>
    tpu.enqueue_indirect_dma source(%dma_start3A_193 : memref<10240x32xf32, #tpu.memory_space<vmem_shared>>) target(%arg15 : memref<125x32xf32, #tpu.memory_space<vmem>>) offsets(%dma_start3A_190 : memref<125xi32, #tpu.memory_space<vmem>>) semaphore(%arg25 : memref<!tpu.dma_semaphore, #tpu.memory_space<semaphore_mem>>)
    %scan3A_194 = arith.constant 0 : i32
    %scan3A_195 = arith.constant 0 : i32
    %scan3A_196 = arith.constant 19 : i32
    %scan3A_197 = arith.addi %scan3A_195, %scan3A_196 : i32
    %scan3A_198 = arith.constant 1 : i32
    %scan3A_199 = scf.for %scan3A_715 = %scan3A_195 to %scan3A_197 step %scan3A_198 iter_args(%scan3A_716 = %scan3A_194) -> (i32)  : i32 {
      %mul3A_717 = arith.constant 8 : i32
      %mul3A_718 = arith.muli %mul3A_717, %scan3A_715 : i32
      %add3A_719 = arith.constant 0 : i32
      %add3A_720 = arith.addi %mul3A_718, %add3A_719 : i32
      %add3A_721 = arith.constant 0 : i32
      %add3A_722 = arith.addi %add3A_720, %add3A_721 : i32
      %dma_wait3A_723 = arith.constant 0 : i32
      %dma_wait3A_724 = tpu.memref_slice %arg5[%add3A_722, %dma_wait3A_723] : memref<160x125xi32, #tpu.memory_space<vmem>> -> memref<1x125xi32, #tpu.memory_space<vmem>>
      %dma_wait3A_725 = tpu.memref_squeeze %dma_wait3A_724 : memref<1x125xi32, #tpu.memory_space<vmem>> -> memref<125xi32, #tpu.memory_space<vmem>>
      %dma_wait3A_726 = arith.constant 0 : i32
      %dma_wait3A_727 = arith.constant 0 : i32
      %dma_wait3A_728 = tpu.memref_slice %arg16[%dma_wait3A_726, %dma_wait3A_727] : memref<10240x32xf32, #tpu.memory_space<vmem_shared>> -> memref<10240x32xf32, #tpu.memory_space<vmem_shared>>
      tpu.wait_indirect_dma semaphore(%arg18 : memref<!tpu.dma_semaphore, #tpu.memory_space<semaphore_mem>>) src(%dma_wait3A_728 : memref<10240x32xf32, #tpu.memory_space<vmem_shared>>) dst(%arg8 : memref<125x32xf32, #tpu.memory_space<vmem>>)
      %add3A_729 = arith.constant 1 : i32
      %add3A_730 = arith.addi %add3A_720, %add3A_729 : i32
      %dma_wait3A_731 = arith.constant 0 : i32
      %dma_wait3A_732 = tpu.memref_slice %arg5[%add3A_730, %dma_wait3A_731] : memref<160x125xi32, #tpu.memory_space<vmem>> -> memref<1x125xi32, #tpu.memory_space<vmem>>
      %dma_wait3A_733 = tpu.memref_squeeze %dma_wait3A_732 : memref<1x125xi32, #tpu.memory_space<vmem>> -> memref<125xi32, #tpu.memory_space<vmem>>
      %dma_wait3A_734 = arith.constant 0 : i32
      %dma_wait3A_735 = arith.constant 0 : i32
      %dma_wait3A_736 = tpu.memref_slice %arg16[%dma_wait3A_734, %dma_wait3A_735] : memref<10240x32xf32, #tpu.memory_space<vmem_shared>> -> memref<10240x32xf32, #tpu.memory_space<vmem_shared>>
      tpu.wait_indirect_dma semaphore(%arg19 : memref<!tpu.dma_semaphore, #tpu.memory_space<semaphore_mem>>) src(%dma_wait3A_736 : memref<10240x32xf32, #tpu.memory_space<vmem_shared>>) dst(%arg9 : memref<125x32xf32, #tpu.memory_space<vmem>>)
      %add3A_737 = arith.constant 2 : i32
      %add3A_738 = arith.addi %add3A_720, %add3A_737 : i32
      %dma_wait3A_739 = arith.constant 0 : i32
      %dma_wait3A_740 = tpu.memref_slice %arg5[%add3A_738, %dma_wait3A_739] : memref<160x125xi32, #tpu.memory_space<vmem>> -> memref<1x125xi32, #tpu.memory_space<vmem>>
      %dma_wait3A_741 = tpu.memref_squeeze %dma_wait3A_740 : memref<1x125xi32, #tpu.memory_space<vmem>> -> memref<125xi32, #tpu.memory_space<vmem>>
      %dma_wait3A_742 = arith.constant 0 : i32
      %dma_wait3A_743 = arith.constant 0 : i32
      %dma_wait3A_744 = tpu.memref_slice %arg16[%dma_wait3A_742, %dma_wait3A_743] : memref<10240x32xf32, #tpu.memory_space<vmem_shared>> -> memref<10240x32xf32, #tpu.memory_space<vmem_shared>>
      tpu.wait_indirect_dma semaphore(%arg20 : memref<!tpu.dma_semaphore, #tpu.memory_space<semaphore_mem>>) src(%dma_wait3A_744 : memref<10240x32xf32, #tpu.memory_space<vmem_shared>>) dst(%arg10 : memref<125x32xf32, #tpu.memory_space<vmem>>)
      %add3A_745 = arith.constant 3 : i32
      %add3A_746 = arith.addi %add3A_720, %add3A_745 : i32
      %dma_wait3A_747 = arith.constant 0 : i32
      %dma_wait3A_748 = tpu.memref_slice %arg5[%add3A_746, %dma_wait3A_747] : memref<160x125xi32, #tpu.memory_space<vmem>> -> memref<1x125xi32, #tpu.memory_space<vmem>>
      %dma_wait3A_749 = tpu.memref_squeeze %dma_wait3A_748 : memref<1x125xi32, #tpu.memory_space<vmem>> -> memref<125xi32, #tpu.memory_space<vmem>>
      %dma_wait3A_750 = arith.constant 0 : i32
      %dma_wait3A_751 = arith.constant 0 : i32
      %dma_wait3A_752 = tpu.memref_slice %arg16[%dma_wait3A_750, %dma_wait3A_751] : memref<10240x32xf32, #tpu.memory_space<vmem_shared>> -> memref<10240x32xf32, #tpu.memory_space<vmem_shared>>
      tpu.wait_indirect_dma semaphore(%arg21 : memref<!tpu.dma_semaphore, #tpu.memory_space<semaphore_mem>>) src(%dma_wait3A_752 : memref<10240x32xf32, #tpu.memory_space<vmem_shared>>) dst(%arg11 : memref<125x32xf32, #tpu.memory_space<vmem>>)
      %add3A_753 = arith.constant 0 : i32
      %add3A_754 = arith.addi %add3A_720, %add3A_753 : i32
      %dma_start3A_755 = arith.constant 0 : i32
      %dma_start3A_756 = tpu.memref_slice %arg6[%add3A_754, %dma_start3A_755] : memref<160x125xi32, #tpu.memory_space<vmem>> -> memref<1x125xi32, #tpu.memory_space<vmem>>
      %dma_start3A_757 = tpu.memref_squeeze %dma_start3A_756 : memref<1x125xi32, #tpu.memory_space<vmem>> -> memref<125xi32, #tpu.memory_space<vmem>>
      %dma_start3A_758 = arith.constant 0 : i32
      %dma_start3A_759 = arith.constant 0 : i32
      %dma_start3A_760 = tpu.memref_slice %arg17[%dma_start3A_758, %dma_start3A_759] : memref<10240x32xf32, #tpu.memory_space<vmem_shared>> -> memref<10240x32xf32, #tpu.memory_space<vmem_shared>>
      tpu.enqueue_indirect_dma source(%arg8 : memref<125x32xf32, #tpu.memory_space<vmem>>) target(%dma_start3A_760 : memref<10240x32xf32, #tpu.memory_space<vmem_shared>>) offsets(%dma_start3A_757 : memref<125xi32, #tpu.memory_space<vmem>>) semaphore(%arg26 : memref<!tpu.dma_semaphore, #tpu.memory_space<semaphore_mem>>) {add = true}
      %add3A_761 = arith.constant 1 : i32
      %add3A_762 = arith.addi %add3A_720, %add3A_761 : i32
      %dma_start3A_763 = arith.constant 0 : i32
      %dma_start3A_764 = tpu.memref_slice %arg6[%add3A_762, %dma_start3A_763] : memref<160x125xi32, #tpu.memory_space<vmem>> -> memref<1x125xi32, #tpu.memory_space<vmem>>
      %dma_start3A_765 = tpu.memref_squeeze %dma_start3A_764 : memref<1x125xi32, #tpu.memory_space<vmem>> -> memref<125xi32, #tpu.memory_space<vmem>>
      %dma_start3A_766 = arith.constant 0 : i32
      %dma_start3A_767 = arith.constant 0 : i32
      %dma_start3A_768 = tpu.memref_slice %arg17[%dma_start3A_766, %dma_start3A_767] : memref<10240x32xf32, #tpu.memory_space<vmem_shared>> -> memref<10240x32xf32, #tpu.memory_space<vmem_shared>>
      tpu.enqueue_indirect_dma source(%arg9 : memref<125x32xf32, #tpu.memory_space<vmem>>) target(%dma_start3A_768 : memref<10240x32xf32, #tpu.memory_space<vmem_shared>>) offsets(%dma_start3A_765 : memref<125xi32, #tpu.memory_space<vmem>>) semaphore(%arg27 : memref<!tpu.dma_semaphore, #tpu.memory_space<semaphore_mem>>) {add = true}
      %add3A_769 = arith.constant 2 : i32
      %add3A_770 = arith.addi %add3A_720, %add3A_769 : i32
      %dma_start3A_771 = arith.constant 0 : i32
      %dma_start3A_772 = tpu.memref_slice %arg6[%add3A_770, %dma_start3A_771] : memref<160x125xi32, #tpu.memory_space<vmem>> -> memref<1x125xi32, #tpu.memory_space<vmem>>
      %dma_start3A_773 = tpu.memref_squeeze %dma_start3A_772 : memref<1x125xi32, #tpu.memory_space<vmem>> -> memref<125xi32, #tpu.memory_space<vmem>>
      %dma_start3A_774 = arith.constant 0 : i32
      %dma_start3A_775 = arith.constant 0 : i32
      %dma_start3A_776 = tpu.memref_slice %arg17[%dma_start3A_774, %dma_start3A_775] : memref<10240x32xf32, #tpu.memory_space<vmem_shared>> -> memref<10240x32xf32, #tpu.memory_space<vmem_shared>>
      tpu.enqueue_indirect_dma source(%arg10 : memref<125x32xf32, #tpu.memory_space<vmem>>) target(%dma_start3A_776 : memref<10240x32xf32, #tpu.memory_space<vmem_shared>>) offsets(%dma_start3A_773 : memref<125xi32, #tpu.memory_space<vmem>>) semaphore(%arg28 : memref<!tpu.dma_semaphore, #tpu.memory_space<semaphore_mem>>) {add = true}
      %add3A_777 = arith.constant 3 : i32
      %add3A_778 = arith.addi %add3A_720, %add3A_777 : i32
      %dma_start3A_779 = arith.constant 0 : i32
      %dma_start3A_780 = tpu.memref_slice %arg6[%add3A_778, %dma_start3A_779] : memref<160x125xi32, #tpu.memory_space<vmem>> -> memref<1x125xi32, #tpu.memory_space<vmem>>
      %dma_start3A_781 = tpu.memref_squeeze %dma_start3A_780 : memref<1x125xi32, #tpu.memory_space<vmem>> -> memref<125xi32, #tpu.memory_space<vmem>>
      %dma_start3A_782 = arith.constant 0 : i32
      %dma_start3A_783 = arith.constant 0 : i32
      %dma_start3A_784 = tpu.memref_slice %arg17[%dma_start3A_782, %dma_start3A_783] : memref<10240x32xf32, #tpu.memory_space<vmem_shared>> -> memref<10240x32xf32, #tpu.memory_space<vmem_shared>>
      tpu.enqueue_indirect_dma source(%arg11 : memref<125x32xf32, #tpu.memory_space<vmem>>) target(%dma_start3A_784 : memref<10240x32xf32, #tpu.memory_space<vmem_shared>>) offsets(%dma_start3A_781 : memref<125xi32, #tpu.memory_space<vmem>>) semaphore(%arg29 : memref<!tpu.dma_semaphore, #tpu.memory_space<semaphore_mem>>) {add = true}
      %add3A_785 = arith.constant 0 : i32
      %add3A_786 = arith.addi %add3A_720, %add3A_785 : i32
      %dma_wait3A_787 = arith.constant 0 : i32
      %dma_wait3A_788 = tpu.memref_slice %arg6[%add3A_786, %dma_wait3A_787] : memref<160x125xi32, #tpu.memory_space<vmem>> -> memref<1x125xi32, #tpu.memory_space<vmem>>
      %dma_wait3A_789 = tpu.memref_squeeze %dma_wait3A_788 : memref<1x125xi32, #tpu.memory_space<vmem>> -> memref<125xi32, #tpu.memory_space<vmem>>
      %dma_wait3A_790 = arith.constant 0 : i32
      %dma_wait3A_791 = arith.constant 0 : i32
      %dma_wait3A_792 = tpu.memref_slice %arg17[%dma_wait3A_790, %dma_wait3A_791] : memref<10240x32xf32, #tpu.memory_space<vmem_shared>> -> memref<10240x32xf32, #tpu.memory_space<vmem_shared>>
      tpu.wait_indirect_dma semaphore(%arg26 : memref<!tpu.dma_semaphore, #tpu.memory_space<semaphore_mem>>) src(%arg8 : memref<125x32xf32, #tpu.memory_space<vmem>>) dst(%dma_wait3A_792 : memref<10240x32xf32, #tpu.memory_space<vmem_shared>>)
      %add3A_793 = arith.constant 1 : i32
      %add3A_794 = arith.addi %add3A_720, %add3A_793 : i32
      %dma_wait3A_795 = arith.constant 0 : i32
      %dma_wait3A_796 = tpu.memref_slice %arg6[%add3A_794, %dma_wait3A_795] : memref<160x125xi32, #tpu.memory_space<vmem>> -> memref<1x125xi32, #tpu.memory_space<vmem>>
      %dma_wait3A_797 = tpu.memref_squeeze %dma_wait3A_796 : memref<1x125xi32, #tpu.memory_space<vmem>> -> memref<125xi32, #tpu.memory_space<vmem>>
      %dma_wait3A_798 = arith.constant 0 : i32
      %dma_wait3A_799 = arith.constant 0 : i32
      %dma_wait3A_800 = tpu.memref_slice %arg17[%dma_wait3A_798, %dma_wait3A_799] : memref<10240x32xf32, #tpu.memory_space<vmem_shared>> -> memref<10240x32xf32, #tpu.memory_space<vmem_shared>>
      tpu.wait_indirect_dma semaphore(%arg27 : memref<!tpu.dma_semaphore, #tpu.memory_space<semaphore_mem>>) src(%arg9 : memref<125x32xf32, #tpu.memory_space<vmem>>) dst(%dma_wait3A_800 : memref<10240x32xf32, #tpu.memory_space<vmem_shared>>)
      %add3A_801 = arith.constant 2 : i32
      %add3A_802 = arith.addi %add3A_720, %add3A_801 : i32
      %dma_wait3A_803 = arith.constant 0 : i32
      %dma_wait3A_804 = tpu.memref_slice %arg6[%add3A_802, %dma_wait3A_803] : memref<160x125xi32, #tpu.memory_space<vmem>> -> memref<1x125xi32, #tpu.memory_space<vmem>>
      %dma_wait3A_805 = tpu.memref_squeeze %dma_wait3A_804 : memref<1x125xi32, #tpu.memory_space<vmem>> -> memref<125xi32, #tpu.memory_space<vmem>>
      %dma_wait3A_806 = arith.constant 0 : i32
      %dma_wait3A_807 = arith.constant 0 : i32
      %dma_wait3A_808 = tpu.memref_slice %arg17[%dma_wait3A_806, %dma_wait3A_807] : memref<10240x32xf32, #tpu.memory_space<vmem_shared>> -> memref<10240x32xf32, #tpu.memory_space<vmem_shared>>
      tpu.wait_indirect_dma semaphore(%arg28 : memref<!tpu.dma_semaphore, #tpu.memory_space<semaphore_mem>>) src(%arg10 : memref<125x32xf32, #tpu.memory_space<vmem>>) dst(%dma_wait3A_808 : memref<10240x32xf32, #tpu.memory_space<vmem_shared>>)
      %add3A_809 = arith.constant 3 : i32
      %add3A_810 = arith.addi %add3A_720, %add3A_809 : i32
      %dma_wait3A_811 = arith.constant 0 : i32
      %dma_wait3A_812 = tpu.memref_slice %arg6[%add3A_810, %dma_wait3A_811] : memref<160x125xi32, #tpu.memory_space<vmem>> -> memref<1x125xi32, #tpu.memory_space<vmem>>
      %dma_wait3A_813 = tpu.memref_squeeze %dma_wait3A_812 : memref<1x125xi32, #tpu.memory_space<vmem>> -> memref<125xi32, #tpu.memory_space<vmem>>
      %dma_wait3A_814 = arith.constant 0 : i32
      %dma_wait3A_815 = arith.constant 0 : i32
      %dma_wait3A_816 = tpu.memref_slice %arg17[%dma_wait3A_814, %dma_wait3A_815] : memref<10240x32xf32, #tpu.memory_space<vmem_shared>> -> memref<10240x32xf32, #tpu.memory_space<vmem_shared>>
      tpu.wait_indirect_dma semaphore(%arg29 : memref<!tpu.dma_semaphore, #tpu.memory_space<semaphore_mem>>) src(%arg11 : memref<125x32xf32, #tpu.memory_space<vmem>>) dst(%dma_wait3A_816 : memref<10240x32xf32, #tpu.memory_space<vmem_shared>>)
      %add3A_817 = arith.constant 8 : i32
      %add3A_818 = arith.addi %add3A_720, %add3A_817 : i32
      %add3A_819 = arith.constant 0 : i32
      %add3A_820 = arith.addi %add3A_818, %add3A_819 : i32
      %dma_start3A_821 = arith.constant 0 : i32
      %dma_start3A_822 = tpu.memref_slice %arg5[%add3A_820, %dma_start3A_821] : memref<160x125xi32, #tpu.memory_space<vmem>> -> memref<1x125xi32, #tpu.memory_space<vmem>>
      %dma_start3A_823 = tpu.memref_squeeze %dma_start3A_822 : memref<1x125xi32, #tpu.memory_space<vmem>> -> memref<125xi32, #tpu.memory_space<vmem>>
      %dma_start3A_824 = arith.constant 0 : i32
      %dma_start3A_825 = arith.constant 0 : i32
      %dma_start3A_826 = tpu.memref_slice %arg16[%dma_start3A_824, %dma_start3A_825] : memref<10240x32xf32, #tpu.memory_space<vmem_shared>> -> memref<10240x32xf32, #tpu.memory_space<vmem_shared>>
      tpu.enqueue_indirect_dma source(%dma_start3A_826 : memref<10240x32xf32, #tpu.memory_space<vmem_shared>>) target(%arg8 : memref<125x32xf32, #tpu.memory_space<vmem>>) offsets(%dma_start3A_823 : memref<125xi32, #tpu.memory_space<vmem>>) semaphore(%arg18 : memref<!tpu.dma_semaphore, #tpu.memory_space<semaphore_mem>>)
      %add3A_827 = arith.constant 8 : i32
      %add3A_828 = arith.addi %add3A_720, %add3A_827 : i32
      %add3A_829 = arith.constant 1 : i32
      %add3A_830 = arith.addi %add3A_828, %add3A_829 : i32
      %dma_start3A_831 = arith.constant 0 : i32
      %dma_start3A_832 = tpu.memref_slice %arg5[%add3A_830, %dma_start3A_831] : memref<160x125xi32, #tpu.memory_space<vmem>> -> memref<1x125xi32, #tpu.memory_space<vmem>>
      %dma_start3A_833 = tpu.memref_squeeze %dma_start3A_832 : memref<1x125xi32, #tpu.memory_space<vmem>> -> memref<125xi32, #tpu.memory_space<vmem>>
      %dma_start3A_834 = arith.constant 0 : i32
      %dma_start3A_835 = arith.constant 0 : i32
      %dma_start3A_836 = tpu.memref_slice %arg16[%dma_start3A_834, %dma_start3A_835] : memref<10240x32xf32, #tpu.memory_space<vmem_shared>> -> memref<10240x32xf32, #tpu.memory_space<vmem_shared>>
      tpu.enqueue_indirect_dma source(%dma_start3A_836 : memref<10240x32xf32, #tpu.memory_space<vmem_shared>>) target(%arg9 : memref<125x32xf32, #tpu.memory_space<vmem>>) offsets(%dma_start3A_833 : memref<125xi32, #tpu.memory_space<vmem>>) semaphore(%arg19 : memref<!tpu.dma_semaphore, #tpu.memory_space<semaphore_mem>>)
      %add3A_837 = arith.constant 8 : i32
      %add3A_838 = arith.addi %add3A_720, %add3A_837 : i32
      %add3A_839 = arith.constant 2 : i32
      %add3A_840 = arith.addi %add3A_838, %add3A_839 : i32
      %dma_start3A_841 = arith.constant 0 : i32
      %dma_start3A_842 = tpu.memref_slice %arg5[%add3A_840, %dma_start3A_841] : memref<160x125xi32, #tpu.memory_space<vmem>> -> memref<1x125xi32, #tpu.memory_space<vmem>>
      %dma_start3A_843 = tpu.memref_squeeze %dma_start3A_842 : memref<1x125xi32, #tpu.memory_space<vmem>> -> memref<125xi32, #tpu.memory_space<vmem>>
      %dma_start3A_844 = arith.constant 0 : i32
      %dma_start3A_845 = arith.constant 0 : i32
      %dma_start3A_846 = tpu.memref_slice %arg16[%dma_start3A_844, %dma_start3A_845] : memref<10240x32xf32, #tpu.memory_space<vmem_shared>> -> memref<10240x32xf32, #tpu.memory_space<vmem_shared>>
      tpu.enqueue_indirect_dma source(%dma_start3A_846 : memref<10240x32xf32, #tpu.memory_space<vmem_shared>>) target(%arg10 : memref<125x32xf32, #tpu.memory_space<vmem>>) offsets(%dma_start3A_843 : memref<125xi32, #tpu.memory_space<vmem>>) semaphore(%arg20 : memref<!tpu.dma_semaphore, #tpu.memory_space<semaphore_mem>>)
      %add3A_847 = arith.constant 8 : i32
      %add3A_848 = arith.addi %add3A_720, %add3A_847 : i32
      %add3A_849 = arith.constant 3 : i32
      %add3A_850 = arith.addi %add3A_848, %add3A_849 : i32
      %dma_start3A_851 = arith.constant 0 : i32
      %dma_start3A_852 = tpu.memref_slice %arg5[%add3A_850, %dma_start3A_851] : memref<160x125xi32, #tpu.memory_space<vmem>> -> memref<1x125xi32, #tpu.memory_space<vmem>>
      %dma_start3A_853 = tpu.memref_squeeze %dma_start3A_852 : memref<1x125xi32, #tpu.memory_space<vmem>> -> memref<125xi32, #tpu.memory_space<vmem>>
      %dma_start3A_854 = arith.constant 0 : i32
      %dma_start3A_855 = arith.constant 0 : i32
      %dma_start3A_856 = tpu.memref_slice %arg16[%dma_start3A_854, %dma_start3A_855] : memref<10240x32xf32, #tpu.memory_space<vmem_shared>> -> memref<10240x32xf32, #tpu.memory_space<vmem_shared>>
      tpu.enqueue_indirect_dma source(%dma_start3A_856 : memref<10240x32xf32, #tpu.memory_space<vmem_shared>>) target(%arg11 : memref<125x32xf32, #tpu.memory_space<vmem>>) offsets(%dma_start3A_853 : memref<125xi32, #tpu.memory_space<vmem>>) semaphore(%arg21 : memref<!tpu.dma_semaphore, #tpu.memory_space<semaphore_mem>>)
      %mul3A_857 = arith.constant 8 : i32
      %mul3A_858 = arith.muli %mul3A_857, %scan3A_715 : i32
      %add3A_859 = arith.constant 4 : i32
      %add3A_860 = arith.addi %mul3A_858, %add3A_859 : i32
      %add3A_861 = arith.constant 0 : i32
      %add3A_862 = arith.addi %add3A_860, %add3A_861 : i32
      %dma_wait3A_863 = arith.constant 0 : i32
      %dma_wait3A_864 = tpu.memref_slice %arg5[%add3A_862, %dma_wait3A_863] : memref<160x125xi32, #tpu.memory_space<vmem>> -> memref<1x125xi32, #tpu.memory_space<vmem>>
      %dma_wait3A_865 = tpu.memref_squeeze %dma_wait3A_864 : memref<1x125xi32, #tpu.memory_space<vmem>> -> memref<125xi32, #tpu.memory_space<vmem>>
      %dma_wait3A_866 = arith.constant 0 : i32
      %dma_wait3A_867 = arith.constant 0 : i32
      %dma_wait3A_868 = tpu.memref_slice %arg16[%dma_wait3A_866, %dma_wait3A_867] : memref<10240x32xf32, #tpu.memory_space<vmem_shared>> -> memref<10240x32xf32, #tpu.memory_space<vmem_shared>>
      tpu.wait_indirect_dma semaphore(%arg22 : memref<!tpu.dma_semaphore, #tpu.memory_space<semaphore_mem>>) src(%dma_wait3A_868 : memref<10240x32xf32, #tpu.memory_space<vmem_shared>>) dst(%arg12 : memref<125x32xf32, #tpu.memory_space<vmem>>)
      %add3A_869 = arith.constant 1 : i32
      %add3A_870 = arith.addi %add3A_860, %add3A_869 : i32
      %dma_wait3A_871 = arith.constant 0 : i32
      %dma_wait3A_872 = tpu.memref_slice %arg5[%add3A_870, %dma_wait3A_871] : memref<160x125xi32, #tpu.memory_space<vmem>> -> memref<1x125xi32, #tpu.memory_space<vmem>>
      %dma_wait3A_873 = tpu.memref_squeeze %dma_wait3A_872 : memref<1x125xi32, #tpu.memory_space<vmem>> -> memref<125xi32, #tpu.memory_space<vmem>>
      %dma_wait3A_874 = arith.constant 0 : i32
      %dma_wait3A_875 = arith.constant 0 : i32
      %dma_wait3A_876 = tpu.memref_slice %arg16[%dma_wait3A_874, %dma_wait3A_875] : memref<10240x32xf32, #tpu.memory_space<vmem_shared>> -> memref<10240x32xf32, #tpu.memory_space<vmem_shared>>
      tpu.wait_indirect_dma semaphore(%arg23 : memref<!tpu.dma_semaphore, #tpu.memory_space<semaphore_mem>>) src(%dma_wait3A_876 : memref<10240x32xf32, #tpu.memory_space<vmem_shared>>) dst(%arg13 : memref<125x32xf32, #tpu.memory_space<vmem>>)
      %add3A_877 = arith.constant 2 : i32
      %add3A_878 = arith.addi %add3A_860, %add3A_877 : i32
      %dma_wait3A_879 = arith.constant 0 : i32
      %dma_wait3A_880 = tpu.memref_slice %arg5[%add3A_878, %dma_wait3A_879] : memref<160x125xi32, #tpu.memory_space<vmem>> -> memref<1x125xi32, #tpu.memory_space<vmem>>
      %dma_wait3A_881 = tpu.memref_squeeze %dma_wait3A_880 : memref<1x125xi32, #tpu.memory_space<vmem>> -> memref<125xi32, #tpu.memory_space<vmem>>
      %dma_wait3A_882 = arith.constant 0 : i32
      %dma_wait3A_883 = arith.constant 0 : i32
      %dma_wait3A_884 = tpu.memref_slice %arg16[%dma_wait3A_882, %dma_wait3A_883] : memref<10240x32xf32, #tpu.memory_space<vmem_shared>> -> memref<10240x32xf32, #tpu.memory_space<vmem_shared>>
      tpu.wait_indirect_dma semaphore(%arg24 : memref<!tpu.dma_semaphore, #tpu.memory_space<semaphore_mem>>) src(%dma_wait3A_884 : memref<10240x32xf32, #tpu.memory_space<vmem_shared>>) dst(%arg14 : memref<125x32xf32, #tpu.memory_space<vmem>>)
      %add3A_885 = arith.constant 3 : i32
      %add3A_886 = arith.addi %add3A_860, %add3A_885 : i32
      %dma_wait3A_887 = arith.constant 0 : i32
      %dma_wait3A_888 = tpu.memref_slice %arg5[%add3A_886, %dma_wait3A_887] : memref<160x125xi32, #tpu.memory_space<vmem>> -> memref<1x125xi32, #tpu.memory_space<vmem>>
      %dma_wait3A_889 = tpu.memref_squeeze %dma_wait3A_888 : memref<1x125xi32, #tpu.memory_space<vmem>> -> memref<125xi32, #tpu.memory_space<vmem>>
      %dma_wait3A_890 = arith.constant 0 : i32
      %dma_wait3A_891 = arith.constant 0 : i32
      %dma_wait3A_892 = tpu.memref_slice %arg16[%dma_wait3A_890, %dma_wait3A_891] : memref<10240x32xf32, #tpu.memory_space<vmem_shared>> -> memref<10240x32xf32, #tpu.memory_space<vmem_shared>>
      tpu.wait_indirect_dma semaphore(%arg25 : memref<!tpu.dma_semaphore, #tpu.memory_space<semaphore_mem>>) src(%dma_wait3A_892 : memref<10240x32xf32, #tpu.memory_space<vmem_shared>>) dst(%arg15 : memref<125x32xf32, #tpu.memory_space<vmem>>)
      %add3A_893 = arith.constant 0 : i32
      %add3A_894 = arith.addi %add3A_860, %add3A_893 : i32
      %dma_start3A_895 = arith.constant 0 : i32
      %dma_start3A_896 = tpu.memref_slice %arg6[%add3A_894, %dma_start3A_895] : memref<160x125xi32, #tpu.memory_space<vmem>> -> memref<1x125xi32, #tpu.memory_space<vmem>>
      %dma_start3A_897 = tpu.memref_squeeze %dma_start3A_896 : memref<1x125xi32, #tpu.memory_space<vmem>> -> memref<125xi32, #tpu.memory_space<vmem>>
      %dma_start3A_898 = arith.constant 0 : i32
      %dma_start3A_899 = arith.constant 0 : i32
      %dma_start3A_900 = tpu.memref_slice %arg17[%dma_start3A_898, %dma_start3A_899] : memref<10240x32xf32, #tpu.memory_space<vmem_shared>> -> memref<10240x32xf32, #tpu.memory_space<vmem_shared>>
      tpu.enqueue_indirect_dma source(%arg12 : memref<125x32xf32, #tpu.memory_space<vmem>>) target(%dma_start3A_900 : memref<10240x32xf32, #tpu.memory_space<vmem_shared>>) offsets(%dma_start3A_897 : memref<125xi32, #tpu.memory_space<vmem>>) semaphore(%arg30 : memref<!tpu.dma_semaphore, #tpu.memory_space<semaphore_mem>>) {add = true}
      %add3A_901 = arith.constant 1 : i32
      %add3A_902 = arith.addi %add3A_860, %add3A_901 : i32
      %dma_start3A_903 = arith.constant 0 : i32
      %dma_start3A_904 = tpu.memref_slice %arg6[%add3A_902, %dma_start3A_903] : memref<160x125xi32, #tpu.memory_space<vmem>> -> memref<1x125xi32, #tpu.memory_space<vmem>>
      %dma_start3A_905 = tpu.memref_squeeze %dma_start3A_904 : memref<1x125xi32, #tpu.memory_space<vmem>> -> memref<125xi32, #tpu.memory_space<vmem>>
      %dma_start3A_906 = arith.constant 0 : i32
      %dma_start3A_907 = arith.constant 0 : i32
      %dma_start3A_908 = tpu.memref_slice %arg17[%dma_start3A_906, %dma_start3A_907] : memref<10240x32xf32, #tpu.memory_space<vmem_shared>> -> memref<10240x32xf32, #tpu.memory_space<vmem_shared>>
      tpu.enqueue_indirect_dma source(%arg13 : memref<125x32xf32, #tpu.memory_space<vmem>>) target(%dma_start3A_908 : memref<10240x32xf32, #tpu.memory_space<vmem_shared>>) offsets(%dma_start3A_905 : memref<125xi32, #tpu.memory_space<vmem>>) semaphore(%arg31 : memref<!tpu.dma_semaphore, #tpu.memory_space<semaphore_mem>>) {add = true}
      %add3A_909 = arith.constant 2 : i32
      %add3A_910 = arith.addi %add3A_860, %add3A_909 : i32
      %dma_start3A_911 = arith.constant 0 : i32
      %dma_start3A_912 = tpu.memref_slice %arg6[%add3A_910, %dma_start3A_911] : memref<160x125xi32, #tpu.memory_space<vmem>> -> memref<1x125xi32, #tpu.memory_space<vmem>>
      %dma_start3A_913 = tpu.memref_squeeze %dma_start3A_912 : memref<1x125xi32, #tpu.memory_space<vmem>> -> memref<125xi32, #tpu.memory_space<vmem>>
      %dma_start3A_914 = arith.constant 0 : i32
      %dma_start3A_915 = arith.constant 0 : i32
      %dma_start3A_916 = tpu.memref_slice %arg17[%dma_start3A_914, %dma_start3A_915] : memref<10240x32xf32, #tpu.memory_space<vmem_shared>> -> memref<10240x32xf32, #tpu.memory_space<vmem_shared>>
      tpu.enqueue_indirect_dma source(%arg14 : memref<125x32xf32, #tpu.memory_space<vmem>>) target(%dma_start3A_916 : memref<10240x32xf32, #tpu.memory_space<vmem_shared>>) offsets(%dma_start3A_913 : memref<125xi32, #tpu.memory_space<vmem>>) semaphore(%arg32 : memref<!tpu.dma_semaphore, #tpu.memory_space<semaphore_mem>>) {add = true}
      %add3A_917 = arith.constant 3 : i32
      %add3A_918 = arith.addi %add3A_860, %add3A_917 : i32
      %dma_start3A_919 = arith.constant 0 : i32
      %dma_start3A_920 = tpu.memref_slice %arg6[%add3A_918, %dma_start3A_919] : memref<160x125xi32, #tpu.memory_space<vmem>> -> memref<1x125xi32, #tpu.memory_space<vmem>>
      %dma_start3A_921 = tpu.memref_squeeze %dma_start3A_920 : memref<1x125xi32, #tpu.memory_space<vmem>> -> memref<125xi32, #tpu.memory_space<vmem>>
      %dma_start3A_922 = arith.constant 0 : i32
      %dma_start3A_923 = arith.constant 0 : i32
      %dma_start3A_924 = tpu.memref_slice %arg17[%dma_start3A_922, %dma_start3A_923] : memref<10240x32xf32, #tpu.memory_space<vmem_shared>> -> memref<10240x32xf32, #tpu.memory_space<vmem_shared>>
      tpu.enqueue_indirect_dma source(%arg15 : memref<125x32xf32, #tpu.memory_space<vmem>>) target(%dma_start3A_924 : memref<10240x32xf32, #tpu.memory_space<vmem_shared>>) offsets(%dma_start3A_921 : memref<125xi32, #tpu.memory_space<vmem>>) semaphore(%arg33 : memref<!tpu.dma_semaphore, #tpu.memory_space<semaphore_mem>>) {add = true}
      %add3A_925 = arith.constant 0 : i32
      %add3A_926 = arith.addi %add3A_860, %add3A_925 : i32
      %dma_wait3A_927 = arith.constant 0 : i32
      %dma_wait3A_928 = tpu.memref_slice %arg6[%add3A_926, %dma_wait3A_927] : memref<160x125xi32, #tpu.memory_space<vmem>> -> memref<1x125xi32, #tpu.memory_space<vmem>>
      %dma_wait3A_929 = tpu.memref_squeeze %dma_wait3A_928 : memref<1x125xi32, #tpu.memory_space<vmem>> -> memref<125xi32, #tpu.memory_space<vmem>>
      %dma_wait3A_930 = arith.constant 0 : i32
      %dma_wait3A_931 = arith.constant 0 : i32
      %dma_wait3A_932 = tpu.memref_slice %arg17[%dma_wait3A_930, %dma_wait3A_931] : memref<10240x32xf32, #tpu.memory_space<vmem_shared>> -> memref<10240x32xf32, #tpu.memory_space<vmem_shared>>
      tpu.wait_indirect_dma semaphore(%arg30 : memref<!tpu.dma_semaphore, #tpu.memory_space<semaphore_mem>>) src(%arg12 : memref<125x32xf32, #tpu.memory_space<vmem>>) dst(%dma_wait3A_932 : memref<10240x32xf32, #tpu.memory_space<vmem_shared>>)
      %add3A_933 = arith.constant 1 : i32
      %add3A_934 = arith.addi %add3A_860, %add3A_933 : i32
      %dma_wait3A_935 = arith.constant 0 : i32
      %dma_wait3A_936 = tpu.memref_slice %arg6[%add3A_934, %dma_wait3A_935] : memref<160x125xi32, #tpu.memory_space<vmem>> -> memref<1x125xi32, #tpu.memory_space<vmem>>
      %dma_wait3A_937 = tpu.memref_squeeze %dma_wait3A_936 : memref<1x125xi32, #tpu.memory_space<vmem>> -> memref<125xi32, #tpu.memory_space<vmem>>
      %dma_wait3A_938 = arith.constant 0 : i32
      %dma_wait3A_939 = arith.constant 0 : i32
      %dma_wait3A_940 = tpu.memref_slice %arg17[%dma_wait3A_938, %dma_wait3A_939] : memref<10240x32xf32, #tpu.memory_space<vmem_shared>> -> memref<10240x32xf32, #tpu.memory_space<vmem_shared>>
      tpu.wait_indirect_dma semaphore(%arg31 : memref<!tpu.dma_semaphore, #tpu.memory_space<semaphore_mem>>) src(%arg13 : memref<125x32xf32, #tpu.memory_space<vmem>>) dst(%dma_wait3A_940 : memref<10240x32xf32, #tpu.memory_space<vmem_shared>>)
      %add3A_941 = arith.constant 2 : i32
      %add3A_942 = arith.addi %add3A_860, %add3A_941 : i32
      %dma_wait3A_943 = arith.constant 0 : i32
      %dma_wait3A_944 = tpu.memref_slice %arg6[%add3A_942, %dma_wait3A_943] : memref<160x125xi32, #tpu.memory_space<vmem>> -> memref<1x125xi32, #tpu.memory_space<vmem>>
      %dma_wait3A_945 = tpu.memref_squeeze %dma_wait3A_944 : memref<1x125xi32, #tpu.memory_space<vmem>> -> memref<125xi32, #tpu.memory_space<vmem>>
      %dma_wait3A_946 = arith.constant 0 : i32
      %dma_wait3A_947 = arith.constant 0 : i32
      %dma_wait3A_948 = tpu.memref_slice %arg17[%dma_wait3A_946, %dma_wait3A_947] : memref<10240x32xf32, #tpu.memory_space<vmem_shared>> -> memref<10240x32xf32, #tpu.memory_space<vmem_shared>>
      tpu.wait_indirect_dma semaphore(%arg32 : memref<!tpu.dma_semaphore, #tpu.memory_space<semaphore_mem>>) src(%arg14 : memref<125x32xf32, #tpu.memory_space<vmem>>) dst(%dma_wait3A_948 : memref<10240x32xf32, #tpu.memory_space<vmem_shared>>)
      %add3A_949 = arith.constant 3 : i32
      %add3A_950 = arith.addi %add3A_860, %add3A_949 : i32
      %dma_wait3A_951 = arith.constant 0 : i32
      %dma_wait3A_952 = tpu.memref_slice %arg6[%add3A_950, %dma_wait3A_951] : memref<160x125xi32, #tpu.memory_space<vmem>> -> memref<1x125xi32, #tpu.memory_space<vmem>>
      %dma_wait3A_953 = tpu.memref_squeeze %dma_wait3A_952 : memref<1x125xi32, #tpu.memory_space<vmem>> -> memref<125xi32, #tpu.memory_space<vmem>>
      %dma_wait3A_954 = arith.constant 0 : i32
      %dma_wait3A_955 = arith.constant 0 : i32
      %dma_wait3A_956 = tpu.memref_slice %arg17[%dma_wait3A_954, %dma_wait3A_955] : memref<10240x32xf32, #tpu.memory_space<vmem_shared>> -> memref<10240x32xf32, #tpu.memory_space<vmem_shared>>
      tpu.wait_indirect_dma semaphore(%arg33 : memref<!tpu.dma_semaphore, #tpu.memory_space<semaphore_mem>>) src(%arg15 : memref<125x32xf32, #tpu.memory_space<vmem>>) dst(%dma_wait3A_956 : memref<10240x32xf32, #tpu.memory_space<vmem_shared>>)
      %add3A_957 = arith.constant 8 : i32
      %add3A_958 = arith.addi %add3A_860, %add3A_957 : i32
      %add3A_959 = arith.constant 0 : i32
      %add3A_960 = arith.addi %add3A_958, %add3A_959 : i32
      %dma_start3A_961 = arith.constant 0 : i32
      %dma_start3A_962 = tpu.memref_slice %arg5[%add3A_960, %dma_start3A_961] : memref<160x125xi32, #tpu.memory_space<vmem>> -> memref<1x125xi32, #tpu.memory_space<vmem>>
      %dma_start3A_963 = tpu.memref_squeeze %dma_start3A_962 : memref<1x125xi32, #tpu.memory_space<vmem>> -> memref<125xi32, #tpu.memory_space<vmem>>
      %dma_start3A_964 = arith.constant 0 : i32
      %dma_start3A_965 = arith.constant 0 : i32
      %dma_start3A_966 = tpu.memref_slice %arg16[%dma_start3A_964, %dma_start3A_965] : memref<10240x32xf32, #tpu.memory_space<vmem_shared>> -> memref<10240x32xf32, #tpu.memory_space<vmem_shared>>
      tpu.enqueue_indirect_dma source(%dma_start3A_966 : memref<10240x32xf32, #tpu.memory_space<vmem_shared>>) target(%arg12 : memref<125x32xf32, #tpu.memory_space<vmem>>) offsets(%dma_start3A_963 : memref<125xi32, #tpu.memory_space<vmem>>) semaphore(%arg22 : memref<!tpu.dma_semaphore, #tpu.memory_space<semaphore_mem>>)
      %add3A_967 = arith.constant 8 : i32
      %add3A_968 = arith.addi %add3A_860, %add3A_967 : i32
      %add3A_969 = arith.constant 1 : i32
      %add3A_970 = arith.addi %add3A_968, %add3A_969 : i32
      %dma_start3A_971 = arith.constant 0 : i32
      %dma_start3A_972 = tpu.memref_slice %arg5[%add3A_970, %dma_start3A_971] : memref<160x125xi32, #tpu.memory_space<vmem>> -> memref<1x125xi32, #tpu.memory_space<vmem>>
      %dma_start3A_973 = tpu.memref_squeeze %dma_start3A_972 : memref<1x125xi32, #tpu.memory_space<vmem>> -> memref<125xi32, #tpu.memory_space<vmem>>
      %dma_start3A_974 = arith.constant 0 : i32
      %dma_start3A_975 = arith.constant 0 : i32
      %dma_start3A_976 = tpu.memref_slice %arg16[%dma_start3A_974, %dma_start3A_975] : memref<10240x32xf32, #tpu.memory_space<vmem_shared>> -> memref<10240x32xf32, #tpu.memory_space<vmem_shared>>
      tpu.enqueue_indirect_dma source(%dma_start3A_976 : memref<10240x32xf32, #tpu.memory_space<vmem_shared>>) target(%arg13 : memref<125x32xf32, #tpu.memory_space<vmem>>) offsets(%dma_start3A_973 : memref<125xi32, #tpu.memory_space<vmem>>) semaphore(%arg23 : memref<!tpu.dma_semaphore, #tpu.memory_space<semaphore_mem>>)
      %add3A_977 = arith.constant 8 : i32
      %add3A_978 = arith.addi %add3A_860, %add3A_977 : i32
      %add3A_979 = arith.constant 2 : i32
      %add3A_980 = arith.addi %add3A_978, %add3A_979 : i32
      %dma_start3A_981 = arith.constant 0 : i32
      %dma_start3A_982 = tpu.memref_slice %arg5[%add3A_980, %dma_start3A_981] : memref<160x125xi32, #tpu.memory_space<vmem>> -> memref<1x125xi32, #tpu.memory_space<vmem>>
      %dma_start3A_983 = tpu.memref_squeeze %dma_start3A_982 : memref<1x125xi32, #tpu.memory_space<vmem>> -> memref<125xi32, #tpu.memory_space<vmem>>
      %dma_start3A_984 = arith.constant 0 : i32
      %dma_start3A_985 = arith.constant 0 : i32
      %dma_start3A_986 = tpu.memref_slice %arg16[%dma_start3A_984, %dma_start3A_985] : memref<10240x32xf32, #tpu.memory_space<vmem_shared>> -> memref<10240x32xf32, #tpu.memory_space<vmem_shared>>
      tpu.enqueue_indirect_dma source(%dma_start3A_986 : memref<10240x32xf32, #tpu.memory_space<vmem_shared>>) target(%arg14 : memref<125x32xf32, #tpu.memory_space<vmem>>) offsets(%dma_start3A_983 : memref<125xi32, #tpu.memory_space<vmem>>) semaphore(%arg24 : memref<!tpu.dma_semaphore, #tpu.memory_space<semaphore_mem>>)
      %add3A_987 = arith.constant 8 : i32
      %add3A_988 = arith.addi %add3A_860, %add3A_987 : i32
      %add3A_989 = arith.constant 3 : i32
      %add3A_990 = arith.addi %add3A_988, %add3A_989 : i32
      %dma_start3A_991 = arith.constant 0 : i32
      %dma_start3A_992 = tpu.memref_slice %arg5[%add3A_990, %dma_start3A_991] : memref<160x125xi32, #tpu.memory_space<vmem>> -> memref<1x125xi32, #tpu.memory_space<vmem>>
      %dma_start3A_993 = tpu.memref_squeeze %dma_start3A_992 : memref<1x125xi32, #tpu.memory_space<vmem>> -> memref<125xi32, #tpu.memory_space<vmem>>
      %dma_start3A_994 = arith.constant 0 : i32
      %dma_start3A_995 = arith.constant 0 : i32
      %dma_start3A_996 = tpu.memref_slice %arg16[%dma_start3A_994, %dma_start3A_995] : memref<10240x32xf32, #tpu.memory_space<vmem_shared>> -> memref<10240x32xf32, #tpu.memory_space<vmem_shared>>
      tpu.enqueue_indirect_dma source(%dma_start3A_996 : memref<10240x32xf32, #tpu.memory_space<vmem_shared>>) target(%arg15 : memref<125x32xf32, #tpu.memory_space<vmem>>) offsets(%dma_start3A_993 : memref<125xi32, #tpu.memory_space<vmem>>) semaphore(%arg25 : memref<!tpu.dma_semaphore, #tpu.memory_space<semaphore_mem>>)
      %scan3A_997 = arith.constant 0 : i32
      scf.yield %scan3A_997 : i32
    }
    %scan3A_200 = arith.constant 19 : i32
    %dma_wait3A_201 = arith.constant 152 : i32
    %dma_wait3A_202 = arith.constant 0 : i32
    %dma_wait3A_203 = tpu.memref_slice %arg5[%dma_wait3A_201, %dma_wait3A_202] : memref<160x125xi32, #tpu.memory_space<vmem>> -> memref<1x125xi32, #tpu.memory_space<vmem>>
    %dma_wait3A_204 = tpu.memref_squeeze %dma_wait3A_203 : memref<1x125xi32, #tpu.memory_space<vmem>> -> memref<125xi32, #tpu.memory_space<vmem>>
    %dma_wait3A_205 = arith.constant 0 : i32
    %dma_wait3A_206 = arith.constant 0 : i32
    %dma_wait3A_207 = tpu.memref_slice %arg16[%dma_wait3A_205, %dma_wait3A_206] : memref<10240x32xf32, #tpu.memory_space<vmem_shared>> -> memref<10240x32xf32, #tpu.memory_space<vmem_shared>>
    tpu.wait_indirect_dma semaphore(%arg18 : memref<!tpu.dma_semaphore, #tpu.memory_space<semaphore_mem>>) src(%dma_wait3A_207 : memref<10240x32xf32, #tpu.memory_space<vmem_shared>>) dst(%arg8 : memref<125x32xf32, #tpu.memory_space<vmem>>)
    %dma_wait3A_208 = arith.constant 153 : i32
    %dma_wait3A_209 = arith.constant 0 : i32
    %dma_wait3A_210 = tpu.memref_slice %arg5[%dma_wait3A_208, %dma_wait3A_209] : memref<160x125xi32, #tpu.memory_space<vmem>> -> memref<1x125xi32, #tpu.memory_space<vmem>>
    %dma_wait3A_211 = tpu.memref_squeeze %dma_wait3A_210 : memref<1x125xi32, #tpu.memory_space<vmem>> -> memref<125xi32, #tpu.memory_space<vmem>>
    %dma_wait3A_212 = arith.constant 0 : i32
    %dma_wait3A_213 = arith.constant 0 : i32
    %dma_wait3A_214 = tpu.memref_slice %arg16[%dma_wait3A_212, %dma_wait3A_213] : memref<10240x32xf32, #tpu.memory_space<vmem_shared>> -> memref<10240x32xf32, #tpu.memory_space<vmem_shared>>
    tpu.wait_indirect_dma semaphore(%arg19 : memref<!tpu.dma_semaphore, #tpu.memory_space<semaphore_mem>>) src(%dma_wait3A_214 : memref<10240x32xf32, #tpu.memory_space<vmem_shared>>) dst(%arg9 : memref<125x32xf32, #tpu.memory_space<vmem>>)
    %dma_wait3A_215 = arith.constant 154 : i32
    %dma_wait3A_216 = arith.constant 0 : i32
    %dma_wait3A_217 = tpu.memref_slice %arg5[%dma_wait3A_215, %dma_wait3A_216] : memref<160x125xi32, #tpu.memory_space<vmem>> -> memref<1x125xi32, #tpu.memory_space<vmem>>
    %dma_wait3A_218 = tpu.memref_squeeze %dma_wait3A_217 : memref<1x125xi32, #tpu.memory_space<vmem>> -> memref<125xi32, #tpu.memory_space<vmem>>
    %dma_wait3A_219 = arith.constant 0 : i32
    %dma_wait3A_220 = arith.constant 0 : i32
    %dma_wait3A_221 = tpu.memref_slice %arg16[%dma_wait3A_219, %dma_wait3A_220] : memref<10240x32xf32, #tpu.memory_space<vmem_shared>> -> memref<10240x32xf32, #tpu.memory_space<vmem_shared>>
    tpu.wait_indirect_dma semaphore(%arg20 : memref<!tpu.dma_semaphore, #tpu.memory_space<semaphore_mem>>) src(%dma_wait3A_221 : memref<10240x32xf32, #tpu.memory_space<vmem_shared>>) dst(%arg10 : memref<125x32xf32, #tpu.memory_space<vmem>>)
    %dma_wait3A_222 = arith.constant 155 : i32
    %dma_wait3A_223 = arith.constant 0 : i32
    %dma_wait3A_224 = tpu.memref_slice %arg5[%dma_wait3A_222, %dma_wait3A_223] : memref<160x125xi32, #tpu.memory_space<vmem>> -> memref<1x125xi32, #tpu.memory_space<vmem>>
    %dma_wait3A_225 = tpu.memref_squeeze %dma_wait3A_224 : memref<1x125xi32, #tpu.memory_space<vmem>> -> memref<125xi32, #tpu.memory_space<vmem>>
    %dma_wait3A_226 = arith.constant 0 : i32
    %dma_wait3A_227 = arith.constant 0 : i32
    %dma_wait3A_228 = tpu.memref_slice %arg16[%dma_wait3A_226, %dma_wait3A_227] : memref<10240x32xf32, #tpu.memory_space<vmem_shared>> -> memref<10240x32xf32, #tpu.memory_space<vmem_shared>>
    tpu.wait_indirect_dma semaphore(%arg21 : memref<!tpu.dma_semaphore, #tpu.memory_space<semaphore_mem>>) src(%dma_wait3A_228 : memref<10240x32xf32, #tpu.memory_space<vmem_shared>>) dst(%arg11 : memref<125x32xf32, #tpu.memory_space<vmem>>)
    %dma_start3A_229 = arith.constant 152 : i32
    %dma_start3A_230 = arith.constant 0 : i32
    %dma_start3A_231 = tpu.memref_slice %arg6[%dma_start3A_229, %dma_start3A_230] : memref<160x125xi32, #tpu.memory_space<vmem>> -> memref<1x125xi32, #tpu.memory_space<vmem>>
    %dma_start3A_232 = tpu.memref_squeeze %dma_start3A_231 : memref<1x125xi32, #tpu.memory_space<vmem>> -> memref<125xi32, #tpu.memory_space<vmem>>
    %dma_start3A_233 = arith.constant 0 : i32
    %dma_start3A_234 = arith.constant 0 : i32
    %dma_start3A_235 = tpu.memref_slice %arg17[%dma_start3A_233, %dma_start3A_234] : memref<10240x32xf32, #tpu.memory_space<vmem_shared>> -> memref<10240x32xf32, #tpu.memory_space<vmem_shared>>
    tpu.enqueue_indirect_dma source(%arg8 : memref<125x32xf32, #tpu.memory_space<vmem>>) target(%dma_start3A_235 : memref<10240x32xf32, #tpu.memory_space<vmem_shared>>) offsets(%dma_start3A_232 : memref<125xi32, #tpu.memory_space<vmem>>) semaphore(%arg26 : memref<!tpu.dma_semaphore, #tpu.memory_space<semaphore_mem>>) {add = true}
    %dma_start3A_236 = arith.constant 153 : i32
    %dma_start3A_237 = arith.constant 0 : i32
    %dma_start3A_238 = tpu.memref_slice %arg6[%dma_start3A_236, %dma_start3A_237] : memref<160x125xi32, #tpu.memory_space<vmem>> -> memref<1x125xi32, #tpu.memory_space<vmem>>
    %dma_start3A_239 = tpu.memref_squeeze %dma_start3A_238 : memref<1x125xi32, #tpu.memory_space<vmem>> -> memref<125xi32, #tpu.memory_space<vmem>>
    %dma_start3A_240 = arith.constant 0 : i32
    %dma_start3A_241 = arith.constant 0 : i32
    %dma_start3A_242 = tpu.memref_slice %arg17[%dma_start3A_240, %dma_start3A_241] : memref<10240x32xf32, #tpu.memory_space<vmem_shared>> -> memref<10240x32xf32, #tpu.memory_space<vmem_shared>>
    tpu.enqueue_indirect_dma source(%arg9 : memref<125x32xf32, #tpu.memory_space<vmem>>) target(%dma_start3A_242 : memref<10240x32xf32, #tpu.memory_space<vmem_shared>>) offsets(%dma_start3A_239 : memref<125xi32, #tpu.memory_space<vmem>>) semaphore(%arg27 : memref<!tpu.dma_semaphore, #tpu.memory_space<semaphore_mem>>) {add = true}
    %dma_start3A_243 = arith.constant 154 : i32
    %dma_start3A_244 = arith.constant 0 : i32
    %dma_start3A_245 = tpu.memref_slice %arg6[%dma_start3A_243, %dma_start3A_244] : memref<160x125xi32, #tpu.memory_space<vmem>> -> memref<1x125xi32, #tpu.memory_space<vmem>>
    %dma_start3A_246 = tpu.memref_squeeze %dma_start3A_245 : memref<1x125xi32, #tpu.memory_space<vmem>> -> memref<125xi32, #tpu.memory_space<vmem>>
    %dma_start3A_247 = arith.constant 0 : i32
    %dma_start3A_248 = arith.constant 0 : i32
    %dma_start3A_249 = tpu.memref_slice %arg17[%dma_start3A_247, %dma_start3A_248] : memref<10240x32xf32, #tpu.memory_space<vmem_shared>> -> memref<10240x32xf32, #tpu.memory_space<vmem_shared>>
    tpu.enqueue_indirect_dma source(%arg10 : memref<125x32xf32, #tpu.memory_space<vmem>>) target(%dma_start3A_249 : memref<10240x32xf32, #tpu.memory_space<vmem_shared>>) offsets(%dma_start3A_246 : memref<125xi32, #tpu.memory_space<vmem>>) semaphore(%arg28 : memref<!tpu.dma_semaphore, #tpu.memory_space<semaphore_mem>>) {add = true}
    %dma_start3A_250 = arith.constant 155 : i32
    %dma_start3A_251 = arith.constant 0 : i32
    %dma_start3A_252 = tpu.memref_slice %arg6[%dma_start3A_250, %dma_start3A_251] : memref<160x125xi32, #tpu.memory_space<vmem>> -> memref<1x125xi32, #tpu.memory_space<vmem>>
    %dma_start3A_253 = tpu.memref_squeeze %dma_start3A_252 : memref<1x125xi32, #tpu.memory_space<vmem>> -> memref<125xi32, #tpu.memory_space<vmem>>
    %dma_start3A_254 = arith.constant 0 : i32
    %dma_start3A_255 = arith.constant 0 : i32
    %dma_start3A_256 = tpu.memref_slice %arg17[%dma_start3A_254, %dma_start3A_255] : memref<10240x32xf32, #tpu.memory_space<vmem_shared>> -> memref<10240x32xf32, #tpu.memory_space<vmem_shared>>
    tpu.enqueue_indirect_dma source(%arg11 : memref<125x32xf32, #tpu.memory_space<vmem>>) target(%dma_start3A_256 : memref<10240x32xf32, #tpu.memory_space<vmem_shared>>) offsets(%dma_start3A_253 : memref<125xi32, #tpu.memory_space<vmem>>) semaphore(%arg29 : memref<!tpu.dma_semaphore, #tpu.memory_space<semaphore_mem>>) {add = true}
    %dma_wait3A_257 = arith.constant 152 : i32
    %dma_wait3A_258 = arith.constant 0 : i32
    %dma_wait3A_259 = tpu.memref_slice %arg6[%dma_wait3A_257, %dma_wait3A_258] : memref<160x125xi32, #tpu.memory_space<vmem>> -> memref<1x125xi32, #tpu.memory_space<vmem>>
    %dma_wait3A_260 = tpu.memref_squeeze %dma_wait3A_259 : memref<1x125xi32, #tpu.memory_space<vmem>> -> memref<125xi32, #tpu.memory_space<vmem>>
    %dma_wait3A_261 = arith.constant 0 : i32
    %dma_wait3A_262 = arith.constant 0 : i32
    %dma_wait3A_263 = tpu.memref_slice %arg17[%dma_wait3A_261, %dma_wait3A_262] : memref<10240x32xf32, #tpu.memory_space<vmem_shared>> -> memref<10240x32xf32, #tpu.memory_space<vmem_shared>>
    tpu.wait_indirect_dma semaphore(%arg26 : memref<!tpu.dma_semaphore, #tpu.memory_space<semaphore_mem>>) src(%arg8 : memref<125x32xf32, #tpu.memory_space<vmem>>) dst(%dma_wait3A_263 : memref<10240x32xf32, #tpu.memory_space<vmem_shared>>)
    %dma_wait3A_264 = arith.constant 153 : i32
    %dma_wait3A_265 = arith.constant 0 : i32
    %dma_wait3A_266 = tpu.memref_slice %arg6[%dma_wait3A_264, %dma_wait3A_265] : memref<160x125xi32, #tpu.memory_space<vmem>> -> memref<1x125xi32, #tpu.memory_space<vmem>>
    %dma_wait3A_267 = tpu.memref_squeeze %dma_wait3A_266 : memref<1x125xi32, #tpu.memory_space<vmem>> -> memref<125xi32, #tpu.memory_space<vmem>>
    %dma_wait3A_268 = arith.constant 0 : i32
    %dma_wait3A_269 = arith.constant 0 : i32
    %dma_wait3A_270 = tpu.memref_slice %arg17[%dma_wait3A_268, %dma_wait3A_269] : memref<10240x32xf32, #tpu.memory_space<vmem_shared>> -> memref<10240x32xf32, #tpu.memory_space<vmem_shared>>
    tpu.wait_indirect_dma semaphore(%arg27 : memref<!tpu.dma_semaphore, #tpu.memory_space<semaphore_mem>>) src(%arg9 : memref<125x32xf32, #tpu.memory_space<vmem>>) dst(%dma_wait3A_270 : memref<10240x32xf32, #tpu.memory_space<vmem_shared>>)
    %dma_wait3A_271 = arith.constant 154 : i32
    %dma_wait3A_272 = arith.constant 0 : i32
    %dma_wait3A_273 = tpu.memref_slice %arg6[%dma_wait3A_271, %dma_wait3A_272] : memref<160x125xi32, #tpu.memory_space<vmem>> -> memref<1x125xi32, #tpu.memory_space<vmem>>
    %dma_wait3A_274 = tpu.memref_squeeze %dma_wait3A_273 : memref<1x125xi32, #tpu.memory_space<vmem>> -> memref<125xi32, #tpu.memory_space<vmem>>
    %dma_wait3A_275 = arith.constant 0 : i32
    %dma_wait3A_276 = arith.constant 0 : i32
    %dma_wait3A_277 = tpu.memref_slice %arg17[%dma_wait3A_275, %dma_wait3A_276] : memref<10240x32xf32, #tpu.memory_space<vmem_shared>> -> memref<10240x32xf32, #tpu.memory_space<vmem_shared>>
    tpu.wait_indirect_dma semaphore(%arg28 : memref<!tpu.dma_semaphore, #tpu.memory_space<semaphore_mem>>) src(%arg10 : memref<125x32xf32, #tpu.memory_space<vmem>>) dst(%dma_wait3A_277 : memref<10240x32xf32, #tpu.memory_space<vmem_shared>>)
    %dma_wait3A_278 = arith.constant 155 : i32
    %dma_wait3A_279 = arith.constant 0 : i32
    %dma_wait3A_280 = tpu.memref_slice %arg6[%dma_wait3A_278, %dma_wait3A_279] : memref<160x125xi32, #tpu.memory_space<vmem>> -> memref<1x125xi32, #tpu.memory_space<vmem>>
    %dma_wait3A_281 = tpu.memref_squeeze %dma_wait3A_280 : memref<1x125xi32, #tpu.memory_space<vmem>> -> memref<125xi32, #tpu.memory_space<vmem>>
    %dma_wait3A_282 = arith.constant 0 : i32
    %dma_wait3A_283 = arith.constant 0 : i32
    %dma_wait3A_284 = tpu.memref_slice %arg17[%dma_wait3A_282, %dma_wait3A_283] : memref<10240x32xf32, #tpu.memory_space<vmem_shared>> -> memref<10240x32xf32, #tpu.memory_space<vmem_shared>>
    tpu.wait_indirect_dma semaphore(%arg29 : memref<!tpu.dma_semaphore, #tpu.memory_space<semaphore_mem>>) src(%arg11 : memref<125x32xf32, #tpu.memory_space<vmem>>) dst(%dma_wait3A_284 : memref<10240x32xf32, #tpu.memory_space<vmem_shared>>)
    %dma_wait3A_285 = arith.constant 156 : i32
    %dma_wait3A_286 = arith.constant 0 : i32
    %dma_wait3A_287 = tpu.memref_slice %arg5[%dma_wait3A_285, %dma_wait3A_286] : memref<160x125xi32, #tpu.memory_space<vmem>> -> memref<1x125xi32, #tpu.memory_space<vmem>>
    %dma_wait3A_288 = tpu.memref_squeeze %dma_wait3A_287 : memref<1x125xi32, #tpu.memory_space<vmem>> -> memref<125xi32, #tpu.memory_space<vmem>>
    %dma_wait3A_289 = arith.constant 0 : i32
    %dma_wait3A_290 = arith.constant 0 : i32
    %dma_wait3A_291 = tpu.memref_slice %arg16[%dma_wait3A_289, %dma_wait3A_290] : memref<10240x32xf32, #tpu.memory_space<vmem_shared>> -> memref<10240x32xf32, #tpu.memory_space<vmem_shared>>
    tpu.wait_indirect_dma semaphore(%arg22 : memref<!tpu.dma_semaphore, #tpu.memory_space<semaphore_mem>>) src(%dma_wait3A_291 : memref<10240x32xf32, #tpu.memory_space<vmem_shared>>) dst(%arg12 : memref<125x32xf32, #tpu.memory_space<vmem>>)
    %dma_wait3A_292 = arith.constant 157 : i32
    %dma_wait3A_293 = arith.constant 0 : i32
    %dma_wait3A_294 = tpu.memref_slice %arg5[%dma_wait3A_292, %dma_wait3A_293] : memref<160x125xi32, #tpu.memory_space<vmem>> -> memref<1x125xi32, #tpu.memory_space<vmem>>
    %dma_wait3A_295 = tpu.memref_squeeze %dma_wait3A_294 : memref<1x125xi32, #tpu.memory_space<vmem>> -> memref<125xi32, #tpu.memory_space<vmem>>
    %dma_wait3A_296 = arith.constant 0 : i32
    %dma_wait3A_297 = arith.constant 0 : i32
    %dma_wait3A_298 = tpu.memref_slice %arg16[%dma_wait3A_296, %dma_wait3A_297] : memref<10240x32xf32, #tpu.memory_space<vmem_shared>> -> memref<10240x32xf32, #tpu.memory_space<vmem_shared>>
    tpu.wait_indirect_dma semaphore(%arg23 : memref<!tpu.dma_semaphore, #tpu.memory_space<semaphore_mem>>) src(%dma_wait3A_298 : memref<10240x32xf32, #tpu.memory_space<vmem_shared>>) dst(%arg13 : memref<125x32xf32, #tpu.memory_space<vmem>>)
    %dma_wait3A_299 = arith.constant 158 : i32
    %dma_wait3A_300 = arith.constant 0 : i32
    %dma_wait3A_301 = tpu.memref_slice %arg5[%dma_wait3A_299, %dma_wait3A_300] : memref<160x125xi32, #tpu.memory_space<vmem>> -> memref<1x125xi32, #tpu.memory_space<vmem>>
    %dma_wait3A_302 = tpu.memref_squeeze %dma_wait3A_301 : memref<1x125xi32, #tpu.memory_space<vmem>> -> memref<125xi32, #tpu.memory_space<vmem>>
    %dma_wait3A_303 = arith.constant 0 : i32
    %dma_wait3A_304 = arith.constant 0 : i32
    %dma_wait3A_305 = tpu.memref_slice %arg16[%dma_wait3A_303, %dma_wait3A_304] : memref<10240x32xf32, #tpu.memory_space<vmem_shared>> -> memref<10240x32xf32, #tpu.memory_space<vmem_shared>>
    tpu.wait_indirect_dma semaphore(%arg24 : memref<!tpu.dma_semaphore, #tpu.memory_space<semaphore_mem>>) src(%dma_wait3A_305 : memref<10240x32xf32, #tpu.memory_space<vmem_shared>>) dst(%arg14 : memref<125x32xf32, #tpu.memory_space<vmem>>)
    %dma_wait3A_306 = arith.constant 159 : i32
    %dma_wait3A_307 = arith.constant 0 : i32
    %dma_wait3A_308 = tpu.memref_slice %arg5[%dma_wait3A_306, %dma_wait3A_307] : memref<160x125xi32, #tpu.memory_space<vmem>> -> memref<1x125xi32, #tpu.memory_space<vmem>>
    %dma_wait3A_309 = tpu.memref_squeeze %dma_wait3A_308 : memref<1x125xi32, #tpu.memory_space<vmem>> -> memref<125xi32, #tpu.memory_space<vmem>>
    %dma_wait3A_310 = arith.constant 0 : i32
    %dma_wait3A_311 = arith.constant 0 : i32
    %dma_wait3A_312 = tpu.memref_slice %arg16[%dma_wait3A_310, %dma_wait3A_311] : memref<10240x32xf32, #tpu.memory_space<vmem_shared>> -> memref<10240x32xf32, #tpu.memory_space<vmem_shared>>
    tpu.wait_indirect_dma semaphore(%arg25 : memref<!tpu.dma_semaphore, #tpu.memory_space<semaphore_mem>>) src(%dma_wait3A_312 : memref<10240x32xf32, #tpu.memory_space<vmem_shared>>) dst(%arg15 : memref<125x32xf32, #tpu.memory_space<vmem>>)
    %dma_start3A_313 = arith.constant 156 : i32
    %dma_start3A_314 = arith.constant 0 : i32
    %dma_start3A_315 = tpu.memref_slice %arg6[%dma_start3A_313, %dma_start3A_314] : memref<160x125xi32, #tpu.memory_space<vmem>> -> memref<1x125xi32, #tpu.memory_space<vmem>>
    %dma_start3A_316 = tpu.memref_squeeze %dma_start3A_315 : memref<1x125xi32, #tpu.memory_space<vmem>> -> memref<125xi32, #tpu.memory_space<vmem>>
    %dma_start3A_317 = arith.constant 0 : i32
    %dma_start3A_318 = arith.constant 0 : i32
    %dma_start3A_319 = tpu.memref_slice %arg17[%dma_start3A_317, %dma_start3A_318] : memref<10240x32xf32, #tpu.memory_space<vmem_shared>> -> memref<10240x32xf32, #tpu.memory_space<vmem_shared>>
    tpu.enqueue_indirect_dma source(%arg12 : memref<125x32xf32, #tpu.memory_space<vmem>>) target(%dma_start3A_319 : memref<10240x32xf32, #tpu.memory_space<vmem_shared>>) offsets(%dma_start3A_316 : memref<125xi32, #tpu.memory_space<vmem>>) semaphore(%arg30 : memref<!tpu.dma_semaphore, #tpu.memory_space<semaphore_mem>>) {add = true}
    %dma_start3A_320 = arith.constant 157 : i32
    %dma_start3A_321 = arith.constant 0 : i32
    %dma_start3A_322 = tpu.memref_slice %arg6[%dma_start3A_320, %dma_start3A_321] : memref<160x125xi32, #tpu.memory_space<vmem>> -> memref<1x125xi32, #tpu.memory_space<vmem>>
    %dma_start3A_323 = tpu.memref_squeeze %dma_start3A_322 : memref<1x125xi32, #tpu.memory_space<vmem>> -> memref<125xi32, #tpu.memory_space<vmem>>
    %dma_start3A_324 = arith.constant 0 : i32
    %dma_start3A_325 = arith.constant 0 : i32
    %dma_start3A_326 = tpu.memref_slice %arg17[%dma_start3A_324, %dma_start3A_325] : memref<10240x32xf32, #tpu.memory_space<vmem_shared>> -> memref<10240x32xf32, #tpu.memory_space<vmem_shared>>
    tpu.enqueue_indirect_dma source(%arg13 : memref<125x32xf32, #tpu.memory_space<vmem>>) target(%dma_start3A_326 : memref<10240x32xf32, #tpu.memory_space<vmem_shared>>) offsets(%dma_start3A_323 : memref<125xi32, #tpu.memory_space<vmem>>) semaphore(%arg31 : memref<!tpu.dma_semaphore, #tpu.memory_space<semaphore_mem>>) {add = true}
    %dma_start3A_327 = arith.constant 158 : i32
    %dma_start3A_328 = arith.constant 0 : i32
    %dma_start3A_329 = tpu.memref_slice %arg6[%dma_start3A_327, %dma_start3A_328] : memref<160x125xi32, #tpu.memory_space<vmem>> -> memref<1x125xi32, #tpu.memory_space<vmem>>
    %dma_start3A_330 = tpu.memref_squeeze %dma_start3A_329 : memref<1x125xi32, #tpu.memory_space<vmem>> -> memref<125xi32, #tpu.memory_space<vmem>>
    %dma_start3A_331 = arith.constant 0 : i32
    %dma_start3A_332 = arith.constant 0 : i32
    %dma_start3A_333 = tpu.memref_slice %arg17[%dma_start3A_331, %dma_start3A_332] : memref<10240x32xf32, #tpu.memory_space<vmem_shared>> -> memref<10240x32xf32, #tpu.memory_space<vmem_shared>>
    tpu.enqueue_indirect_dma source(%arg14 : memref<125x32xf32, #tpu.memory_space<vmem>>) target(%dma_start3A_333 : memref<10240x32xf32, #tpu.memory_space<vmem_shared>>) offsets(%dma_start3A_330 : memref<125xi32, #tpu.memory_space<vmem>>) semaphore(%arg32 : memref<!tpu.dma_semaphore, #tpu.memory_space<semaphore_mem>>) {add = true}
    %dma_start3A_334 = arith.constant 159 : i32
    %dma_start3A_335 = arith.constant 0 : i32
    %dma_start3A_336 = tpu.memref_slice %arg6[%dma_start3A_334, %dma_start3A_335] : memref<160x125xi32, #tpu.memory_space<vmem>> -> memref<1x125xi32, #tpu.memory_space<vmem>>
    %dma_start3A_337 = tpu.memref_squeeze %dma_start3A_336 : memref<1x125xi32, #tpu.memory_space<vmem>> -> memref<125xi32, #tpu.memory_space<vmem>>
    %dma_start3A_338 = arith.constant 0 : i32
    %dma_start3A_339 = arith.constant 0 : i32
    %dma_start3A_340 = tpu.memref_slice %arg17[%dma_start3A_338, %dma_start3A_339] : memref<10240x32xf32, #tpu.memory_space<vmem_shared>> -> memref<10240x32xf32, #tpu.memory_space<vmem_shared>>
    tpu.enqueue_indirect_dma source(%arg15 : memref<125x32xf32, #tpu.memory_space<vmem>>) target(%dma_start3A_340 : memref<10240x32xf32, #tpu.memory_space<vmem_shared>>) offsets(%dma_start3A_337 : memref<125xi32, #tpu.memory_space<vmem>>) semaphore(%arg33 : memref<!tpu.dma_semaphore, #tpu.memory_space<semaphore_mem>>) {add = true}
    %dma_wait3A_341 = arith.constant 156 : i32
    %dma_wait3A_342 = arith.constant 0 : i32
    %dma_wait3A_343 = tpu.memref_slice %arg6[%dma_wait3A_341, %dma_wait3A_342] : memref<160x125xi32, #tpu.memory_space<vmem>> -> memref<1x125xi32, #tpu.memory_space<vmem>>
    %dma_wait3A_344 = tpu.memref_squeeze %dma_wait3A_343 : memref<1x125xi32, #tpu.memory_space<vmem>> -> memref<125xi32, #tpu.memory_space<vmem>>
    %dma_wait3A_345 = arith.constant 0 : i32
    %dma_wait3A_346 = arith.constant 0 : i32
    %dma_wait3A_347 = tpu.memref_slice %arg17[%dma_wait3A_345, %dma_wait3A_346] : memref<10240x32xf32, #tpu.memory_space<vmem_shared>> -> memref<10240x32xf32, #tpu.memory_space<vmem_shared>>
    tpu.wait_indirect_dma semaphore(%arg30 : memref<!tpu.dma_semaphore, #tpu.memory_space<semaphore_mem>>) src(%arg12 : memref<125x32xf32, #tpu.memory_space<vmem>>) dst(%dma_wait3A_347 : memref<10240x32xf32, #tpu.memory_space<vmem_shared>>)
    %dma_wait3A_348 = arith.constant 157 : i32
    %dma_wait3A_349 = arith.constant 0 : i32
    %dma_wait3A_350 = tpu.memref_slice %arg6[%dma_wait3A_348, %dma_wait3A_349] : memref<160x125xi32, #tpu.memory_space<vmem>> -> memref<1x125xi32, #tpu.memory_space<vmem>>
    %dma_wait3A_351 = tpu.memref_squeeze %dma_wait3A_350 : memref<1x125xi32, #tpu.memory_space<vmem>> -> memref<125xi32, #tpu.memory_space<vmem>>
    %dma_wait3A_352 = arith.constant 0 : i32
    %dma_wait3A_353 = arith.constant 0 : i32
    %dma_wait3A_354 = tpu.memref_slice %arg17[%dma_wait3A_352, %dma_wait3A_353] : memref<10240x32xf32, #tpu.memory_space<vmem_shared>> -> memref<10240x32xf32, #tpu.memory_space<vmem_shared>>
    tpu.wait_indirect_dma semaphore(%arg31 : memref<!tpu.dma_semaphore, #tpu.memory_space<semaphore_mem>>) src(%arg13 : memref<125x32xf32, #tpu.memory_space<vmem>>) dst(%dma_wait3A_354 : memref<10240x32xf32, #tpu.memory_space<vmem_shared>>)
    %dma_wait3A_355 = arith.constant 158 : i32
    %dma_wait3A_356 = arith.constant 0 : i32
    %dma_wait3A_357 = tpu.memref_slice %arg6[%dma_wait3A_355, %dma_wait3A_356] : memref<160x125xi32, #tpu.memory_space<vmem>> -> memref<1x125xi32, #tpu.memory_space<vmem>>
    %dma_wait3A_358 = tpu.memref_squeeze %dma_wait3A_357 : memref<1x125xi32, #tpu.memory_space<vmem>> -> memref<125xi32, #tpu.memory_space<vmem>>
    %dma_wait3A_359 = arith.constant 0 : i32
    %dma_wait3A_360 = arith.constant 0 : i32
    %dma_wait3A_361 = tpu.memref_slice %arg17[%dma_wait3A_359, %dma_wait3A_360] : memref<10240x32xf32, #tpu.memory_space<vmem_shared>> -> memref<10240x32xf32, #tpu.memory_space<vmem_shared>>
    tpu.wait_indirect_dma semaphore(%arg32 : memref<!tpu.dma_semaphore, #tpu.memory_space<semaphore_mem>>) src(%arg14 : memref<125x32xf32, #tpu.memory_space<vmem>>) dst(%dma_wait3A_361 : memref<10240x32xf32, #tpu.memory_space<vmem_shared>>)
    %dma_wait3A_362 = arith.constant 159 : i32
    %dma_wait3A_363 = arith.constant 0 : i32
    %dma_wait3A_364 = tpu.memref_slice %arg6[%dma_wait3A_362, %dma_wait3A_363] : memref<160x125xi32, #tpu.memory_space<vmem>> -> memref<1x125xi32, #tpu.memory_space<vmem>>
    %dma_wait3A_365 = tpu.memref_squeeze %dma_wait3A_364 : memref<1x125xi32, #tpu.memory_space<vmem>> -> memref<125xi32, #tpu.memory_space<vmem>>
    %dma_wait3A_366 = arith.constant 0 : i32
    %dma_wait3A_367 = arith.constant 0 : i32
    %dma_wait3A_368 = tpu.memref_slice %arg17[%dma_wait3A_366, %dma_wait3A_367] : memref<10240x32xf32, #tpu.memory_space<vmem_shared>> -> memref<10240x32xf32, #tpu.memory_space<vmem_shared>>
    tpu.wait_indirect_dma semaphore(%arg33 : memref<!tpu.dma_semaphore, #tpu.memory_space<semaphore_mem>>) src(%arg15 : memref<125x32xf32, #tpu.memory_space<vmem>>) dst(%dma_wait3A_368 : memref<10240x32xf32, #tpu.memory_space<vmem_shared>>)
    %barrier3A_369 = arith.constant 0 : index
    tpu.barrier barrier_id(%barrier3A_369)
    %mul3A_370 = arith.constant 640 : i32
    %mul3A_371 = arith.muli %arg1, %mul3A_370 : i32
    %mul3A_372 = arith.constant 640 : i32
    %mul3A_373 = arith.muli %arg1, %mul3A_372 : i32
    %mul3A_374 = arith.constant 32 : i32
    %mul3A_375 = arith.muli %add3A_40, %mul3A_374 : i32
    "tpu.region"() ({
      %run_scoped3A = tpu.sem_alloc : memref<!tpu.dma_semaphore, #tpu.memory_space<semaphore_mem>>
      %dma_start3A_715 = tpu.memref_slice %arg4[%mul3A_373, %mul3A_375] : memref<10240x128xf32, #tpu.memory_space<hbm>> -> memref<640x32xf32, #tpu.memory_space<hbm>>
      %dma_start3A_716 = arith.constant 0 : i32
      %dma_start3A_717 = tpu.memref_slice %arg17[%mul3A_371, %dma_start3A_716] : memref<10240x32xf32, #tpu.memory_space<vmem_shared>> -> memref<640x32xf32, #tpu.memory_space<vmem_shared>>
      tpu.enqueue_dma source(%dma_start3A_717 : memref<640x32xf32, #tpu.memory_space<vmem_shared>>) target(%dma_start3A_715 : memref<640x32xf32, #tpu.memory_space<hbm>>) target_semaphore(%run_scoped3A : memref<!tpu.dma_semaphore, #tpu.memory_space<semaphore_mem>>)
      %dma_wait3A_718 = tpu.memref_slice %arg4[%mul3A_373, %mul3A_375] : memref<10240x128xf32, #tpu.memory_space<hbm>> -> memref<640x32xf32, #tpu.memory_space<hbm>>
      %dma_wait3A_719 = arith.constant 0 : i32
      %dma_wait3A_720 = tpu.memref_slice %arg17[%mul3A_371, %dma_wait3A_719] : memref<10240x32xf32, #tpu.memory_space<vmem_shared>> -> memref<640x32xf32, #tpu.memory_space<vmem_shared>>
      tpu.wait_dma2 semaphore(%run_scoped3A : memref<!tpu.dma_semaphore, #tpu.memory_space<semaphore_mem>>) src(%dma_wait3A_720 : memref<640x32xf32, #tpu.memory_space<vmem_shared>>) dst(%dma_wait3A_718 : memref<640x32xf32, #tpu.memory_space<hbm>>)
      tpu.yield
    }) : () -> ()
    %add3A_376 = arith.constant 2 : i32
    %add3A_377 = arith.addi %add3A_376, %arg0 : i32
    %mul3A_378 = arith.constant 640 : i32
    %mul3A_379 = arith.muli %arg1, %mul3A_378 : i32
    %mul3A_380 = arith.constant 32 : i32
    %mul3A_381 = arith.muli %add3A_377, %mul3A_380 : i32
    %mul3A_382 = arith.constant 640 : i32
    %mul3A_383 = arith.muli %arg1, %mul3A_382 : i32
    %dma_start3A_384 = arith.constant 0 : i32
    %dma_start3A_385 = tpu.memref_slice %arg16[%mul3A_383, %dma_start3A_384] : memref<10240x32xf32, #tpu.memory_space<vmem_shared>> -> memref<640x32xf32, #tpu.memory_space<vmem_shared>>
    %dma_start3A_386 = tpu.memref_slice %arg2[%mul3A_379, %mul3A_381] : memref<10240x128xf32, #tpu.memory_space<hbm>> -> memref<640x32xf32, #tpu.memory_space<hbm>>
    tpu.enqueue_dma source(%dma_start3A_386 : memref<640x32xf32, #tpu.memory_space<hbm>>) target(%dma_start3A_385 : memref<640x32xf32, #tpu.memory_space<vmem_shared>>) target_semaphore(%arg23 : memref<!tpu.dma_semaphore, #tpu.memory_space<semaphore_mem>>)
    %mul3A_387 = arith.constant 640 : i32
    %mul3A_388 = arith.muli %arg1, %mul3A_387 : i32
    %add3A_389 = arith.constant 0 : i32
    %add3A_390 = arith.addi %mul3A_388, %add3A_389 : i32
    %dma_start3A_391 = arith.constant 0 : i32
    %dma_start3A_392 = tpu.memref_slice %arg17[%add3A_390, %dma_start3A_391] : memref<10240x32xf32, #tpu.memory_space<vmem_shared>> -> memref<128x32xf32, #tpu.memory_space<vmem_shared>>
    %dma_start3A_393 = arith.constant 0 : i32
    %dma_start3A_394 = tpu.memref_slice %arg17[%add3A_390, %dma_start3A_393] : memref<10240x32xf32, #tpu.memory_space<vmem_shared>> -> memref<128x32xf32, #tpu.memory_space<vmem_shared>>
    tpu.enqueue_dma source(%arg7 : memref<128x32xf32, #tpu.memory_space<vmem>>) target(%dma_start3A_394 : memref<128x32xf32, #tpu.memory_space<vmem_shared>>) target_semaphore(%arg18 : memref<!tpu.dma_semaphore, #tpu.memory_space<semaphore_mem>>)
    %mul3A_395 = arith.constant 640 : i32
    %mul3A_396 = arith.muli %arg1, %mul3A_395 : i32
    %add3A_397 = arith.constant 128 : i32
    %add3A_398 = arith.addi %mul3A_396, %add3A_397 : i32
    %dma_start3A_399 = arith.constant 0 : i32
    %dma_start3A_400 = tpu.memref_slice %arg17[%add3A_398, %dma_start3A_399] : memref<10240x32xf32, #tpu.memory_space<vmem_shared>> -> memref<128x32xf32, #tpu.memory_space<vmem_shared>>
    %dma_start3A_401 = arith.constant 0 : i32
    %dma_start3A_402 = tpu.memref_slice %arg17[%add3A_398, %dma_start3A_401] : memref<10240x32xf32, #tpu.memory_space<vmem_shared>> -> memref<128x32xf32, #tpu.memory_space<vmem_shared>>
    tpu.enqueue_dma source(%arg7 : memref<128x32xf32, #tpu.memory_space<vmem>>) target(%dma_start3A_402 : memref<128x32xf32, #tpu.memory_space<vmem_shared>>) target_semaphore(%arg19 : memref<!tpu.dma_semaphore, #tpu.memory_space<semaphore_mem>>)
    %mul3A_403 = arith.constant 640 : i32
    %mul3A_404 = arith.muli %arg1, %mul3A_403 : i32
    %add3A_405 = arith.constant 256 : i32
    %add3A_406 = arith.addi %mul3A_404, %add3A_405 : i32
    %dma_start3A_407 = arith.constant 0 : i32
    %dma_start3A_408 = tpu.memref_slice %arg17[%add3A_406, %dma_start3A_407] : memref<10240x32xf32, #tpu.memory_space<vmem_shared>> -> memref<128x32xf32, #tpu.memory_space<vmem_shared>>
    %dma_start3A_409 = arith.constant 0 : i32
    %dma_start3A_410 = tpu.memref_slice %arg17[%add3A_406, %dma_start3A_409] : memref<10240x32xf32, #tpu.memory_space<vmem_shared>> -> memref<128x32xf32, #tpu.memory_space<vmem_shared>>
    tpu.enqueue_dma source(%arg7 : memref<128x32xf32, #tpu.memory_space<vmem>>) target(%dma_start3A_410 : memref<128x32xf32, #tpu.memory_space<vmem_shared>>) target_semaphore(%arg20 : memref<!tpu.dma_semaphore, #tpu.memory_space<semaphore_mem>>)
    %mul3A_411 = arith.constant 640 : i32
    %mul3A_412 = arith.muli %arg1, %mul3A_411 : i32
    %add3A_413 = arith.constant 384 : i32
    %add3A_414 = arith.addi %mul3A_412, %add3A_413 : i32
    %dma_start3A_415 = arith.constant 0 : i32
    %dma_start3A_416 = tpu.memref_slice %arg17[%add3A_414, %dma_start3A_415] : memref<10240x32xf32, #tpu.memory_space<vmem_shared>> -> memref<128x32xf32, #tpu.memory_space<vmem_shared>>
    %dma_start3A_417 = arith.constant 0 : i32
    %dma_start3A_418 = tpu.memref_slice %arg17[%add3A_414, %dma_start3A_417] : memref<10240x32xf32, #tpu.memory_space<vmem_shared>> -> memref<128x32xf32, #tpu.memory_space<vmem_shared>>
    tpu.enqueue_dma source(%arg7 : memref<128x32xf32, #tpu.memory_space<vmem>>) target(%dma_start3A_418 : memref<128x32xf32, #tpu.memory_space<vmem_shared>>) target_semaphore(%arg21 : memref<!tpu.dma_semaphore, #tpu.memory_space<semaphore_mem>>)
    %mul3A_419 = arith.constant 640 : i32
    %mul3A_420 = arith.muli %arg1, %mul3A_419 : i32
    %add3A_421 = arith.constant 512 : i32
    %add3A_422 = arith.addi %mul3A_420, %add3A_421 : i32
    %dma_start3A_423 = arith.constant 0 : i32
    %dma_start3A_424 = tpu.memref_slice %arg17[%add3A_422, %dma_start3A_423] : memref<10240x32xf32, #tpu.memory_space<vmem_shared>> -> memref<128x32xf32, #tpu.memory_space<vmem_shared>>
    %dma_start3A_425 = arith.constant 0 : i32
    %dma_start3A_426 = tpu.memref_slice %arg17[%add3A_422, %dma_start3A_425] : memref<10240x32xf32, #tpu.memory_space<vmem_shared>> -> memref<128x32xf32, #tpu.memory_space<vmem_shared>>
    tpu.enqueue_dma source(%arg7 : memref<128x32xf32, #tpu.memory_space<vmem>>) target(%dma_start3A_426 : memref<128x32xf32, #tpu.memory_space<vmem_shared>>) target_semaphore(%arg22 : memref<!tpu.dma_semaphore, #tpu.memory_space<semaphore_mem>>)
    %mul3A_427 = arith.constant 640 : i32
    %mul3A_428 = arith.muli %arg1, %mul3A_427 : i32
    %mul3A_429 = arith.constant 32 : i32
    %mul3A_430 = arith.muli %add3A_377, %mul3A_429 : i32
    %mul3A_431 = arith.constant 640 : i32
    %mul3A_432 = arith.muli %arg1, %mul3A_431 : i32
    %dma_wait3A_433 = arith.constant 0 : i32
    %dma_wait3A_434 = tpu.memref_slice %arg16[%mul3A_432, %dma_wait3A_433] : memref<10240x32xf32, #tpu.memory_space<vmem_shared>> -> memref<640x32xf32, #tpu.memory_space<vmem_shared>>
    %dma_wait3A_435 = tpu.memref_slice %arg2[%mul3A_428, %mul3A_430] : memref<10240x128xf32, #tpu.memory_space<hbm>> -> memref<640x32xf32, #tpu.memory_space<hbm>>
    tpu.wait_dma2 semaphore(%arg23 : memref<!tpu.dma_semaphore, #tpu.memory_space<semaphore_mem>>) src(%dma_wait3A_435 : memref<640x32xf32, #tpu.memory_space<hbm>>) dst(%dma_wait3A_434 : memref<640x32xf32, #tpu.memory_space<vmem_shared>>)
    %mul3A_436 = arith.constant 640 : i32
    %mul3A_437 = arith.muli %arg1, %mul3A_436 : i32
    %add3A_438 = arith.constant 0 : i32
    %add3A_439 = arith.addi %mul3A_437, %add3A_438 : i32
    %dma_wait3A_440 = arith.constant 0 : i32
    %dma_wait3A_441 = tpu.memref_slice %arg17[%add3A_439, %dma_wait3A_440] : memref<10240x32xf32, #tpu.memory_space<vmem_shared>> -> memref<128x32xf32, #tpu.memory_space<vmem_shared>>
    %dma_wait3A_442 = arith.constant 0 : i32
    %dma_wait3A_443 = tpu.memref_slice %arg17[%add3A_439, %dma_wait3A_442] : memref<10240x32xf32, #tpu.memory_space<vmem_shared>> -> memref<128x32xf32, #tpu.memory_space<vmem_shared>>
    tpu.wait_dma2 semaphore(%arg18 : memref<!tpu.dma_semaphore, #tpu.memory_space<semaphore_mem>>) src(%arg7 : memref<128x32xf32, #tpu.memory_space<vmem>>) dst(%dma_wait3A_443 : memref<128x32xf32, #tpu.memory_space<vmem_shared>>)
    %mul3A_444 = arith.constant 640 : i32
    %mul3A_445 = arith.muli %arg1, %mul3A_444 : i32
    %add3A_446 = arith.constant 128 : i32
    %add3A_447 = arith.addi %mul3A_445, %add3A_446 : i32
    %dma_wait3A_448 = arith.constant 0 : i32
    %dma_wait3A_449 = tpu.memref_slice %arg17[%add3A_447, %dma_wait3A_448] : memref<10240x32xf32, #tpu.memory_space<vmem_shared>> -> memref<128x32xf32, #tpu.memory_space<vmem_shared>>
    %dma_wait3A_450 = arith.constant 0 : i32
    %dma_wait3A_451 = tpu.memref_slice %arg17[%add3A_447, %dma_wait3A_450] : memref<10240x32xf32, #tpu.memory_space<vmem_shared>> -> memref<128x32xf32, #tpu.memory_space<vmem_shared>>
    tpu.wait_dma2 semaphore(%arg19 : memref<!tpu.dma_semaphore, #tpu.memory_space<semaphore_mem>>) src(%arg7 : memref<128x32xf32, #tpu.memory_space<vmem>>) dst(%dma_wait3A_451 : memref<128x32xf32, #tpu.memory_space<vmem_shared>>)
    %mul3A_452 = arith.constant 640 : i32
    %mul3A_453 = arith.muli %arg1, %mul3A_452 : i32
    %add3A_454 = arith.constant 256 : i32
    %add3A_455 = arith.addi %mul3A_453, %add3A_454 : i32
    %dma_wait3A_456 = arith.constant 0 : i32
    %dma_wait3A_457 = tpu.memref_slice %arg17[%add3A_455, %dma_wait3A_456] : memref<10240x32xf32, #tpu.memory_space<vmem_shared>> -> memref<128x32xf32, #tpu.memory_space<vmem_shared>>
    %dma_wait3A_458 = arith.constant 0 : i32
    %dma_wait3A_459 = tpu.memref_slice %arg17[%add3A_455, %dma_wait3A_458] : memref<10240x32xf32, #tpu.memory_space<vmem_shared>> -> memref<128x32xf32, #tpu.memory_space<vmem_shared>>
    tpu.wait_dma2 semaphore(%arg20 : memref<!tpu.dma_semaphore, #tpu.memory_space<semaphore_mem>>) src(%arg7 : memref<128x32xf32, #tpu.memory_space<vmem>>) dst(%dma_wait3A_459 : memref<128x32xf32, #tpu.memory_space<vmem_shared>>)
    %mul3A_460 = arith.constant 640 : i32
    %mul3A_461 = arith.muli %arg1, %mul3A_460 : i32
    %add3A_462 = arith.constant 384 : i32
    %add3A_463 = arith.addi %mul3A_461, %add3A_462 : i32
    %dma_wait3A_464 = arith.constant 0 : i32
    %dma_wait3A_465 = tpu.memref_slice %arg17[%add3A_463, %dma_wait3A_464] : memref<10240x32xf32, #tpu.memory_space<vmem_shared>> -> memref<128x32xf32, #tpu.memory_space<vmem_shared>>
    %dma_wait3A_466 = arith.constant 0 : i32
    %dma_wait3A_467 = tpu.memref_slice %arg17[%add3A_463, %dma_wait3A_466] : memref<10240x32xf32, #tpu.memory_space<vmem_shared>> -> memref<128x32xf32, #tpu.memory_space<vmem_shared>>
    tpu.wait_dma2 semaphore(%arg21 : memref<!tpu.dma_semaphore, #tpu.memory_space<semaphore_mem>>) src(%arg7 : memref<128x32xf32, #tpu.memory_space<vmem>>) dst(%dma_wait3A_467 : memref<128x32xf32, #tpu.memory_space<vmem_shared>>)
    %mul3A_468 = arith.constant 640 : i32
    %mul3A_469 = arith.muli %arg1, %mul3A_468 : i32
    %add3A_470 = arith.constant 512 : i32
    %add3A_471 = arith.addi %mul3A_469, %add3A_470 : i32
    %dma_wait3A_472 = arith.constant 0 : i32
    %dma_wait3A_473 = tpu.memref_slice %arg17[%add3A_471, %dma_wait3A_472] : memref<10240x32xf32, #tpu.memory_space<vmem_shared>> -> memref<128x32xf32, #tpu.memory_space<vmem_shared>>
    %dma_wait3A_474 = arith.constant 0 : i32
    %dma_wait3A_475 = tpu.memref_slice %arg17[%add3A_471, %dma_wait3A_474] : memref<10240x32xf32, #tpu.memory_space<vmem_shared>> -> memref<128x32xf32, #tpu.memory_space<vmem_shared>>
    tpu.wait_dma2 semaphore(%arg22 : memref<!tpu.dma_semaphore, #tpu.memory_space<semaphore_mem>>) src(%arg7 : memref<128x32xf32, #tpu.memory_space<vmem>>) dst(%dma_wait3A_475 : memref<128x32xf32, #tpu.memory_space<vmem_shared>>)
    %barrier3A_476 = arith.constant 0 : index
    tpu.barrier barrier_id(%barrier3A_476)
    %dma_start3A_477 = arith.constant 0 : i32
    %dma_start3A_478 = arith.constant 0 : i32
    %dma_start3A_479 = tpu.memref_slice %arg5[%dma_start3A_477, %dma_start3A_478] : memref<160x125xi32, #tpu.memory_space<vmem>> -> memref<1x125xi32, #tpu.memory_space<vmem>>
    %dma_start3A_480 = tpu.memref_squeeze %dma_start3A_479 : memref<1x125xi32, #tpu.memory_space<vmem>> -> memref<125xi32, #tpu.memory_space<vmem>>
    %dma_start3A_481 = arith.constant 0 : i32
    %dma_start3A_482 = arith.constant 0 : i32
    %dma_start3A_483 = tpu.memref_slice %arg16[%dma_start3A_481, %dma_start3A_482] : memref<10240x32xf32, #tpu.memory_space<vmem_shared>> -> memref<10240x32xf32, #tpu.memory_space<vmem_shared>>
    tpu.enqueue_indirect_dma source(%dma_start3A_483 : memref<10240x32xf32, #tpu.memory_space<vmem_shared>>) target(%arg8 : memref<125x32xf32, #tpu.memory_space<vmem>>) offsets(%dma_start3A_480 : memref<125xi32, #tpu.memory_space<vmem>>) semaphore(%arg18 : memref<!tpu.dma_semaphore, #tpu.memory_space<semaphore_mem>>)
    %dma_start3A_484 = arith.constant 1 : i32
    %dma_start3A_485 = arith.constant 0 : i32
    %dma_start3A_486 = tpu.memref_slice %arg5[%dma_start3A_484, %dma_start3A_485] : memref<160x125xi32, #tpu.memory_space<vmem>> -> memref<1x125xi32, #tpu.memory_space<vmem>>
    %dma_start3A_487 = tpu.memref_squeeze %dma_start3A_486 : memref<1x125xi32, #tpu.memory_space<vmem>> -> memref<125xi32, #tpu.memory_space<vmem>>
    %dma_start3A_488 = arith.constant 0 : i32
    %dma_start3A_489 = arith.constant 0 : i32
    %dma_start3A_490 = tpu.memref_slice %arg16[%dma_start3A_488, %dma_start3A_489] : memref<10240x32xf32, #tpu.memory_space<vmem_shared>> -> memref<10240x32xf32, #tpu.memory_space<vmem_shared>>
    tpu.enqueue_indirect_dma source(%dma_start3A_490 : memref<10240x32xf32, #tpu.memory_space<vmem_shared>>) target(%arg9 : memref<125x32xf32, #tpu.memory_space<vmem>>) offsets(%dma_start3A_487 : memref<125xi32, #tpu.memory_space<vmem>>) semaphore(%arg19 : memref<!tpu.dma_semaphore, #tpu.memory_space<semaphore_mem>>)
    %dma_start3A_491 = arith.constant 2 : i32
    %dma_start3A_492 = arith.constant 0 : i32
    %dma_start3A_493 = tpu.memref_slice %arg5[%dma_start3A_491, %dma_start3A_492] : memref<160x125xi32, #tpu.memory_space<vmem>> -> memref<1x125xi32, #tpu.memory_space<vmem>>
    %dma_start3A_494 = tpu.memref_squeeze %dma_start3A_493 : memref<1x125xi32, #tpu.memory_space<vmem>> -> memref<125xi32, #tpu.memory_space<vmem>>
    %dma_start3A_495 = arith.constant 0 : i32
    %dma_start3A_496 = arith.constant 0 : i32
    %dma_start3A_497 = tpu.memref_slice %arg16[%dma_start3A_495, %dma_start3A_496] : memref<10240x32xf32, #tpu.memory_space<vmem_shared>> -> memref<10240x32xf32, #tpu.memory_space<vmem_shared>>
    tpu.enqueue_indirect_dma source(%dma_start3A_497 : memref<10240x32xf32, #tpu.memory_space<vmem_shared>>) target(%arg10 : memref<125x32xf32, #tpu.memory_space<vmem>>) offsets(%dma_start3A_494 : memref<125xi32, #tpu.memory_space<vmem>>) semaphore(%arg20 : memref<!tpu.dma_semaphore, #tpu.memory_space<semaphore_mem>>)
    %dma_start3A_498 = arith.constant 3 : i32
    %dma_start3A_499 = arith.constant 0 : i32
    %dma_start3A_500 = tpu.memref_slice %arg5[%dma_start3A_498, %dma_start3A_499] : memref<160x125xi32, #tpu.memory_space<vmem>> -> memref<1x125xi32, #tpu.memory_space<vmem>>
    %dma_start3A_501 = tpu.memref_squeeze %dma_start3A_500 : memref<1x125xi32, #tpu.memory_space<vmem>> -> memref<125xi32, #tpu.memory_space<vmem>>
    %dma_start3A_502 = arith.constant 0 : i32
    %dma_start3A_503 = arith.constant 0 : i32
    %dma_start3A_504 = tpu.memref_slice %arg16[%dma_start3A_502, %dma_start3A_503] : memref<10240x32xf32, #tpu.memory_space<vmem_shared>> -> memref<10240x32xf32, #tpu.memory_space<vmem_shared>>
    tpu.enqueue_indirect_dma source(%dma_start3A_504 : memref<10240x32xf32, #tpu.memory_space<vmem_shared>>) target(%arg11 : memref<125x32xf32, #tpu.memory_space<vmem>>) offsets(%dma_start3A_501 : memref<125xi32, #tpu.memory_space<vmem>>) semaphore(%arg21 : memref<!tpu.dma_semaphore, #tpu.memory_space<semaphore_mem>>)
    %dma_start3A_505 = arith.constant 4 : i32
    %dma_start3A_506 = arith.constant 0 : i32
    %dma_start3A_507 = tpu.memref_slice %arg5[%dma_start3A_505, %dma_start3A_506] : memref<160x125xi32, #tpu.memory_space<vmem>> -> memref<1x125xi32, #tpu.memory_space<vmem>>
    %dma_start3A_508 = tpu.memref_squeeze %dma_start3A_507 : memref<1x125xi32, #tpu.memory_space<vmem>> -> memref<125xi32, #tpu.memory_space<vmem>>
    %dma_start3A_509 = arith.constant 0 : i32
    %dma_start3A_510 = arith.constant 0 : i32
    %dma_start3A_511 = tpu.memref_slice %arg16[%dma_start3A_509, %dma_start3A_510] : memref<10240x32xf32, #tpu.memory_space<vmem_shared>> -> memref<10240x32xf32, #tpu.memory_space<vmem_shared>>
    tpu.enqueue_indirect_dma source(%dma_start3A_511 : memref<10240x32xf32, #tpu.memory_space<vmem_shared>>) target(%arg12 : memref<125x32xf32, #tpu.memory_space<vmem>>) offsets(%dma_start3A_508 : memref<125xi32, #tpu.memory_space<vmem>>) semaphore(%arg22 : memref<!tpu.dma_semaphore, #tpu.memory_space<semaphore_mem>>)
    %dma_start3A_512 = arith.constant 5 : i32
    %dma_start3A_513 = arith.constant 0 : i32
    %dma_start3A_514 = tpu.memref_slice %arg5[%dma_start3A_512, %dma_start3A_513] : memref<160x125xi32, #tpu.memory_space<vmem>> -> memref<1x125xi32, #tpu.memory_space<vmem>>
    %dma_start3A_515 = tpu.memref_squeeze %dma_start3A_514 : memref<1x125xi32, #tpu.memory_space<vmem>> -> memref<125xi32, #tpu.memory_space<vmem>>
    %dma_start3A_516 = arith.constant 0 : i32
    %dma_start3A_517 = arith.constant 0 : i32
    %dma_start3A_518 = tpu.memref_slice %arg16[%dma_start3A_516, %dma_start3A_517] : memref<10240x32xf32, #tpu.memory_space<vmem_shared>> -> memref<10240x32xf32, #tpu.memory_space<vmem_shared>>
    tpu.enqueue_indirect_dma source(%dma_start3A_518 : memref<10240x32xf32, #tpu.memory_space<vmem_shared>>) target(%arg13 : memref<125x32xf32, #tpu.memory_space<vmem>>) offsets(%dma_start3A_515 : memref<125xi32, #tpu.memory_space<vmem>>) semaphore(%arg23 : memref<!tpu.dma_semaphore, #tpu.memory_space<semaphore_mem>>)
    %dma_start3A_519 = arith.constant 6 : i32
    %dma_start3A_520 = arith.constant 0 : i32
    %dma_start3A_521 = tpu.memref_slice %arg5[%dma_start3A_519, %dma_start3A_520] : memref<160x125xi32, #tpu.memory_space<vmem>> -> memref<1x125xi32, #tpu.memory_space<vmem>>
    %dma_start3A_522 = tpu.memref_squeeze %dma_start3A_521 : memref<1x125xi32, #tpu.memory_space<vmem>> -> memref<125xi32, #tpu.memory_space<vmem>>
    %dma_start3A_523 = arith.constant 0 : i32
    %dma_start3A_524 = arith.constant 0 : i32
    %dma_start3A_525 = tpu.memref_slice %arg16[%dma_start3A_523, %dma_start3A_524] : memref<10240x32xf32, #tpu.memory_space<vmem_shared>> -> memref<10240x32xf32, #tpu.memory_space<vmem_shared>>
    tpu.enqueue_indirect_dma source(%dma_start3A_525 : memref<10240x32xf32, #tpu.memory_space<vmem_shared>>) target(%arg14 : memref<125x32xf32, #tpu.memory_space<vmem>>) offsets(%dma_start3A_522 : memref<125xi32, #tpu.memory_space<vmem>>) semaphore(%arg24 : memref<!tpu.dma_semaphore, #tpu.memory_space<semaphore_mem>>)
    %dma_start3A_526 = arith.constant 7 : i32
    %dma_start3A_527 = arith.constant 0 : i32
    %dma_start3A_528 = tpu.memref_slice %arg5[%dma_start3A_526, %dma_start3A_527] : memref<160x125xi32, #tpu.memory_space<vmem>> -> memref<1x125xi32, #tpu.memory_space<vmem>>
    %dma_start3A_529 = tpu.memref_squeeze %dma_start3A_528 : memref<1x125xi32, #tpu.memory_space<vmem>> -> memref<125xi32, #tpu.memory_space<vmem>>
    %dma_start3A_530 = arith.constant 0 : i32
    %dma_start3A_531 = arith.constant 0 : i32
    %dma_start3A_532 = tpu.memref_slice %arg16[%dma_start3A_530, %dma_start3A_531] : memref<10240x32xf32, #tpu.memory_space<vmem_shared>> -> memref<10240x32xf32, #tpu.memory_space<vmem_shared>>
    tpu.enqueue_indirect_dma source(%dma_start3A_532 : memref<10240x32xf32, #tpu.memory_space<vmem_shared>>) target(%arg15 : memref<125x32xf32, #tpu.memory_space<vmem>>) offsets(%dma_start3A_529 : memref<125xi32, #tpu.memory_space<vmem>>) semaphore(%arg25 : memref<!tpu.dma_semaphore, #tpu.memory_space<semaphore_mem>>)
    %scan3A_533 = arith.constant 0 : i32
    %scan3A_534 = arith.constant 0 : i32
    %scan3A_535 = arith.constant 19 : i32
    %scan3A_536 = arith.addi %scan3A_534, %scan3A_535 : i32
    %scan3A_537 = arith.constant 1 : i32
    %scan3A_538 = scf.for %scan3A_715 = %scan3A_534 to %scan3A_536 step %scan3A_537 iter_args(%scan3A_716 = %scan3A_533) -> (i32)  : i32 {
      %mul3A_717 = arith.constant 8 : i32
      %mul3A_718 = arith.muli %mul3A_717, %scan3A_715 : i32
      %add3A_719 = arith.constant 0 : i32
      %add3A_720 = arith.addi %mul3A_718, %add3A_719 : i32
      %add3A_721 = arith.constant 0 : i32
      %add3A_722 = arith.addi %add3A_720, %add3A_721 : i32
      %dma_wait3A_723 = arith.constant 0 : i32
      %dma_wait3A_724 = tpu.memref_slice %arg5[%add3A_722, %dma_wait3A_723] : memref<160x125xi32, #tpu.memory_space<vmem>> -> memref<1x125xi32, #tpu.memory_space<vmem>>
      %dma_wait3A_725 = tpu.memref_squeeze %dma_wait3A_724 : memref<1x125xi32, #tpu.memory_space<vmem>> -> memref<125xi32, #tpu.memory_space<vmem>>
      %dma_wait3A_726 = arith.constant 0 : i32
      %dma_wait3A_727 = arith.constant 0 : i32
      %dma_wait3A_728 = tpu.memref_slice %arg16[%dma_wait3A_726, %dma_wait3A_727] : memref<10240x32xf32, #tpu.memory_space<vmem_shared>> -> memref<10240x32xf32, #tpu.memory_space<vmem_shared>>
      tpu.wait_indirect_dma semaphore(%arg18 : memref<!tpu.dma_semaphore, #tpu.memory_space<semaphore_mem>>) src(%dma_wait3A_728 : memref<10240x32xf32, #tpu.memory_space<vmem_shared>>) dst(%arg8 : memref<125x32xf32, #tpu.memory_space<vmem>>)
      %add3A_729 = arith.constant 1 : i32
      %add3A_730 = arith.addi %add3A_720, %add3A_729 : i32
      %dma_wait3A_731 = arith.constant 0 : i32
      %dma_wait3A_732 = tpu.memref_slice %arg5[%add3A_730, %dma_wait3A_731] : memref<160x125xi32, #tpu.memory_space<vmem>> -> memref<1x125xi32, #tpu.memory_space<vmem>>
      %dma_wait3A_733 = tpu.memref_squeeze %dma_wait3A_732 : memref<1x125xi32, #tpu.memory_space<vmem>> -> memref<125xi32, #tpu.memory_space<vmem>>
      %dma_wait3A_734 = arith.constant 0 : i32
      %dma_wait3A_735 = arith.constant 0 : i32
      %dma_wait3A_736 = tpu.memref_slice %arg16[%dma_wait3A_734, %dma_wait3A_735] : memref<10240x32xf32, #tpu.memory_space<vmem_shared>> -> memref<10240x32xf32, #tpu.memory_space<vmem_shared>>
      tpu.wait_indirect_dma semaphore(%arg19 : memref<!tpu.dma_semaphore, #tpu.memory_space<semaphore_mem>>) src(%dma_wait3A_736 : memref<10240x32xf32, #tpu.memory_space<vmem_shared>>) dst(%arg9 : memref<125x32xf32, #tpu.memory_space<vmem>>)
      %add3A_737 = arith.constant 2 : i32
      %add3A_738 = arith.addi %add3A_720, %add3A_737 : i32
      %dma_wait3A_739 = arith.constant 0 : i32
      %dma_wait3A_740 = tpu.memref_slice %arg5[%add3A_738, %dma_wait3A_739] : memref<160x125xi32, #tpu.memory_space<vmem>> -> memref<1x125xi32, #tpu.memory_space<vmem>>
      %dma_wait3A_741 = tpu.memref_squeeze %dma_wait3A_740 : memref<1x125xi32, #tpu.memory_space<vmem>> -> memref<125xi32, #tpu.memory_space<vmem>>
      %dma_wait3A_742 = arith.constant 0 : i32
      %dma_wait3A_743 = arith.constant 0 : i32
      %dma_wait3A_744 = tpu.memref_slice %arg16[%dma_wait3A_742, %dma_wait3A_743] : memref<10240x32xf32, #tpu.memory_space<vmem_shared>> -> memref<10240x32xf32, #tpu.memory_space<vmem_shared>>
      tpu.wait_indirect_dma semaphore(%arg20 : memref<!tpu.dma_semaphore, #tpu.memory_space<semaphore_mem>>) src(%dma_wait3A_744 : memref<10240x32xf32, #tpu.memory_space<vmem_shared>>) dst(%arg10 : memref<125x32xf32, #tpu.memory_space<vmem>>)
      %add3A_745 = arith.constant 3 : i32
      %add3A_746 = arith.addi %add3A_720, %add3A_745 : i32
      %dma_wait3A_747 = arith.constant 0 : i32
      %dma_wait3A_748 = tpu.memref_slice %arg5[%add3A_746, %dma_wait3A_747] : memref<160x125xi32, #tpu.memory_space<vmem>> -> memref<1x125xi32, #tpu.memory_space<vmem>>
      %dma_wait3A_749 = tpu.memref_squeeze %dma_wait3A_748 : memref<1x125xi32, #tpu.memory_space<vmem>> -> memref<125xi32, #tpu.memory_space<vmem>>
      %dma_wait3A_750 = arith.constant 0 : i32
      %dma_wait3A_751 = arith.constant 0 : i32
      %dma_wait3A_752 = tpu.memref_slice %arg16[%dma_wait3A_750, %dma_wait3A_751] : memref<10240x32xf32, #tpu.memory_space<vmem_shared>> -> memref<10240x32xf32, #tpu.memory_space<vmem_shared>>
      tpu.wait_indirect_dma semaphore(%arg21 : memref<!tpu.dma_semaphore, #tpu.memory_space<semaphore_mem>>) src(%dma_wait3A_752 : memref<10240x32xf32, #tpu.memory_space<vmem_shared>>) dst(%arg11 : memref<125x32xf32, #tpu.memory_space<vmem>>)
      %add3A_753 = arith.constant 0 : i32
      %add3A_754 = arith.addi %add3A_720, %add3A_753 : i32
      %dma_start3A_755 = arith.constant 0 : i32
      %dma_start3A_756 = tpu.memref_slice %arg6[%add3A_754, %dma_start3A_755] : memref<160x125xi32, #tpu.memory_space<vmem>> -> memref<1x125xi32, #tpu.memory_space<vmem>>
      %dma_start3A_757 = tpu.memref_squeeze %dma_start3A_756 : memref<1x125xi32, #tpu.memory_space<vmem>> -> memref<125xi32, #tpu.memory_space<vmem>>
      %dma_start3A_758 = arith.constant 0 : i32
      %dma_start3A_759 = arith.constant 0 : i32
      %dma_start3A_760 = tpu.memref_slice %arg17[%dma_start3A_758, %dma_start3A_759] : memref<10240x32xf32, #tpu.memory_space<vmem_shared>> -> memref<10240x32xf32, #tpu.memory_space<vmem_shared>>
      tpu.enqueue_indirect_dma source(%arg8 : memref<125x32xf32, #tpu.memory_space<vmem>>) target(%dma_start3A_760 : memref<10240x32xf32, #tpu.memory_space<vmem_shared>>) offsets(%dma_start3A_757 : memref<125xi32, #tpu.memory_space<vmem>>) semaphore(%arg26 : memref<!tpu.dma_semaphore, #tpu.memory_space<semaphore_mem>>) {add = true}
      %add3A_761 = arith.constant 1 : i32
      %add3A_762 = arith.addi %add3A_720, %add3A_761 : i32
      %dma_start3A_763 = arith.constant 0 : i32
      %dma_start3A_764 = tpu.memref_slice %arg6[%add3A_762, %dma_start3A_763] : memref<160x125xi32, #tpu.memory_space<vmem>> -> memref<1x125xi32, #tpu.memory_space<vmem>>
      %dma_start3A_765 = tpu.memref_squeeze %dma_start3A_764 : memref<1x125xi32, #tpu.memory_space<vmem>> -> memref<125xi32, #tpu.memory_space<vmem>>
      %dma_start3A_766 = arith.constant 0 : i32
      %dma_start3A_767 = arith.constant 0 : i32
      %dma_start3A_768 = tpu.memref_slice %arg17[%dma_start3A_766, %dma_start3A_767] : memref<10240x32xf32, #tpu.memory_space<vmem_shared>> -> memref<10240x32xf32, #tpu.memory_space<vmem_shared>>
      tpu.enqueue_indirect_dma source(%arg9 : memref<125x32xf32, #tpu.memory_space<vmem>>) target(%dma_start3A_768 : memref<10240x32xf32, #tpu.memory_space<vmem_shared>>) offsets(%dma_start3A_765 : memref<125xi32, #tpu.memory_space<vmem>>) semaphore(%arg27 : memref<!tpu.dma_semaphore, #tpu.memory_space<semaphore_mem>>) {add = true}
      %add3A_769 = arith.constant 2 : i32
      %add3A_770 = arith.addi %add3A_720, %add3A_769 : i32
      %dma_start3A_771 = arith.constant 0 : i32
      %dma_start3A_772 = tpu.memref_slice %arg6[%add3A_770, %dma_start3A_771] : memref<160x125xi32, #tpu.memory_space<vmem>> -> memref<1x125xi32, #tpu.memory_space<vmem>>
      %dma_start3A_773 = tpu.memref_squeeze %dma_start3A_772 : memref<1x125xi32, #tpu.memory_space<vmem>> -> memref<125xi32, #tpu.memory_space<vmem>>
      %dma_start3A_774 = arith.constant 0 : i32
      %dma_start3A_775 = arith.constant 0 : i32
      %dma_start3A_776 = tpu.memref_slice %arg17[%dma_start3A_774, %dma_start3A_775] : memref<10240x32xf32, #tpu.memory_space<vmem_shared>> -> memref<10240x32xf32, #tpu.memory_space<vmem_shared>>
      tpu.enqueue_indirect_dma source(%arg10 : memref<125x32xf32, #tpu.memory_space<vmem>>) target(%dma_start3A_776 : memref<10240x32xf32, #tpu.memory_space<vmem_shared>>) offsets(%dma_start3A_773 : memref<125xi32, #tpu.memory_space<vmem>>) semaphore(%arg28 : memref<!tpu.dma_semaphore, #tpu.memory_space<semaphore_mem>>) {add = true}
      %add3A_777 = arith.constant 3 : i32
      %add3A_778 = arith.addi %add3A_720, %add3A_777 : i32
      %dma_start3A_779 = arith.constant 0 : i32
      %dma_start3A_780 = tpu.memref_slice %arg6[%add3A_778, %dma_start3A_779] : memref<160x125xi32, #tpu.memory_space<vmem>> -> memref<1x125xi32, #tpu.memory_space<vmem>>
      %dma_start3A_781 = tpu.memref_squeeze %dma_start3A_780 : memref<1x125xi32, #tpu.memory_space<vmem>> -> memref<125xi32, #tpu.memory_space<vmem>>
      %dma_start3A_782 = arith.constant 0 : i32
      %dma_start3A_783 = arith.constant 0 : i32
      %dma_start3A_784 = tpu.memref_slice %arg17[%dma_start3A_782, %dma_start3A_783] : memref<10240x32xf32, #tpu.memory_space<vmem_shared>> -> memref<10240x32xf32, #tpu.memory_space<vmem_shared>>
      tpu.enqueue_indirect_dma source(%arg11 : memref<125x32xf32, #tpu.memory_space<vmem>>) target(%dma_start3A_784 : memref<10240x32xf32, #tpu.memory_space<vmem_shared>>) offsets(%dma_start3A_781 : memref<125xi32, #tpu.memory_space<vmem>>) semaphore(%arg29 : memref<!tpu.dma_semaphore, #tpu.memory_space<semaphore_mem>>) {add = true}
      %add3A_785 = arith.constant 0 : i32
      %add3A_786 = arith.addi %add3A_720, %add3A_785 : i32
      %dma_wait3A_787 = arith.constant 0 : i32
      %dma_wait3A_788 = tpu.memref_slice %arg6[%add3A_786, %dma_wait3A_787] : memref<160x125xi32, #tpu.memory_space<vmem>> -> memref<1x125xi32, #tpu.memory_space<vmem>>
      %dma_wait3A_789 = tpu.memref_squeeze %dma_wait3A_788 : memref<1x125xi32, #tpu.memory_space<vmem>> -> memref<125xi32, #tpu.memory_space<vmem>>
      %dma_wait3A_790 = arith.constant 0 : i32
      %dma_wait3A_791 = arith.constant 0 : i32
      %dma_wait3A_792 = tpu.memref_slice %arg17[%dma_wait3A_790, %dma_wait3A_791] : memref<10240x32xf32, #tpu.memory_space<vmem_shared>> -> memref<10240x32xf32, #tpu.memory_space<vmem_shared>>
      tpu.wait_indirect_dma semaphore(%arg26 : memref<!tpu.dma_semaphore, #tpu.memory_space<semaphore_mem>>) src(%arg8 : memref<125x32xf32, #tpu.memory_space<vmem>>) dst(%dma_wait3A_792 : memref<10240x32xf32, #tpu.memory_space<vmem_shared>>)
      %add3A_793 = arith.constant 1 : i32
      %add3A_794 = arith.addi %add3A_720, %add3A_793 : i32
      %dma_wait3A_795 = arith.constant 0 : i32
      %dma_wait3A_796 = tpu.memref_slice %arg6[%add3A_794, %dma_wait3A_795] : memref<160x125xi32, #tpu.memory_space<vmem>> -> memref<1x125xi32, #tpu.memory_space<vmem>>
      %dma_wait3A_797 = tpu.memref_squeeze %dma_wait3A_796 : memref<1x125xi32, #tpu.memory_space<vmem>> -> memref<125xi32, #tpu.memory_space<vmem>>
      %dma_wait3A_798 = arith.constant 0 : i32
      %dma_wait3A_799 = arith.constant 0 : i32
      %dma_wait3A_800 = tpu.memref_slice %arg17[%dma_wait3A_798, %dma_wait3A_799] : memref<10240x32xf32, #tpu.memory_space<vmem_shared>> -> memref<10240x32xf32, #tpu.memory_space<vmem_shared>>
      tpu.wait_indirect_dma semaphore(%arg27 : memref<!tpu.dma_semaphore, #tpu.memory_space<semaphore_mem>>) src(%arg9 : memref<125x32xf32, #tpu.memory_space<vmem>>) dst(%dma_wait3A_800 : memref<10240x32xf32, #tpu.memory_space<vmem_shared>>)
      %add3A_801 = arith.constant 2 : i32
      %add3A_802 = arith.addi %add3A_720, %add3A_801 : i32
      %dma_wait3A_803 = arith.constant 0 : i32
      %dma_wait3A_804 = tpu.memref_slice %arg6[%add3A_802, %dma_wait3A_803] : memref<160x125xi32, #tpu.memory_space<vmem>> -> memref<1x125xi32, #tpu.memory_space<vmem>>
      %dma_wait3A_805 = tpu.memref_squeeze %dma_wait3A_804 : memref<1x125xi32, #tpu.memory_space<vmem>> -> memref<125xi32, #tpu.memory_space<vmem>>
      %dma_wait3A_806 = arith.constant 0 : i32
      %dma_wait3A_807 = arith.constant 0 : i32
      %dma_wait3A_808 = tpu.memref_slice %arg17[%dma_wait3A_806, %dma_wait3A_807] : memref<10240x32xf32, #tpu.memory_space<vmem_shared>> -> memref<10240x32xf32, #tpu.memory_space<vmem_shared>>
      tpu.wait_indirect_dma semaphore(%arg28 : memref<!tpu.dma_semaphore, #tpu.memory_space<semaphore_mem>>) src(%arg10 : memref<125x32xf32, #tpu.memory_space<vmem>>) dst(%dma_wait3A_808 : memref<10240x32xf32, #tpu.memory_space<vmem_shared>>)
      %add3A_809 = arith.constant 3 : i32
      %add3A_810 = arith.addi %add3A_720, %add3A_809 : i32
      %dma_wait3A_811 = arith.constant 0 : i32
      %dma_wait3A_812 = tpu.memref_slice %arg6[%add3A_810, %dma_wait3A_811] : memref<160x125xi32, #tpu.memory_space<vmem>> -> memref<1x125xi32, #tpu.memory_space<vmem>>
      %dma_wait3A_813 = tpu.memref_squeeze %dma_wait3A_812 : memref<1x125xi32, #tpu.memory_space<vmem>> -> memref<125xi32, #tpu.memory_space<vmem>>
      %dma_wait3A_814 = arith.constant 0 : i32
      %dma_wait3A_815 = arith.constant 0 : i32
      %dma_wait3A_816 = tpu.memref_slice %arg17[%dma_wait3A_814, %dma_wait3A_815] : memref<10240x32xf32, #tpu.memory_space<vmem_shared>> -> memref<10240x32xf32, #tpu.memory_space<vmem_shared>>
      tpu.wait_indirect_dma semaphore(%arg29 : memref<!tpu.dma_semaphore, #tpu.memory_space<semaphore_mem>>) src(%arg11 : memref<125x32xf32, #tpu.memory_space<vmem>>) dst(%dma_wait3A_816 : memref<10240x32xf32, #tpu.memory_space<vmem_shared>>)
      %add3A_817 = arith.constant 8 : i32
      %add3A_818 = arith.addi %add3A_720, %add3A_817 : i32
      %add3A_819 = arith.constant 0 : i32
      %add3A_820 = arith.addi %add3A_818, %add3A_819 : i32
      %dma_start3A_821 = arith.constant 0 : i32
      %dma_start3A_822 = tpu.memref_slice %arg5[%add3A_820, %dma_start3A_821] : memref<160x125xi32, #tpu.memory_space<vmem>> -> memref<1x125xi32, #tpu.memory_space<vmem>>
      %dma_start3A_823 = tpu.memref_squeeze %dma_start3A_822 : memref<1x125xi32, #tpu.memory_space<vmem>> -> memref<125xi32, #tpu.memory_space<vmem>>
      %dma_start3A_824 = arith.constant 0 : i32
      %dma_start3A_825 = arith.constant 0 : i32
      %dma_start3A_826 = tpu.memref_slice %arg16[%dma_start3A_824, %dma_start3A_825] : memref<10240x32xf32, #tpu.memory_space<vmem_shared>> -> memref<10240x32xf32, #tpu.memory_space<vmem_shared>>
      tpu.enqueue_indirect_dma source(%dma_start3A_826 : memref<10240x32xf32, #tpu.memory_space<vmem_shared>>) target(%arg8 : memref<125x32xf32, #tpu.memory_space<vmem>>) offsets(%dma_start3A_823 : memref<125xi32, #tpu.memory_space<vmem>>) semaphore(%arg18 : memref<!tpu.dma_semaphore, #tpu.memory_space<semaphore_mem>>)
      %add3A_827 = arith.constant 8 : i32
      %add3A_828 = arith.addi %add3A_720, %add3A_827 : i32
      %add3A_829 = arith.constant 1 : i32
      %add3A_830 = arith.addi %add3A_828, %add3A_829 : i32
      %dma_start3A_831 = arith.constant 0 : i32
      %dma_start3A_832 = tpu.memref_slice %arg5[%add3A_830, %dma_start3A_831] : memref<160x125xi32, #tpu.memory_space<vmem>> -> memref<1x125xi32, #tpu.memory_space<vmem>>
      %dma_start3A_833 = tpu.memref_squeeze %dma_start3A_832 : memref<1x125xi32, #tpu.memory_space<vmem>> -> memref<125xi32, #tpu.memory_space<vmem>>
      %dma_start3A_834 = arith.constant 0 : i32
      %dma_start3A_835 = arith.constant 0 : i32
      %dma_start3A_836 = tpu.memref_slice %arg16[%dma_start3A_834, %dma_start3A_835] : memref<10240x32xf32, #tpu.memory_space<vmem_shared>> -> memref<10240x32xf32, #tpu.memory_space<vmem_shared>>
      tpu.enqueue_indirect_dma source(%dma_start3A_836 : memref<10240x32xf32, #tpu.memory_space<vmem_shared>>) target(%arg9 : memref<125x32xf32, #tpu.memory_space<vmem>>) offsets(%dma_start3A_833 : memref<125xi32, #tpu.memory_space<vmem>>) semaphore(%arg19 : memref<!tpu.dma_semaphore, #tpu.memory_space<semaphore_mem>>)
      %add3A_837 = arith.constant 8 : i32
      %add3A_838 = arith.addi %add3A_720, %add3A_837 : i32
      %add3A_839 = arith.constant 2 : i32
      %add3A_840 = arith.addi %add3A_838, %add3A_839 : i32
      %dma_start3A_841 = arith.constant 0 : i32
      %dma_start3A_842 = tpu.memref_slice %arg5[%add3A_840, %dma_start3A_841] : memref<160x125xi32, #tpu.memory_space<vmem>> -> memref<1x125xi32, #tpu.memory_space<vmem>>
      %dma_start3A_843 = tpu.memref_squeeze %dma_start3A_842 : memref<1x125xi32, #tpu.memory_space<vmem>> -> memref<125xi32, #tpu.memory_space<vmem>>
      %dma_start3A_844 = arith.constant 0 : i32
      %dma_start3A_845 = arith.constant 0 : i32
      %dma_start3A_846 = tpu.memref_slice %arg16[%dma_start3A_844, %dma_start3A_845] : memref<10240x32xf32, #tpu.memory_space<vmem_shared>> -> memref<10240x32xf32, #tpu.memory_space<vmem_shared>>
      tpu.enqueue_indirect_dma source(%dma_start3A_846 : memref<10240x32xf32, #tpu.memory_space<vmem_shared>>) target(%arg10 : memref<125x32xf32, #tpu.memory_space<vmem>>) offsets(%dma_start3A_843 : memref<125xi32, #tpu.memory_space<vmem>>) semaphore(%arg20 : memref<!tpu.dma_semaphore, #tpu.memory_space<semaphore_mem>>)
      %add3A_847 = arith.constant 8 : i32
      %add3A_848 = arith.addi %add3A_720, %add3A_847 : i32
      %add3A_849 = arith.constant 3 : i32
      %add3A_850 = arith.addi %add3A_848, %add3A_849 : i32
      %dma_start3A_851 = arith.constant 0 : i32
      %dma_start3A_852 = tpu.memref_slice %arg5[%add3A_850, %dma_start3A_851] : memref<160x125xi32, #tpu.memory_space<vmem>> -> memref<1x125xi32, #tpu.memory_space<vmem>>
      %dma_start3A_853 = tpu.memref_squeeze %dma_start3A_852 : memref<1x125xi32, #tpu.memory_space<vmem>> -> memref<125xi32, #tpu.memory_space<vmem>>
      %dma_start3A_854 = arith.constant 0 : i32
      %dma_start3A_855 = arith.constant 0 : i32
      %dma_start3A_856 = tpu.memref_slice %arg16[%dma_start3A_854, %dma_start3A_855] : memref<10240x32xf32, #tpu.memory_space<vmem_shared>> -> memref<10240x32xf32, #tpu.memory_space<vmem_shared>>
      tpu.enqueue_indirect_dma source(%dma_start3A_856 : memref<10240x32xf32, #tpu.memory_space<vmem_shared>>) target(%arg11 : memref<125x32xf32, #tpu.memory_space<vmem>>) offsets(%dma_start3A_853 : memref<125xi32, #tpu.memory_space<vmem>>) semaphore(%arg21 : memref<!tpu.dma_semaphore, #tpu.memory_space<semaphore_mem>>)
      %mul3A_857 = arith.constant 8 : i32
      %mul3A_858 = arith.muli %mul3A_857, %scan3A_715 : i32
      %add3A_859 = arith.constant 4 : i32
      %add3A_860 = arith.addi %mul3A_858, %add3A_859 : i32
      %add3A_861 = arith.constant 0 : i32
      %add3A_862 = arith.addi %add3A_860, %add3A_861 : i32
      %dma_wait3A_863 = arith.constant 0 : i32
      %dma_wait3A_864 = tpu.memref_slice %arg5[%add3A_862, %dma_wait3A_863] : memref<160x125xi32, #tpu.memory_space<vmem>> -> memref<1x125xi32, #tpu.memory_space<vmem>>
      %dma_wait3A_865 = tpu.memref_squeeze %dma_wait3A_864 : memref<1x125xi32, #tpu.memory_space<vmem>> -> memref<125xi32, #tpu.memory_space<vmem>>
      %dma_wait3A_866 = arith.constant 0 : i32
      %dma_wait3A_867 = arith.constant 0 : i32
      %dma_wait3A_868 = tpu.memref_slice %arg16[%dma_wait3A_866, %dma_wait3A_867] : memref<10240x32xf32, #tpu.memory_space<vmem_shared>> -> memref<10240x32xf32, #tpu.memory_space<vmem_shared>>
      tpu.wait_indirect_dma semaphore(%arg22 : memref<!tpu.dma_semaphore, #tpu.memory_space<semaphore_mem>>) src(%dma_wait3A_868 : memref<10240x32xf32, #tpu.memory_space<vmem_shared>>) dst(%arg12 : memref<125x32xf32, #tpu.memory_space<vmem>>)
      %add3A_869 = arith.constant 1 : i32
      %add3A_870 = arith.addi %add3A_860, %add3A_869 : i32
      %dma_wait3A_871 = arith.constant 0 : i32
      %dma_wait3A_872 = tpu.memref_slice %arg5[%add3A_870, %dma_wait3A_871] : memref<160x125xi32, #tpu.memory_space<vmem>> -> memref<1x125xi32, #tpu.memory_space<vmem>>
      %dma_wait3A_873 = tpu.memref_squeeze %dma_wait3A_872 : memref<1x125xi32, #tpu.memory_space<vmem>> -> memref<125xi32, #tpu.memory_space<vmem>>
      %dma_wait3A_874 = arith.constant 0 : i32
      %dma_wait3A_875 = arith.constant 0 : i32
      %dma_wait3A_876 = tpu.memref_slice %arg16[%dma_wait3A_874, %dma_wait3A_875] : memref<10240x32xf32, #tpu.memory_space<vmem_shared>> -> memref<10240x32xf32, #tpu.memory_space<vmem_shared>>
      tpu.wait_indirect_dma semaphore(%arg23 : memref<!tpu.dma_semaphore, #tpu.memory_space<semaphore_mem>>) src(%dma_wait3A_876 : memref<10240x32xf32, #tpu.memory_space<vmem_shared>>) dst(%arg13 : memref<125x32xf32, #tpu.memory_space<vmem>>)
      %add3A_877 = arith.constant 2 : i32
      %add3A_878 = arith.addi %add3A_860, %add3A_877 : i32
      %dma_wait3A_879 = arith.constant 0 : i32
      %dma_wait3A_880 = tpu.memref_slice %arg5[%add3A_878, %dma_wait3A_879] : memref<160x125xi32, #tpu.memory_space<vmem>> -> memref<1x125xi32, #tpu.memory_space<vmem>>
      %dma_wait3A_881 = tpu.memref_squeeze %dma_wait3A_880 : memref<1x125xi32, #tpu.memory_space<vmem>> -> memref<125xi32, #tpu.memory_space<vmem>>
      %dma_wait3A_882 = arith.constant 0 : i32
      %dma_wait3A_883 = arith.constant 0 : i32
      %dma_wait3A_884 = tpu.memref_slice %arg16[%dma_wait3A_882, %dma_wait3A_883] : memref<10240x32xf32, #tpu.memory_space<vmem_shared>> -> memref<10240x32xf32, #tpu.memory_space<vmem_shared>>
      tpu.wait_indirect_dma semaphore(%arg24 : memref<!tpu.dma_semaphore, #tpu.memory_space<semaphore_mem>>) src(%dma_wait3A_884 : memref<10240x32xf32, #tpu.memory_space<vmem_shared>>) dst(%arg14 : memref<125x32xf32, #tpu.memory_space<vmem>>)
      %add3A_885 = arith.constant 3 : i32
      %add3A_886 = arith.addi %add3A_860, %add3A_885 : i32
      %dma_wait3A_887 = arith.constant 0 : i32
      %dma_wait3A_888 = tpu.memref_slice %arg5[%add3A_886, %dma_wait3A_887] : memref<160x125xi32, #tpu.memory_space<vmem>> -> memref<1x125xi32, #tpu.memory_space<vmem>>
      %dma_wait3A_889 = tpu.memref_squeeze %dma_wait3A_888 : memref<1x125xi32, #tpu.memory_space<vmem>> -> memref<125xi32, #tpu.memory_space<vmem>>
      %dma_wait3A_890 = arith.constant 0 : i32
      %dma_wait3A_891 = arith.constant 0 : i32
      %dma_wait3A_892 = tpu.memref_slice %arg16[%dma_wait3A_890, %dma_wait3A_891] : memref<10240x32xf32, #tpu.memory_space<vmem_shared>> -> memref<10240x32xf32, #tpu.memory_space<vmem_shared>>
      tpu.wait_indirect_dma semaphore(%arg25 : memref<!tpu.dma_semaphore, #tpu.memory_space<semaphore_mem>>) src(%dma_wait3A_892 : memref<10240x32xf32, #tpu.memory_space<vmem_shared>>) dst(%arg15 : memref<125x32xf32, #tpu.memory_space<vmem>>)
      %add3A_893 = arith.constant 0 : i32
      %add3A_894 = arith.addi %add3A_860, %add3A_893 : i32
      %dma_start3A_895 = arith.constant 0 : i32
      %dma_start3A_896 = tpu.memref_slice %arg6[%add3A_894, %dma_start3A_895] : memref<160x125xi32, #tpu.memory_space<vmem>> -> memref<1x125xi32, #tpu.memory_space<vmem>>
      %dma_start3A_897 = tpu.memref_squeeze %dma_start3A_896 : memref<1x125xi32, #tpu.memory_space<vmem>> -> memref<125xi32, #tpu.memory_space<vmem>>
      %dma_start3A_898 = arith.constant 0 : i32
      %dma_start3A_899 = arith.constant 0 : i32
      %dma_start3A_900 = tpu.memref_slice %arg17[%dma_start3A_898, %dma_start3A_899] : memref<10240x32xf32, #tpu.memory_space<vmem_shared>> -> memref<10240x32xf32, #tpu.memory_space<vmem_shared>>
      tpu.enqueue_indirect_dma source(%arg12 : memref<125x32xf32, #tpu.memory_space<vmem>>) target(%dma_start3A_900 : memref<10240x32xf32, #tpu.memory_space<vmem_shared>>) offsets(%dma_start3A_897 : memref<125xi32, #tpu.memory_space<vmem>>) semaphore(%arg30 : memref<!tpu.dma_semaphore, #tpu.memory_space<semaphore_mem>>) {add = true}
      %add3A_901 = arith.constant 1 : i32
      %add3A_902 = arith.addi %add3A_860, %add3A_901 : i32
      %dma_start3A_903 = arith.constant 0 : i32
      %dma_start3A_904 = tpu.memref_slice %arg6[%add3A_902, %dma_start3A_903] : memref<160x125xi32, #tpu.memory_space<vmem>> -> memref<1x125xi32, #tpu.memory_space<vmem>>
      %dma_start3A_905 = tpu.memref_squeeze %dma_start3A_904 : memref<1x125xi32, #tpu.memory_space<vmem>> -> memref<125xi32, #tpu.memory_space<vmem>>
      %dma_start3A_906 = arith.constant 0 : i32
      %dma_start3A_907 = arith.constant 0 : i32
      %dma_start3A_908 = tpu.memref_slice %arg17[%dma_start3A_906, %dma_start3A_907] : memref<10240x32xf32, #tpu.memory_space<vmem_shared>> -> memref<10240x32xf32, #tpu.memory_space<vmem_shared>>
      tpu.enqueue_indirect_dma source(%arg13 : memref<125x32xf32, #tpu.memory_space<vmem>>) target(%dma_start3A_908 : memref<10240x32xf32, #tpu.memory_space<vmem_shared>>) offsets(%dma_start3A_905 : memref<125xi32, #tpu.memory_space<vmem>>) semaphore(%arg31 : memref<!tpu.dma_semaphore, #tpu.memory_space<semaphore_mem>>) {add = true}
      %add3A_909 = arith.constant 2 : i32
      %add3A_910 = arith.addi %add3A_860, %add3A_909 : i32
      %dma_start3A_911 = arith.constant 0 : i32
      %dma_start3A_912 = tpu.memref_slice %arg6[%add3A_910, %dma_start3A_911] : memref<160x125xi32, #tpu.memory_space<vmem>> -> memref<1x125xi32, #tpu.memory_space<vmem>>
      %dma_start3A_913 = tpu.memref_squeeze %dma_start3A_912 : memref<1x125xi32, #tpu.memory_space<vmem>> -> memref<125xi32, #tpu.memory_space<vmem>>
      %dma_start3A_914 = arith.constant 0 : i32
      %dma_start3A_915 = arith.constant 0 : i32
      %dma_start3A_916 = tpu.memref_slice %arg17[%dma_start3A_914, %dma_start3A_915] : memref<10240x32xf32, #tpu.memory_space<vmem_shared>> -> memref<10240x32xf32, #tpu.memory_space<vmem_shared>>
      tpu.enqueue_indirect_dma source(%arg14 : memref<125x32xf32, #tpu.memory_space<vmem>>) target(%dma_start3A_916 : memref<10240x32xf32, #tpu.memory_space<vmem_shared>>) offsets(%dma_start3A_913 : memref<125xi32, #tpu.memory_space<vmem>>) semaphore(%arg32 : memref<!tpu.dma_semaphore, #tpu.memory_space<semaphore_mem>>) {add = true}
      %add3A_917 = arith.constant 3 : i32
      %add3A_918 = arith.addi %add3A_860, %add3A_917 : i32
      %dma_start3A_919 = arith.constant 0 : i32
      %dma_start3A_920 = tpu.memref_slice %arg6[%add3A_918, %dma_start3A_919] : memref<160x125xi32, #tpu.memory_space<vmem>> -> memref<1x125xi32, #tpu.memory_space<vmem>>
      %dma_start3A_921 = tpu.memref_squeeze %dma_start3A_920 : memref<1x125xi32, #tpu.memory_space<vmem>> -> memref<125xi32, #tpu.memory_space<vmem>>
      %dma_start3A_922 = arith.constant 0 : i32
      %dma_start3A_923 = arith.constant 0 : i32
      %dma_start3A_924 = tpu.memref_slice %arg17[%dma_start3A_922, %dma_start3A_923] : memref<10240x32xf32, #tpu.memory_space<vmem_shared>> -> memref<10240x32xf32, #tpu.memory_space<vmem_shared>>
      tpu.enqueue_indirect_dma source(%arg15 : memref<125x32xf32, #tpu.memory_space<vmem>>) target(%dma_start3A_924 : memref<10240x32xf32, #tpu.memory_space<vmem_shared>>) offsets(%dma_start3A_921 : memref<125xi32, #tpu.memory_space<vmem>>) semaphore(%arg33 : memref<!tpu.dma_semaphore, #tpu.memory_space<semaphore_mem>>) {add = true}
      %add3A_925 = arith.constant 0 : i32
      %add3A_926 = arith.addi %add3A_860, %add3A_925 : i32
      %dma_wait3A_927 = arith.constant 0 : i32
      %dma_wait3A_928 = tpu.memref_slice %arg6[%add3A_926, %dma_wait3A_927] : memref<160x125xi32, #tpu.memory_space<vmem>> -> memref<1x125xi32, #tpu.memory_space<vmem>>
      %dma_wait3A_929 = tpu.memref_squeeze %dma_wait3A_928 : memref<1x125xi32, #tpu.memory_space<vmem>> -> memref<125xi32, #tpu.memory_space<vmem>>
      %dma_wait3A_930 = arith.constant 0 : i32
      %dma_wait3A_931 = arith.constant 0 : i32
      %dma_wait3A_932 = tpu.memref_slice %arg17[%dma_wait3A_930, %dma_wait3A_931] : memref<10240x32xf32, #tpu.memory_space<vmem_shared>> -> memref<10240x32xf32, #tpu.memory_space<vmem_shared>>
      tpu.wait_indirect_dma semaphore(%arg30 : memref<!tpu.dma_semaphore, #tpu.memory_space<semaphore_mem>>) src(%arg12 : memref<125x32xf32, #tpu.memory_space<vmem>>) dst(%dma_wait3A_932 : memref<10240x32xf32, #tpu.memory_space<vmem_shared>>)
      %add3A_933 = arith.constant 1 : i32
      %add3A_934 = arith.addi %add3A_860, %add3A_933 : i32
      %dma_wait3A_935 = arith.constant 0 : i32
      %dma_wait3A_936 = tpu.memref_slice %arg6[%add3A_934, %dma_wait3A_935] : memref<160x125xi32, #tpu.memory_space<vmem>> -> memref<1x125xi32, #tpu.memory_space<vmem>>
      %dma_wait3A_937 = tpu.memref_squeeze %dma_wait3A_936 : memref<1x125xi32, #tpu.memory_space<vmem>> -> memref<125xi32, #tpu.memory_space<vmem>>
      %dma_wait3A_938 = arith.constant 0 : i32
      %dma_wait3A_939 = arith.constant 0 : i32
      %dma_wait3A_940 = tpu.memref_slice %arg17[%dma_wait3A_938, %dma_wait3A_939] : memref<10240x32xf32, #tpu.memory_space<vmem_shared>> -> memref<10240x32xf32, #tpu.memory_space<vmem_shared>>
      tpu.wait_indirect_dma semaphore(%arg31 : memref<!tpu.dma_semaphore, #tpu.memory_space<semaphore_mem>>) src(%arg13 : memref<125x32xf32, #tpu.memory_space<vmem>>) dst(%dma_wait3A_940 : memref<10240x32xf32, #tpu.memory_space<vmem_shared>>)
      %add3A_941 = arith.constant 2 : i32
      %add3A_942 = arith.addi %add3A_860, %add3A_941 : i32
      %dma_wait3A_943 = arith.constant 0 : i32
      %dma_wait3A_944 = tpu.memref_slice %arg6[%add3A_942, %dma_wait3A_943] : memref<160x125xi32, #tpu.memory_space<vmem>> -> memref<1x125xi32, #tpu.memory_space<vmem>>
      %dma_wait3A_945 = tpu.memref_squeeze %dma_wait3A_944 : memref<1x125xi32, #tpu.memory_space<vmem>> -> memref<125xi32, #tpu.memory_space<vmem>>
      %dma_wait3A_946 = arith.constant 0 : i32
      %dma_wait3A_947 = arith.constant 0 : i32
      %dma_wait3A_948 = tpu.memref_slice %arg17[%dma_wait3A_946, %dma_wait3A_947] : memref<10240x32xf32, #tpu.memory_space<vmem_shared>> -> memref<10240x32xf32, #tpu.memory_space<vmem_shared>>
      tpu.wait_indirect_dma semaphore(%arg32 : memref<!tpu.dma_semaphore, #tpu.memory_space<semaphore_mem>>) src(%arg14 : memref<125x32xf32, #tpu.memory_space<vmem>>) dst(%dma_wait3A_948 : memref<10240x32xf32, #tpu.memory_space<vmem_shared>>)
      %add3A_949 = arith.constant 3 : i32
      %add3A_950 = arith.addi %add3A_860, %add3A_949 : i32
      %dma_wait3A_951 = arith.constant 0 : i32
      %dma_wait3A_952 = tpu.memref_slice %arg6[%add3A_950, %dma_wait3A_951] : memref<160x125xi32, #tpu.memory_space<vmem>> -> memref<1x125xi32, #tpu.memory_space<vmem>>
      %dma_wait3A_953 = tpu.memref_squeeze %dma_wait3A_952 : memref<1x125xi32, #tpu.memory_space<vmem>> -> memref<125xi32, #tpu.memory_space<vmem>>
      %dma_wait3A_954 = arith.constant 0 : i32
      %dma_wait3A_955 = arith.constant 0 : i32
      %dma_wait3A_956 = tpu.memref_slice %arg17[%dma_wait3A_954, %dma_wait3A_955] : memref<10240x32xf32, #tpu.memory_space<vmem_shared>> -> memref<10240x32xf32, #tpu.memory_space<vmem_shared>>
      tpu.wait_indirect_dma semaphore(%arg33 : memref<!tpu.dma_semaphore, #tpu.memory_space<semaphore_mem>>) src(%arg15 : memref<125x32xf32, #tpu.memory_space<vmem>>) dst(%dma_wait3A_956 : memref<10240x32xf32, #tpu.memory_space<vmem_shared>>)
      %add3A_957 = arith.constant 8 : i32
      %add3A_958 = arith.addi %add3A_860, %add3A_957 : i32
      %add3A_959 = arith.constant 0 : i32
      %add3A_960 = arith.addi %add3A_958, %add3A_959 : i32
      %dma_start3A_961 = arith.constant 0 : i32
      %dma_start3A_962 = tpu.memref_slice %arg5[%add3A_960, %dma_start3A_961] : memref<160x125xi32, #tpu.memory_space<vmem>> -> memref<1x125xi32, #tpu.memory_space<vmem>>
      %dma_start3A_963 = tpu.memref_squeeze %dma_start3A_962 : memref<1x125xi32, #tpu.memory_space<vmem>> -> memref<125xi32, #tpu.memory_space<vmem>>
      %dma_start3A_964 = arith.constant 0 : i32
      %dma_start3A_965 = arith.constant 0 : i32
      %dma_start3A_966 = tpu.memref_slice %arg16[%dma_start3A_964, %dma_start3A_965] : memref<10240x32xf32, #tpu.memory_space<vmem_shared>> -> memref<10240x32xf32, #tpu.memory_space<vmem_shared>>
      tpu.enqueue_indirect_dma source(%dma_start3A_966 : memref<10240x32xf32, #tpu.memory_space<vmem_shared>>) target(%arg12 : memref<125x32xf32, #tpu.memory_space<vmem>>) offsets(%dma_start3A_963 : memref<125xi32, #tpu.memory_space<vmem>>) semaphore(%arg22 : memref<!tpu.dma_semaphore, #tpu.memory_space<semaphore_mem>>)
      %add3A_967 = arith.constant 8 : i32
      %add3A_968 = arith.addi %add3A_860, %add3A_967 : i32
      %add3A_969 = arith.constant 1 : i32
      %add3A_970 = arith.addi %add3A_968, %add3A_969 : i32
      %dma_start3A_971 = arith.constant 0 : i32
      %dma_start3A_972 = tpu.memref_slice %arg5[%add3A_970, %dma_start3A_971] : memref<160x125xi32, #tpu.memory_space<vmem>> -> memref<1x125xi32, #tpu.memory_space<vmem>>
      %dma_start3A_973 = tpu.memref_squeeze %dma_start3A_972 : memref<1x125xi32, #tpu.memory_space<vmem>> -> memref<125xi32, #tpu.memory_space<vmem>>
      %dma_start3A_974 = arith.constant 0 : i32
      %dma_start3A_975 = arith.constant 0 : i32
      %dma_start3A_976 = tpu.memref_slice %arg16[%dma_start3A_974, %dma_start3A_975] : memref<10240x32xf32, #tpu.memory_space<vmem_shared>> -> memref<10240x32xf32, #tpu.memory_space<vmem_shared>>
      tpu.enqueue_indirect_dma source(%dma_start3A_976 : memref<10240x32xf32, #tpu.memory_space<vmem_shared>>) target(%arg13 : memref<125x32xf32, #tpu.memory_space<vmem>>) offsets(%dma_start3A_973 : memref<125xi32, #tpu.memory_space<vmem>>) semaphore(%arg23 : memref<!tpu.dma_semaphore, #tpu.memory_space<semaphore_mem>>)
      %add3A_977 = arith.constant 8 : i32
      %add3A_978 = arith.addi %add3A_860, %add3A_977 : i32
      %add3A_979 = arith.constant 2 : i32
      %add3A_980 = arith.addi %add3A_978, %add3A_979 : i32
      %dma_start3A_981 = arith.constant 0 : i32
      %dma_start3A_982 = tpu.memref_slice %arg5[%add3A_980, %dma_start3A_981] : memref<160x125xi32, #tpu.memory_space<vmem>> -> memref<1x125xi32, #tpu.memory_space<vmem>>
      %dma_start3A_983 = tpu.memref_squeeze %dma_start3A_982 : memref<1x125xi32, #tpu.memory_space<vmem>> -> memref<125xi32, #tpu.memory_space<vmem>>
      %dma_start3A_984 = arith.constant 0 : i32
      %dma_start3A_985 = arith.constant 0 : i32
      %dma_start3A_986 = tpu.memref_slice %arg16[%dma_start3A_984, %dma_start3A_985] : memref<10240x32xf32, #tpu.memory_space<vmem_shared>> -> memref<10240x32xf32, #tpu.memory_space<vmem_shared>>
      tpu.enqueue_indirect_dma source(%dma_start3A_986 : memref<10240x32xf32, #tpu.memory_space<vmem_shared>>) target(%arg14 : memref<125x32xf32, #tpu.memory_space<vmem>>) offsets(%dma_start3A_983 : memref<125xi32, #tpu.memory_space<vmem>>) semaphore(%arg24 : memref<!tpu.dma_semaphore, #tpu.memory_space<semaphore_mem>>)
      %add3A_987 = arith.constant 8 : i32
      %add3A_988 = arith.addi %add3A_860, %add3A_987 : i32
      %add3A_989 = arith.constant 3 : i32
      %add3A_990 = arith.addi %add3A_988, %add3A_989 : i32
      %dma_start3A_991 = arith.constant 0 : i32
      %dma_start3A_992 = tpu.memref_slice %arg5[%add3A_990, %dma_start3A_991] : memref<160x125xi32, #tpu.memory_space<vmem>> -> memref<1x125xi32, #tpu.memory_space<vmem>>
      %dma_start3A_993 = tpu.memref_squeeze %dma_start3A_992 : memref<1x125xi32, #tpu.memory_space<vmem>> -> memref<125xi32, #tpu.memory_space<vmem>>
      %dma_start3A_994 = arith.constant 0 : i32
      %dma_start3A_995 = arith.constant 0 : i32
      %dma_start3A_996 = tpu.memref_slice %arg16[%dma_start3A_994, %dma_start3A_995] : memref<10240x32xf32, #tpu.memory_space<vmem_shared>> -> memref<10240x32xf32, #tpu.memory_space<vmem_shared>>
      tpu.enqueue_indirect_dma source(%dma_start3A_996 : memref<10240x32xf32, #tpu.memory_space<vmem_shared>>) target(%arg15 : memref<125x32xf32, #tpu.memory_space<vmem>>) offsets(%dma_start3A_993 : memref<125xi32, #tpu.memory_space<vmem>>) semaphore(%arg25 : memref<!tpu.dma_semaphore, #tpu.memory_space<semaphore_mem>>)
      %scan3A_997 = arith.constant 0 : i32
      scf.yield %scan3A_997 : i32
    }
    %scan3A_539 = arith.constant 19 : i32
    %dma_wait3A_540 = arith.constant 152 : i32
    %dma_wait3A_541 = arith.constant 0 : i32
    %dma_wait3A_542 = tpu.memref_slice %arg5[%dma_wait3A_540, %dma_wait3A_541] : memref<160x125xi32, #tpu.memory_space<vmem>> -> memref<1x125xi32, #tpu.memory_space<vmem>>
    %dma_wait3A_543 = tpu.memref_squeeze %dma_wait3A_542 : memref<1x125xi32, #tpu.memory_space<vmem>> -> memref<125xi32, #tpu.memory_space<vmem>>
    %dma_wait3A_544 = arith.constant 0 : i32
    %dma_wait3A_545 = arith.constant 0 : i32
    %dma_wait3A_546 = tpu.memref_slice %arg16[%dma_wait3A_544, %dma_wait3A_545] : memref<10240x32xf32, #tpu.memory_space<vmem_shared>> -> memref<10240x32xf32, #tpu.memory_space<vmem_shared>>
    tpu.wait_indirect_dma semaphore(%arg18 : memref<!tpu.dma_semaphore, #tpu.memory_space<semaphore_mem>>) src(%dma_wait3A_546 : memref<10240x32xf32, #tpu.memory_space<vmem_shared>>) dst(%arg8 : memref<125x32xf32, #tpu.memory_space<vmem>>)
    %dma_wait3A_547 = arith.constant 153 : i32
    %dma_wait3A_548 = arith.constant 0 : i32
    %dma_wait3A_549 = tpu.memref_slice %arg5[%dma_wait3A_547, %dma_wait3A_548] : memref<160x125xi32, #tpu.memory_space<vmem>> -> memref<1x125xi32, #tpu.memory_space<vmem>>
    %dma_wait3A_550 = tpu.memref_squeeze %dma_wait3A_549 : memref<1x125xi32, #tpu.memory_space<vmem>> -> memref<125xi32, #tpu.memory_space<vmem>>
    %dma_wait3A_551 = arith.constant 0 : i32
    %dma_wait3A_552 = arith.constant 0 : i32
    %dma_wait3A_553 = tpu.memref_slice %arg16[%dma_wait3A_551, %dma_wait3A_552] : memref<10240x32xf32, #tpu.memory_space<vmem_shared>> -> memref<10240x32xf32, #tpu.memory_space<vmem_shared>>
    tpu.wait_indirect_dma semaphore(%arg19 : memref<!tpu.dma_semaphore, #tpu.memory_space<semaphore_mem>>) src(%dma_wait3A_553 : memref<10240x32xf32, #tpu.memory_space<vmem_shared>>) dst(%arg9 : memref<125x32xf32, #tpu.memory_space<vmem>>)
    %dma_wait3A_554 = arith.constant 154 : i32
    %dma_wait3A_555 = arith.constant 0 : i32
    %dma_wait3A_556 = tpu.memref_slice %arg5[%dma_wait3A_554, %dma_wait3A_555] : memref<160x125xi32, #tpu.memory_space<vmem>> -> memref<1x125xi32, #tpu.memory_space<vmem>>
    %dma_wait3A_557 = tpu.memref_squeeze %dma_wait3A_556 : memref<1x125xi32, #tpu.memory_space<vmem>> -> memref<125xi32, #tpu.memory_space<vmem>>
    %dma_wait3A_558 = arith.constant 0 : i32
    %dma_wait3A_559 = arith.constant 0 : i32
    %dma_wait3A_560 = tpu.memref_slice %arg16[%dma_wait3A_558, %dma_wait3A_559] : memref<10240x32xf32, #tpu.memory_space<vmem_shared>> -> memref<10240x32xf32, #tpu.memory_space<vmem_shared>>
    tpu.wait_indirect_dma semaphore(%arg20 : memref<!tpu.dma_semaphore, #tpu.memory_space<semaphore_mem>>) src(%dma_wait3A_560 : memref<10240x32xf32, #tpu.memory_space<vmem_shared>>) dst(%arg10 : memref<125x32xf32, #tpu.memory_space<vmem>>)
    %dma_wait3A_561 = arith.constant 155 : i32
    %dma_wait3A_562 = arith.constant 0 : i32
    %dma_wait3A_563 = tpu.memref_slice %arg5[%dma_wait3A_561, %dma_wait3A_562] : memref<160x125xi32, #tpu.memory_space<vmem>> -> memref<1x125xi32, #tpu.memory_space<vmem>>
    %dma_wait3A_564 = tpu.memref_squeeze %dma_wait3A_563 : memref<1x125xi32, #tpu.memory_space<vmem>> -> memref<125xi32, #tpu.memory_space<vmem>>
    %dma_wait3A_565 = arith.constant 0 : i32
    %dma_wait3A_566 = arith.constant 0 : i32
    %dma_wait3A_567 = tpu.memref_slice %arg16[%dma_wait3A_565, %dma_wait3A_566] : memref<10240x32xf32, #tpu.memory_space<vmem_shared>> -> memref<10240x32xf32, #tpu.memory_space<vmem_shared>>
    tpu.wait_indirect_dma semaphore(%arg21 : memref<!tpu.dma_semaphore, #tpu.memory_space<semaphore_mem>>) src(%dma_wait3A_567 : memref<10240x32xf32, #tpu.memory_space<vmem_shared>>) dst(%arg11 : memref<125x32xf32, #tpu.memory_space<vmem>>)
    %dma_start3A_568 = arith.constant 152 : i32
    %dma_start3A_569 = arith.constant 0 : i32
    %dma_start3A_570 = tpu.memref_slice %arg6[%dma_start3A_568, %dma_start3A_569] : memref<160x125xi32, #tpu.memory_space<vmem>> -> memref<1x125xi32, #tpu.memory_space<vmem>>
    %dma_start3A_571 = tpu.memref_squeeze %dma_start3A_570 : memref<1x125xi32, #tpu.memory_space<vmem>> -> memref<125xi32, #tpu.memory_space<vmem>>
    %dma_start3A_572 = arith.constant 0 : i32
    %dma_start3A_573 = arith.constant 0 : i32
    %dma_start3A_574 = tpu.memref_slice %arg17[%dma_start3A_572, %dma_start3A_573] : memref<10240x32xf32, #tpu.memory_space<vmem_shared>> -> memref<10240x32xf32, #tpu.memory_space<vmem_shared>>
    tpu.enqueue_indirect_dma source(%arg8 : memref<125x32xf32, #tpu.memory_space<vmem>>) target(%dma_start3A_574 : memref<10240x32xf32, #tpu.memory_space<vmem_shared>>) offsets(%dma_start3A_571 : memref<125xi32, #tpu.memory_space<vmem>>) semaphore(%arg26 : memref<!tpu.dma_semaphore, #tpu.memory_space<semaphore_mem>>) {add = true}
    %dma_start3A_575 = arith.constant 153 : i32
    %dma_start3A_576 = arith.constant 0 : i32
    %dma_start3A_577 = tpu.memref_slice %arg6[%dma_start3A_575, %dma_start3A_576] : memref<160x125xi32, #tpu.memory_space<vmem>> -> memref<1x125xi32, #tpu.memory_space<vmem>>
    %dma_start3A_578 = tpu.memref_squeeze %dma_start3A_577 : memref<1x125xi32, #tpu.memory_space<vmem>> -> memref<125xi32, #tpu.memory_space<vmem>>
    %dma_start3A_579 = arith.constant 0 : i32
    %dma_start3A_580 = arith.constant 0 : i32
    %dma_start3A_581 = tpu.memref_slice %arg17[%dma_start3A_579, %dma_start3A_580] : memref<10240x32xf32, #tpu.memory_space<vmem_shared>> -> memref<10240x32xf32, #tpu.memory_space<vmem_shared>>
    tpu.enqueue_indirect_dma source(%arg9 : memref<125x32xf32, #tpu.memory_space<vmem>>) target(%dma_start3A_581 : memref<10240x32xf32, #tpu.memory_space<vmem_shared>>) offsets(%dma_start3A_578 : memref<125xi32, #tpu.memory_space<vmem>>) semaphore(%arg27 : memref<!tpu.dma_semaphore, #tpu.memory_space<semaphore_mem>>) {add = true}
    %dma_start3A_582 = arith.constant 154 : i32
    %dma_start3A_583 = arith.constant 0 : i32
    %dma_start3A_584 = tpu.memref_slice %arg6[%dma_start3A_582, %dma_start3A_583] : memref<160x125xi32, #tpu.memory_space<vmem>> -> memref<1x125xi32, #tpu.memory_space<vmem>>
    %dma_start3A_585 = tpu.memref_squeeze %dma_start3A_584 : memref<1x125xi32, #tpu.memory_space<vmem>> -> memref<125xi32, #tpu.memory_space<vmem>>
    %dma_start3A_586 = arith.constant 0 : i32
    %dma_start3A_587 = arith.constant 0 : i32
    %dma_start3A_588 = tpu.memref_slice %arg17[%dma_start3A_586, %dma_start3A_587] : memref<10240x32xf32, #tpu.memory_space<vmem_shared>> -> memref<10240x32xf32, #tpu.memory_space<vmem_shared>>
    tpu.enqueue_indirect_dma source(%arg10 : memref<125x32xf32, #tpu.memory_space<vmem>>) target(%dma_start3A_588 : memref<10240x32xf32, #tpu.memory_space<vmem_shared>>) offsets(%dma_start3A_585 : memref<125xi32, #tpu.memory_space<vmem>>) semaphore(%arg28 : memref<!tpu.dma_semaphore, #tpu.memory_space<semaphore_mem>>) {add = true}
    %dma_start3A_589 = arith.constant 155 : i32
    %dma_start3A_590 = arith.constant 0 : i32
    %dma_start3A_591 = tpu.memref_slice %arg6[%dma_start3A_589, %dma_start3A_590] : memref<160x125xi32, #tpu.memory_space<vmem>> -> memref<1x125xi32, #tpu.memory_space<vmem>>
    %dma_start3A_592 = tpu.memref_squeeze %dma_start3A_591 : memref<1x125xi32, #tpu.memory_space<vmem>> -> memref<125xi32, #tpu.memory_space<vmem>>
    %dma_start3A_593 = arith.constant 0 : i32
    %dma_start3A_594 = arith.constant 0 : i32
    %dma_start3A_595 = tpu.memref_slice %arg17[%dma_start3A_593, %dma_start3A_594] : memref<10240x32xf32, #tpu.memory_space<vmem_shared>> -> memref<10240x32xf32, #tpu.memory_space<vmem_shared>>
    tpu.enqueue_indirect_dma source(%arg11 : memref<125x32xf32, #tpu.memory_space<vmem>>) target(%dma_start3A_595 : memref<10240x32xf32, #tpu.memory_space<vmem_shared>>) offsets(%dma_start3A_592 : memref<125xi32, #tpu.memory_space<vmem>>) semaphore(%arg29 : memref<!tpu.dma_semaphore, #tpu.memory_space<semaphore_mem>>) {add = true}
    %dma_wait3A_596 = arith.constant 152 : i32
    %dma_wait3A_597 = arith.constant 0 : i32
    %dma_wait3A_598 = tpu.memref_slice %arg6[%dma_wait3A_596, %dma_wait3A_597] : memref<160x125xi32, #tpu.memory_space<vmem>> -> memref<1x125xi32, #tpu.memory_space<vmem>>
    %dma_wait3A_599 = tpu.memref_squeeze %dma_wait3A_598 : memref<1x125xi32, #tpu.memory_space<vmem>> -> memref<125xi32, #tpu.memory_space<vmem>>
    %dma_wait3A_600 = arith.constant 0 : i32
    %dma_wait3A_601 = arith.constant 0 : i32
    %dma_wait3A_602 = tpu.memref_slice %arg17[%dma_wait3A_600, %dma_wait3A_601] : memref<10240x32xf32, #tpu.memory_space<vmem_shared>> -> memref<10240x32xf32, #tpu.memory_space<vmem_shared>>
    tpu.wait_indirect_dma semaphore(%arg26 : memref<!tpu.dma_semaphore, #tpu.memory_space<semaphore_mem>>) src(%arg8 : memref<125x32xf32, #tpu.memory_space<vmem>>) dst(%dma_wait3A_602 : memref<10240x32xf32, #tpu.memory_space<vmem_shared>>)
    %dma_wait3A_603 = arith.constant 153 : i32
    %dma_wait3A_604 = arith.constant 0 : i32
    %dma_wait3A_605 = tpu.memref_slice %arg6[%dma_wait3A_603, %dma_wait3A_604] : memref<160x125xi32, #tpu.memory_space<vmem>> -> memref<1x125xi32, #tpu.memory_space<vmem>>
    %dma_wait3A_606 = tpu.memref_squeeze %dma_wait3A_605 : memref<1x125xi32, #tpu.memory_space<vmem>> -> memref<125xi32, #tpu.memory_space<vmem>>
    %dma_wait3A_607 = arith.constant 0 : i32
    %dma_wait3A_608 = arith.constant 0 : i32
    %dma_wait3A_609 = tpu.memref_slice %arg17[%dma_wait3A_607, %dma_wait3A_608] : memref<10240x32xf32, #tpu.memory_space<vmem_shared>> -> memref<10240x32xf32, #tpu.memory_space<vmem_shared>>
    tpu.wait_indirect_dma semaphore(%arg27 : memref<!tpu.dma_semaphore, #tpu.memory_space<semaphore_mem>>) src(%arg9 : memref<125x32xf32, #tpu.memory_space<vmem>>) dst(%dma_wait3A_609 : memref<10240x32xf32, #tpu.memory_space<vmem_shared>>)
    %dma_wait3A_610 = arith.constant 154 : i32
    %dma_wait3A_611 = arith.constant 0 : i32
    %dma_wait3A_612 = tpu.memref_slice %arg6[%dma_wait3A_610, %dma_wait3A_611] : memref<160x125xi32, #tpu.memory_space<vmem>> -> memref<1x125xi32, #tpu.memory_space<vmem>>
    %dma_wait3A_613 = tpu.memref_squeeze %dma_wait3A_612 : memref<1x125xi32, #tpu.memory_space<vmem>> -> memref<125xi32, #tpu.memory_space<vmem>>
    %dma_wait3A_614 = arith.constant 0 : i32
    %dma_wait3A_615 = arith.constant 0 : i32
    %dma_wait3A_616 = tpu.memref_slice %arg17[%dma_wait3A_614, %dma_wait3A_615] : memref<10240x32xf32, #tpu.memory_space<vmem_shared>> -> memref<10240x32xf32, #tpu.memory_space<vmem_shared>>
    tpu.wait_indirect_dma semaphore(%arg28 : memref<!tpu.dma_semaphore, #tpu.memory_space<semaphore_mem>>) src(%arg10 : memref<125x32xf32, #tpu.memory_space<vmem>>) dst(%dma_wait3A_616 : memref<10240x32xf32, #tpu.memory_space<vmem_shared>>)
    %dma_wait3A_617 = arith.constant 155 : i32
    %dma_wait3A_618 = arith.constant 0 : i32
    %dma_wait3A_619 = tpu.memref_slice %arg6[%dma_wait3A_617, %dma_wait3A_618] : memref<160x125xi32, #tpu.memory_space<vmem>> -> memref<1x125xi32, #tpu.memory_space<vmem>>
    %dma_wait3A_620 = tpu.memref_squeeze %dma_wait3A_619 : memref<1x125xi32, #tpu.memory_space<vmem>> -> memref<125xi32, #tpu.memory_space<vmem>>
    %dma_wait3A_621 = arith.constant 0 : i32
    %dma_wait3A_622 = arith.constant 0 : i32
    %dma_wait3A_623 = tpu.memref_slice %arg17[%dma_wait3A_621, %dma_wait3A_622] : memref<10240x32xf32, #tpu.memory_space<vmem_shared>> -> memref<10240x32xf32, #tpu.memory_space<vmem_shared>>
    tpu.wait_indirect_dma semaphore(%arg29 : memref<!tpu.dma_semaphore, #tpu.memory_space<semaphore_mem>>) src(%arg11 : memref<125x32xf32, #tpu.memory_space<vmem>>) dst(%dma_wait3A_623 : memref<10240x32xf32, #tpu.memory_space<vmem_shared>>)
    %dma_wait3A_624 = arith.constant 156 : i32
    %dma_wait3A_625 = arith.constant 0 : i32
    %dma_wait3A_626 = tpu.memref_slice %arg5[%dma_wait3A_624, %dma_wait3A_625] : memref<160x125xi32, #tpu.memory_space<vmem>> -> memref<1x125xi32, #tpu.memory_space<vmem>>
    %dma_wait3A_627 = tpu.memref_squeeze %dma_wait3A_626 : memref<1x125xi32, #tpu.memory_space<vmem>> -> memref<125xi32, #tpu.memory_space<vmem>>
    %dma_wait3A_628 = arith.constant 0 : i32
    %dma_wait3A_629 = arith.constant 0 : i32
    %dma_wait3A_630 = tpu.memref_slice %arg16[%dma_wait3A_628, %dma_wait3A_629] : memref<10240x32xf32, #tpu.memory_space<vmem_shared>> -> memref<10240x32xf32, #tpu.memory_space<vmem_shared>>
    tpu.wait_indirect_dma semaphore(%arg22 : memref<!tpu.dma_semaphore, #tpu.memory_space<semaphore_mem>>) src(%dma_wait3A_630 : memref<10240x32xf32, #tpu.memory_space<vmem_shared>>) dst(%arg12 : memref<125x32xf32, #tpu.memory_space<vmem>>)
    %dma_wait3A_631 = arith.constant 157 : i32
    %dma_wait3A_632 = arith.constant 0 : i32
    %dma_wait3A_633 = tpu.memref_slice %arg5[%dma_wait3A_631, %dma_wait3A_632] : memref<160x125xi32, #tpu.memory_space<vmem>> -> memref<1x125xi32, #tpu.memory_space<vmem>>
    %dma_wait3A_634 = tpu.memref_squeeze %dma_wait3A_633 : memref<1x125xi32, #tpu.memory_space<vmem>> -> memref<125xi32, #tpu.memory_space<vmem>>
    %dma_wait3A_635 = arith.constant 0 : i32
    %dma_wait3A_636 = arith.constant 0 : i32
    %dma_wait3A_637 = tpu.memref_slice %arg16[%dma_wait3A_635, %dma_wait3A_636] : memref<10240x32xf32, #tpu.memory_space<vmem_shared>> -> memref<10240x32xf32, #tpu.memory_space<vmem_shared>>
    tpu.wait_indirect_dma semaphore(%arg23 : memref<!tpu.dma_semaphore, #tpu.memory_space<semaphore_mem>>) src(%dma_wait3A_637 : memref<10240x32xf32, #tpu.memory_space<vmem_shared>>) dst(%arg13 : memref<125x32xf32, #tpu.memory_space<vmem>>)
    %dma_wait3A_638 = arith.constant 158 : i32
    %dma_wait3A_639 = arith.constant 0 : i32
    %dma_wait3A_640 = tpu.memref_slice %arg5[%dma_wait3A_638, %dma_wait3A_639] : memref<160x125xi32, #tpu.memory_space<vmem>> -> memref<1x125xi32, #tpu.memory_space<vmem>>
    %dma_wait3A_641 = tpu.memref_squeeze %dma_wait3A_640 : memref<1x125xi32, #tpu.memory_space<vmem>> -> memref<125xi32, #tpu.memory_space<vmem>>
    %dma_wait3A_642 = arith.constant 0 : i32
    %dma_wait3A_643 = arith.constant 0 : i32
    %dma_wait3A_644 = tpu.memref_slice %arg16[%dma_wait3A_642, %dma_wait3A_643] : memref<10240x32xf32, #tpu.memory_space<vmem_shared>> -> memref<10240x32xf32, #tpu.memory_space<vmem_shared>>
    tpu.wait_indirect_dma semaphore(%arg24 : memref<!tpu.dma_semaphore, #tpu.memory_space<semaphore_mem>>) src(%dma_wait3A_644 : memref<10240x32xf32, #tpu.memory_space<vmem_shared>>) dst(%arg14 : memref<125x32xf32, #tpu.memory_space<vmem>>)
    %dma_wait3A_645 = arith.constant 159 : i32
    %dma_wait3A_646 = arith.constant 0 : i32
    %dma_wait3A_647 = tpu.memref_slice %arg5[%dma_wait3A_645, %dma_wait3A_646] : memref<160x125xi32, #tpu.memory_space<vmem>> -> memref<1x125xi32, #tpu.memory_space<vmem>>
    %dma_wait3A_648 = tpu.memref_squeeze %dma_wait3A_647 : memref<1x125xi32, #tpu.memory_space<vmem>> -> memref<125xi32, #tpu.memory_space<vmem>>
    %dma_wait3A_649 = arith.constant 0 : i32
    %dma_wait3A_650 = arith.constant 0 : i32
    %dma_wait3A_651 = tpu.memref_slice %arg16[%dma_wait3A_649, %dma_wait3A_650] : memref<10240x32xf32, #tpu.memory_space<vmem_shared>> -> memref<10240x32xf32, #tpu.memory_space<vmem_shared>>
    tpu.wait_indirect_dma semaphore(%arg25 : memref<!tpu.dma_semaphore, #tpu.memory_space<semaphore_mem>>) src(%dma_wait3A_651 : memref<10240x32xf32, #tpu.memory_space<vmem_shared>>) dst(%arg15 : memref<125x32xf32, #tpu.memory_space<vmem>>)
    %dma_start3A_652 = arith.constant 156 : i32
    %dma_start3A_653 = arith.constant 0 : i32
    %dma_start3A_654 = tpu.memref_slice %arg6[%dma_start3A_652, %dma_start3A_653] : memref<160x125xi32, #tpu.memory_space<vmem>> -> memref<1x125xi32, #tpu.memory_space<vmem>>
    %dma_start3A_655 = tpu.memref_squeeze %dma_start3A_654 : memref<1x125xi32, #tpu.memory_space<vmem>> -> memref<125xi32, #tpu.memory_space<vmem>>
    %dma_start3A_656 = arith.constant 0 : i32
    %dma_start3A_657 = arith.constant 0 : i32
    %dma_start3A_658 = tpu.memref_slice %arg17[%dma_start3A_656, %dma_start3A_657] : memref<10240x32xf32, #tpu.memory_space<vmem_shared>> -> memref<10240x32xf32, #tpu.memory_space<vmem_shared>>
    tpu.enqueue_indirect_dma source(%arg12 : memref<125x32xf32, #tpu.memory_space<vmem>>) target(%dma_start3A_658 : memref<10240x32xf32, #tpu.memory_space<vmem_shared>>) offsets(%dma_start3A_655 : memref<125xi32, #tpu.memory_space<vmem>>) semaphore(%arg30 : memref<!tpu.dma_semaphore, #tpu.memory_space<semaphore_mem>>) {add = true}
    %dma_start3A_659 = arith.constant 157 : i32
    %dma_start3A_660 = arith.constant 0 : i32
    %dma_start3A_661 = tpu.memref_slice %arg6[%dma_start3A_659, %dma_start3A_660] : memref<160x125xi32, #tpu.memory_space<vmem>> -> memref<1x125xi32, #tpu.memory_space<vmem>>
    %dma_start3A_662 = tpu.memref_squeeze %dma_start3A_661 : memref<1x125xi32, #tpu.memory_space<vmem>> -> memref<125xi32, #tpu.memory_space<vmem>>
    %dma_start3A_663 = arith.constant 0 : i32
    %dma_start3A_664 = arith.constant 0 : i32
    %dma_start3A_665 = tpu.memref_slice %arg17[%dma_start3A_663, %dma_start3A_664] : memref<10240x32xf32, #tpu.memory_space<vmem_shared>> -> memref<10240x32xf32, #tpu.memory_space<vmem_shared>>
    tpu.enqueue_indirect_dma source(%arg13 : memref<125x32xf32, #tpu.memory_space<vmem>>) target(%dma_start3A_665 : memref<10240x32xf32, #tpu.memory_space<vmem_shared>>) offsets(%dma_start3A_662 : memref<125xi32, #tpu.memory_space<vmem>>) semaphore(%arg31 : memref<!tpu.dma_semaphore, #tpu.memory_space<semaphore_mem>>) {add = true}
    %dma_start3A_666 = arith.constant 158 : i32
    %dma_start3A_667 = arith.constant 0 : i32
    %dma_start3A_668 = tpu.memref_slice %arg6[%dma_start3A_666, %dma_start3A_667] : memref<160x125xi32, #tpu.memory_space<vmem>> -> memref<1x125xi32, #tpu.memory_space<vmem>>
    %dma_start3A_669 = tpu.memref_squeeze %dma_start3A_668 : memref<1x125xi32, #tpu.memory_space<vmem>> -> memref<125xi32, #tpu.memory_space<vmem>>
    %dma_start3A_670 = arith.constant 0 : i32
    %dma_start3A_671 = arith.constant 0 : i32
    %dma_start3A_672 = tpu.memref_slice %arg17[%dma_start3A_670, %dma_start3A_671] : memref<10240x32xf32, #tpu.memory_space<vmem_shared>> -> memref<10240x32xf32, #tpu.memory_space<vmem_shared>>
    tpu.enqueue_indirect_dma source(%arg14 : memref<125x32xf32, #tpu.memory_space<vmem>>) target(%dma_start3A_672 : memref<10240x32xf32, #tpu.memory_space<vmem_shared>>) offsets(%dma_start3A_669 : memref<125xi32, #tpu.memory_space<vmem>>) semaphore(%arg32 : memref<!tpu.dma_semaphore, #tpu.memory_space<semaphore_mem>>) {add = true}
    %dma_start3A_673 = arith.constant 159 : i32
    %dma_start3A_674 = arith.constant 0 : i32
    %dma_start3A_675 = tpu.memref_slice %arg6[%dma_start3A_673, %dma_start3A_674] : memref<160x125xi32, #tpu.memory_space<vmem>> -> memref<1x125xi32, #tpu.memory_space<vmem>>
    %dma_start3A_676 = tpu.memref_squeeze %dma_start3A_675 : memref<1x125xi32, #tpu.memory_space<vmem>> -> memref<125xi32, #tpu.memory_space<vmem>>
    %dma_start3A_677 = arith.constant 0 : i32
    %dma_start3A_678 = arith.constant 0 : i32
    %dma_start3A_679 = tpu.memref_slice %arg17[%dma_start3A_677, %dma_start3A_678] : memref<10240x32xf32, #tpu.memory_space<vmem_shared>> -> memref<10240x32xf32, #tpu.memory_space<vmem_shared>>
    tpu.enqueue_indirect_dma source(%arg15 : memref<125x32xf32, #tpu.memory_space<vmem>>) target(%dma_start3A_679 : memref<10240x32xf32, #tpu.memory_space<vmem_shared>>) offsets(%dma_start3A_676 : memref<125xi32, #tpu.memory_space<vmem>>) semaphore(%arg33 : memref<!tpu.dma_semaphore, #tpu.memory_space<semaphore_mem>>) {add = true}
    %dma_wait3A_680 = arith.constant 156 : i32
    %dma_wait3A_681 = arith.constant 0 : i32
    %dma_wait3A_682 = tpu.memref_slice %arg6[%dma_wait3A_680, %dma_wait3A_681] : memref<160x125xi32, #tpu.memory_space<vmem>> -> memref<1x125xi32, #tpu.memory_space<vmem>>
    %dma_wait3A_683 = tpu.memref_squeeze %dma_wait3A_682 : memref<1x125xi32, #tpu.memory_space<vmem>> -> memref<125xi32, #tpu.memory_space<vmem>>
    %dma_wait3A_684 = arith.constant 0 : i32
    %dma_wait3A_685 = arith.constant 0 : i32
    %dma_wait3A_686 = tpu.memref_slice %arg17[%dma_wait3A_684, %dma_wait3A_685] : memref<10240x32xf32, #tpu.memory_space<vmem_shared>> -> memref<10240x32xf32, #tpu.memory_space<vmem_shared>>
    tpu.wait_indirect_dma semaphore(%arg30 : memref<!tpu.dma_semaphore, #tpu.memory_space<semaphore_mem>>) src(%arg12 : memref<125x32xf32, #tpu.memory_space<vmem>>) dst(%dma_wait3A_686 : memref<10240x32xf32, #tpu.memory_space<vmem_shared>>)
    %dma_wait3A_687 = arith.constant 157 : i32
    %dma_wait3A_688 = arith.constant 0 : i32
    %dma_wait3A_689 = tpu.memref_slice %arg6[%dma_wait3A_687, %dma_wait3A_688] : memref<160x125xi32, #tpu.memory_space<vmem>> -> memref<1x125xi32, #tpu.memory_space<vmem>>
    %dma_wait3A_690 = tpu.memref_squeeze %dma_wait3A_689 : memref<1x125xi32, #tpu.memory_space<vmem>> -> memref<125xi32, #tpu.memory_space<vmem>>
    %dma_wait3A_691 = arith.constant 0 : i32
    %dma_wait3A_692 = arith.constant 0 : i32
    %dma_wait3A_693 = tpu.memref_slice %arg17[%dma_wait3A_691, %dma_wait3A_692] : memref<10240x32xf32, #tpu.memory_space<vmem_shared>> -> memref<10240x32xf32, #tpu.memory_space<vmem_shared>>
    tpu.wait_indirect_dma semaphore(%arg31 : memref<!tpu.dma_semaphore, #tpu.memory_space<semaphore_mem>>) src(%arg13 : memref<125x32xf32, #tpu.memory_space<vmem>>) dst(%dma_wait3A_693 : memref<10240x32xf32, #tpu.memory_space<vmem_shared>>)
    %dma_wait3A_694 = arith.constant 158 : i32
    %dma_wait3A_695 = arith.constant 0 : i32
    %dma_wait3A_696 = tpu.memref_slice %arg6[%dma_wait3A_694, %dma_wait3A_695] : memref<160x125xi32, #tpu.memory_space<vmem>> -> memref<1x125xi32, #tpu.memory_space<vmem>>
    %dma_wait3A_697 = tpu.memref_squeeze %dma_wait3A_696 : memref<1x125xi32, #tpu.memory_space<vmem>> -> memref<125xi32, #tpu.memory_space<vmem>>
    %dma_wait3A_698 = arith.constant 0 : i32
    %dma_wait3A_699 = arith.constant 0 : i32
    %dma_wait3A_700 = tpu.memref_slice %arg17[%dma_wait3A_698, %dma_wait3A_699] : memref<10240x32xf32, #tpu.memory_space<vmem_shared>> -> memref<10240x32xf32, #tpu.memory_space<vmem_shared>>
    tpu.wait_indirect_dma semaphore(%arg32 : memref<!tpu.dma_semaphore, #tpu.memory_space<semaphore_mem>>) src(%arg14 : memref<125x32xf32, #tpu.memory_space<vmem>>) dst(%dma_wait3A_700 : memref<10240x32xf32, #tpu.memory_space<vmem_shared>>)
    %dma_wait3A_701 = arith.constant 159 : i32
    %dma_wait3A_702 = arith.constant 0 : i32
    %dma_wait3A_703 = tpu.memref_slice %arg6[%dma_wait3A_701, %dma_wait3A_702] : memref<160x125xi32, #tpu.memory_space<vmem>> -> memref<1x125xi32, #tpu.memory_space<vmem>>
    %dma_wait3A_704 = tpu.memref_squeeze %dma_wait3A_703 : memref<1x125xi32, #tpu.memory_space<vmem>> -> memref<125xi32, #tpu.memory_space<vmem>>
    %dma_wait3A_705 = arith.constant 0 : i32
    %dma_wait3A_706 = arith.constant 0 : i32
    %dma_wait3A_707 = tpu.memref_slice %arg17[%dma_wait3A_705, %dma_wait3A_706] : memref<10240x32xf32, #tpu.memory_space<vmem_shared>> -> memref<10240x32xf32, #tpu.memory_space<vmem_shared>>
    tpu.wait_indirect_dma semaphore(%arg33 : memref<!tpu.dma_semaphore, #tpu.memory_space<semaphore_mem>>) src(%arg15 : memref<125x32xf32, #tpu.memory_space<vmem>>) dst(%dma_wait3A_707 : memref<10240x32xf32, #tpu.memory_space<vmem_shared>>)
    %barrier3A_708 = arith.constant 0 : index
    tpu.barrier barrier_id(%barrier3A_708)
    %mul3A_709 = arith.constant 640 : i32
    %mul3A_710 = arith.muli %arg1, %mul3A_709 : i32
    %mul3A_711 = arith.constant 640 : i32
    %mul3A_712 = arith.muli %arg1, %mul3A_711 : i32
    %mul3A_713 = arith.constant 32 : i32
    %mul3A_714 = arith.muli %add3A_377, %mul3A_713 : i32
    "tpu.region"() ({
      %run_scoped3A = tpu.sem_alloc : memref<!tpu.dma_semaphore, #tpu.memory_space<semaphore_mem>>
      %dma_start3A_715 = tpu.memref_slice %arg4[%mul3A_712, %mul3A_714] : memref<10240x128xf32, #tpu.memory_space<hbm>> -> memref<640x32xf32, #tpu.memory_space<hbm>>
      %dma_start3A_716 = arith.constant 0 : i32
      %dma_start3A_717 = tpu.memref_slice %arg17[%mul3A_710, %dma_start3A_716] : memref<10240x32xf32, #tpu.memory_space<vmem_shared>> -> memref<640x32xf32, #tpu.memory_space<vmem_shared>>
      tpu.enqueue_dma source(%dma_start3A_717 : memref<640x32xf32, #tpu.memory_space<vmem_shared>>) target(%dma_start3A_715 : memref<640x32xf32, #tpu.memory_space<hbm>>) target_semaphore(%run_scoped3A : memref<!tpu.dma_semaphore, #tpu.memory_space<semaphore_mem>>)
      %dma_wait3A_718 = tpu.memref_slice %arg4[%mul3A_712, %mul3A_714] : memref<10240x128xf32, #tpu.memory_space<hbm>> -> memref<640x32xf32, #tpu.memory_space<hbm>>
      %dma_wait3A_719 = arith.constant 0 : i32
      %dma_wait3A_720 = tpu.memref_slice %arg17[%mul3A_710, %dma_wait3A_719] : memref<10240x32xf32, #tpu.memory_space<vmem_shared>> -> memref<640x32xf32, #tpu.memory_space<vmem_shared>>
      tpu.wait_dma2 semaphore(%run_scoped3A : memref<!tpu.dma_semaphore, #tpu.memory_space<semaphore_mem>>) src(%dma_wait3A_720 : memref<640x32xf32, #tpu.memory_space<vmem_shared>>) dst(%dma_wait3A_718 : memref<640x32xf32, #tpu.memory_space<hbm>>)
      tpu.yield
    }) : () -> ()
    return
  }
}

module attributes {stable_mosaic.version = 14 : i64} {
  func.func @_tc_pre_body(%arg0: i32, %arg1: memref<1000x128xf32, #tpu.memory_space<vmem>>, %arg2: memref<128x128xf32, #tpu.memory_space<vmem>>, %arg3: memref<1000x16xf32, #tpu.memory_space<vmem>>, %arg4: memref<1000x16xf32, #tpu.memory_space<vmem>>, %arg5: memref<1000x128xf32, #tpu.memory_space<vmem>>) attributes {dimension_semantics = [#tpu.dimension_semantics<arbitrary>], iteration_bounds = array<i64: 10>, scalar_prefetch = 0 : i64, scratch_operands = 0 : i64, tpu.core_type = #tpu.core_type<tc>, window_params = [{transform_indices = @transform_0, window_bounds = array<i64: 1000, 128>}, {pipeline_mode = #tpu.pipeline_mode<synchronous>, transform_indices = @transform_1, window_bounds = array<i64: 128, 128>}, {transform_indices = @transform_2, window_bounds = array<i64: 1000, 16>}, {transform_indices = @transform_3, window_bounds = array<i64: 1000, 16>}, {transform_indices = @transform_4, window_bounds = array<i64: 1000, 128>}]} {
    %get3A = arith.constant 0 : index
    %get3A_0 = arith.constant 0 : index
    %get3A_1 = vector.load %arg3[%get3A, %get3A_0] : memref<1000x16xf32, #tpu.memory_space<vmem>>, vector<1000x1xf32>
    %get3A_2 = arith.constant 0 : index
    %get3A_3 = arith.constant 0 : index
    %get3A_4 = vector.load %arg4[%get3A_2, %get3A_3] : memref<1000x16xf32, #tpu.memory_space<vmem>>, vector<1000x1xf32>
    %add3A = arith.addf %get3A_1, %get3A_4 : vector<1000x1xf32>
    %add3A_5 = arith.constant 1.000000e+00 : f32
    %add3A_6 = vector.broadcast %add3A_5 : f32 to vector<1000x1xf32>
    %add3A_7 = arith.addf %add3A, %add3A_6 : vector<1000x1xf32>
    %rsqrt3A = math.rsqrt %add3A_7 : vector<1000x1xf32>
    %get3A_8 = arith.constant 0 : index
    %get3A_9 = arith.constant 0 : index
    %get3A_10 = vector.load %arg1[%get3A_8, %get3A_9] : memref<1000x128xf32, #tpu.memory_space<vmem>>, vector<1000x128xf32>
    %get3A_11 = arith.constant 0 : index
    %get3A_12 = arith.constant 0 : index
    %get3A_13 = vector.load %arg2[%get3A_11, %get3A_12] : memref<128x128xf32, #tpu.memory_space<vmem>>, vector<128x128xf32>
    %dot_general3A = arith.constant dense<0.000000e+00> : vector<1000x128xf32>
    %dot_general3A_14 = tpu.matmul %get3A_10, %get3A_13, %dot_general3A {dimension_numbers = #tpu.dot_dimension_numbers<[1], [0], [0], [1], [0, 0, 1, 1], [], []>, transpose_lhs_hint = false} : vector<1000x128xf32>, vector<128x128xf32>, vector<1000x128xf32> -> vector<1000x128xf32>
    %mul3A = vector.broadcast %rsqrt3A : vector<1000x1xf32> to vector<1000x128xf32>
    %mul3A_15 = arith.mulf %dot_general3A_14, %mul3A : vector<1000x128xf32>
    %swap3A = arith.constant 0 : index
    %swap3A_16 = arith.constant 0 : index
    %swap3A_17 = vector.load %arg5[%swap3A, %swap3A_16] : memref<1000x128xf32, #tpu.memory_space<vmem>>, vector<1000x128xf32>
    tpu.vector_store %arg5[%swap3A, %swap3A_16], %mul3A_15 {strides = array<i32>} : memref<1000x128xf32, #tpu.memory_space<vmem>>, vector<1000x128xf32>,
    return
  }
  func.func @transform_0(%arg0: i32) -> (i32, i32) {
    %c0_i32 = arith.constant 0 : i32
    %c0_i32_0 = arith.constant 0 : i32
    return %arg0, %c0_i32 : i32, i32
  }
  func.func @transform_1(%arg0: i32) -> (i32, i32) {
    %c0_i32 = arith.constant 0 : i32
    %c0_i32_0 = arith.constant 0 : i32
    %c0_i32_1 = arith.constant 0 : i32
    return %c0_i32, %c0_i32_0 : i32, i32
  }
  func.func @transform_2(%arg0: i32) -> (i32, i32) {
    %c0_i32 = arith.constant 0 : i32
    %c0_i32_0 = arith.constant 0 : i32
    return %arg0, %c0_i32 : i32, i32
  }
  func.func @transform_3(%arg0: i32) -> (i32, i32) {
    %c0_i32 = arith.constant 0 : i32
    %c0_i32_0 = arith.constant 0 : i32
    return %arg0, %c0_i32 : i32, i32
  }
  func.func @transform_4(%arg0: i32) -> (i32, i32) {
    %c0_i32 = arith.constant 0 : i32
    %c0_i32_0 = arith.constant 0 : i32
    return %arg0, %c0_i32 : i32, i32
  }
}

module attributes {stable_mosaic.version = 14 : i64} {
  func.func @_tc_mid_body(%arg0: i32, %arg1: memref<1000x128xf32, #tpu.memory_space<vmem>>, %arg2: memref<1000x128xf32, #tpu.memory_space<vmem>>, %arg3: memref<1000x16xf32, #tpu.memory_space<vmem>>, %arg4: memref<1000x16xf32, #tpu.memory_space<vmem>>, %arg5: memref<1x128xf32, #tpu.memory_space<vmem>>, %arg6: memref<128x128xf32, #tpu.memory_space<vmem>>, %arg7: memref<1000x128xf32, #tpu.memory_space<vmem>>) attributes {dimension_semantics = [#tpu.dimension_semantics<arbitrary>], iteration_bounds = array<i64: 10>, scalar_prefetch = 0 : i64, scratch_operands = 0 : i64, tpu.core_type = #tpu.core_type<tc>, window_params = [{transform_indices = @transform_0, window_bounds = array<i64: 1000, 128>}, {transform_indices = @transform_1, window_bounds = array<i64: 1000, 128>}, {transform_indices = @transform_2, window_bounds = array<i64: 1000, 16>}, {transform_indices = @transform_3, window_bounds = array<i64: 1000, 16>}, {pipeline_mode = #tpu.pipeline_mode<synchronous>, transform_indices = @transform_4, window_bounds = array<i64: 1, 128>}, {pipeline_mode = #tpu.pipeline_mode<synchronous>, transform_indices = @transform_5, window_bounds = array<i64: 128, 128>}, {transform_indices = @transform_6, window_bounds = array<i64: 1000, 128>}]} {
    %get3A = arith.constant 0 : index
    %get3A_0 = arith.constant 0 : index
    %get3A_1 = vector.load %arg3[%get3A, %get3A_0] : memref<1000x16xf32, #tpu.memory_space<vmem>>, vector<1000x1xf32>
    %get3A_2 = arith.constant 0 : index
    %get3A_3 = arith.constant 0 : index
    %get3A_4 = vector.load %arg4[%get3A_2, %get3A_3] : memref<1000x16xf32, #tpu.memory_space<vmem>>, vector<1000x1xf32>
    %add3A = arith.addf %get3A_1, %get3A_4 : vector<1000x1xf32>
    %add3A_5 = arith.constant 1.000000e+00 : f32
    %add3A_6 = vector.broadcast %add3A_5 : f32 to vector<1000x1xf32>
    %add3A_7 = arith.addf %add3A, %add3A_6 : vector<1000x1xf32>
    %rsqrt3A = math.rsqrt %add3A_7 : vector<1000x1xf32>
    %get3A_8 = arith.constant 0 : index
    %get3A_9 = arith.constant 0 : index
    %get3A_10 = vector.load %arg1[%get3A_8, %get3A_9] : memref<1000x128xf32, #tpu.memory_space<vmem>>, vector<1000x128xf32>
    %get3A_11 = arith.constant 0 : index
    %get3A_12 = arith.constant 0 : index
    %get3A_13 = vector.load %arg2[%get3A_11, %get3A_12] : memref<1000x128xf32, #tpu.memory_space<vmem>>, vector<1000x128xf32>
    %add3A_14 = arith.addf %get3A_10, %get3A_13 : vector<1000x128xf32>
    %mul3A = vector.broadcast %rsqrt3A : vector<1000x1xf32> to vector<1000x128xf32>
    %mul3A_15 = arith.mulf %mul3A, %add3A_14 : vector<1000x128xf32>
    %get3A_16 = arith.constant 0 : index
    %get3A_17 = arith.constant 0 : index
    %get3A_18 = vector.load %arg5[%get3A_16, %get3A_17] : memref<1x128xf32, #tpu.memory_space<vmem>>, vector<1x128xf32>
    %add3A_19 = vector.broadcast %get3A_18 : vector<1x128xf32> to vector<1000x128xf32>
    %add3A_20 = arith.addf %mul3A_15, %add3A_19 : vector<1000x128xf32>
    %max3A = arith.constant 0.000000e+00 : f32
    %max3A_21 = vector.broadcast %max3A : f32 to vector<1000x128xf32>
    %max3A_22 = arith.maximumf %add3A_20, %max3A_21 : vector<1000x128xf32>
    %get3A_23 = arith.constant 0 : index
    %get3A_24 = arith.constant 0 : index
    %get3A_25 = vector.load %arg6[%get3A_23, %get3A_24] : memref<128x128xf32, #tpu.memory_space<vmem>>, vector<128x128xf32>
    %dot_general3A = arith.constant dense<0.000000e+00> : vector<1000x128xf32>
    %dot_general3A_26 = tpu.matmul %max3A_22, %get3A_25, %dot_general3A {dimension_numbers = #tpu.dot_dimension_numbers<[1], [0], [0], [1], [0, 0, 1, 1], [], []>, transpose_lhs_hint = false} : vector<1000x128xf32>, vector<128x128xf32>, vector<1000x128xf32> -> vector<1000x128xf32>
    %mul3A_27 = vector.broadcast %rsqrt3A : vector<1000x1xf32> to vector<1000x128xf32>
    %mul3A_28 = arith.mulf %dot_general3A_26, %mul3A_27 : vector<1000x128xf32>
    %swap3A = arith.constant 0 : index
    %swap3A_29 = arith.constant 0 : index
    %swap3A_30 = vector.load %arg7[%swap3A, %swap3A_29] : memref<1000x128xf32, #tpu.memory_space<vmem>>, vector<1000x128xf32>
    tpu.vector_store %arg7[%swap3A, %swap3A_29], %mul3A_28 {strides = array<i32>} : memref<1000x128xf32, #tpu.memory_space<vmem>>, vector<1000x128xf32>,
    return
  }
  func.func @transform_0(%arg0: i32) -> (i32, i32) {
    %c0_i32 = arith.constant 0 : i32
    %c0_i32_0 = arith.constant 0 : i32
    return %arg0, %c0_i32 : i32, i32
  }
  func.func @transform_1(%arg0: i32) -> (i32, i32) {
    %c0_i32 = arith.constant 0 : i32
    %c0_i32_0 = arith.constant 0 : i32
    return %arg0, %c0_i32 : i32, i32
  }
  func.func @transform_2(%arg0: i32) -> (i32, i32) {
    %c0_i32 = arith.constant 0 : i32
    %c0_i32_0 = arith.constant 0 : i32
    return %arg0, %c0_i32 : i32, i32
  }
  func.func @transform_3(%arg0: i32) -> (i32, i32) {
    %c0_i32 = arith.constant 0 : i32
    %c0_i32_0 = arith.constant 0 : i32
    return %arg0, %c0_i32 : i32, i32
  }
  func.func @transform_4(%arg0: i32) -> (i32, i32) {
    %c0_i32 = arith.constant 0 : i32
    %c0_i32_0 = arith.constant 0 : i32
    %c0_i32_1 = arith.constant 0 : i32
    return %c0_i32, %c0_i32_0 : i32, i32
  }
  func.func @transform_5(%arg0: i32) -> (i32, i32) {
    %c0_i32 = arith.constant 0 : i32
    %c0_i32_0 = arith.constant 0 : i32
    %c0_i32_1 = arith.constant 0 : i32
    return %c0_i32, %c0_i32_0 : i32, i32
  }
  func.func @transform_6(%arg0: i32) -> (i32, i32) {
    %c0_i32 = arith.constant 0 : i32
    %c0_i32_0 = arith.constant 0 : i32
    return %arg0, %c0_i32 : i32, i32
  }
}

module attributes {stable_mosaic.version = 14 : i64} {
  func.func @_tc_post_body(%arg0: i32, %arg1: memref<1000x128xf32, #tpu.memory_space<vmem>>, %arg2: memref<1000x128xf32, #tpu.memory_space<vmem>>, %arg3: memref<1000x16xf32, #tpu.memory_space<vmem>>, %arg4: memref<1000x16xf32, #tpu.memory_space<vmem>>, %arg5: memref<1x128xf32, #tpu.memory_space<vmem>>, %arg6: memref<1000x128xf32, #tpu.memory_space<vmem>>) attributes {dimension_semantics = [#tpu.dimension_semantics<arbitrary>], iteration_bounds = array<i64: 10>, scalar_prefetch = 0 : i64, scratch_operands = 0 : i64, tpu.core_type = #tpu.core_type<tc>, window_params = [{transform_indices = @transform_0, window_bounds = array<i64: 1000, 128>}, {transform_indices = @transform_1, window_bounds = array<i64: 1000, 128>}, {transform_indices = @transform_2, window_bounds = array<i64: 1000, 16>}, {transform_indices = @transform_3, window_bounds = array<i64: 1000, 16>}, {pipeline_mode = #tpu.pipeline_mode<synchronous>, transform_indices = @transform_4, window_bounds = array<i64: 1, 128>}, {transform_indices = @transform_5, window_bounds = array<i64: 1000, 128>}]} {
    %get3A = arith.constant 0 : index
    %get3A_0 = arith.constant 0 : index
    %get3A_1 = vector.load %arg3[%get3A, %get3A_0] : memref<1000x16xf32, #tpu.memory_space<vmem>>, vector<1000x1xf32>
    %get3A_2 = arith.constant 0 : index
    %get3A_3 = arith.constant 0 : index
    %get3A_4 = vector.load %arg4[%get3A_2, %get3A_3] : memref<1000x16xf32, #tpu.memory_space<vmem>>, vector<1000x1xf32>
    %add3A = arith.addf %get3A_1, %get3A_4 : vector<1000x1xf32>
    %add3A_5 = arith.constant 1.000000e+00 : f32
    %add3A_6 = vector.broadcast %add3A_5 : f32 to vector<1000x1xf32>
    %add3A_7 = arith.addf %add3A, %add3A_6 : vector<1000x1xf32>
    %rsqrt3A = math.rsqrt %add3A_7 : vector<1000x1xf32>
    %get3A_8 = arith.constant 0 : index
    %get3A_9 = arith.constant 0 : index
    %get3A_10 = vector.load %arg1[%get3A_8, %get3A_9] : memref<1000x128xf32, #tpu.memory_space<vmem>>, vector<1000x128xf32>
    %get3A_11 = arith.constant 0 : index
    %get3A_12 = arith.constant 0 : index
    %get3A_13 = vector.load %arg2[%get3A_11, %get3A_12] : memref<1000x128xf32, #tpu.memory_space<vmem>>, vector<1000x128xf32>
    %add3A_14 = arith.addf %get3A_10, %get3A_13 : vector<1000x128xf32>
    %mul3A = vector.broadcast %rsqrt3A : vector<1000x1xf32> to vector<1000x128xf32>
    %mul3A_15 = arith.mulf %mul3A, %add3A_14 : vector<1000x128xf32>
    %get3A_16 = arith.constant 0 : index
    %get3A_17 = arith.constant 0 : index
    %get3A_18 = vector.load %arg5[%get3A_16, %get3A_17] : memref<1x128xf32, #tpu.memory_space<vmem>>, vector<1x128xf32>
    %add3A_19 = vector.broadcast %get3A_18 : vector<1x128xf32> to vector<1000x128xf32>
    %add3A_20 = arith.addf %mul3A_15, %add3A_19 : vector<1000x128xf32>
    %swap3A = arith.constant 0 : index
    %swap3A_21 = arith.constant 0 : index
    %swap3A_22 = vector.load %arg6[%swap3A, %swap3A_21] : memref<1000x128xf32, #tpu.memory_space<vmem>>, vector<1000x128xf32>
    tpu.vector_store %arg6[%swap3A, %swap3A_21], %add3A_20 {strides = array<i32>} : memref<1000x128xf32, #tpu.memory_space<vmem>>, vector<1000x128xf32>,
    return
  }
  func.func @transform_0(%arg0: i32) -> (i32, i32) {
    %c0_i32 = arith.constant 0 : i32
    %c0_i32_0 = arith.constant 0 : i32
    return %arg0, %c0_i32 : i32, i32
  }
  func.func @transform_1(%arg0: i32) -> (i32, i32) {
    %c0_i32 = arith.constant 0 : i32
    %c0_i32_0 = arith.constant 0 : i32
    return %arg0, %c0_i32 : i32, i32
  }
  func.func @transform_2(%arg0: i32) -> (i32, i32) {
    %c0_i32 = arith.constant 0 : i32
    %c0_i32_0 = arith.constant 0 : i32
    return %arg0, %c0_i32 : i32, i32
  }
  func.func @transform_3(%arg0: i32) -> (i32, i32) {
    %c0_i32 = arith.constant 0 : i32
    %c0_i32_0 = arith.constant 0 : i32
    return %arg0, %c0_i32 : i32, i32
  }
  func.func @transform_4(%arg0: i32) -> (i32, i32) {
    %c0_i32 = arith.constant 0 : i32
    %c0_i32_0 = arith.constant 0 : i32
    %c0_i32_1 = arith.constant 0 : i32
    return %c0_i32, %c0_i32_0 : i32, i32
  }
  func.func @transform_5(%arg0: i32) -> (i32, i32) {
    %c0_i32 = arith.constant 0 : i32
    %c0_i32_0 = arith.constant 0 : i32
    return %arg0, %c0_i32 : i32, i32
  }
}

</mosaic_0001>

<sc_bundles>
// kernel: kernel.11.cloned.1.call-start
scs
__scs_entry_jumppad:
0x0: {  	(pc) =	sbr.rel $0x88, $3  }
0x1: {  	(tag) =	ssettag $0x0;
	lr =	simm.s32 $0x1  }
0x2: {  	[smem:$0x3F9B] =	sst lr;
	_ =	strace $0xD0000000  }
0x3: {  	_ = 	snop  }
0x4: {  	_ = 	snop  }
0x5: {  	_ = 	snop  }
0x6: {  	_ = 	snop  }
0x7: {  	_ = 	snop  }
__scs_overlays_trampoline_lowered:
0x8: {  	[smem:$0x3FAA] =	sst s0  }
0x9: {  	[smem:$0x3FAB] =	sst s1  }
0xa: {  	[smem:$0x3FAC] =	sst s2  }
0xb: {  	[smem:$0x3FAD] =	sst s3  }
0xc: {  	[smem:$0x3FAE] =	sst s4  }
0xd: {  	[smem:$0x3FAF] =	sst s5  }
0xe: {  	[smem:$0x3FB0] =	sst s6  }
0xf: {  	[smem:$0x3FB1] =	sst s7  }
0x10: {  	[smem:$0x3FB2] =	sst s8  }
0x11: {  	[smem:$0x3FB3] =	sst s9;
	s0 =	simm.s32 @!p0 $0x0  }
0x12: {  	s1 =	sld [smem:$0x3F99];
	s0 =	simm.s32 @p0 $0x1  }
0x13: {  	[smem:$0x3FB4] =	sst s0;
	s0 =	simm.s32 @!p1 $0x0  }
0x14: {  	s2 =	sld [smem:$0x3F98];
	s0 =	simm.s32 @p1 $0x1  }
0x15: {  	[smem:$0x3FB5] =	sst s0;
	s0 =	simm.s32 @!p2 $0x0  }
0x16: {  	s3 =	sld [smem:$0x3FDB];
	s0 =	simm.s32 @p2 $0x1  }
0x17: {  	s4 =	simm.s32 $0x1BF5;
	[smem:$0x3FB7] =	sst s0  }
0x18: {  	s0 =	sld [smem:$0x3F9A];
	_ =	swait.ge [sflag:s4], $0x0  }
0x19: {  	s7 =	sld [smem:$0x3F9B]  }
0x1a: {  	s8 =	sadd.s32 $0xFFFFE003, lr  }
0x1b: {  	s9 =	sadd.s32 $0xFFFFFEF7, lr;
	s5 =	simm.s32 $0xFFFFFFFF;
	p2 =	slt.u32 s8, $0xFFFFF086  }
0x1c: {  	p1 =	slt.u32 s9, $0xF7A;
	s5 =	simm.s32 @!p2 $0x0  }
0x1d: {  	s5 =	simm.s32 @p1 $0x1;
	p0 =	seq.s32 s7, s2  }
0x1e: {  	s7 =	smul.u32 @!p0 $0xF7A, s2;
	p2 =	seq.s32 @!p0 s5, $0x0  }
0x1f: {  	s9 =	smul.u32 $0xF7A, s1;
	s8 =	simm.s32 @!p0 $0x1BF5;
	p2 =	por !p2, p0  }
0x20: {  	[sflag:s8] =	ssyncset.s32 @!p0 $0xFFFFF086;
	s6 =	sadd.s32 @!p0 s3, s7;
	s7 =	simm.s32 @!p0 $0x108  }
0x21: {  	s3 =	sadd.s32 s3, s9;
	s6 =	sadd.s32 @!p0 $0x88, s6;
	s7 =	simm.s32 @p2 $0x1082  }
0x22: {  	[simem:s7], [sflag:s8] =	dma.local @!p0 [hbm:s6], $0xF7A  }
0x23: {  	s9 =	sor.u32 $0xD0000000, s2;
	s6 =	simm.s32 $0x108;
	_ =	swait.ge @!p0 [sflag:s8], $0x0  }
0x24: {  	s3 =	sadd.s32 $0x88, s3;
	s6 =	simm.s32 @!p1 $0x1082;
	[sflag:s4] =	ssyncset.s32 $0xFFFFF086  }
0x25: {  	[simem:s6], [sflag:s4] =	dma.local [hbm:s3], $0xF7A  }
0x26: {  	[smem:$0x3F9B] =	sst s1;
	(tag) =	ssettag s2;
	_ =	strace s9  }
0x27: {  	s1 =	sld [smem:$0x3FAB]  }
0x28: {  	s2 =	sld [smem:$0x3FAC]  }
0x29: {  	s4 =	sld [smem:$0x3FAE]  }
0x2a: {  	p0 =	seq.s32 s5, $0x0;
	s5 =	sld [smem:$0x3FAF]  }
0x2b: {  	s6 =	sld [smem:$0x3FB0]  }
0x2c: {  	s7 =	sld [smem:$0x3FB1]  }
0x2d: {  	s3 =	simm.s32 $0x108;
	s8 =	sld [smem:$0x3FB2]  }
0x2e: {  	s3 =	simm.s32 @!p0 $0x1082;
	s9 =	sld [smem:$0x3FB3]  }
0x2f: {  	lr =	sadd.s32 s0, s3;
	s0 =	sld [smem:$0x3FAA]  }
0x30: {  	s3 =	sld [smem:$0x3FAD]  }
0x31: {  	[smem:$0x3FB6] =	sst s10  }
0x32: {  	s10 =	sld [smem:$0x3FB4];
	_ =	sdelay $0x3  }
0x33: {  	p0 =	seq.s32 s10, $0x1;
	s10 =	sld [smem:$0x3FB6];
	_ =	sdelay $0x3  }
0x34: {  	[smem:$0x3FB6] =	sst s10  }
0x35: {  	s10 =	sld [smem:$0x3FB5];
	_ =	sdelay $0x3  }
0x36: {  	p1 =	seq.s32 s10, $0x1;
	s10 =	sld [smem:$0x3FB6];
	_ =	sdelay $0x3  }
0x37: {  	[smem:$0x3FB6] =	sst s10  }
0x38: {  	s10 =	sld [smem:$0x3FB7]  }
0x39: {  	_ = 	snop;
	(pc) =	sbr.ind lr, $3  }
0x3a: {  	_ = 	snop  }
0x3b: {  	_ = 	snop  }
0x3c: {  	p2 =	seq.s32 s10, $0x1;
	s10 =	sld [smem:$0x3FB6]  }
0x3d: {  	_ =	shalt  }
0x3e: {  	_ =	shalt  }
0x3f: {  	_ =	shalt  }
0x40: {  	_ =	shalt  }
0x41: {  	_ =	shalt  }
0x42: {  	_ =	shalt  }
0x43: {  	_ =	shalt  }
0x44: {  	_ =	shalt  }
0x45: {  	_ =	shalt  }
0x46: {  	_ =	shalt  }
0x47: {  	_ =	shalt  }
0x48: {  	_ =	shalt  }
0x49: {  	_ =	shalt  }
0x4a: {  	_ =	shalt  }
0x4b: {  	_ =	shalt  }
0x4c: {  	_ =	shalt  }
0x4d: {  	_ =	shalt  }
0x4e: {  	_ =	shalt  }
0x4f: {  	_ =	shalt  }
0x50: {  	_ =	shalt  }
0x51: {  	_ =	shalt  }
0x52: {  	_ =	shalt  }
0x53: {  	_ =	shalt  }
0x54: {  	_ =	shalt  }
0x55: {  	_ =	shalt  }
0x56: {  	_ =	shalt  }
0x57: {  	_ =	shalt  }
0x58: {  	_ =	shalt  }
0x59: {  	_ =	shalt  }
0x5a: {  	_ =	shalt  }
0x5b: {  	_ =	shalt  }
0x5c: {  	_ =	shalt  }
0x5d: {  	_ =	shalt  }
0x5e: {  	_ =	shalt  }
0x5f: {  	_ =	shalt  }
0x60: {  	_ =	shalt  }
0x61: {  	_ =	shalt  }
0x62: {  	_ =	shalt  }
0x63: {  	_ =	shalt  }
0x64: {  	_ =	shalt  }
0x65: {  	_ =	shalt  }
0x66: {  	_ =	shalt  }
0x67: {  	_ =	shalt  }
0x68: {  	_ =	shalt  }
0x69: {  	_ =	shalt  }
0x6a: {  	_ =	shalt  }
0x6b: {  	_ =	shalt  }
0x6c: {  	_ =	shalt  }
0x6d: {  	_ =	shalt  }
0x6e: {  	_ =	shalt  }
0x6f: {  	_ =	shalt  }
0x70: {  	_ =	shalt  }
0x71: {  	_ =	shalt  }
0x72: {  	_ =	shalt  }
0x73: {  	_ =	shalt  }
0x74: {  	_ =	shalt  }
0x75: {  	_ =	shalt  }
0x76: {  	_ =	shalt  }
0x77: {  	_ =	shalt  }
0x78: {  	_ =	shalt  }
0x79: {  	_ =	shalt  }
0x7a: {  	_ =	shalt  }
0x7b: {  	_ =	shalt  }
0x7c: {  	_ =	shalt  }
0x7d: {  	_ =	shalt  }
0x7e: {  	_ =	shalt  }
0x7f: {  	_ =	shalt  }
0x80: {  	_ =	shalt  }
0x81: {  	_ =	shalt  }
0x82: {  	_ =	shalt  }
0x83: {  	_ =	shalt  }
0x84: {  	_ =	shalt  }
0x85: {  	_ =	shalt  }
0x86: {  	_ =	shalt  }
0x87: {  	_ =	shalt  }
.Lfunc_end0:
.L_simem_size_0:
called_computation.1_lowered:
.L_overlay_start_0:
0x88: {  	s2 =	sld [smem:$0x3FD9]  }
0x89: {  	s3 =	sld [smem:$0x3FFE];
	_ =	sdelay $0x1  }
0x8a: {  	s1 =	srdreg.scid  }
0x8b: {  	s0 =	sand.u32 $0x1, s1  }
0x8c: {  	s17 =	sshll.u32 s0, $0xA;
	s2 =	sadd.s32 s3, s2  }
0x8d: {  	s2 =	sadd.s32 s2, s17  }
0x8e: {  	[smem:$0x3FC2] =	sst s2  }
0x8f: {  	_ = 	snop  }
0x90: {  	s2 =	sld [smem:$0x3FD0];
	(tm) =	ssettm $0x1  }
0x91: {  	s18 =	sld [smem:$0x3FFB];
	_ =	sdelay $0x3  }
0x92: {  	_ =	strace s18  }
0x93: {  	s3 =	sld [smem:$0x3FFC];
	_ =	sdelay $0x3  }
0x94: {  	_ =	strace s3  }
0x95: {  	s3 =	sld [smem:$0x3FFD];
	_ =	sdelay $0x3  }
0x96: {  	_ =	strace s3  }
0x97: {  	_ =	strace $0x8FFFFFFF  }
0x98: {  	s19 =	sld [smem:$0x3FDB];
	_ =	sdelay $0x1  }
0x99: {  	s4 =	simm.s32 $_scs_section_size  }
0x9a: {  	s5 =	simm.s32 $_size__tile_overlayer_lowered;
	s6 =	simm.s32 $_tile_overlayer_lowered  }
0x9b: {  	s22 =	simm.s32 $0x1BFF;
	s21 =	sshll.u32 s6, $0x1;
	s3 =	sadd.s32 s4, s19  }
0x9c: {  	s7 =	simm.s32 $0x0;
	s20 =	sshll.u32 s5, $0x1;
	s5 =	sadd.s32 s21, s3  }
0x9d: {  	[timem:s7], [sflag:s22] =	dma.local [hbm:s5], s20  }
0x9e: {  	_ =	swait.ge [sflag:s22], s20  }
0x9f: {  	s4 =	ssub.s32 $0x0, s20;
	[sflag:s22] =	ssyncset.done $0x0  }
0xa0: {  	[sflag:s22] =	ssyncadd.s32 s4;
	_ =	sdelay $0x1  }
0xa1: {  	s23 =	simm.s32 $0x1B8B  }
0xa2: {  	_ =	swait.ge [sflag:s23], $0x1  }
0xa3: {  	[sflag:s23] =	ssyncset.done $0x0  }
0xa4: {  	s25 =	simm.s32 $0x1B8E;
	s24 =	sld [smem:$0x3FFE];
	[sflag:s23] =	ssyncadd.s32 $0xFFFFFFFF  }
0xa5: {  	s26 =	simm.s32 $execute0_lowered;
	[smem:$0x3FD2] =	sst s25  }
0xa6: {  	s5 =	sshll.u32 s26, $0x1;
	_ =	strace $0x80000049;
	[dreg:$0x1] =	wrdreg $0xFFFFFFFF  }
0xa7: {  	s28 =	simm.s32 $_size_execute0_lowered;
	s3 =	sadd.s32 s3, s5;
	[dreg:$0x0] =	wrdreg $0x0  }
0xa8: {  	s5 =	sshll.u32 s28, $0x1;
	[dreg:$0x2] =	wrdreg s3  }
0xa9: {  	[dreg:$0x3] =	wrdreg s5  }
0xaa: {  	[dreg:$0x4] =	wrdreg $0xC0  }
0xab: {  	_ =	task [dreg:s7], $0x5FFFF  }
0xac: {  	[dreg:$0x1] =	wrdreg $0xFFFFFFFF  }
0xad: {  	[dreg:$0x0] =	wrdreg $0x60  }
0xae: {  	[dreg:$0x2] =	wrdreg s24  }
0xaf: {  	[dreg:$0x3] =	wrdreg s2  }
0xb0: {  	[dreg:$0x4] =	wrdreg $0x12D000  }
0xb1: {  	[dreg:$0x5] =	wrdreg $0x17D000  }
0xb2: {  	[dreg:$0x6] =	wrdreg $0x9  }
0xb3: {  	_ =	task.clear_ibuf [dreg:s7], $0x7FFFF;
	_ =	strace $0x90000049  }
0xb4: {  	s29 =	simm.s32 $0x9;
	_ =	strace $0x8000004B  }
0xb5: {  	_ =	swait.ge [sflag:s29], $0x1  }
0xb6: {  	[sflag:s29] =	ssyncadd.s32 $0xFFFFFFFF  }
0xb7: {  	_ =	strace $0x9000004B  }
0xb8: {  	_ =	sfence  }
0xb9: {  	s30 =	sld [smem:$0x0];
	_ =	sdelay $0x2  }
0xba: {  	s31 =	sshll.u32 s1, $0xD;
	s1 =	sshrl.u32 s1, $0x2  }
0xbb: {  	s3 =	sand.u32 $0x4000, s31;
	s1 =	sadd.s32 s1, s30  }
0xbc: {  	s0 =	sor.u32 s3, s0;
	s1 =	sshll.u32 s1, $0x11  }
0xbd: {  	s0 =	sor.u32 s1, s0  }
0xbe: {  	s0 =	sadd.s32 $0x8F2B, s0  }
0xbf: {  	[sflag:s0] =	ssyncadd.remote.s32 $0x1  }
0xc0: {  	_ =	sfence.sel $0xFFFF  }
0xc1: {  	[dreg:$0x0] =	wrdreg $0xFFFFFFFF;
	(pc) =	sbr.abs _section_cstart, $3  }
0xc2: {  	[dreg:$0x1] =	wrdreg $0xFFFFFFFF  }
0xc3: {  	_ =	task.clear_ibuf [dreg:s7], $0x2FFFF;
	_ =	strace $0x9FFFFFFF  }
0xc4: {  	(tm) =	ssettm $0x7FFFFFFF  }
0xc5: {  	_ =	shalt  }
tec
execute0_lowered:
.L_overlay_start_1:
0x0: {  	(tag) =	ssettag $0x1  }
0x1: {  	s0 =	rddreg [dreg:$0x0]  }
0x2: {  	s3 =	rddreg [dreg:$0x1]  }
0x3: {  	s1 =	rddreg [dreg:$0x2]  }
0x4: {  	s2 =	rddreg [dreg:$0x3]  }
0x5: {  	s4 =	simm.s32 $0x0;
	s14 =	srdreg.scid;
	s8 =	stileid.u32  }
0x6: {  	s28 =	simm.s32 $0x3;
	s29 =	simm.s32 $0x5;
	s30 =	simm.s32 $0x7D  }
0x7: {  	s31 =	simm.s32 $0xB000;
	s11 =	simm.s32 $0xF;
	s13 =	simm.s32 $0x0  }
0x8: {  	[smem:$0x7FF] =	sst s4;
	s5 =	sadd.s32 $0x2B400, s0;
	s6 =	smul.u32 $0x5000, s8  }
0x9: {  	s4 =	sand.u32 $0x1, s14;
	s0 =	sadd.s32 $0x53400, s0;
	s8 =	smul.u32 $0x14000, s8  }
0xa: {  	s14 =	simm.s32 $0xEE80;
	_ =	strace $0x8000004A;
	s7 =	ssub.s32 $0x2, s4  }
0xb: {  	s4 =	sshll.u32 s4, $0x5;
	s9 =	sshrl.u32 s7, $0x1;
	s10 =	sshrl.u32 s6, $0x3  }
0xc: {  	s16 =	sor.u32 s4, s8;
	s18 =	sshrl.u32 s8, $0x2;
	s19 =	sadd.s32 s6, s1  }
0xd: {  	s6 =	sadd.s32 s6, s2;
	s8 =	simm.s32 $0xA;
	s7 =	ssub.s32 s7, s9  }
0xe: {  	s15 =	sadd.s32 s3, s10;
	s3 =	sshrl.u32 s16, $0x3;
	[dreg:$0x7] =	wrdreg s19  }
0xf: {  	s4 =	sadd.s32 s18, s2;
	[dreg:$0x9] =	wrdreg s6;
	s19 =	simm.s32 $0x7  }
0x10: {  	s18 =	simm.s32 $0xBFA0;
	[dreg:$0x5] =	wrdreg s15;
	s17 =	sadd.s32 $0xA000, s15  }
0x11: {  	s16 =	simm.s32 $0xFE20;
	s20 =	sadd.s32 s5, s3;
	[dreg:$0x6] =	wrdreg s17  }
0x12: {  	s6 =	simm.s32 $0x11D60;
	s21 =	sadd.s32 $0x1000, s4;
	[dreg:$0x8] =	wrdreg s20  }
0x13: {  	s10 =	simm.s32 $0xE;
	s22 =	sadd.s32 $0x2000, s4;
	[dreg:$0xa] =	wrdreg s21  }
0x14: {  	s23 =	sadd.s32 $0x3000, s4;
	s4 =	sadd.s32 $0x4000, s4;
	[dreg:$0xb] =	wrdreg s22  }
0x15: {  	s24 =	sor.u32 $0x8, s3;
	s3 =	sadd.s32 s0, s3;
	[dreg:$0xc] =	wrdreg s23  }
0x16: {  	s26 =	smax.u32 s7, $0x1;
	s7 =	simm.s32 $0xDEE0;
	[dreg:$0xd] =	wrdreg s4  }
0x17: {  	s15 =	simm.s32 $0xB;
	[dreg:$0xe] =	wrdreg s3;
	s25 =	sadd.s32 s5, s24  }
0x18: {  	s0 =	sadd.s32 s0, s24;
	[dreg:$0x11] =	wrdreg s26;
	s20 =	simm.s32 $0x8  }
0x19: {  	s21 =	simm.s32 $0x1;
	s22 =	simm.s32 $0x4;
	s23 =	simm.s32 $0x10  }
0x1a: {  	s26 =	simm.s32 $0x2;
	s4 =	simm.s32 $0xCF40;
	s5 =	simm.s32 $0x9  }
0x1b: {  	s17 =	simm.s32 $0xC;
	s3 =	simm.s32 $0xD;
	[dreg:$0xf] =	wrdreg s25  }
0x1c: {  	v0 =	vimm.f32 $0.0e+00;
	[dreg:$0x10] =	wrdreg s0;
	s25 =	simm.s32 $0x6;
	s0 =	simm.s32 $0x10DC0  }
.LBB2_1:
0x1d: {  	[dreg:$0x14] =	wrdreg s13  }
0x1e: {  	s9 =	simm.s32 $0x0;
	s12 =	rddreg [dreg:$0x5]  }
0x1f: {  	[tilespmem:s9], [sflag:$0x7] =	stream.linear.gather [hbm4b:s12+s9], $0x5000, $0x38;
	[tilespmem:$0x1CD00] =	vst v63  }
0x20: {  	s13 =	rddreg [dreg:$0x6];
	s24 =	simm.s32 $0x5000  }
0x21: {  	[tilespmem:s24], [sflag:$0x8] =	stream.linear.gather [hbm4b:s13+s9], $0x5000, $0x38;
	[tilespmem:$0x1CD00] =	vst v63  }
0x22: {  	s12 =	simm.s32 $0x0;
	s9 =	simm.s32 $0x80  }
.LBB2_2:
0x23: {  	p0 =	sne.s32 s9, $0x3F80;
	[tilespmem:s12+$0xA000] =	vst v0;
	s24 =	smov.u32 s9;
	s9 =	sadd.s32 $0x80, s9  }
.Ltmp0:
0x24: {  	[tilespmem:s12+$0xA010] =	vst v0;
	(pc) =	sbr.rel @p0 .LBB2_2-.Ltmp0, $2  }
0x25: {  	_ =	sdelay $0x2  }
0x26: {  	s12 =	sshra.s32 s24, $0x2  }
0x27: {  	[tilespmem:s12+$0xA000] =	vst v0  }
0x28: {  	[tilespmem:s12+$0xA010] =	vst v0  }
0x29: {  	_ =	swait.ge [sflag:s19], $0x5000  }
0x2a: {  	s9 =	stileid.u32;
	[sflag:s19] =	ssyncset.done $0x0  }
0x2b: {  	s9 =	sshll.u32 s9, $0x6;
	[sflag:s19] =	ssyncadd.s32 $0xFFFFB000  }
0x2c: {  	s12 =	sor.u32 $0x1C06, s9;
	_ =	swait.ge [sflag:s20], $0x5000;
	[dreg:$0x17] =	wrdreg s9  }
0x2d: {  	[dreg:$0x12] =	wrdreg s12  }
0x2e: {  	s13 =	rddreg [dreg:$0x7]  }
0x2f: {  	[sflag:s20] =	ssyncset.done $0x0;
	s24 =	rddreg [dreg:$0x8];
	s13 =	sshrl.u32 s13, $0x3  }
0x30: {  	[sflag:s20] =	ssyncadd.s32 $0xFFFFB000;
	[dreg:$0x13] =	wrdreg s13  }
0x31: {  	[spmem:s13@s22], [sflag:s12] =	dma.strided [hbm:s24@s23], $0xA00, s21, $0x4   }
0x32: {  	s12 =	simm.s32 $0xA000;
	s9 =	rddreg [dreg:$0x9]  }
0x33: {  	[spmem:s9] =	stream.linear.scatter [tilespmem:s12], [sflag:$0x1], $0x1000, $0x38;
	[tilespmem:$0x1CD00] =	vst v63  }
0x34: {  	s13 =	rddreg [dreg:$0xa]  }
0x35: {  	[spmem:s13] =	stream.linear.scatter [tilespmem:s12], [sflag:$0x2], $0x1000, $0x38;
	[tilespmem:$0x1CD00] =	vst v63  }
0x36: {  	s24 =	rddreg [dreg:$0xb]  }
0x37: {  	[spmem:s24] =	stream.linear.scatter [tilespmem:s12], [sflag:$0x3], $0x1000, $0x38;
	[tilespmem:$0x1CD00] =	vst v63  }
0x38: {  	s13 =	rddreg [dreg:$0xc]  }
0x39: {  	[spmem:s13] =	stream.linear.scatter [tilespmem:s12], [sflag:$0x4], $0x1000, $0x38;
	[tilespmem:$0x1CD00] =	vst v63  }
0x3a: {  	s24 =	rddreg [dreg:$0xd]  }
0x3b: {  	[spmem:s24] =	stream.linear.scatter [tilespmem:s12], [sflag:$0x5], $0x1000, $0x38;
	[tilespmem:$0x1CD00] =	vst v63  }
0x3c: {  	_ =	swait.ge [sflag:s25], $0xA00  }
0x3d: {  	[sflag:s25] =	ssyncset.done $0x0  }
0x3e: {  	[sflag:s25] =	ssyncadd.s32 $0xFFFFF600  }
0x3f: {  	_ =	swait.ge [sflag:s21], $0x1000  }
0x40: {  	[sflag:s21] =	ssyncset.done $0x0  }
0x41: {  	[sflag:s21] =	ssyncadd.s32 $0xFFFFF000  }
0x42: {  	_ =	swait.ge [sflag:s26], $0x1000  }
0x43: {  	[sflag:s26] =	ssyncset.done $0x0  }
0x44: {  	[sflag:s26] =	ssyncadd.s32 $0xFFFFF000  }
0x45: {  	_ =	swait.ge [sflag:s28], $0x1000  }
0x46: {  	[sflag:s28] =	ssyncset.done $0x0  }
0x47: {  	[sflag:s28] =	ssyncadd.s32 $0xFFFFF000  }
0x48: {  	_ =	swait.ge [sflag:s22], $0x1000  }
0x49: {  	[sflag:s22] =	ssyncset.done $0x0  }
0x4a: {  	[sflag:s22] =	ssyncadd.s32 $0xFFFFF000  }
0x4b: {  	_ =	swait.ge [sflag:s29], $0x1000  }
0x4c: {  	[sflag:s29] =	ssyncset.done $0x0  }
0x4d: {  	[sflag:s29] =	ssyncadd.s32 $0xFFFFF000  }
0x4e: {  	s13 =	simm.s32 $0x0;
	[bflag:$0x0] =	sbarrier.arrive $0xFFFF  }
0x4f: {  	[tilespmem:s31], [sflag:$0x1] =	stream.indirect.gather [spmem:s1], $0x20, s13, s30, $0xb8;
	[tilespmem:$0x1CD00] =	vst v63  }
0x50: {  	s24 =	simm.s32 $0x80  }
0x51: {  	[tilespmem:s18], [sflag:$0x2] =	stream.indirect.gather [spmem:s1], $0x20, s24, s30, $0xb8;
	[tilespmem:$0x1CD00] =	vst v63  }
0x52: {  	s12 =	simm.s32 $0x100  }
0x53: {  	[tilespmem:s4], [sflag:$0x3] =	stream.indirect.gather [spmem:s1], $0x20, s12, s30, $0xb8;
	[tilespmem:$0x1CD00] =	vst v63  }
0x54: {  	s13 =	simm.s32 $0x180  }
0x55: {  	[tilespmem:s7], [sflag:$0x4] =	stream.indirect.gather [spmem:s1], $0x20, s13, s30, $0xb8;
	[tilespmem:$0x1CD00] =	vst v63  }
0x56: {  	s24 =	simm.s32 $0x200  }
0x57: {  	[tilespmem:s14], [sflag:$0x5] =	stream.indirect.gather [spmem:s1], $0x20, s24, s30, $0xb8;
	[tilespmem:$0x1CD00] =	vst v63  }
0x58: {  	s12 =	simm.s32 $0x280  }
0x59: {  	[tilespmem:s16], [sflag:$0x6] =	stream.indirect.gather [spmem:s1], $0x20, s12, s30, $0xb8;
	[tilespmem:$0x1CD00] =	vst v63  }
0x5a: {  	s13 =	simm.s32 $0x300  }
0x5b: {  	[tilespmem:s0], [sflag:$0x7] =	stream.indirect.gather [spmem:s1], $0x20, s13, s30, $0xb8;
	[tilespmem:$0x1CD00] =	vst v63  }
0x5c: {  	s24 =	simm.s32 $0x380  }
0x5d: {  	[tilespmem:s6], [sflag:$0x8] =	stream.indirect.gather [spmem:s1], $0x20, s24, s30, $0xb8;
	[tilespmem:$0x1CD00] =	vst v63  }
0x5e: {  	_ =	swait.ge [sflag:s21], $0xFA0  }
0x5f: {  	[sflag:s21] =	ssyncset.done $0x0  }
0x60: {  	[sflag:s21] =	ssyncadd.s32 $0xFFFFF060  }
0x61: {  	_ =	swait.ge [sflag:s26], $0xFA0  }
0x62: {  	[sflag:s26] =	ssyncset.done $0x0  }
0x63: {  	[sflag:s26] =	ssyncadd.s32 $0xFFFFF060  }
0x64: {  	_ =	swait.ge [sflag:s28], $0xFA0  }
0x65: {  	[sflag:s28] =	ssyncset.done $0x0  }
0x66: {  	[sflag:s28] =	ssyncadd.s32 $0xFFFFF060  }
0x67: {  	_ =	swait.ge [sflag:s22], $0xFA0  }
0x68: {  	[sflag:s22] =	ssyncset.done $0x0  }
0x69: {  	s9 =	simm.s32 $0x5000;
	[sflag:s22] =	ssyncadd.s32 $0xFFFFF060  }
0x6a: {  	[spmem:s2] =	stream.indirect.scatter.add.f32 [tilespmem:s31], [sflag:$0x9], $0x20, s9, s30, $0xb8;
	[tilespmem:$0x1CD00] =	vst v63  }
0x6b: {  	s13 =	simm.s32 $0x5080  }
0x6c: {  	[spmem:s2] =	stream.indirect.scatter.add.f32 [tilespmem:s18], [sflag:$0xA], $0x20, s13, s30, $0xb8;
	[tilespmem:$0x1CD00] =	vst v63  }
0x6d: {  	s24 =	simm.s32 $0x5100  }
0x6e: {  	[spmem:s2] =	stream.indirect.scatter.add.f32 [tilespmem:s4], [sflag:$0xB], $0x20, s24, s30, $0xb8;
	[tilespmem:$0x1CD00] =	vst v63  }
0x6f: {  	s9 =	simm.s32 $0x5180  }
0x70: {  	[spmem:s2] =	stream.indirect.scatter.add.f32 [tilespmem:s7], [sflag:$0xC], $0x20, s9, s30, $0xb8;
	[tilespmem:$0x1CD00] =	vst v63  }
0x71: {  	_ =	swait.ge [sflag:s5], $0xFA0  }
0x72: {  	[sflag:s5] =	ssyncset.done $0x0  }
0x73: {  	[sflag:s5] =	ssyncadd.s32 $0xFFFFF060  }
0x74: {  	_ =	swait.ge [sflag:s8], $0xFA0  }
0x75: {  	[sflag:s8] =	ssyncset.done $0x0  }
0x76: {  	[sflag:s8] =	ssyncadd.s32 $0xFFFFF060  }
0x77: {  	_ =	swait.ge [sflag:s15], $0xFA0  }
0x78: {  	[sflag:s15] =	ssyncset.done $0x0  }
0x79: {  	[sflag:s15] =	ssyncadd.s32 $0xFFFFF060  }
0x7a: {  	_ =	swait.ge [sflag:s17], $0xFA0  }
0x7b: {  	[sflag:s17] =	ssyncset.done $0x0  }
0x7c: {  	s13 =	simm.s32 $0x400;
	[sflag:s17] =	ssyncadd.s32 $0xFFFFF060  }
0x7d: {  	[tilespmem:s31], [sflag:$0x1] =	stream.indirect.gather [spmem:s1], $0x20, s13, s30, $0xb8;
	[tilespmem:$0x1CD00] =	vst v63  }
0x7e: {  	s24 =	simm.s32 $0x480  }
0x7f: {  	[tilespmem:s18], [sflag:$0x2] =	stream.indirect.gather [spmem:s1], $0x20, s24, s30, $0xb8;
	[tilespmem:$0x1CD00] =	vst v63  }
0x80: {  	s9 =	simm.s32 $0x500  }
0x81: {  	[tilespmem:s4], [sflag:$0x3] =	stream.indirect.gather [spmem:s1], $0x20, s9, s30, $0xb8;
	[tilespmem:$0x1CD00] =	vst v63  }
0x82: {  	s13 =	simm.s32 $0x580  }
0x83: {  	[tilespmem:s7], [sflag:$0x4] =	stream.indirect.gather [spmem:s1], $0x20, s13, s30, $0xb8;
	[tilespmem:$0x1CD00] =	vst v63  }
0x84: {  	_ =	swait.ge [sflag:s29], $0xFA0  }
0x85: {  	[sflag:s29] =	ssyncset.done $0x0  }
0x86: {  	[sflag:s29] =	ssyncadd.s32 $0xFFFFF060  }
0x87: {  	_ =	swait.ge [sflag:s25], $0xFA0  }
0x88: {  	[sflag:s25] =	ssyncset.done $0x0  }
0x89: {  	[sflag:s25] =	ssyncadd.s32 $0xFFFFF060  }
0x8a: {  	_ =	swait.ge [sflag:s19], $0xFA0  }
0x8b: {  	[sflag:s19] =	ssyncset.done $0x0  }
0x8c: {  	[sflag:s19] =	ssyncadd.s32 $0xFFFFF060  }
0x8d: {  	_ =	swait.ge [sflag:s20], $0xFA0  }
0x8e: {  	[sflag:s20] =	ssyncset.done $0x0  }
0x8f: {  	s24 =	simm.s32 $0x5200;
	[sflag:s20] =	ssyncadd.s32 $0xFFFFF060  }
0x90: {  	[spmem:s2] =	stream.indirect.scatter.add.f32 [tilespmem:s14], [sflag:$0xD], $0x20, s24, s30, $0xb8;
	[tilespmem:$0x1CD00] =	vst v63  }
0x91: {  	s9 =	simm.s32 $0x5280  }
0x92: {  	[spmem:s2] =	stream.indirect.scatter.add.f32 [tilespmem:s16], [sflag:$0xE], $0x20, s9, s30, $0xb8;
	[tilespmem:$0x1CD00] =	vst v63  }
0x93: {  	s13 =	simm.s32 $0x5300  }
0x94: {  	[spmem:s2] =	stream.indirect.scatter.add.f32 [tilespmem:s0], [sflag:$0xF], $0x20, s13, s30, $0xb8;
	[tilespmem:$0x1CD00] =	vst v63  }
0x95: {  	s24 =	simm.s32 $0x5380  }
0x96: {  	[spmem:s2] =	stream.indirect.scatter.add.f32 [tilespmem:s6], [sflag:$0x10], $0x20, s24, s30, $0xb8;
	[tilespmem:$0x1CD00] =	vst v63  }
0x97: {  	_ =	swait.ge [sflag:s3], $0xFA0  }
0x98: {  	[sflag:s3] =	ssyncset.done $0x0  }
0x99: {  	[sflag:s3] =	ssyncadd.s32 $0xFFFFF060  }
0x9a: {  	_ =	swait.ge [sflag:s10], $0xFA0  }
0x9b: {  	[sflag:s10] =	ssyncset.done $0x0  }
0x9c: {  	[sflag:s10] =	ssyncadd.s32 $0xFFFFF060  }
0x9d: {  	_ =	swait.ge [sflag:s11], $0xFA0  }
0x9e: {  	[sflag:s11] =	ssyncset.done $0x0  }
0x9f: {  	[sflag:s11] =	ssyncadd.s32 $0xFFFFF060  }
0xa0: {  	_ =	swait.ge [sflag:s23], $0xFA0  }
0xa1: {  	[sflag:s23] =	ssyncset.done $0x0  }
0xa2: {  	s9 =	simm.s32 $0x600;
	[sflag:s23] =	ssyncadd.s32 $0xFFFFF060  }
0xa3: {  	[tilespmem:s14], [sflag:$0x5] =	stream.indirect.gather [spmem:s1], $0x20, s9, s30, $0xb8;
	[tilespmem:$0x1CD00] =	vst v63  }
0xa4: {  	s13 =	simm.s32 $0x680  }
0xa5: {  	[tilespmem:s16], [sflag:$0x6] =	stream.indirect.gather [spmem:s1], $0x20, s13, s30, $0xb8;
	[tilespmem:$0x1CD00] =	vst v63  }
0xa6: {  	s24 =	simm.s32 $0x700  }
0xa7: {  	[tilespmem:s0], [sflag:$0x7] =	stream.indirect.gather [spmem:s1], $0x20, s24, s30, $0xb8;
	[tilespmem:$0x1CD00] =	vst v63  }
0xa8: {  	s12 =	simm.s32 $0x780;
	s24 =	simm.s32 $0x1000  }
.LBB2_4:
0xa9: {  	[tilespmem:s6], [sflag:$0x8] =	stream.indirect.gather [spmem:s1], $0x20, s12, s30, $0xb8;
	[tilespmem:$0x1CD00] =	vst v63  }
0xaa: {  	s12 =	smov.u32 s24  }
0xab: {  	p0 =	sne.s32 s24, $0x12000;
	s24 =	sadd.s32 $0x1000, s24;
	_ =	swait.ge [sflag:s21], $0xFA0  }
0xac: {  	[sflag:s21] =	ssyncset.done $0x0  }
0xad: {  	[sflag:s21] =	ssyncadd.s32 $0xFFFFF060  }
0xae: {  	_ =	swait.ge [sflag:s26], $0xFA0  }
0xaf: {  	[sflag:s26] =	ssyncset.done $0x0  }
0xb0: {  	[sflag:s26] =	ssyncadd.s32 $0xFFFFF060  }
0xb1: {  	_ =	swait.ge [sflag:s28], $0xFA0  }
0xb2: {  	[sflag:s28] =	ssyncset.done $0x0  }
0xb3: {  	[sflag:s28] =	ssyncadd.s32 $0xFFFFF060  }
0xb4: {  	_ =	swait.ge [sflag:s22], $0xFA0  }
0xb5: {  	s12 =	sshra.s32 s12, $0x2;
	[sflag:s22] =	ssyncset.done $0x0  }
0xb6: {  	s9 =	sadd.s32 $0x5000, s12;
	[sflag:s22] =	ssyncadd.s32 $0xFFFFF060  }
0xb7: {  	[spmem:s2] =	stream.indirect.scatter.add.f32 [tilespmem:s31], [sflag:$0x9], $0x20, s9, s30, $0xb8;
	[tilespmem:$0x1CD00] =	vst v63  }
0xb8: {  	s9 =	sadd.s32 $0x5080, s12  }
0xb9: {  	[spmem:s2] =	stream.indirect.scatter.add.f32 [tilespmem:s18], [sflag:$0xA], $0x20, s9, s30, $0xb8;
	[tilespmem:$0x1CD00] =	vst v63  }
0xba: {  	s9 =	sadd.s32 $0x5100, s12  }
0xbb: {  	[spmem:s2] =	stream.indirect.scatter.add.f32 [tilespmem:s4], [sflag:$0xB], $0x20, s9, s30, $0xb8;
	[tilespmem:$0x1CD00] =	vst v63  }
0xbc: {  	s9 =	sadd.s32 $0x5180, s12  }
0xbd: {  	[spmem:s2] =	stream.indirect.scatter.add.f32 [tilespmem:s7], [sflag:$0xC], $0x20, s9, s30, $0xb8;
	[tilespmem:$0x1CD00] =	vst v63  }
0xbe: {  	_ =	swait.ge [sflag:s5], $0xFA0  }
0xbf: {  	[sflag:s5] =	ssyncset.done $0x0  }
0xc0: {  	[sflag:s5] =	ssyncadd.s32 $0xFFFFF060  }
0xc1: {  	_ =	swait.ge [sflag:s8], $0xFA0  }
0xc2: {  	[sflag:s8] =	ssyncset.done $0x0  }
0xc3: {  	[sflag:s8] =	ssyncadd.s32 $0xFFFFF060  }
0xc4: {  	_ =	swait.ge [sflag:s15], $0xFA0  }
0xc5: {  	[sflag:s15] =	ssyncset.done $0x0  }
0xc6: {  	[sflag:s15] =	ssyncadd.s32 $0xFFFFF060  }
0xc7: {  	_ =	swait.ge [sflag:s17], $0xFA0  }
0xc8: {  	[sflag:s17] =	ssyncset.done $0x0  }
0xc9: {  	s9 =	sadd.s32 $0x400, s12;
	[sflag:s17] =	ssyncadd.s32 $0xFFFFF060  }
0xca: {  	[tilespmem:s31], [sflag:$0x1] =	stream.indirect.gather [spmem:s1], $0x20, s9, s30, $0xb8;
	[tilespmem:$0x1CD00] =	vst v63  }
0xcb: {  	s9 =	sadd.s32 $0x480, s12  }
0xcc: {  	[tilespmem:s18], [sflag:$0x2] =	stream.indirect.gather [spmem:s1], $0x20, s9, s30, $0xb8;
	[tilespmem:$0x1CD00] =	vst v63  }
0xcd: {  	s9 =	sadd.s32 $0x500, s12  }
0xce: {  	[tilespmem:s4], [sflag:$0x3] =	stream.indirect.gather [spmem:s1], $0x20, s9, s30, $0xb8;
	[tilespmem:$0x1CD00] =	vst v63  }
0xcf: {  	s9 =	sadd.s32 $0x580, s12  }
0xd0: {  	[tilespmem:s7], [sflag:$0x4] =	stream.indirect.gather [spmem:s1], $0x20, s9, s30, $0xb8;
	[tilespmem:$0x1CD00] =	vst v63  }
0xd1: {  	_ =	swait.ge [sflag:s29], $0xFA0  }
0xd2: {  	[sflag:s29] =	ssyncset.done $0x0  }
0xd3: {  	[sflag:s29] =	ssyncadd.s32 $0xFFFFF060  }
0xd4: {  	_ =	swait.ge [sflag:s25], $0xFA0  }
0xd5: {  	[sflag:s25] =	ssyncset.done $0x0  }
0xd6: {  	[sflag:s25] =	ssyncadd.s32 $0xFFFFF060  }
0xd7: {  	_ =	swait.ge [sflag:s19], $0xFA0  }
0xd8: {  	[sflag:s19] =	ssyncset.done $0x0  }
0xd9: {  	[sflag:s19] =	ssyncadd.s32 $0xFFFFF060  }
0xda: {  	_ =	swait.ge [sflag:s20], $0xFA0  }
0xdb: {  	[sflag:s20] =	ssyncset.done $0x0  }
0xdc: {  	s9 =	sadd.s32 $0x5200, s12;
	[sflag:s20] =	ssyncadd.s32 $0xFFFFF060  }
0xdd: {  	[spmem:s2] =	stream.indirect.scatter.add.f32 [tilespmem:s14], [sflag:$0xD], $0x20, s9, s30, $0xb8;
	[tilespmem:$0x1CD00] =	vst v63  }
0xde: {  	s9 =	sadd.s32 $0x5280, s12  }
0xdf: {  	[spmem:s2] =	stream.indirect.scatter.add.f32 [tilespmem:s16], [sflag:$0xE], $0x20, s9, s30, $0xb8;
	[tilespmem:$0x1CD00] =	vst v63  }
0xe0: {  	s9 =	sadd.s32 $0x5300, s12  }
0xe1: {  	[spmem:s2] =	stream.indirect.scatter.add.f32 [tilespmem:s0], [sflag:$0xF], $0x20, s9, s30, $0xb8;
	[tilespmem:$0x1CD00] =	vst v63  }
0xe2: {  	s9 =	sadd.s32 $0x5380, s12  }
0xe3: {  	[spmem:s2] =	stream.indirect.scatter.add.f32 [tilespmem:s6], [sflag:$0x10], $0x20, s9, s30, $0xb8;
	[tilespmem:$0x1CD00] =	vst v63  }
0xe4: {  	_ =	swait.ge [sflag:s3], $0xFA0  }
0xe5: {  	[sflag:s3] =	ssyncset.done $0x0  }
0xe6: {  	[sflag:s3] =	ssyncadd.s32 $0xFFFFF060  }
0xe7: {  	_ =	swait.ge [sflag:s10], $0xFA0  }
0xe8: {  	[sflag:s10] =	ssyncset.done $0x0  }
0xe9: {  	[sflag:s10] =	ssyncadd.s32 $0xFFFFF060  }
0xea: {  	_ =	swait.ge [sflag:s11], $0xFA0  }
0xeb: {  	[sflag:s11] =	ssyncset.done $0x0  }
0xec: {  	[sflag:s11] =	ssyncadd.s32 $0xFFFFF060  }
0xed: {  	_ =	swait.ge [sflag:s23], $0xFA0  }
0xee: {  	[sflag:s23] =	ssyncset.done $0x0  }
0xef: {  	s9 =	sadd.s32 $0x600, s12;
	[sflag:s23] =	ssyncadd.s32 $0xFFFFF060  }
0xf0: {  	[tilespmem:s14], [sflag:$0x5] =	stream.indirect.gather [spmem:s1], $0x20, s9, s30, $0xb8;
	[tilespmem:$0x1CD00] =	vst v63  }
.Ltmp1:
0xf1: {  	s9 =	sadd.s32 $0x680, s12;
	(pc) =	sbr.rel @p0 .LBB2_4-.Ltmp1, $4  }
0xf2: {  	[tilespmem:s16], [sflag:$0x6] =	stream.indirect.gather [spmem:s1], $0x20, s9, s30, $0xb8;
	[tilespmem:$0x1CD00] =	vst v63  }
0xf3: {  	s9 =	sadd.s32 $0x700, s12  }
0xf4: {  	[tilespmem:s0], [sflag:$0x7] =	stream.indirect.gather [spmem:s1], $0x20, s9, s30, $0xb8;
	[tilespmem:$0x1CD00] =	vst v63  }
0xf5: {  	s12 =	sadd.s32 $0x780, s12  }
0xf6: {  	[tilespmem:s6], [sflag:$0x8] =	stream.indirect.gather [spmem:s1], $0x20, s12, s30, $0xb8;
	[tilespmem:$0x1CD00] =	vst v63  }
0xf7: {  	_ =	swait.ge [sflag:s21], $0xFA0  }
0xf8: {  	[sflag:s21] =	ssyncset.done $0x0  }
0xf9: {  	[sflag:s21] =	ssyncadd.s32 $0xFFFFF060  }
0xfa: {  	_ =	swait.ge [sflag:s26], $0xFA0  }
0xfb: {  	[sflag:s26] =	ssyncset.done $0x0  }
0xfc: {  	[sflag:s26] =	ssyncadd.s32 $0xFFFFF060  }
0xfd: {  	_ =	swait.ge [sflag:s28], $0xFA0  }
0xfe: {  	[sflag:s28] =	ssyncset.done $0x0  }
0xff: {  	[sflag:s28] =	ssyncadd.s32 $0xFFFFF060  }
0x100: {  	_ =	swait.ge [sflag:s22], $0xFA0  }
0x101: {  	[sflag:s22] =	ssyncset.done $0x0  }
0x102: {  	s9 =	simm.s32 $0x9C00;
	[sflag:s22] =	ssyncadd.s32 $0xFFFFF060  }
0x103: {  	[spmem:s2] =	stream.indirect.scatter.add.f32 [tilespmem:s31], [sflag:$0x9], $0x20, s9, s30, $0xb8;
	[tilespmem:$0x1CD00] =	vst v63  }
0x104: {  	s12 =	simm.s32 $0x9C80  }
0x105: {  	[spmem:s2] =	stream.indirect.scatter.add.f32 [tilespmem:s18], [sflag:$0xA], $0x20, s12, s30, $0xb8;
	[tilespmem:$0x1CD00] =	vst v63  }
0x106: {  	s13 =	simm.s32 $0x9D00  }
0x107: {  	[spmem:s2] =	stream.indirect.scatter.add.f32 [tilespmem:s4], [sflag:$0xB], $0x20, s13, s30, $0xb8;
	[tilespmem:$0x1CD00] =	vst v63  }
0x108: {  	s24 =	simm.s32 $0x9D80  }
0x109: {  	[spmem:s2] =	stream.indirect.scatter.add.f32 [tilespmem:s7], [sflag:$0xC], $0x20, s24, s30, $0xb8;
	[tilespmem:$0x1CD00] =	vst v63  }
0x10a: {  	_ =	swait.ge [sflag:s5], $0xFA0  }
0x10b: {  	[sflag:s5] =	ssyncset.done $0x0  }
0x10c: {  	[sflag:s5] =	ssyncadd.s32 $0xFFFFF060  }
0x10d: {  	_ =	swait.ge [sflag:s8], $0xFA0  }
0x10e: {  	[sflag:s8] =	ssyncset.done $0x0  }
0x10f: {  	[sflag:s8] =	ssyncadd.s32 $0xFFFFF060  }
0x110: {  	_ =	swait.ge [sflag:s15], $0xFA0  }
0x111: {  	[sflag:s15] =	ssyncset.done $0x0  }
0x112: {  	[sflag:s15] =	ssyncadd.s32 $0xFFFFF060  }
0x113: {  	_ =	swait.ge [sflag:s17], $0xFA0  }
0x114: {  	[sflag:s17] =	ssyncset.done $0x0  }
0x115: {  	[sflag:s17] =	ssyncadd.s32 $0xFFFFF060  }
0x116: {  	_ =	swait.ge [sflag:s29], $0xFA0  }
0x117: {  	[sflag:s29] =	ssyncset.done $0x0  }
0x118: {  	[sflag:s29] =	ssyncadd.s32 $0xFFFFF060  }
0x119: {  	_ =	swait.ge [sflag:s25], $0xFA0  }
0x11a: {  	[sflag:s25] =	ssyncset.done $0x0  }
0x11b: {  	[sflag:s25] =	ssyncadd.s32 $0xFFFFF060  }
0x11c: {  	_ =	swait.ge [sflag:s19], $0xFA0  }
0x11d: {  	[sflag:s19] =	ssyncset.done $0x0  }
0x11e: {  	[sflag:s19] =	ssyncadd.s32 $0xFFFFF060  }
0x11f: {  	_ =	swait.ge [sflag:s20], $0xFA0  }
0x120: {  	[sflag:s20] =	ssyncset.done $0x0  }
0x121: {  	s12 =	simm.s32 $0x9E00;
	[sflag:s20] =	ssyncadd.s32 $0xFFFFF060  }
0x122: {  	[spmem:s2] =	stream.indirect.scatter.add.f32 [tilespmem:s14], [sflag:$0xD], $0x20, s12, s30, $0xb8;
	[tilespmem:$0x1CD00] =	vst v63  }
0x123: {  	s13 =	simm.s32 $0x9E80  }
0x124: {  	[spmem:s2] =	stream.indirect.scatter.add.f32 [tilespmem:s16], [sflag:$0xE], $0x20, s13, s30, $0xb8;
	[tilespmem:$0x1CD00] =	vst v63  }
0x125: {  	s24 =	simm.s32 $0x9F00  }
0x126: {  	[spmem:s2] =	stream.indirect.scatter.add.f32 [tilespmem:s0], [sflag:$0xF], $0x20, s24, s30, $0xb8;
	[tilespmem:$0x1CD00] =	vst v63  }
0x127: {  	s12 =	simm.s32 $0x9F80  }
0x128: {  	[spmem:s2] =	stream.indirect.scatter.add.f32 [tilespmem:s6], [sflag:$0x10], $0x20, s12, s30, $0xb8;
	[tilespmem:$0x1CD00] =	vst v63  }
0x129: {  	_ =	swait.ge [sflag:s3], $0xFA0  }
0x12a: {  	[sflag:s3] =	ssyncset.done $0x0  }
0x12b: {  	[sflag:s3] =	ssyncadd.s32 $0xFFFFF060  }
0x12c: {  	_ =	swait.ge [sflag:s10], $0xFA0  }
0x12d: {  	[sflag:s10] =	ssyncset.done $0x0  }
0x12e: {  	[sflag:s10] =	ssyncadd.s32 $0xFFFFF060  }
0x12f: {  	_ =	swait.ge [sflag:s11], $0xFA0  }
0x130: {  	[sflag:s11] =	ssyncset.done $0x0  }
0x131: {  	[sflag:s11] =	ssyncadd.s32 $0xFFFFF060  }
0x132: {  	_ =	swait.ge [sflag:s23], $0xFA0  }
0x133: {  	[sflag:s23] =	ssyncset.done $0x0  }
0x134: {  	[sflag:s23] =	ssyncadd.s32 $0xFFFFF060  }
0x135: {  	[bflag:$0x0] =	sbarrier.arrive $0xFFFF  }
0x136: {  	s13 =	rddreg [dreg:$0x17]  }
0x137: {  	s9 =	rddreg [dreg:$0x9]  }
0x138: {  	s12 =	rddreg [dreg:$0xe];
	s13 =	sor.u32 $0x1C11, s13  }
0x139: {  	s24 =	sshrl.u32 s9, $0x3;
	[dreg:$0x15] =	wrdreg s13  }
0x13a: {  	[dreg:$0x16] =	wrdreg s24  }
0x13b: {  	[hbm:s12@s23], [sflag:s13] =	dma.strided [spmem:s24@s22], $0xA00, s21, $0x4   }
0x13c: {  	s24 =	simm.s32 $0x11  }
0x13d: {  	_ =	swait.ge [sflag:s24], $0xA00  }
0x13e: {  	s12 =	rddreg [dreg:$0xf]  }
0x13f: {  	[sflag:s24] =	ssyncset.done $0x0;
	s13 =	rddreg [dreg:$0x13]  }
0x140: {  	[sflag:s24] =	ssyncadd.s32 $0xFFFFF600;
	s24 =	rddreg [dreg:$0x12]  }
0x141: {  	[spmem:s13@s22], [sflag:s24] =	dma.strided [hbm:s12@s23], $0xA00, s21, $0x4   }
0x142: {  	s12 =	simm.s32 $0xA000  }
0x143: {  	[spmem:s9] =	stream.linear.scatter [tilespmem:s12], [sflag:$0x1], $0x1000, $0x38;
	[tilespmem:$0x1CD00] =	vst v63  }
0x144: {  	s13 =	rddreg [dreg:$0xa]  }
0x145: {  	[spmem:s13] =	stream.linear.scatter [tilespmem:s12], [sflag:$0x2], $0x1000, $0x38;
	[tilespmem:$0x1CD00] =	vst v63  }
0x146: {  	s24 =	rddreg [dreg:$0xb]  }
0x147: {  	[spmem:s24] =	stream.linear.scatter [tilespmem:s12], [sflag:$0x3], $0x1000, $0x38;
	[tilespmem:$0x1CD00] =	vst v63  }
0x148: {  	s13 =	rddreg [dreg:$0xc]  }
0x149: {  	[spmem:s13] =	stream.linear.scatter [tilespmem:s12], [sflag:$0x4], $0x1000, $0x38;
	[tilespmem:$0x1CD00] =	vst v63  }
0x14a: {  	s24 =	rddreg [dreg:$0xd]  }
0x14b: {  	[spmem:s24] =	stream.linear.scatter [tilespmem:s12], [sflag:$0x5], $0x1000, $0x38;
	[tilespmem:$0x1CD00] =	vst v63  }
0x14c: {  	_ =	swait.ge [sflag:s25], $0xA00  }
0x14d: {  	[sflag:s25] =	ssyncset.done $0x0  }
0x14e: {  	[sflag:s25] =	ssyncadd.s32 $0xFFFFF600  }
0x14f: {  	_ =	swait.ge [sflag:s21], $0x1000  }
0x150: {  	[sflag:s21] =	ssyncset.done $0x0  }
0x151: {  	[sflag:s21] =	ssyncadd.s32 $0xFFFFF000  }
0x152: {  	_ =	swait.ge [sflag:s26], $0x1000  }
0x153: {  	[sflag:s26] =	ssyncset.done $0x0  }
0x154: {  	[sflag:s26] =	ssyncadd.s32 $0xFFFFF000  }
0x155: {  	_ =	swait.ge [sflag:s28], $0x1000  }
0x156: {  	[sflag:s28] =	ssyncset.done $0x0  }
0x157: {  	[sflag:s28] =	ssyncadd.s32 $0xFFFFF000  }
0x158: {  	_ =	swait.ge [sflag:s22], $0x1000  }
0x159: {  	[sflag:s22] =	ssyncset.done $0x0  }
0x15a: {  	[sflag:s22] =	ssyncadd.s32 $0xFFFFF000  }
0x15b: {  	_ =	swait.ge [sflag:s29], $0x1000  }
0x15c: {  	[sflag:s29] =	ssyncset.done $0x0  }
0x15d: {  	[sflag:s29] =	ssyncadd.s32 $0xFFFFF000  }
0x15e: {  	s13 =	simm.s32 $0x0;
	[bflag:$0x0] =	sbarrier.arrive $0xFFFF  }
0x15f: {  	[tilespmem:s31], [sflag:$0x1] =	stream.indirect.gather [spmem:s1], $0x20, s13, s30, $0xb8;
	[tilespmem:$0x1CD00] =	vst v63  }
0x160: {  	s24 =	simm.s32 $0x80  }
0x161: {  	[tilespmem:s18], [sflag:$0x2] =	stream.indirect.gather [spmem:s1], $0x20, s24, s30, $0xb8;
	[tilespmem:$0x1CD00] =	vst v63  }
0x162: {  	s12 =	simm.s32 $0x100  }
0x163: {  	[tilespmem:s4], [sflag:$0x3] =	stream.indirect.gather [spmem:s1], $0x20, s12, s30, $0xb8;
	[tilespmem:$0x1CD00] =	vst v63  }
0x164: {  	s13 =	simm.s32 $0x180  }
0x165: {  	[tilespmem:s7], [sflag:$0x4] =	stream.indirect.gather [spmem:s1], $0x20, s13, s30, $0xb8;
	[tilespmem:$0x1CD00] =	vst v63  }
0x166: {  	s24 =	simm.s32 $0x200  }
0x167: {  	[tilespmem:s14], [sflag:$0x5] =	stream.indirect.gather [spmem:s1], $0x20, s24, s30, $0xb8;
	[tilespmem:$0x1CD00] =	vst v63  }
0x168: {  	s12 =	simm.s32 $0x280  }
0x169: {  	[tilespmem:s16], [sflag:$0x6] =	stream.indirect.gather [spmem:s1], $0x20, s12, s30, $0xb8;
	[tilespmem:$0x1CD00] =	vst v63  }
0x16a: {  	s13 =	simm.s32 $0x300  }
0x16b: {  	[tilespmem:s0], [sflag:$0x7] =	stream.indirect.gather [spmem:s1], $0x20, s13, s30, $0xb8;
	[tilespmem:$0x1CD00] =	vst v63  }
0x16c: {  	s24 =	simm.s32 $0x380  }
0x16d: {  	[tilespmem:s6], [sflag:$0x8] =	stream.indirect.gather [spmem:s1], $0x20, s24, s30, $0xb8;
	[tilespmem:$0x1CD00] =	vst v63  }
0x16e: {  	_ =	swait.ge [sflag:s21], $0xFA0  }
0x16f: {  	[sflag:s21] =	ssyncset.done $0x0  }
0x170: {  	[sflag:s21] =	ssyncadd.s32 $0xFFFFF060  }
0x171: {  	_ =	swait.ge [sflag:s26], $0xFA0  }
0x172: {  	[sflag:s26] =	ssyncset.done $0x0  }
0x173: {  	[sflag:s26] =	ssyncadd.s32 $0xFFFFF060  }
0x174: {  	_ =	swait.ge [sflag:s28], $0xFA0  }
0x175: {  	[sflag:s28] =	ssyncset.done $0x0  }
0x176: {  	[sflag:s28] =	ssyncadd.s32 $0xFFFFF060  }
0x177: {  	_ =	swait.ge [sflag:s22], $0xFA0  }
0x178: {  	[sflag:s22] =	ssyncset.done $0x0  }
0x179: {  	s9 =	simm.s32 $0x5000;
	[sflag:s22] =	ssyncadd.s32 $0xFFFFF060  }
0x17a: {  	[spmem:s2] =	stream.indirect.scatter.add.f32 [tilespmem:s31], [sflag:$0x9], $0x20, s9, s30, $0xb8;
	[tilespmem:$0x1CD00] =	vst v63  }
0x17b: {  	s13 =	simm.s32 $0x5080  }
0x17c: {  	[spmem:s2] =	stream.indirect.scatter.add.f32 [tilespmem:s18], [sflag:$0xA], $0x20, s13, s30, $0xb8;
	[tilespmem:$0x1CD00] =	vst v63  }
0x17d: {  	s24 =	simm.s32 $0x5100  }
0x17e: {  	[spmem:s2] =	stream.indirect.scatter.add.f32 [tilespmem:s4], [sflag:$0xB], $0x20, s24, s30, $0xb8;
	[tilespmem:$0x1CD00] =	vst v63  }
0x17f: {  	s9 =	simm.s32 $0x5180  }
0x180: {  	[spmem:s2] =	stream.indirect.scatter.add.f32 [tilespmem:s7], [sflag:$0xC], $0x20, s9, s30, $0xb8;
	[tilespmem:$0x1CD00] =	vst v63  }
0x181: {  	_ =	swait.ge [sflag:s5], $0xFA0  }
0x182: {  	[sflag:s5] =	ssyncset.done $0x0  }
0x183: {  	[sflag:s5] =	ssyncadd.s32 $0xFFFFF060  }
0x184: {  	_ =	swait.ge [sflag:s8], $0xFA0  }
0x185: {  	[sflag:s8] =	ssyncset.done $0x0  }
0x186: {  	[sflag:s8] =	ssyncadd.s32 $0xFFFFF060  }
0x187: {  	_ =	swait.ge [sflag:s15], $0xFA0  }
0x188: {  	[sflag:s15] =	ssyncset.done $0x0  }
0x189: {  	[sflag:s15] =	ssyncadd.s32 $0xFFFFF060  }
0x18a: {  	_ =	swait.ge [sflag:s17], $0xFA0  }
0x18b: {  	[sflag:s17] =	ssyncset.done $0x0  }
0x18c: {  	s13 =	simm.s32 $0x400;
	[sflag:s17] =	ssyncadd.s32 $0xFFFFF060  }
0x18d: {  	[tilespmem:s31], [sflag:$0x1] =	stream.indirect.gather [spmem:s1], $0x20, s13, s30, $0xb8;
	[tilespmem:$0x1CD00] =	vst v63  }
0x18e: {  	s24 =	simm.s32 $0x480  }
0x18f: {  	[tilespmem:s18], [sflag:$0x2] =	stream.indirect.gather [spmem:s1], $0x20, s24, s30, $0xb8;
	[tilespmem:$0x1CD00] =	vst v63  }
0x190: {  	s9 =	simm.s32 $0x500  }
0x191: {  	[tilespmem:s4], [sflag:$0x3] =	stream.indirect.gather [spmem:s1], $0x20, s9, s30, $0xb8;
	[tilespmem:$0x1CD00] =	vst v63  }
0x192: {  	s13 =	simm.s32 $0x580  }
0x193: {  	[tilespmem:s7], [sflag:$0x4] =	stream.indirect.gather [spmem:s1], $0x20, s13, s30, $0xb8;
	[tilespmem:$0x1CD00] =	vst v63  }
0x194: {  	_ =	swait.ge [sflag:s29], $0xFA0  }
0x195: {  	[sflag:s29] =	ssyncset.done $0x0  }
0x196: {  	[sflag:s29] =	ssyncadd.s32 $0xFFFFF060  }
0x197: {  	_ =	swait.ge [sflag:s25], $0xFA0  }
0x198: {  	[sflag:s25] =	ssyncset.done $0x0  }
0x199: {  	[sflag:s25] =	ssyncadd.s32 $0xFFFFF060  }
0x19a: {  	_ =	swait.ge [sflag:s19], $0xFA0  }
0x19b: {  	[sflag:s19] =	ssyncset.done $0x0  }
0x19c: {  	[sflag:s19] =	ssyncadd.s32 $0xFFFFF060  }
0x19d: {  	_ =	swait.ge [sflag:s20], $0xFA0  }
0x19e: {  	[sflag:s20] =	ssyncset.done $0x0  }
0x19f: {  	s24 =	simm.s32 $0x5200;
	[sflag:s20] =	ssyncadd.s32 $0xFFFFF060  }
0x1a0: {  	[spmem:s2] =	stream.indirect.scatter.add.f32 [tilespmem:s14], [sflag:$0xD], $0x20, s24, s30, $0xb8;
	[tilespmem:$0x1CD00] =	vst v63  }
0x1a1: {  	s9 =	simm.s32 $0x5280  }
0x1a2: {  	[spmem:s2] =	stream.indirect.scatter.add.f32 [tilespmem:s16], [sflag:$0xE], $0x20, s9, s30, $0xb8;
	[tilespmem:$0x1CD00] =	vst v63  }
0x1a3: {  	s13 =	simm.s32 $0x5300  }
0x1a4: {  	[spmem:s2] =	stream.indirect.scatter.add.f32 [tilespmem:s0], [sflag:$0xF], $0x20, s13, s30, $0xb8;
	[tilespmem:$0x1CD00] =	vst v63  }
0x1a5: {  	s24 =	simm.s32 $0x5380  }
0x1a6: {  	[spmem:s2] =	stream.indirect.scatter.add.f32 [tilespmem:s6], [sflag:$0x10], $0x20, s24, s30, $0xb8;
	[tilespmem:$0x1CD00] =	vst v63  }
0x1a7: {  	_ =	swait.ge [sflag:s3], $0xFA0  }
0x1a8: {  	[sflag:s3] =	ssyncset.done $0x0  }
0x1a9: {  	[sflag:s3] =	ssyncadd.s32 $0xFFFFF060  }
0x1aa: {  	_ =	swait.ge [sflag:s10], $0xFA0  }
0x1ab: {  	[sflag:s10] =	ssyncset.done $0x0  }
0x1ac: {  	[sflag:s10] =	ssyncadd.s32 $0xFFFFF060  }
0x1ad: {  	_ =	swait.ge [sflag:s11], $0xFA0  }
0x1ae: {  	[sflag:s11] =	ssyncset.done $0x0  }
0x1af: {  	[sflag:s11] =	ssyncadd.s32 $0xFFFFF060  }
0x1b0: {  	_ =	swait.ge [sflag:s23], $0xFA0  }
0x1b1: {  	[sflag:s23] =	ssyncset.done $0x0  }
0x1b2: {  	s9 =	simm.s32 $0x600;
	[sflag:s23] =	ssyncadd.s32 $0xFFFFF060  }
0x1b3: {  	[tilespmem:s14], [sflag:$0x5] =	stream.indirect.gather [spmem:s1], $0x20, s9, s30, $0xb8;
	[tilespmem:$0x1CD00] =	vst v63  }
0x1b4: {  	s13 =	simm.s32 $0x680  }
0x1b5: {  	[tilespmem:s16], [sflag:$0x6] =	stream.indirect.gather [spmem:s1], $0x20, s13, s30, $0xb8;
	[tilespmem:$0x1CD00] =	vst v63  }
0x1b6: {  	s24 =	simm.s32 $0x700  }
0x1b7: {  	[tilespmem:s0], [sflag:$0x7] =	stream.indirect.gather [spmem:s1], $0x20, s24, s30, $0xb8;
	[tilespmem:$0x1CD00] =	vst v63  }
0x1b8: {  	s12 =	simm.s32 $0x1000;
	s24 =	simm.s32 $0x780  }
.LBB2_6:
0x1b9: {  	[tilespmem:s6], [sflag:$0x8] =	stream.indirect.gather [spmem:s1], $0x20, s24, s30, $0xb8;
	[tilespmem:$0x1CD00] =	vst v63  }
0x1ba: {  	s24 =	smov.u32 s12  }
0x1bb: {  	p0 =	sne.s32 s12, $0x12000;
	s12 =	sadd.s32 $0x1000, s12;
	_ =	swait.ge [sflag:s21], $0xFA0  }
0x1bc: {  	[sflag:s21] =	ssyncset.done $0x0  }
0x1bd: {  	[sflag:s21] =	ssyncadd.s32 $0xFFFFF060  }
0x1be: {  	_ =	swait.ge [sflag:s26], $0xFA0  }
0x1bf: {  	[sflag:s26] =	ssyncset.done $0x0  }
0x1c0: {  	[sflag:s26] =	ssyncadd.s32 $0xFFFFF060  }
0x1c1: {  	_ =	swait.ge [sflag:s28], $0xFA0  }
0x1c2: {  	[sflag:s28] =	ssyncset.done $0x0  }
0x1c3: {  	[sflag:s28] =	ssyncadd.s32 $0xFFFFF060  }
0x1c4: {  	_ =	swait.ge [sflag:s22], $0xFA0  }
0x1c5: {  	s24 =	sshra.s32 s24, $0x2;
	[sflag:s22] =	ssyncset.done $0x0  }
0x1c6: {  	s9 =	sadd.s32 $0x5000, s24;
	[sflag:s22] =	ssyncadd.s32 $0xFFFFF060  }
0x1c7: {  	[spmem:s2] =	stream.indirect.scatter.add.f32 [tilespmem:s31], [sflag:$0x9], $0x20, s9, s30, $0xb8;
	[tilespmem:$0x1CD00] =	vst v63  }
0x1c8: {  	s9 =	sadd.s32 $0x5080, s24  }
0x1c9: {  	[spmem:s2] =	stream.indirect.scatter.add.f32 [tilespmem:s18], [sflag:$0xA], $0x20, s9, s30, $0xb8;
	[tilespmem:$0x1CD00] =	vst v63  }
0x1ca: {  	s9 =	sadd.s32 $0x5100, s24  }
0x1cb: {  	[spmem:s2] =	stream.indirect.scatter.add.f32 [tilespmem:s4], [sflag:$0xB], $0x20, s9, s30, $0xb8;
	[tilespmem:$0x1CD00] =	vst v63  }
0x1cc: {  	s9 =	sadd.s32 $0x5180, s24  }
0x1cd: {  	[spmem:s2] =	stream.indirect.scatter.add.f32 [tilespmem:s7], [sflag:$0xC], $0x20, s9, s30, $0xb8;
	[tilespmem:$0x1CD00] =	vst v63  }
0x1ce: {  	_ =	swait.ge [sflag:s5], $0xFA0  }
0x1cf: {  	[sflag:s5] =	ssyncset.done $0x0  }
0x1d0: {  	[sflag:s5] =	ssyncadd.s32 $0xFFFFF060  }
0x1d1: {  	_ =	swait.ge [sflag:s8], $0xFA0  }
0x1d2: {  	[sflag:s8] =	ssyncset.done $0x0  }
0x1d3: {  	[sflag:s8] =	ssyncadd.s32 $0xFFFFF060  }
0x1d4: {  	_ =	swait.ge [sflag:s15], $0xFA0  }
0x1d5: {  	[sflag:s15] =	ssyncset.done $0x0  }
0x1d6: {  	[sflag:s15] =	ssyncadd.s32 $0xFFFFF060  }
0x1d7: {  	_ =	swait.ge [sflag:s17], $0xFA0  }
0x1d8: {  	[sflag:s17] =	ssyncset.done $0x0  }
0x1d9: {  	s9 =	sadd.s32 $0x400, s24;
	[sflag:s17] =	ssyncadd.s32 $0xFFFFF060  }
0x1da: {  	[tilespmem:s31], [sflag:$0x1] =	stream.indirect.gather [spmem:s1], $0x20, s9, s30, $0xb8;
	[tilespmem:$0x1CD00] =	vst v63  }
0x1db: {  	s9 =	sadd.s32 $0x480, s24  }
0x1dc: {  	[tilespmem:s18], [sflag:$0x2] =	stream.indirect.gather [spmem:s1], $0x20, s9, s30, $0xb8;
	[tilespmem:$0x1CD00] =	vst v63  }
0x1dd: {  	s9 =	sadd.s32 $0x500, s24  }
0x1de: {  	[tilespmem:s4], [sflag:$0x3] =	stream.indirect.gather [spmem:s1], $0x20, s9, s30, $0xb8;
	[tilespmem:$0x1CD00] =	vst v63  }
0x1df: {  	s9 =	sadd.s32 $0x580, s24  }
0x1e0: {  	[tilespmem:s7], [sflag:$0x4] =	stream.indirect.gather [spmem:s1], $0x20, s9, s30, $0xb8;
	[tilespmem:$0x1CD00] =	vst v63  }
0x1e1: {  	_ =	swait.ge [sflag:s29], $0xFA0  }
0x1e2: {  	[sflag:s29] =	ssyncset.done $0x0  }
0x1e3: {  	[sflag:s29] =	ssyncadd.s32 $0xFFFFF060  }
0x1e4: {  	_ =	swait.ge [sflag:s25], $0xFA0  }
0x1e5: {  	[sflag:s25] =	ssyncset.done $0x0  }
0x1e6: {  	[sflag:s25] =	ssyncadd.s32 $0xFFFFF060  }
0x1e7: {  	_ =	swait.ge [sflag:s19], $0xFA0  }
0x1e8: {  	[sflag:s19] =	ssyncset.done $0x0  }
0x1e9: {  	[sflag:s19] =	ssyncadd.s32 $0xFFFFF060  }
0x1ea: {  	_ =	swait.ge [sflag:s20], $0xFA0  }
0x1eb: {  	[sflag:s20] =	ssyncset.done $0x0  }
0x1ec: {  	s9 =	sadd.s32 $0x5200, s24;
	[sflag:s20] =	ssyncadd.s32 $0xFFFFF060  }
0x1ed: {  	[spmem:s2] =	stream.indirect.scatter.add.f32 [tilespmem:s14], [sflag:$0xD], $0x20, s9, s30, $0xb8;
	[tilespmem:$0x1CD00] =	vst v63  }
0x1ee: {  	s9 =	sadd.s32 $0x5280, s24  }
0x1ef: {  	[spmem:s2] =	stream.indirect.scatter.add.f32 [tilespmem:s16], [sflag:$0xE], $0x20, s9, s30, $0xb8;
	[tilespmem:$0x1CD00] =	vst v63  }
0x1f0: {  	s9 =	sadd.s32 $0x5300, s24  }
0x1f1: {  	[spmem:s2] =	stream.indirect.scatter.add.f32 [tilespmem:s0], [sflag:$0xF], $0x20, s9, s30, $0xb8;
	[tilespmem:$0x1CD00] =	vst v63  }
0x1f2: {  	s9 =	sadd.s32 $0x5380, s24  }
0x1f3: {  	[spmem:s2] =	stream.indirect.scatter.add.f32 [tilespmem:s6], [sflag:$0x10], $0x20, s9, s30, $0xb8;
	[tilespmem:$0x1CD00] =	vst v63  }
0x1f4: {  	_ =	swait.ge [sflag:s3], $0xFA0  }
0x1f5: {  	[sflag:s3] =	ssyncset.done $0x0  }
0x1f6: {  	[sflag:s3] =	ssyncadd.s32 $0xFFFFF060  }
0x1f7: {  	_ =	swait.ge [sflag:s10], $0xFA0  }
0x1f8: {  	[sflag:s10] =	ssyncset.done $0x0  }
0x1f9: {  	[sflag:s10] =	ssyncadd.s32 $0xFFFFF060  }
0x1fa: {  	_ =	swait.ge [sflag:s11], $0xFA0  }
0x1fb: {  	[sflag:s11] =	ssyncset.done $0x0  }
0x1fc: {  	[sflag:s11] =	ssyncadd.s32 $0xFFFFF060  }
0x1fd: {  	_ =	swait.ge [sflag:s23], $0xFA0  }
0x1fe: {  	[sflag:s23] =	ssyncset.done $0x0  }
0x1ff: {  	s9 =	sadd.s32 $0x600, s24;
	[sflag:s23] =	ssyncadd.s32 $0xFFFFF060  }
0x200: {  	[tilespmem:s14], [sflag:$0x5] =	stream.indirect.gather [spmem:s1], $0x20, s9, s30, $0xb8;
	[tilespmem:$0x1CD00] =	vst v63  }
.Ltmp2:
0x201: {  	s9 =	sadd.s32 $0x680, s24;
	(pc) =	sbr.rel @p0 .LBB2_6-.Ltmp2, $4  }
0x202: {  	[tilespmem:s16], [sflag:$0x6] =	stream.indirect.gather [spmem:s1], $0x20, s9, s30, $0xb8;
	[tilespmem:$0x1CD00] =	vst v63  }
0x203: {  	s9 =	sadd.s32 $0x700, s24  }
0x204: {  	[tilespmem:s0], [sflag:$0x7] =	stream.indirect.gather [spmem:s1], $0x20, s9, s30, $0xb8;
	[tilespmem:$0x1CD00] =	vst v63  }
0x205: {  	s24 =	sadd.s32 $0x780, s24  }
0x206: {  	[tilespmem:s6], [sflag:$0x8] =	stream.indirect.gather [spmem:s1], $0x20, s24, s30, $0xb8;
	[tilespmem:$0x1CD00] =	vst v63  }
0x207: {  	_ =	swait.ge [sflag:s21], $0xFA0  }
0x208: {  	[sflag:s21] =	ssyncset.done $0x0  }
0x209: {  	[sflag:s21] =	ssyncadd.s32 $0xFFFFF060  }
0x20a: {  	_ =	swait.ge [sflag:s26], $0xFA0  }
0x20b: {  	[sflag:s26] =	ssyncset.done $0x0  }
0x20c: {  	[sflag:s26] =	ssyncadd.s32 $0xFFFFF060  }
0x20d: {  	_ =	swait.ge [sflag:s28], $0xFA0  }
0x20e: {  	[sflag:s28] =	ssyncset.done $0x0  }
0x20f: {  	[sflag:s28] =	ssyncadd.s32 $0xFFFFF060  }
0x210: {  	_ =	swait.ge [sflag:s22], $0xFA0  }
0x211: {  	[sflag:s22] =	ssyncset.done $0x0  }
0x212: {  	s9 =	simm.s32 $0x9C00;
	[sflag:s22] =	ssyncadd.s32 $0xFFFFF060  }
0x213: {  	[spmem:s2] =	stream.indirect.scatter.add.f32 [tilespmem:s31], [sflag:$0x9], $0x20, s9, s30, $0xb8;
	[tilespmem:$0x1CD00] =	vst v63  }
0x214: {  	s13 =	simm.s32 $0x9C80  }
0x215: {  	[spmem:s2] =	stream.indirect.scatter.add.f32 [tilespmem:s18], [sflag:$0xA], $0x20, s13, s30, $0xb8;
	[tilespmem:$0x1CD00] =	vst v63  }
0x216: {  	s24 =	simm.s32 $0x9D00  }
0x217: {  	[spmem:s2] =	stream.indirect.scatter.add.f32 [tilespmem:s4], [sflag:$0xB], $0x20, s24, s30, $0xb8;
	[tilespmem:$0x1CD00] =	vst v63  }
0x218: {  	s12 =	simm.s32 $0x9D80  }
0x219: {  	[spmem:s2] =	stream.indirect.scatter.add.f32 [tilespmem:s7], [sflag:$0xC], $0x20, s12, s30, $0xb8;
	[tilespmem:$0x1CD00] =	vst v63  }
0x21a: {  	_ =	swait.ge [sflag:s5], $0xFA0  }
0x21b: {  	[sflag:s5] =	ssyncset.done $0x0  }
0x21c: {  	[sflag:s5] =	ssyncadd.s32 $0xFFFFF060  }
0x21d: {  	_ =	swait.ge [sflag:s8], $0xFA0  }
0x21e: {  	[sflag:s8] =	ssyncset.done $0x0  }
0x21f: {  	[sflag:s8] =	ssyncadd.s32 $0xFFFFF060  }
0x220: {  	_ =	swait.ge [sflag:s15], $0xFA0  }
0x221: {  	[sflag:s15] =	ssyncset.done $0x0  }
0x222: {  	[sflag:s15] =	ssyncadd.s32 $0xFFFFF060  }
0x223: {  	_ =	swait.ge [sflag:s17], $0xFA0  }
0x224: {  	[sflag:s17] =	ssyncset.done $0x0  }
0x225: {  	[sflag:s17] =	ssyncadd.s32 $0xFFFFF060  }
0x226: {  	_ =	swait.ge [sflag:s29], $0xFA0  }
0x227: {  	[sflag:s29] =	ssyncset.done $0x0  }
0x228: {  	[sflag:s29] =	ssyncadd.s32 $0xFFFFF060  }
0x229: {  	_ =	swait.ge [sflag:s25], $0xFA0  }
0x22a: {  	[sflag:s25] =	ssyncset.done $0x0  }
0x22b: {  	[sflag:s25] =	ssyncadd.s32 $0xFFFFF060  }
0x22c: {  	_ =	swait.ge [sflag:s19], $0xFA0  }
0x22d: {  	[sflag:s19] =	ssyncset.done $0x0  }
0x22e: {  	[sflag:s19] =	ssyncadd.s32 $0xFFFFF060  }
0x22f: {  	_ =	swait.ge [sflag:s20], $0xFA0  }
0x230: {  	[sflag:s20] =	ssyncset.done $0x0  }
0x231: {  	s13 =	simm.s32 $0x9E00;
	[sflag:s20] =	ssyncadd.s32 $0xFFFFF060  }
0x232: {  	[spmem:s2] =	stream.indirect.scatter.add.f32 [tilespmem:s14], [sflag:$0xD], $0x20, s13, s30, $0xb8;
	[tilespmem:$0x1CD00] =	vst v63  }
0x233: {  	s24 =	simm.s32 $0x9E80  }
0x234: {  	[spmem:s2] =	stream.indirect.scatter.add.f32 [tilespmem:s16], [sflag:$0xE], $0x20, s24, s30, $0xb8;
	[tilespmem:$0x1CD00] =	vst v63  }
0x235: {  	s12 =	simm.s32 $0x9F00  }
0x236: {  	[spmem:s2] =	stream.indirect.scatter.add.f32 [tilespmem:s0], [sflag:$0xF], $0x20, s12, s30, $0xb8;
	[tilespmem:$0x1CD00] =	vst v63  }
0x237: {  	s13 =	simm.s32 $0x9F80  }
0x238: {  	[spmem:s2] =	stream.indirect.scatter.add.f32 [tilespmem:s6], [sflag:$0x10], $0x20, s13, s30, $0xb8;
	[tilespmem:$0x1CD00] =	vst v63  }
0x239: {  	_ =	swait.ge [sflag:s3], $0xFA0  }
0x23a: {  	[sflag:s3] =	ssyncset.done $0x0  }
0x23b: {  	[sflag:s3] =	ssyncadd.s32 $0xFFFFF060  }
0x23c: {  	_ =	swait.ge [sflag:s10], $0xFA0  }
0x23d: {  	[sflag:s10] =	ssyncset.done $0x0  }
0x23e: {  	[sflag:s10] =	ssyncadd.s32 $0xFFFFF060  }
0x23f: {  	_ =	swait.ge [sflag:s11], $0xFA0  }
0x240: {  	[sflag:s11] =	ssyncset.done $0x0  }
0x241: {  	[sflag:s11] =	ssyncadd.s32 $0xFFFFF060  }
0x242: {  	_ =	swait.ge [sflag:s23], $0xFA0  }
0x243: {  	[sflag:s23] =	ssyncset.done $0x0  }
0x244: {  	[sflag:s23] =	ssyncadd.s32 $0xFFFFF060  }
0x245: {  	[bflag:$0x0] =	sbarrier.arrive $0xFFFF  }
0x246: {  	s24 =	rddreg [dreg:$0x10]  }
0x247: {  	s12 =	rddreg [dreg:$0x15]  }
0x248: {  	s13 =	rddreg [dreg:$0x16]  }
0x249: {  	[hbm:s24@s23], [sflag:s12] =	dma.strided [spmem:s13@s22], $0xA00, s21, $0x4   }
0x24a: {  	s12 =	simm.s32 $0x11  }
0x24b: {  	_ =	swait.ge [sflag:s12], $0xA00  }
0x24c: {  	s9 =	rddreg [dreg:$0x14]  }
0x24d: {  	s24 =	rddreg [dreg:$0x11];
	s13 =	sadd.s32 $0x1, s9  }
0x24e: {  	p0 =	sne.s32 s13, s24  }
.Ltmp3:
0x24f: {  	_ = 	snop;
	(pc) =	sbr.rel @p0 .LBB2_1-.Ltmp3, $3  }
0x250: {  	_ =	sdelay $0x1  }
0x251: {  	[sflag:s12] =	ssyncset.done $0x0  }
0x252: {  	[sflag:s12] =	ssyncadd.s32 $0xFFFFF600  }
0x253: {  	_ =	sfence.sel $0x180000  }
0x254: {  	[bflag:$0x0] =	sbarrier.arrive $0xFFFF  }
0x255: {  	_ =	strace $0x9000004A  }
0x256: {  	s0 =	stileid.u32;
	[bflag:$0x2] =	sbarrier.arrive $0xFFFF  }
0x257: {  	p0 =	sne.s32 s0, $0x0;
	s0 =	rddreg [dreg:$0x4]  }
0x258: {  	s0 =	sadd.s32 @!p0 $0x100000, s0  }
0x259: {  	[sflag:s0] =	ssyncadd.tile.s32 @!p0 $0x1;
	_ =	shalt  }
.Lfunc_end2:
_tile_overlayer_lowered:
.L_overlay_start_2:
0x25a: {  	(tag) =	ssettag $0x2  }
0x25b: {  	s0 =	rddreg [dreg:$0x0];
	s2 =	stileid.u32  }
0x25c: {  	s1 =	rddreg [dreg:$0x1];
	p0 =	sne.s32 s2, $0x0  }
0x25d: {  	s3 =	rddreg [dreg:$0x2];
	[bflag:$0x3] =	sbarrier.arrive $0xFFFF;
	s2 =	simm.s32 @!p0 $0x1C11  }
0x25e: {  	[timem:s3], [sflag:s2] =	dma.local @!p0 [hbm:s0], s1  }
0x25f: {  	s0 =	simm.s32 @!p0 $0x11  }
0x260: {  	_ =	swait.ge @!p0 [sflag:s0], s1  }
0x261: {  	s1 =	ssub.s32 @!p0 $0x0, s1;
	[sflag:s0] =	ssyncset.done @!p0 $0x0  }
0x262: {  	[sflag:s0] =	ssyncadd.s32 @!p0 s1  }
0x263: {  	[bflag:$0x3] =	sbarrier.arrive $0xFFFF  }
0x264: {  	_ =	shalt  }

// kernel: kernel.14.cloned.1.call-start
scs
__scs_entry_jumppad:
0x0: {  	(pc) =	sbr.rel $0x88, $3  }
0x1: {  	(tag) =	ssettag $0x0;
	lr =	simm.s32 $0x1  }
0x2: {  	[smem:$0x3F9B] =	sst lr;
	_ =	strace $0xD0000000  }
0x3: {  	_ = 	snop  }
0x4: {  	_ = 	snop  }
0x5: {  	_ = 	snop  }
0x6: {  	_ = 	snop  }
0x7: {  	_ = 	snop  }
__scs_overlays_trampoline_lowered:
0x8: {  	[smem:$0x3FAA] =	sst s0  }
0x9: {  	[smem:$0x3FAB] =	sst s1  }
0xa: {  	[smem:$0x3FAC] =	sst s2  }
0xb: {  	[smem:$0x3FAD] =	sst s3  }
0xc: {  	[smem:$0x3FAE] =	sst s4  }
0xd: {  	[smem:$0x3FAF] =	sst s5  }
0xe: {  	[smem:$0x3FB0] =	sst s6  }
0xf: {  	[smem:$0x3FB1] =	sst s7  }
0x10: {  	[smem:$0x3FB2] =	sst s8  }
0x11: {  	[smem:$0x3FB3] =	sst s9;
	s0 =	simm.s32 @!p0 $0x0  }
0x12: {  	s1 =	sld [smem:$0x3F99];
	s0 =	simm.s32 @p0 $0x1  }
0x13: {  	[smem:$0x3FB4] =	sst s0;
	s0 =	simm.s32 @!p1 $0x0  }
0x14: {  	s2 =	sld [smem:$0x3F98];
	s0 =	simm.s32 @p1 $0x1  }
0x15: {  	[smem:$0x3FB5] =	sst s0;
	s0 =	simm.s32 @!p2 $0x0  }
0x16: {  	s3 =	sld [smem:$0x3FDB];
	s0 =	simm.s32 @p2 $0x1  }
0x17: {  	s4 =	simm.s32 $0x1BF5;
	[smem:$0x3FB7] =	sst s0  }
0x18: {  	s0 =	sld [smem:$0x3F9A];
	_ =	swait.ge [sflag:s4], $0x0  }
0x19: {  	s7 =	sld [smem:$0x3F9B]  }
0x1a: {  	s8 =	sadd.s32 $0xFFFFE003, lr  }
0x1b: {  	s9 =	sadd.s32 $0xFFFFFEF7, lr;
	s5 =	simm.s32 $0xFFFFFFFF;
	p2 =	slt.u32 s8, $0xFFFFF086  }
0x1c: {  	p1 =	slt.u32 s9, $0xF7A;
	s5 =	simm.s32 @!p2 $0x0  }
0x1d: {  	s5 =	simm.s32 @p1 $0x1;
	p0 =	seq.s32 s7, s2  }
0x1e: {  	s7 =	smul.u32 @!p0 $0xF7A, s2;
	p2 =	seq.s32 @!p0 s5, $0x0  }
0x1f: {  	s9 =	smul.u32 $0xF7A, s1;
	s8 =	simm.s32 @!p0 $0x1BF5;
	p2 =	por !p2, p0  }
0x20: {  	[sflag:s8] =	ssyncset.s32 @!p0 $0xFFFFF086;
	s6 =	sadd.s32 @!p0 s3, s7;
	s7 =	simm.s32 @!p0 $0x108  }
0x21: {  	s3 =	sadd.s32 s3, s9;
	s6 =	sadd.s32 @!p0 $0x88, s6;
	s7 =	simm.s32 @p2 $0x1082  }
0x22: {  	[simem:s7], [sflag:s8] =	dma.local @!p0 [hbm:s6], $0xF7A  }
0x23: {  	s9 =	sor.u32 $0xD0000000, s2;
	s6 =	simm.s32 $0x108;
	_ =	swait.ge @!p0 [sflag:s8], $0x0  }
0x24: {  	s3 =	sadd.s32 $0x88, s3;
	s6 =	simm.s32 @!p1 $0x1082;
	[sflag:s4] =	ssyncset.s32 $0xFFFFF086  }
0x25: {  	[simem:s6], [sflag:s4] =	dma.local [hbm:s3], $0xF7A  }
0x26: {  	[smem:$0x3F9B] =	sst s1;
	(tag) =	ssettag s2;
	_ =	strace s9  }
0x27: {  	s1 =	sld [smem:$0x3FAB]  }
0x28: {  	s2 =	sld [smem:$0x3FAC]  }
0x29: {  	s4 =	sld [smem:$0x3FAE]  }
0x2a: {  	p0 =	seq.s32 s5, $0x0;
	s5 =	sld [smem:$0x3FAF]  }
0x2b: {  	s6 =	sld [smem:$0x3FB0]  }
0x2c: {  	s7 =	sld [smem:$0x3FB1]  }
0x2d: {  	s3 =	simm.s32 $0x108;
	s8 =	sld [smem:$0x3FB2]  }
0x2e: {  	s3 =	simm.s32 @!p0 $0x1082;
	s9 =	sld [smem:$0x3FB3]  }
0x2f: {  	lr =	sadd.s32 s0, s3;
	s0 =	sld [smem:$0x3FAA]  }
0x30: {  	s3 =	sld [smem:$0x3FAD]  }
0x31: {  	[smem:$0x3FB6] =	sst s10  }
0x32: {  	s10 =	sld [smem:$0x3FB4];
	_ =	sdelay $0x3  }
0x33: {  	p0 =	seq.s32 s10, $0x1;
	s10 =	sld [smem:$0x3FB6];
	_ =	sdelay $0x3  }
0x34: {  	[smem:$0x3FB6] =	sst s10  }
0x35: {  	s10 =	sld [smem:$0x3FB5];
	_ =	sdelay $0x3  }
0x36: {  	p1 =	seq.s32 s10, $0x1;
	s10 =	sld [smem:$0x3FB6];
	_ =	sdelay $0x3  }
0x37: {  	[smem:$0x3FB6] =	sst s10  }
0x38: {  	s10 =	sld [smem:$0x3FB7]  }
0x39: {  	_ = 	snop;
	(pc) =	sbr.ind lr, $3  }
0x3a: {  	_ = 	snop  }
0x3b: {  	_ = 	snop  }
0x3c: {  	p2 =	seq.s32 s10, $0x1;
	s10 =	sld [smem:$0x3FB6]  }
0x3d: {  	_ =	shalt  }
0x3e: {  	_ =	shalt  }
0x3f: {  	_ =	shalt  }
0x40: {  	_ =	shalt  }
0x41: {  	_ =	shalt  }
0x42: {  	_ =	shalt  }
0x43: {  	_ =	shalt  }
0x44: {  	_ =	shalt  }
0x45: {  	_ =	shalt  }
0x46: {  	_ =	shalt  }
0x47: {  	_ =	shalt  }
0x48: {  	_ =	shalt  }
0x49: {  	_ =	shalt  }
0x4a: {  	_ =	shalt  }
0x4b: {  	_ =	shalt  }
0x4c: {  	_ =	shalt  }
0x4d: {  	_ =	shalt  }
0x4e: {  	_ =	shalt  }
0x4f: {  	_ =	shalt  }
0x50: {  	_ =	shalt  }
0x51: {  	_ =	shalt  }
0x52: {  	_ =	shalt  }
0x53: {  	_ =	shalt  }
0x54: {  	_ =	shalt  }
0x55: {  	_ =	shalt  }
0x56: {  	_ =	shalt  }
0x57: {  	_ =	shalt  }
0x58: {  	_ =	shalt  }
0x59: {  	_ =	shalt  }
0x5a: {  	_ =	shalt  }
0x5b: {  	_ =	shalt  }
0x5c: {  	_ =	shalt  }
0x5d: {  	_ =	shalt  }
0x5e: {  	_ =	shalt  }
0x5f: {  	_ =	shalt  }
0x60: {  	_ =	shalt  }
0x61: {  	_ =	shalt  }
0x62: {  	_ =	shalt  }
0x63: {  	_ =	shalt  }
0x64: {  	_ =	shalt  }
0x65: {  	_ =	shalt  }
0x66: {  	_ =	shalt  }
0x67: {  	_ =	shalt  }
0x68: {  	_ =	shalt  }
0x69: {  	_ =	shalt  }
0x6a: {  	_ =	shalt  }
0x6b: {  	_ =	shalt  }
0x6c: {  	_ =	shalt  }
0x6d: {  	_ =	shalt  }
0x6e: {  	_ =	shalt  }
0x6f: {  	_ =	shalt  }
0x70: {  	_ =	shalt  }
0x71: {  	_ =	shalt  }
0x72: {  	_ =	shalt  }
0x73: {  	_ =	shalt  }
0x74: {  	_ =	shalt  }
0x75: {  	_ =	shalt  }
0x76: {  	_ =	shalt  }
0x77: {  	_ =	shalt  }
0x78: {  	_ =	shalt  }
0x79: {  	_ =	shalt  }
0x7a: {  	_ =	shalt  }
0x7b: {  	_ =	shalt  }
0x7c: {  	_ =	shalt  }
0x7d: {  	_ =	shalt  }
0x7e: {  	_ =	shalt  }
0x7f: {  	_ =	shalt  }
0x80: {  	_ =	shalt  }
0x81: {  	_ =	shalt  }
0x82: {  	_ =	shalt  }
0x83: {  	_ =	shalt  }
0x84: {  	_ =	shalt  }
0x85: {  	_ =	shalt  }
0x86: {  	_ =	shalt  }
0x87: {  	_ =	shalt  }
.Lfunc_end0:
.L_simem_size_0:
called_computation.2_lowered:
.L_overlay_start_0:
0x88: {  	s2 =	sld [smem:$0x3FD9]  }
0x89: {  	s3 =	sld [smem:$0x3FFE];
	_ =	sdelay $0x1  }
0x8a: {  	s1 =	srdreg.scid  }
0x8b: {  	s0 =	sand.u32 $0x1, s1  }
0x8c: {  	s17 =	sshll.u32 s0, $0xA;
	s2 =	sadd.s32 s3, s2  }
0x8d: {  	s2 =	sadd.s32 s2, s17  }
0x8e: {  	[smem:$0x3FC2] =	sst s2  }
0x8f: {  	_ = 	snop  }
0x90: {  	s2 =	sld [smem:$0x3FD0];
	(tm) =	ssettm $0x1  }
0x91: {  	s18 =	sld [smem:$0x3FFB];
	_ =	sdelay $0x3  }
0x92: {  	_ =	strace s18  }
0x93: {  	s3 =	sld [smem:$0x3FFC];
	_ =	sdelay $0x3  }
0x94: {  	_ =	strace s3  }
0x95: {  	s3 =	sld [smem:$0x3FFD];
	_ =	sdelay $0x3  }
0x96: {  	_ =	strace s3  }
0x97: {  	_ =	strace $0x8FFFFFFF  }
0x98: {  	s19 =	sld [smem:$0x3FDB];
	_ =	sdelay $0x1  }
0x99: {  	s4 =	simm.s32 $_scs_section_size  }
0x9a: {  	s5 =	simm.s32 $_size__tile_overlayer_lowered;
	s6 =	simm.s32 $_tile_overlayer_lowered  }
0x9b: {  	s22 =	simm.s32 $0x1BFF;
	s21 =	sshll.u32 s6, $0x1;
	s3 =	sadd.s32 s4, s19  }
0x9c: {  	s7 =	simm.s32 $0x0;
	s20 =	sshll.u32 s5, $0x1;
	s5 =	sadd.s32 s21, s3  }
0x9d: {  	[timem:s7], [sflag:s22] =	dma.local [hbm:s5], s20  }
0x9e: {  	_ =	swait.ge [sflag:s22], s20  }
0x9f: {  	s4 =	ssub.s32 $0x0, s20;
	[sflag:s22] =	ssyncset.done $0x0  }
0xa0: {  	[sflag:s22] =	ssyncadd.s32 s4;
	_ =	sdelay $0x1  }
0xa1: {  	s23 =	simm.s32 $0x1B8B  }
0xa2: {  	_ =	swait.ge [sflag:s23], $0x1  }
0xa3: {  	[sflag:s23] =	ssyncset.done $0x0  }
0xa4: {  	s25 =	simm.s32 $0x1B8E;
	s24 =	sld [smem:$0x3FFE];
	[sflag:s23] =	ssyncadd.s32 $0xFFFFFFFF  }
0xa5: {  	s26 =	simm.s32 $execute0_lowered;
	[smem:$0x3FD2] =	sst s25  }
0xa6: {  	s5 =	sshll.u32 s26, $0x1;
	_ =	strace $0x8000004C;
	[dreg:$0x1] =	wrdreg $0xFFFFFFFF  }
0xa7: {  	s28 =	simm.s32 $_size_execute0_lowered;
	s3 =	sadd.s32 s3, s5;
	[dreg:$0x0] =	wrdreg $0x0  }
0xa8: {  	s5 =	sshll.u32 s28, $0x1;
	[dreg:$0x2] =	wrdreg s3  }
0xa9: {  	[dreg:$0x3] =	wrdreg s5  }
0xaa: {  	[dreg:$0x4] =	wrdreg $0xC0  }
0xab: {  	_ =	task [dreg:s7], $0x5FFFF  }
0xac: {  	[dreg:$0x1] =	wrdreg $0xFFFFFFFF  }
0xad: {  	[dreg:$0x0] =	wrdreg $0x60  }
0xae: {  	[dreg:$0x2] =	wrdreg s24  }
0xaf: {  	[dreg:$0x3] =	wrdreg s2  }
0xb0: {  	[dreg:$0x4] =	wrdreg $0x12D000  }
0xb1: {  	[dreg:$0x5] =	wrdreg $0x17D000  }
0xb2: {  	[dreg:$0x6] =	wrdreg $0x9  }
0xb3: {  	_ =	task.clear_ibuf [dreg:s7], $0x7FFFF;
	_ =	strace $0x9000004C  }
0xb4: {  	s29 =	simm.s32 $0x9;
	_ =	strace $0x8000004E  }
0xb5: {  	_ =	swait.ge [sflag:s29], $0x1  }
0xb6: {  	[sflag:s29] =	ssyncadd.s32 $0xFFFFFFFF  }
0xb7: {  	_ =	strace $0x9000004E  }
0xb8: {  	_ =	sfence  }
0xb9: {  	s30 =	sld [smem:$0x0];
	_ =	sdelay $0x2  }
0xba: {  	s31 =	sshll.u32 s1, $0xD;
	s1 =	sshrl.u32 s1, $0x2  }
0xbb: {  	s3 =	sand.u32 $0x4000, s31;
	s1 =	sadd.s32 s1, s30  }
0xbc: {  	s0 =	sor.u32 s3, s0;
	s1 =	sshll.u32 s1, $0x11  }
0xbd: {  	s0 =	sor.u32 s1, s0  }
0xbe: {  	s0 =	sadd.s32 $0x8F2B, s0  }
0xbf: {  	[sflag:s0] =	ssyncadd.remote.s32 $0x1  }
0xc0: {  	_ =	sfence.sel $0xFFFF  }
0xc1: {  	[dreg:$0x0] =	wrdreg $0xFFFFFFFF;
	(pc) =	sbr.abs _section_cstart, $3  }
0xc2: {  	[dreg:$0x1] =	wrdreg $0xFFFFFFFF  }
0xc3: {  	_ =	task.clear_ibuf [dreg:s7], $0x2FFFF;
	_ =	strace $0x9FFFFFFF  }
0xc4: {  	(tm) =	ssettm $0x7FFFFFFF  }
0xc5: {  	_ =	shalt  }
tec
execute0_lowered:
.L_overlay_start_1:
0x0: {  	(tag) =	ssettag $0x1  }
0x1: {  	s0 =	rddreg [dreg:$0x0]  }
0x2: {  	s3 =	rddreg [dreg:$0x1]  }
0x3: {  	s1 =	rddreg [dreg:$0x2]  }
0x4: {  	s2 =	rddreg [dreg:$0x3]  }
0x5: {  	s4 =	simm.s32 $0x0;
	s14 =	srdreg.scid;
	s8 =	stileid.u32  }
0x6: {  	s28 =	simm.s32 $0x3;
	s29 =	simm.s32 $0x5;
	s30 =	simm.s32 $0x7D  }
0x7: {  	s31 =	simm.s32 $0xB000;
	s11 =	simm.s32 $0xF;
	s13 =	simm.s32 $0x0  }
0x8: {  	[smem:$0x7FF] =	sst s4;
	s5 =	sadd.s32 $0x2B400, s0;
	s6 =	smul.u32 $0x5000, s8  }
0x9: {  	s4 =	sand.u32 $0x1, s14;
	s0 =	sadd.s32 $0x53400, s0;
	s8 =	smul.u32 $0x14000, s8  }
0xa: {  	s14 =	simm.s32 $0xEE80;
	_ =	strace $0x8000004D;
	s7 =	ssub.s32 $0x2, s4  }
0xb: {  	s4 =	sshll.u32 s4, $0x5;
	s9 =	sshrl.u32 s7, $0x1;
	s10 =	sshrl.u32 s6, $0x3  }
0xc: {  	s16 =	sor.u32 s4, s8;
	s18 =	sshrl.u32 s8, $0x2;
	s19 =	sadd.s32 s6, s1  }
0xd: {  	s6 =	sadd.s32 s6, s2;
	s8 =	simm.s32 $0xA;
	s7 =	ssub.s32 s7, s9  }
0xe: {  	s15 =	sadd.s32 s3, s10;
	s3 =	sshrl.u32 s16, $0x3;
	[dreg:$0x7] =	wrdreg s19  }
0xf: {  	s4 =	sadd.s32 s18, s2;
	[dreg:$0x9] =	wrdreg s6;
	s19 =	simm.s32 $0x7  }
0x10: {  	s18 =	simm.s32 $0xBFA0;
	[dreg:$0x5] =	wrdreg s15;
	s17 =	sadd.s32 $0xA000, s15  }
0x11: {  	s16 =	simm.s32 $0xFE20;
	s20 =	sadd.s32 s5, s3;
	[dreg:$0x6] =	wrdreg s17  }
0x12: {  	s6 =	simm.s32 $0x11D60;
	s21 =	sadd.s32 $0x1000, s4;
	[dreg:$0x8] =	wrdreg s20  }
0x13: {  	s10 =	simm.s32 $0xE;
	s22 =	sadd.s32 $0x2000, s4;
	[dreg:$0xa] =	wrdreg s21  }
0x14: {  	s23 =	sadd.s32 $0x3000, s4;
	s4 =	sadd.s32 $0x4000, s4;
	[dreg:$0xb] =	wrdreg s22  }
0x15: {  	s24 =	sor.u32 $0x8, s3;
	s3 =	sadd.s32 s0, s3;
	[dreg:$0xc] =	wrdreg s23  }
0x16: {  	s26 =	smax.u32 s7, $0x1;
	s7 =	simm.s32 $0xDEE0;
	[dreg:$0xd] =	wrdreg s4  }
0x17: {  	s15 =	simm.s32 $0xB;
	[dreg:$0xe] =	wrdreg s3;
	s25 =	sadd.s32 s5, s24  }
0x18: {  	s0 =	sadd.s32 s0, s24;
	[dreg:$0x11] =	wrdreg s26;
	s20 =	simm.s32 $0x8  }
0x19: {  	s21 =	simm.s32 $0x1;
	s22 =	simm.s32 $0x4;
	s23 =	simm.s32 $0x10  }
0x1a: {  	s26 =	simm.s32 $0x2;
	s4 =	simm.s32 $0xCF40;
	s5 =	simm.s32 $0x9  }
0x1b: {  	s17 =	simm.s32 $0xC;
	s3 =	simm.s32 $0xD;
	[dreg:$0xf] =	wrdreg s25  }
0x1c: {  	v0 =	vimm.f32 $0.0e+00;
	[dreg:$0x10] =	wrdreg s0;
	s25 =	simm.s32 $0x6;
	s0 =	simm.s32 $0x10DC0  }
.LBB2_1:
0x1d: {  	[dreg:$0x14] =	wrdreg s13  }
0x1e: {  	s9 =	simm.s32 $0x0;
	s12 =	rddreg [dreg:$0x5]  }
0x1f: {  	[tilespmem:s9], [sflag:$0x7] =	stream.linear.gather [hbm4b:s12+s9], $0x5000, $0x38;
	[tilespmem:$0x1CD00] =	vst v63  }
0x20: {  	s13 =	rddreg [dreg:$0x6];
	s24 =	simm.s32 $0x5000  }
0x21: {  	[tilespmem:s24], [sflag:$0x8] =	stream.linear.gather [hbm4b:s13+s9], $0x5000, $0x38;
	[tilespmem:$0x1CD00] =	vst v63  }
0x22: {  	s12 =	simm.s32 $0x0;
	s9 =	simm.s32 $0x80  }
.LBB2_2:
0x23: {  	p0 =	sne.s32 s9, $0x3F80;
	[tilespmem:s12+$0xA000] =	vst v0;
	s24 =	smov.u32 s9;
	s9 =	sadd.s32 $0x80, s9  }
.Ltmp0:
0x24: {  	[tilespmem:s12+$0xA010] =	vst v0;
	(pc) =	sbr.rel @p0 .LBB2_2-.Ltmp0, $2  }
0x25: {  	_ =	sdelay $0x2  }
0x26: {  	s12 =	sshra.s32 s24, $0x2  }
0x27: {  	[tilespmem:s12+$0xA000] =	vst v0  }
0x28: {  	[tilespmem:s12+$0xA010] =	vst v0  }
0x29: {  	_ =	swait.ge [sflag:s19], $0x5000  }
0x2a: {  	s9 =	stileid.u32;
	[sflag:s19] =	ssyncset.done $0x0  }
0x2b: {  	s9 =	sshll.u32 s9, $0x6;
	[sflag:s19] =	ssyncadd.s32 $0xFFFFB000  }
0x2c: {  	s12 =	sor.u32 $0x1C06, s9;
	_ =	swait.ge [sflag:s20], $0x5000;
	[dreg:$0x17] =	wrdreg s9  }
0x2d: {  	[dreg:$0x12] =	wrdreg s12  }
0x2e: {  	s13 =	rddreg [dreg:$0x7]  }
0x2f: {  	[sflag:s20] =	ssyncset.done $0x0;
	s24 =	rddreg [dreg:$0x8];
	s13 =	sshrl.u32 s13, $0x3  }
0x30: {  	[sflag:s20] =	ssyncadd.s32 $0xFFFFB000;
	[dreg:$0x13] =	wrdreg s13  }
0x31: {  	[spmem:s13@s22], [sflag:s12] =	dma.strided [hbm:s24@s23], $0xA00, s21, $0x4   }
0x32: {  	s12 =	simm.s32 $0xA000;
	s9 =	rddreg [dreg:$0x9]  }
0x33: {  	[spmem:s9] =	stream.linear.scatter [tilespmem:s12], [sflag:$0x1], $0x1000, $0x38;
	[tilespmem:$0x1CD00] =	vst v63  }
0x34: {  	s13 =	rddreg [dreg:$0xa]  }
0x35: {  	[spmem:s13] =	stream.linear.scatter [tilespmem:s12], [sflag:$0x2], $0x1000, $0x38;
	[tilespmem:$0x1CD00] =	vst v63  }
0x36: {  	s24 =	rddreg [dreg:$0xb]  }
0x37: {  	[spmem:s24] =	stream.linear.scatter [tilespmem:s12], [sflag:$0x3], $0x1000, $0x38;
	[tilespmem:$0x1CD00] =	vst v63  }
0x38: {  	s13 =	rddreg [dreg:$0xc]  }
0x39: {  	[spmem:s13] =	stream.linear.scatter [tilespmem:s12], [sflag:$0x4], $0x1000, $0x38;
	[tilespmem:$0x1CD00] =	vst v63  }
0x3a: {  	s24 =	rddreg [dreg:$0xd]  }
0x3b: {  	[spmem:s24] =	stream.linear.scatter [tilespmem:s12], [sflag:$0x5], $0x1000, $0x38;
	[tilespmem:$0x1CD00] =	vst v63  }
0x3c: {  	_ =	swait.ge [sflag:s25], $0xA00  }
0x3d: {  	[sflag:s25] =	ssyncset.done $0x0  }
0x3e: {  	[sflag:s25] =	ssyncadd.s32 $0xFFFFF600  }
0x3f: {  	_ =	swait.ge [sflag:s21], $0x1000  }
0x40: {  	[sflag:s21] =	ssyncset.done $0x0  }
0x41: {  	[sflag:s21] =	ssyncadd.s32 $0xFFFFF000  }
0x42: {  	_ =	swait.ge [sflag:s26], $0x1000  }
0x43: {  	[sflag:s26] =	ssyncset.done $0x0  }
0x44: {  	[sflag:s26] =	ssyncadd.s32 $0xFFFFF000  }
0x45: {  	_ =	swait.ge [sflag:s28], $0x1000  }
0x46: {  	[sflag:s28] =	ssyncset.done $0x0  }
0x47: {  	[sflag:s28] =	ssyncadd.s32 $0xFFFFF000  }
0x48: {  	_ =	swait.ge [sflag:s22], $0x1000  }
0x49: {  	[sflag:s22] =	ssyncset.done $0x0  }
0x4a: {  	[sflag:s22] =	ssyncadd.s32 $0xFFFFF000  }
0x4b: {  	_ =	swait.ge [sflag:s29], $0x1000  }
0x4c: {  	[sflag:s29] =	ssyncset.done $0x0  }
0x4d: {  	[sflag:s29] =	ssyncadd.s32 $0xFFFFF000  }
0x4e: {  	s13 =	simm.s32 $0x0;
	[bflag:$0x0] =	sbarrier.arrive $0xFFFF  }
0x4f: {  	[tilespmem:s31], [sflag:$0x1] =	stream.indirect.gather [spmem:s1], $0x20, s13, s30, $0xb8;
	[tilespmem:$0x1CD00] =	vst v63  }
0x50: {  	s24 =	simm.s32 $0x80  }
0x51: {  	[tilespmem:s18], [sflag:$0x2] =	stream.indirect.gather [spmem:s1], $0x20, s24, s30, $0xb8;
	[tilespmem:$0x1CD00] =	vst v63  }
0x52: {  	s12 =	simm.s32 $0x100  }
0x53: {  	[tilespmem:s4], [sflag:$0x3] =	stream.indirect.gather [spmem:s1], $0x20, s12, s30, $0xb8;
	[tilespmem:$0x1CD00] =	vst v63  }
0x54: {  	s13 =	simm.s32 $0x180  }
0x55: {  	[tilespmem:s7], [sflag:$0x4] =	stream.indirect.gather [spmem:s1], $0x20, s13, s30, $0xb8;
	[tilespmem:$0x1CD00] =	vst v63  }
0x56: {  	s24 =	simm.s32 $0x200  }
0x57: {  	[tilespmem:s14], [sflag:$0x5] =	stream.indirect.gather [spmem:s1], $0x20, s24, s30, $0xb8;
	[tilespmem:$0x1CD00] =	vst v63  }
0x58: {  	s12 =	simm.s32 $0x280  }
0x59: {  	[tilespmem:s16], [sflag:$0x6] =	stream.indirect.gather [spmem:s1], $0x20, s12, s30, $0xb8;
	[tilespmem:$0x1CD00] =	vst v63  }
0x5a: {  	s13 =	simm.s32 $0x300  }
0x5b: {  	[tilespmem:s0], [sflag:$0x7] =	stream.indirect.gather [spmem:s1], $0x20, s13, s30, $0xb8;
	[tilespmem:$0x1CD00] =	vst v63  }
0x5c: {  	s24 =	simm.s32 $0x380  }
0x5d: {  	[tilespmem:s6], [sflag:$0x8] =	stream.indirect.gather [spmem:s1], $0x20, s24, s30, $0xb8;
	[tilespmem:$0x1CD00] =	vst v63  }
0x5e: {  	_ =	swait.ge [sflag:s21], $0xFA0  }
0x5f: {  	[sflag:s21] =	ssyncset.done $0x0  }
0x60: {  	[sflag:s21] =	ssyncadd.s32 $0xFFFFF060  }
0x61: {  	_ =	swait.ge [sflag:s26], $0xFA0  }
0x62: {  	[sflag:s26] =	ssyncset.done $0x0  }
0x63: {  	[sflag:s26] =	ssyncadd.s32 $0xFFFFF060  }
0x64: {  	_ =	swait.ge [sflag:s28], $0xFA0  }
0x65: {  	[sflag:s28] =	ssyncset.done $0x0  }
0x66: {  	[sflag:s28] =	ssyncadd.s32 $0xFFFFF060  }
0x67: {  	_ =	swait.ge [sflag:s22], $0xFA0  }
0x68: {  	[sflag:s22] =	ssyncset.done $0x0  }
0x69: {  	s9 =	simm.s32 $0x5000;
	[sflag:s22] =	ssyncadd.s32 $0xFFFFF060  }
0x6a: {  	[spmem:s2] =	stream.indirect.scatter.add.f32 [tilespmem:s31], [sflag:$0x9], $0x20, s9, s30, $0xb8;
	[tilespmem:$0x1CD00] =	vst v63  }
0x6b: {  	s13 =	simm.s32 $0x5080  }
0x6c: {  	[spmem:s2] =	stream.indirect.scatter.add.f32 [tilespmem:s18], [sflag:$0xA], $0x20, s13, s30, $0xb8;
	[tilespmem:$0x1CD00] =	vst v63  }
0x6d: {  	s24 =	simm.s32 $0x5100  }
0x6e: {  	[spmem:s2] =	stream.indirect.scatter.add.f32 [tilespmem:s4], [sflag:$0xB], $0x20, s24, s30, $0xb8;
	[tilespmem:$0x1CD00] =	vst v63  }
0x6f: {  	s9 =	simm.s32 $0x5180  }
0x70: {  	[spmem:s2] =	stream.indirect.scatter.add.f32 [tilespmem:s7], [sflag:$0xC], $0x20, s9, s30, $0xb8;
	[tilespmem:$0x1CD00] =	vst v63  }
0x71: {  	_ =	swait.ge [sflag:s5], $0xFA0  }
0x72: {  	[sflag:s5] =	ssyncset.done $0x0  }
0x73: {  	[sflag:s5] =	ssyncadd.s32 $0xFFFFF060  }
0x74: {  	_ =	swait.ge [sflag:s8], $0xFA0  }
0x75: {  	[sflag:s8] =	ssyncset.done $0x0  }
0x76: {  	[sflag:s8] =	ssyncadd.s32 $0xFFFFF060  }
0x77: {  	_ =	swait.ge [sflag:s15], $0xFA0  }
0x78: {  	[sflag:s15] =	ssyncset.done $0x0  }
0x79: {  	[sflag:s15] =	ssyncadd.s32 $0xFFFFF060  }
0x7a: {  	_ =	swait.ge [sflag:s17], $0xFA0  }
0x7b: {  	[sflag:s17] =	ssyncset.done $0x0  }
0x7c: {  	s13 =	simm.s32 $0x400;
	[sflag:s17] =	ssyncadd.s32 $0xFFFFF060  }
0x7d: {  	[tilespmem:s31], [sflag:$0x1] =	stream.indirect.gather [spmem:s1], $0x20, s13, s30, $0xb8;
	[tilespmem:$0x1CD00] =	vst v63  }
0x7e: {  	s24 =	simm.s32 $0x480  }
0x7f: {  	[tilespmem:s18], [sflag:$0x2] =	stream.indirect.gather [spmem:s1], $0x20, s24, s30, $0xb8;
	[tilespmem:$0x1CD00] =	vst v63  }
0x80: {  	s9 =	simm.s32 $0x500  }
0x81: {  	[tilespmem:s4], [sflag:$0x3] =	stream.indirect.gather [spmem:s1], $0x20, s9, s30, $0xb8;
	[tilespmem:$0x1CD00] =	vst v63  }
0x82: {  	s13 =	simm.s32 $0x580  }
0x83: {  	[tilespmem:s7], [sflag:$0x4] =	stream.indirect.gather [spmem:s1], $0x20, s13, s30, $0xb8;
	[tilespmem:$0x1CD00] =	vst v63  }
0x84: {  	_ =	swait.ge [sflag:s29], $0xFA0  }
0x85: {  	[sflag:s29] =	ssyncset.done $0x0  }
0x86: {  	[sflag:s29] =	ssyncadd.s32 $0xFFFFF060  }
0x87: {  	_ =	swait.ge [sflag:s25], $0xFA0  }
0x88: {  	[sflag:s25] =	ssyncset.done $0x0  }
0x89: {  	[sflag:s25] =	ssyncadd.s32 $0xFFFFF060  }
0x8a: {  	_ =	swait.ge [sflag:s19], $0xFA0  }
0x8b: {  	[sflag:s19] =	ssyncset.done $0x0  }
0x8c: {  	[sflag:s19] =	ssyncadd.s32 $0xFFFFF060  }
0x8d: {  	_ =	swait.ge [sflag:s20], $0xFA0  }
0x8e: {  	[sflag:s20] =	ssyncset.done $0x0  }
0x8f: {  	s24 =	simm.s32 $0x5200;
	[sflag:s20] =	ssyncadd.s32 $0xFFFFF060  }
0x90: {  	[spmem:s2] =	stream.indirect.scatter.add.f32 [tilespmem:s14], [sflag:$0xD], $0x20, s24, s30, $0xb8;
	[tilespmem:$0x1CD00] =	vst v63  }
0x91: {  	s9 =	simm.s32 $0x5280  }
0x92: {  	[spmem:s2] =	stream.indirect.scatter.add.f32 [tilespmem:s16], [sflag:$0xE], $0x20, s9, s30, $0xb8;
	[tilespmem:$0x1CD00] =	vst v63  }
0x93: {  	s13 =	simm.s32 $0x5300  }
0x94: {  	[spmem:s2] =	stream.indirect.scatter.add.f32 [tilespmem:s0], [sflag:$0xF], $0x20, s13, s30, $0xb8;
	[tilespmem:$0x1CD00] =	vst v63  }
0x95: {  	s24 =	simm.s32 $0x5380  }
0x96: {  	[spmem:s2] =	stream.indirect.scatter.add.f32 [tilespmem:s6], [sflag:$0x10], $0x20, s24, s30, $0xb8;
	[tilespmem:$0x1CD00] =	vst v63  }
0x97: {  	_ =	swait.ge [sflag:s3], $0xFA0  }
0x98: {  	[sflag:s3] =	ssyncset.done $0x0  }
0x99: {  	[sflag:s3] =	ssyncadd.s32 $0xFFFFF060  }
0x9a: {  	_ =	swait.ge [sflag:s10], $0xFA0  }
0x9b: {  	[sflag:s10] =	ssyncset.done $0x0  }
0x9c: {  	[sflag:s10] =	ssyncadd.s32 $0xFFFFF060  }
0x9d: {  	_ =	swait.ge [sflag:s11], $0xFA0  }
0x9e: {  	[sflag:s11] =	ssyncset.done $0x0  }
0x9f: {  	[sflag:s11] =	ssyncadd.s32 $0xFFFFF060  }
0xa0: {  	_ =	swait.ge [sflag:s23], $0xFA0  }
0xa1: {  	[sflag:s23] =	ssyncset.done $0x0  }
0xa2: {  	s9 =	simm.s32 $0x600;
	[sflag:s23] =	ssyncadd.s32 $0xFFFFF060  }
0xa3: {  	[tilespmem:s14], [sflag:$0x5] =	stream.indirect.gather [spmem:s1], $0x20, s9, s30, $0xb8;
	[tilespmem:$0x1CD00] =	vst v63  }
0xa4: {  	s13 =	simm.s32 $0x680  }
0xa5: {  	[tilespmem:s16], [sflag:$0x6] =	stream.indirect.gather [spmem:s1], $0x20, s13, s30, $0xb8;
	[tilespmem:$0x1CD00] =	vst v63  }
0xa6: {  	s24 =	simm.s32 $0x700  }
0xa7: {  	[tilespmem:s0], [sflag:$0x7] =	stream.indirect.gather [spmem:s1], $0x20, s24, s30, $0xb8;
	[tilespmem:$0x1CD00] =	vst v63  }
0xa8: {  	s12 =	simm.s32 $0x780;
	s24 =	simm.s32 $0x1000  }
.LBB2_4:
0xa9: {  	[tilespmem:s6], [sflag:$0x8] =	stream.indirect.gather [spmem:s1], $0x20, s12, s30, $0xb8;
	[tilespmem:$0x1CD00] =	vst v63  }
0xaa: {  	s12 =	smov.u32 s24  }
0xab: {  	p0 =	sne.s32 s24, $0x12000;
	s24 =	sadd.s32 $0x1000, s24;
	_ =	swait.ge [sflag:s21], $0xFA0  }
0xac: {  	[sflag:s21] =	ssyncset.done $0x0  }
0xad: {  	[sflag:s21] =	ssyncadd.s32 $0xFFFFF060  }
0xae: {  	_ =	swait.ge [sflag:s26], $0xFA0  }
0xaf: {  	[sflag:s26] =	ssyncset.done $0x0  }
0xb0: {  	[sflag:s26] =	ssyncadd.s32 $0xFFFFF060  }
0xb1: {  	_ =	swait.ge [sflag:s28], $0xFA0  }
0xb2: {  	[sflag:s28] =	ssyncset.done $0x0  }
0xb3: {  	[sflag:s28] =	ssyncadd.s32 $0xFFFFF060  }
0xb4: {  	_ =	swait.ge [sflag:s22], $0xFA0  }
0xb5: {  	s12 =	sshra.s32 s12, $0x2;
	[sflag:s22] =	ssyncset.done $0x0  }
0xb6: {  	s9 =	sadd.s32 $0x5000, s12;
	[sflag:s22] =	ssyncadd.s32 $0xFFFFF060  }
0xb7: {  	[spmem:s2] =	stream.indirect.scatter.add.f32 [tilespmem:s31], [sflag:$0x9], $0x20, s9, s30, $0xb8;
	[tilespmem:$0x1CD00] =	vst v63  }
0xb8: {  	s9 =	sadd.s32 $0x5080, s12  }
0xb9: {  	[spmem:s2] =	stream.indirect.scatter.add.f32 [tilespmem:s18], [sflag:$0xA], $0x20, s9, s30, $0xb8;
	[tilespmem:$0x1CD00] =	vst v63  }
0xba: {  	s9 =	sadd.s32 $0x5100, s12  }
0xbb: {  	[spmem:s2] =	stream.indirect.scatter.add.f32 [tilespmem:s4], [sflag:$0xB], $0x20, s9, s30, $0xb8;
	[tilespmem:$0x1CD00] =	vst v63  }
0xbc: {  	s9 =	sadd.s32 $0x5180, s12  }
0xbd: {  	[spmem:s2] =	stream.indirect.scatter.add.f32 [tilespmem:s7], [sflag:$0xC], $0x20, s9, s30, $0xb8;
	[tilespmem:$0x1CD00] =	vst v63  }
0xbe: {  	_ =	swait.ge [sflag:s5], $0xFA0  }
0xbf: {  	[sflag:s5] =	ssyncset.done $0x0  }
0xc0: {  	[sflag:s5] =	ssyncadd.s32 $0xFFFFF060  }
0xc1: {  	_ =	swait.ge [sflag:s8], $0xFA0  }
0xc2: {  	[sflag:s8] =	ssyncset.done $0x0  }
0xc3: {  	[sflag:s8] =	ssyncadd.s32 $0xFFFFF060  }
0xc4: {  	_ =	swait.ge [sflag:s15], $0xFA0  }
0xc5: {  	[sflag:s15] =	ssyncset.done $0x0  }
0xc6: {  	[sflag:s15] =	ssyncadd.s32 $0xFFFFF060  }
0xc7: {  	_ =	swait.ge [sflag:s17], $0xFA0  }
0xc8: {  	[sflag:s17] =	ssyncset.done $0x0  }
0xc9: {  	s9 =	sadd.s32 $0x400, s12;
	[sflag:s17] =	ssyncadd.s32 $0xFFFFF060  }
0xca: {  	[tilespmem:s31], [sflag:$0x1] =	stream.indirect.gather [spmem:s1], $0x20, s9, s30, $0xb8;
	[tilespmem:$0x1CD00] =	vst v63  }
0xcb: {  	s9 =	sadd.s32 $0x480, s12  }
0xcc: {  	[tilespmem:s18], [sflag:$0x2] =	stream.indirect.gather [spmem:s1], $0x20, s9, s30, $0xb8;
	[tilespmem:$0x1CD00] =	vst v63  }
0xcd: {  	s9 =	sadd.s32 $0x500, s12  }
0xce: {  	[tilespmem:s4], [sflag:$0x3] =	stream.indirect.gather [spmem:s1], $0x20, s9, s30, $0xb8;
	[tilespmem:$0x1CD00] =	vst v63  }
0xcf: {  	s9 =	sadd.s32 $0x580, s12  }
0xd0: {  	[tilespmem:s7], [sflag:$0x4] =	stream.indirect.gather [spmem:s1], $0x20, s9, s30, $0xb8;
	[tilespmem:$0x1CD00] =	vst v63  }
0xd1: {  	_ =	swait.ge [sflag:s29], $0xFA0  }
0xd2: {  	[sflag:s29] =	ssyncset.done $0x0  }
0xd3: {  	[sflag:s29] =	ssyncadd.s32 $0xFFFFF060  }
0xd4: {  	_ =	swait.ge [sflag:s25], $0xFA0  }
0xd5: {  	[sflag:s25] =	ssyncset.done $0x0  }
0xd6: {  	[sflag:s25] =	ssyncadd.s32 $0xFFFFF060  }
0xd7: {  	_ =	swait.ge [sflag:s19], $0xFA0  }
0xd8: {  	[sflag:s19] =	ssyncset.done $0x0  }
0xd9: {  	[sflag:s19] =	ssyncadd.s32 $0xFFFFF060  }
0xda: {  	_ =	swait.ge [sflag:s20], $0xFA0  }
0xdb: {  	[sflag:s20] =	ssyncset.done $0x0  }
0xdc: {  	s9 =	sadd.s32 $0x5200, s12;
	[sflag:s20] =	ssyncadd.s32 $0xFFFFF060  }
0xdd: {  	[spmem:s2] =	stream.indirect.scatter.add.f32 [tilespmem:s14], [sflag:$0xD], $0x20, s9, s30, $0xb8;
	[tilespmem:$0x1CD00] =	vst v63  }
0xde: {  	s9 =	sadd.s32 $0x5280, s12  }
0xdf: {  	[spmem:s2] =	stream.indirect.scatter.add.f32 [tilespmem:s16], [sflag:$0xE], $0x20, s9, s30, $0xb8;
	[tilespmem:$0x1CD00] =	vst v63  }
0xe0: {  	s9 =	sadd.s32 $0x5300, s12  }
0xe1: {  	[spmem:s2] =	stream.indirect.scatter.add.f32 [tilespmem:s0], [sflag:$0xF], $0x20, s9, s30, $0xb8;
	[tilespmem:$0x1CD00] =	vst v63  }
0xe2: {  	s9 =	sadd.s32 $0x5380, s12  }
0xe3: {  	[spmem:s2] =	stream.indirect.scatter.add.f32 [tilespmem:s6], [sflag:$0x10], $0x20, s9, s30, $0xb8;
	[tilespmem:$0x1CD00] =	vst v63  }
0xe4: {  	_ =	swait.ge [sflag:s3], $0xFA0  }
0xe5: {  	[sflag:s3] =	ssyncset.done $0x0  }
0xe6: {  	[sflag:s3] =	ssyncadd.s32 $0xFFFFF060  }
0xe7: {  	_ =	swait.ge [sflag:s10], $0xFA0  }
0xe8: {  	[sflag:s10] =	ssyncset.done $0x0  }
0xe9: {  	[sflag:s10] =	ssyncadd.s32 $0xFFFFF060  }
0xea: {  	_ =	swait.ge [sflag:s11], $0xFA0  }
0xeb: {  	[sflag:s11] =	ssyncset.done $0x0  }
0xec: {  	[sflag:s11] =	ssyncadd.s32 $0xFFFFF060  }
0xed: {  	_ =	swait.ge [sflag:s23], $0xFA0  }
0xee: {  	[sflag:s23] =	ssyncset.done $0x0  }
0xef: {  	s9 =	sadd.s32 $0x600, s12;
	[sflag:s23] =	ssyncadd.s32 $0xFFFFF060  }
0xf0: {  	[tilespmem:s14], [sflag:$0x5] =	stream.indirect.gather [spmem:s1], $0x20, s9, s30, $0xb8;
	[tilespmem:$0x1CD00] =	vst v63  }
.Ltmp1:
0xf1: {  	s9 =	sadd.s32 $0x680, s12;
	(pc) =	sbr.rel @p0 .LBB2_4-.Ltmp1, $4  }
0xf2: {  	[tilespmem:s16], [sflag:$0x6] =	stream.indirect.gather [spmem:s1], $0x20, s9, s30, $0xb8;
	[tilespmem:$0x1CD00] =	vst v63  }
0xf3: {  	s9 =	sadd.s32 $0x700, s12  }
0xf4: {  	[tilespmem:s0], [sflag:$0x7] =	stream.indirect.gather [spmem:s1], $0x20, s9, s30, $0xb8;
	[tilespmem:$0x1CD00] =	vst v63  }
0xf5: {  	s12 =	sadd.s32 $0x780, s12  }
0xf6: {  	[tilespmem:s6], [sflag:$0x8] =	stream.indirect.gather [spmem:s1], $0x20, s12, s30, $0xb8;
	[tilespmem:$0x1CD00] =	vst v63  }
0xf7: {  	_ =	swait.ge [sflag:s21], $0xFA0  }
0xf8: {  	[sflag:s21] =	ssyncset.done $0x0  }
0xf9: {  	[sflag:s21] =	ssyncadd.s32 $0xFFFFF060  }
0xfa: {  	_ =	swait.ge [sflag:s26], $0xFA0  }
0xfb: {  	[sflag:s26] =	ssyncset.done $0x0  }
0xfc: {  	[sflag:s26] =	ssyncadd.s32 $0xFFFFF060  }
0xfd: {  	_ =	swait.ge [sflag:s28], $0xFA0  }
0xfe: {  	[sflag:s28] =	ssyncset.done $0x0  }
0xff: {  	[sflag:s28] =	ssyncadd.s32 $0xFFFFF060  }
0x100: {  	_ =	swait.ge [sflag:s22], $0xFA0  }
0x101: {  	[sflag:s22] =	ssyncset.done $0x0  }
0x102: {  	s9 =	simm.s32 $0x9C00;
	[sflag:s22] =	ssyncadd.s32 $0xFFFFF060  }
0x103: {  	[spmem:s2] =	stream.indirect.scatter.add.f32 [tilespmem:s31], [sflag:$0x9], $0x20, s9, s30, $0xb8;
	[tilespmem:$0x1CD00] =	vst v63  }
0x104: {  	s12 =	simm.s32 $0x9C80  }
0x105: {  	[spmem:s2] =	stream.indirect.scatter.add.f32 [tilespmem:s18], [sflag:$0xA], $0x20, s12, s30, $0xb8;
	[tilespmem:$0x1CD00] =	vst v63  }
0x106: {  	s13 =	simm.s32 $0x9D00  }
0x107: {  	[spmem:s2] =	stream.indirect.scatter.add.f32 [tilespmem:s4], [sflag:$0xB], $0x20, s13, s30, $0xb8;
	[tilespmem:$0x1CD00] =	vst v63  }
0x108: {  	s24 =	simm.s32 $0x9D80  }
0x109: {  	[spmem:s2] =	stream.indirect.scatter.add.f32 [tilespmem:s7], [sflag:$0xC], $0x20, s24, s30, $0xb8;
	[tilespmem:$0x1CD00] =	vst v63  }
0x10a: {  	_ =	swait.ge [sflag:s5], $0xFA0  }
0x10b: {  	[sflag:s5] =	ssyncset.done $0x0  }
0x10c: {  	[sflag:s5] =	ssyncadd.s32 $0xFFFFF060  }
0x10d: {  	_ =	swait.ge [sflag:s8], $0xFA0  }
0x10e: {  	[sflag:s8] =	ssyncset.done $0x0  }
0x10f: {  	[sflag:s8] =	ssyncadd.s32 $0xFFFFF060  }
0x110: {  	_ =	swait.ge [sflag:s15], $0xFA0  }
0x111: {  	[sflag:s15] =	ssyncset.done $0x0  }
0x112: {  	[sflag:s15] =	ssyncadd.s32 $0xFFFFF060  }
0x113: {  	_ =	swait.ge [sflag:s17], $0xFA0  }
0x114: {  	[sflag:s17] =	ssyncset.done $0x0  }
0x115: {  	[sflag:s17] =	ssyncadd.s32 $0xFFFFF060  }
0x116: {  	_ =	swait.ge [sflag:s29], $0xFA0  }
0x117: {  	[sflag:s29] =	ssyncset.done $0x0  }
0x118: {  	[sflag:s29] =	ssyncadd.s32 $0xFFFFF060  }
0x119: {  	_ =	swait.ge [sflag:s25], $0xFA0  }
0x11a: {  	[sflag:s25] =	ssyncset.done $0x0  }
0x11b: {  	[sflag:s25] =	ssyncadd.s32 $0xFFFFF060  }
0x11c: {  	_ =	swait.ge [sflag:s19], $0xFA0  }
0x11d: {  	[sflag:s19] =	ssyncset.done $0x0  }
0x11e: {  	[sflag:s19] =	ssyncadd.s32 $0xFFFFF060  }
0x11f: {  	_ =	swait.ge [sflag:s20], $0xFA0  }
0x120: {  	[sflag:s20] =	ssyncset.done $0x0  }
0x121: {  	s12 =	simm.s32 $0x9E00;
	[sflag:s20] =	ssyncadd.s32 $0xFFFFF060  }
0x122: {  	[spmem:s2] =	stream.indirect.scatter.add.f32 [tilespmem:s14], [sflag:$0xD], $0x20, s12, s30, $0xb8;
	[tilespmem:$0x1CD00] =	vst v63  }
0x123: {  	s13 =	simm.s32 $0x9E80  }
0x124: {  	[spmem:s2] =	stream.indirect.scatter.add.f32 [tilespmem:s16], [sflag:$0xE], $0x20, s13, s30, $0xb8;
	[tilespmem:$0x1CD00] =	vst v63  }
0x125: {  	s24 =	simm.s32 $0x9F00  }
0x126: {  	[spmem:s2] =	stream.indirect.scatter.add.f32 [tilespmem:s0], [sflag:$0xF], $0x20, s24, s30, $0xb8;
	[tilespmem:$0x1CD00] =	vst v63  }
0x127: {  	s12 =	simm.s32 $0x9F80  }
0x128: {  	[spmem:s2] =	stream.indirect.scatter.add.f32 [tilespmem:s6], [sflag:$0x10], $0x20, s12, s30, $0xb8;
	[tilespmem:$0x1CD00] =	vst v63  }
0x129: {  	_ =	swait.ge [sflag:s3], $0xFA0  }
0x12a: {  	[sflag:s3] =	ssyncset.done $0x0  }
0x12b: {  	[sflag:s3] =	ssyncadd.s32 $0xFFFFF060  }
0x12c: {  	_ =	swait.ge [sflag:s10], $0xFA0  }
0x12d: {  	[sflag:s10] =	ssyncset.done $0x0  }
0x12e: {  	[sflag:s10] =	ssyncadd.s32 $0xFFFFF060  }
0x12f: {  	_ =	swait.ge [sflag:s11], $0xFA0  }
0x130: {  	[sflag:s11] =	ssyncset.done $0x0  }
0x131: {  	[sflag:s11] =	ssyncadd.s32 $0xFFFFF060  }
0x132: {  	_ =	swait.ge [sflag:s23], $0xFA0  }
0x133: {  	[sflag:s23] =	ssyncset.done $0x0  }
0x134: {  	[sflag:s23] =	ssyncadd.s32 $0xFFFFF060  }
0x135: {  	[bflag:$0x0] =	sbarrier.arrive $0xFFFF  }
0x136: {  	s13 =	rddreg [dreg:$0x17]  }
0x137: {  	s9 =	rddreg [dreg:$0x9]  }
0x138: {  	s12 =	rddreg [dreg:$0xe];
	s13 =	sor.u32 $0x1C11, s13  }
0x139: {  	s24 =	sshrl.u32 s9, $0x3;
	[dreg:$0x15] =	wrdreg s13  }
0x13a: {  	[dreg:$0x16] =	wrdreg s24  }
0x13b: {  	[hbm:s12@s23], [sflag:s13] =	dma.strided [spmem:s24@s22], $0xA00, s21, $0x4   }
0x13c: {  	s24 =	simm.s32 $0x11  }
0x13d: {  	_ =	swait.ge [sflag:s24], $0xA00  }
0x13e: {  	s12 =	rddreg [dreg:$0xf]  }
0x13f: {  	[sflag:s24] =	ssyncset.done $0x0;
	s13 =	rddreg [dreg:$0x13]  }
0x140: {  	[sflag:s24] =	ssyncadd.s32 $0xFFFFF600;
	s24 =	rddreg [dreg:$0x12]  }
0x141: {  	[spmem:s13@s22], [sflag:s24] =	dma.strided [hbm:s12@s23], $0xA00, s21, $0x4   }
0x142: {  	s12 =	simm.s32 $0xA000  }
0x143: {  	[spmem:s9] =	stream.linear.scatter [tilespmem:s12], [sflag:$0x1], $0x1000, $0x38;
	[tilespmem:$0x1CD00] =	vst v63  }
0x144: {  	s13 =	rddreg [dreg:$0xa]  }
0x145: {  	[spmem:s13] =	stream.linear.scatter [tilespmem:s12], [sflag:$0x2], $0x1000, $0x38;
	[tilespmem:$0x1CD00] =	vst v63  }
0x146: {  	s24 =	rddreg [dreg:$0xb]  }
0x147: {  	[spmem:s24] =	stream.linear.scatter [tilespmem:s12], [sflag:$0x3], $0x1000, $0x38;
	[tilespmem:$0x1CD00] =	vst v63  }
0x148: {  	s13 =	rddreg [dreg:$0xc]  }
0x149: {  	[spmem:s13] =	stream.linear.scatter [tilespmem:s12], [sflag:$0x4], $0x1000, $0x38;
	[tilespmem:$0x1CD00] =	vst v63  }
0x14a: {  	s24 =	rddreg [dreg:$0xd]  }
0x14b: {  	[spmem:s24] =	stream.linear.scatter [tilespmem:s12], [sflag:$0x5], $0x1000, $0x38;
	[tilespmem:$0x1CD00] =	vst v63  }
0x14c: {  	_ =	swait.ge [sflag:s25], $0xA00  }
0x14d: {  	[sflag:s25] =	ssyncset.done $0x0  }
0x14e: {  	[sflag:s25] =	ssyncadd.s32 $0xFFFFF600  }
0x14f: {  	_ =	swait.ge [sflag:s21], $0x1000  }
0x150: {  	[sflag:s21] =	ssyncset.done $0x0  }
0x151: {  	[sflag:s21] =	ssyncadd.s32 $0xFFFFF000  }
0x152: {  	_ =	swait.ge [sflag:s26], $0x1000  }
0x153: {  	[sflag:s26] =	ssyncset.done $0x0  }
0x154: {  	[sflag:s26] =	ssyncadd.s32 $0xFFFFF000  }
0x155: {  	_ =	swait.ge [sflag:s28], $0x1000  }
0x156: {  	[sflag:s28] =	ssyncset.done $0x0  }
0x157: {  	[sflag:s28] =	ssyncadd.s32 $0xFFFFF000  }
0x158: {  	_ =	swait.ge [sflag:s22], $0x1000  }
0x159: {  	[sflag:s22] =	ssyncset.done $0x0  }
0x15a: {  	[sflag:s22] =	ssyncadd.s32 $0xFFFFF000  }
0x15b: {  	_ =	swait.ge [sflag:s29], $0x1000  }
0x15c: {  	[sflag:s29] =	ssyncset.done $0x0  }
0x15d: {  	[sflag:s29] =	ssyncadd.s32 $0xFFFFF000  }
0x15e: {  	s13 =	simm.s32 $0x0;
	[bflag:$0x0] =	sbarrier.arrive $0xFFFF  }
0x15f: {  	[tilespmem:s31], [sflag:$0x1] =	stream.indirect.gather [spmem:s1], $0x20, s13, s30, $0xb8;
	[tilespmem:$0x1CD00] =	vst v63  }
0x160: {  	s24 =	simm.s32 $0x80  }
0x161: {  	[tilespmem:s18], [sflag:$0x2] =	stream.indirect.gather [spmem:s1], $0x20, s24, s30, $0xb8;
	[tilespmem:$0x1CD00] =	vst v63  }
0x162: {  	s12 =	simm.s32 $0x100  }
0x163: {  	[tilespmem:s4], [sflag:$0x3] =	stream.indirect.gather [spmem:s1], $0x20, s12, s30, $0xb8;
	[tilespmem:$0x1CD00] =	vst v63  }
0x164: {  	s13 =	simm.s32 $0x180  }
0x165: {  	[tilespmem:s7], [sflag:$0x4] =	stream.indirect.gather [spmem:s1], $0x20, s13, s30, $0xb8;
	[tilespmem:$0x1CD00] =	vst v63  }
0x166: {  	s24 =	simm.s32 $0x200  }
0x167: {  	[tilespmem:s14], [sflag:$0x5] =	stream.indirect.gather [spmem:s1], $0x20, s24, s30, $0xb8;
	[tilespmem:$0x1CD00] =	vst v63  }
0x168: {  	s12 =	simm.s32 $0x280  }
0x169: {  	[tilespmem:s16], [sflag:$0x6] =	stream.indirect.gather [spmem:s1], $0x20, s12, s30, $0xb8;
	[tilespmem:$0x1CD00] =	vst v63  }
0x16a: {  	s13 =	simm.s32 $0x300  }
0x16b: {  	[tilespmem:s0], [sflag:$0x7] =	stream.indirect.gather [spmem:s1], $0x20, s13, s30, $0xb8;
	[tilespmem:$0x1CD00] =	vst v63  }
0x16c: {  	s24 =	simm.s32 $0x380  }
0x16d: {  	[tilespmem:s6], [sflag:$0x8] =	stream.indirect.gather [spmem:s1], $0x20, s24, s30, $0xb8;
	[tilespmem:$0x1CD00] =	vst v63  }
0x16e: {  	_ =	swait.ge [sflag:s21], $0xFA0  }
0x16f: {  	[sflag:s21] =	ssyncset.done $0x0  }
0x170: {  	[sflag:s21] =	ssyncadd.s32 $0xFFFFF060  }
0x171: {  	_ =	swait.ge [sflag:s26], $0xFA0  }
0x172: {  	[sflag:s26] =	ssyncset.done $0x0  }
0x173: {  	[sflag:s26] =	ssyncadd.s32 $0xFFFFF060  }
0x174: {  	_ =	swait.ge [sflag:s28], $0xFA0  }
0x175: {  	[sflag:s28] =	ssyncset.done $0x0  }
0x176: {  	[sflag:s28] =	ssyncadd.s32 $0xFFFFF060  }
0x177: {  	_ =	swait.ge [sflag:s22], $0xFA0  }
0x178: {  	[sflag:s22] =	ssyncset.done $0x0  }
0x179: {  	s9 =	simm.s32 $0x5000;
	[sflag:s22] =	ssyncadd.s32 $0xFFFFF060  }
0x17a: {  	[spmem:s2] =	stream.indirect.scatter.add.f32 [tilespmem:s31], [sflag:$0x9], $0x20, s9, s30, $0xb8;
	[tilespmem:$0x1CD00] =	vst v63  }
0x17b: {  	s13 =	simm.s32 $0x5080  }
0x17c: {  	[spmem:s2] =	stream.indirect.scatter.add.f32 [tilespmem:s18], [sflag:$0xA], $0x20, s13, s30, $0xb8;
	[tilespmem:$0x1CD00] =	vst v63  }
0x17d: {  	s24 =	simm.s32 $0x5100  }
0x17e: {  	[spmem:s2] =	stream.indirect.scatter.add.f32 [tilespmem:s4], [sflag:$0xB], $0x20, s24, s30, $0xb8;
	[tilespmem:$0x1CD00] =	vst v63  }
0x17f: {  	s9 =	simm.s32 $0x5180  }
0x180: {  	[spmem:s2] =	stream.indirect.scatter.add.f32 [tilespmem:s7], [sflag:$0xC], $0x20, s9, s30, $0xb8;
	[tilespmem:$0x1CD00] =	vst v63  }
0x181: {  	_ =	swait.ge [sflag:s5], $0xFA0  }
0x182: {  	[sflag:s5] =	ssyncset.done $0x0  }
0x183: {  	[sflag:s5] =	ssyncadd.s32 $0xFFFFF060  }
0x184: {  	_ =	swait.ge [sflag:s8], $0xFA0  }
0x185: {  	[sflag:s8] =	ssyncset.done $0x0  }
0x186: {  	[sflag:s8] =	ssyncadd.s32 $0xFFFFF060  }
0x187: {  	_ =	swait.ge [sflag:s15], $0xFA0  }
0x188: {  	[sflag:s15] =	ssyncset.done $0x0  }
0x189: {  	[sflag:s15] =	ssyncadd.s32 $0xFFFFF060  }
0x18a: {  	_ =	swait.ge [sflag:s17], $0xFA0  }
0x18b: {  	[sflag:s17] =	ssyncset.done $0x0  }
0x18c: {  	s13 =	simm.s32 $0x400;
	[sflag:s17] =	ssyncadd.s32 $0xFFFFF060  }
0x18d: {  	[tilespmem:s31], [sflag:$0x1] =	stream.indirect.gather [spmem:s1], $0x20, s13, s30, $0xb8;
	[tilespmem:$0x1CD00] =	vst v63  }
0x18e: {  	s24 =	simm.s32 $0x480  }
0x18f: {  	[tilespmem:s18], [sflag:$0x2] =	stream.indirect.gather [spmem:s1], $0x20, s24, s30, $0xb8;
	[tilespmem:$0x1CD00] =	vst v63  }
0x190: {  	s9 =	simm.s32 $0x500  }
0x191: {  	[tilespmem:s4], [sflag:$0x3] =	stream.indirect.gather [spmem:s1], $0x20, s9, s30, $0xb8;
	[tilespmem:$0x1CD00] =	vst v63  }
0x192: {  	s13 =	simm.s32 $0x580  }
0x193: {  	[tilespmem:s7], [sflag:$0x4] =	stream.indirect.gather [spmem:s1], $0x20, s13, s30, $0xb8;
	[tilespmem:$0x1CD00] =	vst v63  }
0x194: {  	_ =	swait.ge [sflag:s29], $0xFA0  }
0x195: {  	[sflag:s29] =	ssyncset.done $0x0  }
0x196: {  	[sflag:s29] =	ssyncadd.s32 $0xFFFFF060  }
0x197: {  	_ =	swait.ge [sflag:s25], $0xFA0  }
0x198: {  	[sflag:s25] =	ssyncset.done $0x0  }
0x199: {  	[sflag:s25] =	ssyncadd.s32 $0xFFFFF060  }
0x19a: {  	_ =	swait.ge [sflag:s19], $0xFA0  }
0x19b: {  	[sflag:s19] =	ssyncset.done $0x0  }
0x19c: {  	[sflag:s19] =	ssyncadd.s32 $0xFFFFF060  }
0x19d: {  	_ =	swait.ge [sflag:s20], $0xFA0  }
0x19e: {  	[sflag:s20] =	ssyncset.done $0x0  }
0x19f: {  	s24 =	simm.s32 $0x5200;
	[sflag:s20] =	ssyncadd.s32 $0xFFFFF060  }
0x1a0: {  	[spmem:s2] =	stream.indirect.scatter.add.f32 [tilespmem:s14], [sflag:$0xD], $0x20, s24, s30, $0xb8;
	[tilespmem:$0x1CD00] =	vst v63  }
0x1a1: {  	s9 =	simm.s32 $0x5280  }
0x1a2: {  	[spmem:s2] =	stream.indirect.scatter.add.f32 [tilespmem:s16], [sflag:$0xE], $0x20, s9, s30, $0xb8;
	[tilespmem:$0x1CD00] =	vst v63  }
0x1a3: {  	s13 =	simm.s32 $0x5300  }
0x1a4: {  	[spmem:s2] =	stream.indirect.scatter.add.f32 [tilespmem:s0], [sflag:$0xF], $0x20, s13, s30, $0xb8;
	[tilespmem:$0x1CD00] =	vst v63  }
0x1a5: {  	s24 =	simm.s32 $0x5380  }
0x1a6: {  	[spmem:s2] =	stream.indirect.scatter.add.f32 [tilespmem:s6], [sflag:$0x10], $0x20, s24, s30, $0xb8;
	[tilespmem:$0x1CD00] =	vst v63  }
0x1a7: {  	_ =	swait.ge [sflag:s3], $0xFA0  }
0x1a8: {  	[sflag:s3] =	ssyncset.done $0x0  }
0x1a9: {  	[sflag:s3] =	ssyncadd.s32 $0xFFFFF060  }
0x1aa: {  	_ =	swait.ge [sflag:s10], $0xFA0  }
0x1ab: {  	[sflag:s10] =	ssyncset.done $0x0  }
0x1ac: {  	[sflag:s10] =	ssyncadd.s32 $0xFFFFF060  }
0x1ad: {  	_ =	swait.ge [sflag:s11], $0xFA0  }
0x1ae: {  	[sflag:s11] =	ssyncset.done $0x0  }
0x1af: {  	[sflag:s11] =	ssyncadd.s32 $0xFFFFF060  }
0x1b0: {  	_ =	swait.ge [sflag:s23], $0xFA0  }
0x1b1: {  	[sflag:s23] =	ssyncset.done $0x0  }
0x1b2: {  	s9 =	simm.s32 $0x600;
	[sflag:s23] =	ssyncadd.s32 $0xFFFFF060  }
0x1b3: {  	[tilespmem:s14], [sflag:$0x5] =	stream.indirect.gather [spmem:s1], $0x20, s9, s30, $0xb8;
	[tilespmem:$0x1CD00] =	vst v63  }
0x1b4: {  	s13 =	simm.s32 $0x680  }
0x1b5: {  	[tilespmem:s16], [sflag:$0x6] =	stream.indirect.gather [spmem:s1], $0x20, s13, s30, $0xb8;
	[tilespmem:$0x1CD00] =	vst v63  }
0x1b6: {  	s24 =	simm.s32 $0x700  }
0x1b7: {  	[tilespmem:s0], [sflag:$0x7] =	stream.indirect.gather [spmem:s1], $0x20, s24, s30, $0xb8;
	[tilespmem:$0x1CD00] =	vst v63  }
0x1b8: {  	s12 =	simm.s32 $0x1000;
	s24 =	simm.s32 $0x780  }
.LBB2_6:
0x1b9: {  	[tilespmem:s6], [sflag:$0x8] =	stream.indirect.gather [spmem:s1], $0x20, s24, s30, $0xb8;
	[tilespmem:$0x1CD00] =	vst v63  }
0x1ba: {  	s24 =	smov.u32 s12  }
0x1bb: {  	p0 =	sne.s32 s12, $0x12000;
	s12 =	sadd.s32 $0x1000, s12;
	_ =	swait.ge [sflag:s21], $0xFA0  }
0x1bc: {  	[sflag:s21] =	ssyncset.done $0x0  }
0x1bd: {  	[sflag:s21] =	ssyncadd.s32 $0xFFFFF060  }
0x1be: {  	_ =	swait.ge [sflag:s26], $0xFA0  }
0x1bf: {  	[sflag:s26] =	ssyncset.done $0x0  }
0x1c0: {  	[sflag:s26] =	ssyncadd.s32 $0xFFFFF060  }
0x1c1: {  	_ =	swait.ge [sflag:s28], $0xFA0  }
0x1c2: {  	[sflag:s28] =	ssyncset.done $0x0  }
0x1c3: {  	[sflag:s28] =	ssyncadd.s32 $0xFFFFF060  }
0x1c4: {  	_ =	swait.ge [sflag:s22], $0xFA0  }
0x1c5: {  	s24 =	sshra.s32 s24, $0x2;
	[sflag:s22] =	ssyncset.done $0x0  }
0x1c6: {  	s9 =	sadd.s32 $0x5000, s24;
	[sflag:s22] =	ssyncadd.s32 $0xFFFFF060  }
0x1c7: {  	[spmem:s2] =	stream.indirect.scatter.add.f32 [tilespmem:s31], [sflag:$0x9], $0x20, s9, s30, $0xb8;
	[tilespmem:$0x1CD00] =	vst v63  }
0x1c8: {  	s9 =	sadd.s32 $0x5080, s24  }
0x1c9: {  	[spmem:s2] =	stream.indirect.scatter.add.f32 [tilespmem:s18], [sflag:$0xA], $0x20, s9, s30, $0xb8;
	[tilespmem:$0x1CD00] =	vst v63  }
0x1ca: {  	s9 =	sadd.s32 $0x5100, s24  }
0x1cb: {  	[spmem:s2] =	stream.indirect.scatter.add.f32 [tilespmem:s4], [sflag:$0xB], $0x20, s9, s30, $0xb8;
	[tilespmem:$0x1CD00] =	vst v63  }
0x1cc: {  	s9 =	sadd.s32 $0x5180, s24  }
0x1cd: {  	[spmem:s2] =	stream.indirect.scatter.add.f32 [tilespmem:s7], [sflag:$0xC], $0x20, s9, s30, $0xb8;
	[tilespmem:$0x1CD00] =	vst v63  }
0x1ce: {  	_ =	swait.ge [sflag:s5], $0xFA0  }
0x1cf: {  	[sflag:s5] =	ssyncset.done $0x0  }
0x1d0: {  	[sflag:s5] =	ssyncadd.s32 $0xFFFFF060  }
0x1d1: {  	_ =	swait.ge [sflag:s8], $0xFA0  }
0x1d2: {  	[sflag:s8] =	ssyncset.done $0x0  }
0x1d3: {  	[sflag:s8] =	ssyncadd.s32 $0xFFFFF060  }
0x1d4: {  	_ =	swait.ge [sflag:s15], $0xFA0  }
0x1d5: {  	[sflag:s15] =	ssyncset.done $0x0  }
0x1d6: {  	[sflag:s15] =	ssyncadd.s32 $0xFFFFF060  }
0x1d7: {  	_ =	swait.ge [sflag:s17], $0xFA0  }
0x1d8: {  	[sflag:s17] =	ssyncset.done $0x0  }
0x1d9: {  	s9 =	sadd.s32 $0x400, s24;
	[sflag:s17] =	ssyncadd.s32 $0xFFFFF060  }
0x1da: {  	[tilespmem:s31], [sflag:$0x1] =	stream.indirect.gather [spmem:s1], $0x20, s9, s30, $0xb8;
	[tilespmem:$0x1CD00] =	vst v63  }
0x1db: {  	s9 =	sadd.s32 $0x480, s24  }
0x1dc: {  	[tilespmem:s18], [sflag:$0x2] =	stream.indirect.gather [spmem:s1], $0x20, s9, s30, $0xb8;
	[tilespmem:$0x1CD00] =	vst v63  }
0x1dd: {  	s9 =	sadd.s32 $0x500, s24  }
0x1de: {  	[tilespmem:s4], [sflag:$0x3] =	stream.indirect.gather [spmem:s1], $0x20, s9, s30, $0xb8;
	[tilespmem:$0x1CD00] =	vst v63  }
0x1df: {  	s9 =	sadd.s32 $0x580, s24  }
0x1e0: {  	[tilespmem:s7], [sflag:$0x4] =	stream.indirect.gather [spmem:s1], $0x20, s9, s30, $0xb8;
	[tilespmem:$0x1CD00] =	vst v63  }
0x1e1: {  	_ =	swait.ge [sflag:s29], $0xFA0  }
0x1e2: {  	[sflag:s29] =	ssyncset.done $0x0  }
0x1e3: {  	[sflag:s29] =	ssyncadd.s32 $0xFFFFF060  }
0x1e4: {  	_ =	swait.ge [sflag:s25], $0xFA0  }
0x1e5: {  	[sflag:s25] =	ssyncset.done $0x0  }
0x1e6: {  	[sflag:s25] =	ssyncadd.s32 $0xFFFFF060  }
0x1e7: {  	_ =	swait.ge [sflag:s19], $0xFA0  }
0x1e8: {  	[sflag:s19] =	ssyncset.done $0x0  }
0x1e9: {  	[sflag:s19] =	ssyncadd.s32 $0xFFFFF060  }
0x1ea: {  	_ =	swait.ge [sflag:s20], $0xFA0  }
0x1eb: {  	[sflag:s20] =	ssyncset.done $0x0  }
0x1ec: {  	s9 =	sadd.s32 $0x5200, s24;
	[sflag:s20] =	ssyncadd.s32 $0xFFFFF060  }
0x1ed: {  	[spmem:s2] =	stream.indirect.scatter.add.f32 [tilespmem:s14], [sflag:$0xD], $0x20, s9, s30, $0xb8;
	[tilespmem:$0x1CD00] =	vst v63  }
0x1ee: {  	s9 =	sadd.s32 $0x5280, s24  }
0x1ef: {  	[spmem:s2] =	stream.indirect.scatter.add.f32 [tilespmem:s16], [sflag:$0xE], $0x20, s9, s30, $0xb8;
	[tilespmem:$0x1CD00] =	vst v63  }
0x1f0: {  	s9 =	sadd.s32 $0x5300, s24  }
0x1f1: {  	[spmem:s2] =	stream.indirect.scatter.add.f32 [tilespmem:s0], [sflag:$0xF], $0x20, s9, s30, $0xb8;
	[tilespmem:$0x1CD00] =	vst v63  }
0x1f2: {  	s9 =	sadd.s32 $0x5380, s24  }
0x1f3: {  	[spmem:s2] =	stream.indirect.scatter.add.f32 [tilespmem:s6], [sflag:$0x10], $0x20, s9, s30, $0xb8;
	[tilespmem:$0x1CD00] =	vst v63  }
0x1f4: {  	_ =	swait.ge [sflag:s3], $0xFA0  }
0x1f5: {  	[sflag:s3] =	ssyncset.done $0x0  }
0x1f6: {  	[sflag:s3] =	ssyncadd.s32 $0xFFFFF060  }
0x1f7: {  	_ =	swait.ge [sflag:s10], $0xFA0  }
0x1f8: {  	[sflag:s10] =	ssyncset.done $0x0  }
0x1f9: {  	[sflag:s10] =	ssyncadd.s32 $0xFFFFF060  }
0x1fa: {  	_ =	swait.ge [sflag:s11], $0xFA0  }
0x1fb: {  	[sflag:s11] =	ssyncset.done $0x0  }
0x1fc: {  	[sflag:s11] =	ssyncadd.s32 $0xFFFFF060  }
0x1fd: {  	_ =	swait.ge [sflag:s23], $0xFA0  }
0x1fe: {  	[sflag:s23] =	ssyncset.done $0x0  }
0x1ff: {  	s9 =	sadd.s32 $0x600, s24;
	[sflag:s23] =	ssyncadd.s32 $0xFFFFF060  }
0x200: {  	[tilespmem:s14], [sflag:$0x5] =	stream.indirect.gather [spmem:s1], $0x20, s9, s30, $0xb8;
	[tilespmem:$0x1CD00] =	vst v63  }
.Ltmp2:
0x201: {  	s9 =	sadd.s32 $0x680, s24;
	(pc) =	sbr.rel @p0 .LBB2_6-.Ltmp2, $4  }
0x202: {  	[tilespmem:s16], [sflag:$0x6] =	stream.indirect.gather [spmem:s1], $0x20, s9, s30, $0xb8;
	[tilespmem:$0x1CD00] =	vst v63  }
0x203: {  	s9 =	sadd.s32 $0x700, s24  }
0x204: {  	[tilespmem:s0], [sflag:$0x7] =	stream.indirect.gather [spmem:s1], $0x20, s9, s30, $0xb8;
	[tilespmem:$0x1CD00] =	vst v63  }
0x205: {  	s24 =	sadd.s32 $0x780, s24  }
0x206: {  	[tilespmem:s6], [sflag:$0x8] =	stream.indirect.gather [spmem:s1], $0x20, s24, s30, $0xb8;
	[tilespmem:$0x1CD00] =	vst v63  }
0x207: {  	_ =	swait.ge [sflag:s21], $0xFA0  }
0x208: {  	[sflag:s21] =	ssyncset.done $0x0  }
0x209: {  	[sflag:s21] =	ssyncadd.s32 $0xFFFFF060  }
0x20a: {  	_ =	swait.ge [sflag:s26], $0xFA0  }
0x20b: {  	[sflag:s26] =	ssyncset.done $0x0  }
0x20c: {  	[sflag:s26] =	ssyncadd.s32 $0xFFFFF060  }
0x20d: {  	_ =	swait.ge [sflag:s28], $0xFA0  }
0x20e: {  	[sflag:s28] =	ssyncset.done $0x0  }
0x20f: {  	[sflag:s28] =	ssyncadd.s32 $0xFFFFF060  }
0x210: {  	_ =	swait.ge [sflag:s22], $0xFA0  }
0x211: {  	[sflag:s22] =	ssyncset.done $0x0  }
0x212: {  	s9 =	simm.s32 $0x9C00;
	[sflag:s22] =	ssyncadd.s32 $0xFFFFF060  }
0x213: {  	[spmem:s2] =	stream.indirect.scatter.add.f32 [tilespmem:s31], [sflag:$0x9], $0x20, s9, s30, $0xb8;
	[tilespmem:$0x1CD00] =	vst v63  }
0x214: {  	s13 =	simm.s32 $0x9C80  }
0x215: {  	[spmem:s2] =	stream.indirect.scatter.add.f32 [tilespmem:s18], [sflag:$0xA], $0x20, s13, s30, $0xb8;
	[tilespmem:$0x1CD00] =	vst v63  }
0x216: {  	s24 =	simm.s32 $0x9D00  }
0x217: {  	[spmem:s2] =	stream.indirect.scatter.add.f32 [tilespmem:s4], [sflag:$0xB], $0x20, s24, s30, $0xb8;
	[tilespmem:$0x1CD00] =	vst v63  }
0x218: {  	s12 =	simm.s32 $0x9D80  }
0x219: {  	[spmem:s2] =	stream.indirect.scatter.add.f32 [tilespmem:s7], [sflag:$0xC], $0x20, s12, s30, $0xb8;
	[tilespmem:$0x1CD00] =	vst v63  }
0x21a: {  	_ =	swait.ge [sflag:s5], $0xFA0  }
0x21b: {  	[sflag:s5] =	ssyncset.done $0x0  }
0x21c: {  	[sflag:s5] =	ssyncadd.s32 $0xFFFFF060  }
0x21d: {  	_ =	swait.ge [sflag:s8], $0xFA0  }
0x21e: {  	[sflag:s8] =	ssyncset.done $0x0  }
0x21f: {  	[sflag:s8] =	ssyncadd.s32 $0xFFFFF060  }
0x220: {  	_ =	swait.ge [sflag:s15], $0xFA0  }
0x221: {  	[sflag:s15] =	ssyncset.done $0x0  }
0x222: {  	[sflag:s15] =	ssyncadd.s32 $0xFFFFF060  }
0x223: {  	_ =	swait.ge [sflag:s17], $0xFA0  }
0x224: {  	[sflag:s17] =	ssyncset.done $0x0  }
0x225: {  	[sflag:s17] =	ssyncadd.s32 $0xFFFFF060  }
0x226: {  	_ =	swait.ge [sflag:s29], $0xFA0  }
0x227: {  	[sflag:s29] =	ssyncset.done $0x0  }
0x228: {  	[sflag:s29] =	ssyncadd.s32 $0xFFFFF060  }
0x229: {  	_ =	swait.ge [sflag:s25], $0xFA0  }
0x22a: {  	[sflag:s25] =	ssyncset.done $0x0  }
0x22b: {  	[sflag:s25] =	ssyncadd.s32 $0xFFFFF060  }
0x22c: {  	_ =	swait.ge [sflag:s19], $0xFA0  }
0x22d: {  	[sflag:s19] =	ssyncset.done $0x0  }
0x22e: {  	[sflag:s19] =	ssyncadd.s32 $0xFFFFF060  }
0x22f: {  	_ =	swait.ge [sflag:s20], $0xFA0  }
0x230: {  	[sflag:s20] =	ssyncset.done $0x0  }
0x231: {  	s13 =	simm.s32 $0x9E00;
	[sflag:s20] =	ssyncadd.s32 $0xFFFFF060  }
0x232: {  	[spmem:s2] =	stream.indirect.scatter.add.f32 [tilespmem:s14], [sflag:$0xD], $0x20, s13, s30, $0xb8;
	[tilespmem:$0x1CD00] =	vst v63  }
0x233: {  	s24 =	simm.s32 $0x9E80  }
0x234: {  	[spmem:s2] =	stream.indirect.scatter.add.f32 [tilespmem:s16], [sflag:$0xE], $0x20, s24, s30, $0xb8;
	[tilespmem:$0x1CD00] =	vst v63  }
0x235: {  	s12 =	simm.s32 $0x9F00  }
0x236: {  	[spmem:s2] =	stream.indirect.scatter.add.f32 [tilespmem:s0], [sflag:$0xF], $0x20, s12, s30, $0xb8;
	[tilespmem:$0x1CD00] =	vst v63  }
0x237: {  	s13 =	simm.s32 $0x9F80  }
0x238: {  	[spmem:s2] =	stream.indirect.scatter.add.f32 [tilespmem:s6], [sflag:$0x10], $0x20, s13, s30, $0xb8;
	[tilespmem:$0x1CD00] =	vst v63  }
0x239: {  	_ =	swait.ge [sflag:s3], $0xFA0  }
0x23a: {  	[sflag:s3] =	ssyncset.done $0x0  }
0x23b: {  	[sflag:s3] =	ssyncadd.s32 $0xFFFFF060  }
0x23c: {  	_ =	swait.ge [sflag:s10], $0xFA0  }
0x23d: {  	[sflag:s10] =	ssyncset.done $0x0  }
0x23e: {  	[sflag:s10] =	ssyncadd.s32 $0xFFFFF060  }
0x23f: {  	_ =	swait.ge [sflag:s11], $0xFA0  }
0x240: {  	[sflag:s11] =	ssyncset.done $0x0  }
0x241: {  	[sflag:s11] =	ssyncadd.s32 $0xFFFFF060  }
0x242: {  	_ =	swait.ge [sflag:s23], $0xFA0  }
0x243: {  	[sflag:s23] =	ssyncset.done $0x0  }
0x244: {  	[sflag:s23] =	ssyncadd.s32 $0xFFFFF060  }
0x245: {  	[bflag:$0x0] =	sbarrier.arrive $0xFFFF  }
0x246: {  	s24 =	rddreg [dreg:$0x10]  }
0x247: {  	s12 =	rddreg [dreg:$0x15]  }
0x248: {  	s13 =	rddreg [dreg:$0x16]  }
0x249: {  	[hbm:s24@s23], [sflag:s12] =	dma.strided [spmem:s13@s22], $0xA00, s21, $0x4   }
0x24a: {  	s12 =	simm.s32 $0x11  }
0x24b: {  	_ =	swait.ge [sflag:s12], $0xA00  }
0x24c: {  	s9 =	rddreg [dreg:$0x14]  }
0x24d: {  	s24 =	rddreg [dreg:$0x11];
	s13 =	sadd.s32 $0x1, s9  }
0x24e: {  	p0 =	sne.s32 s13, s24  }
.Ltmp3:
0x24f: {  	_ = 	snop;
	(pc) =	sbr.rel @p0 .LBB2_1-.Ltmp3, $3  }
0x250: {  	_ =	sdelay $0x1  }
0x251: {  	[sflag:s12] =	ssyncset.done $0x0  }
0x252: {  	[sflag:s12] =	ssyncadd.s32 $0xFFFFF600  }
0x253: {  	_ =	sfence.sel $0x180000  }
0x254: {  	[bflag:$0x0] =	sbarrier.arrive $0xFFFF  }
0x255: {  	_ =	strace $0x9000004D  }
0x256: {  	s0 =	stileid.u32;
	[bflag:$0x2] =	sbarrier.arrive $0xFFFF  }
0x257: {  	p0 =	sne.s32 s0, $0x0;
	s0 =	rddreg [dreg:$0x4]  }
0x258: {  	s0 =	sadd.s32 @!p0 $0x100000, s0  }
0x259: {  	[sflag:s0] =	ssyncadd.tile.s32 @!p0 $0x1;
	_ =	shalt  }
.Lfunc_end2:
_tile_overlayer_lowered:
.L_overlay_start_2:
0x25a: {  	(tag) =	ssettag $0x2  }
0x25b: {  	s0 =	rddreg [dreg:$0x0];
	s2 =	stileid.u32  }
0x25c: {  	s1 =	rddreg [dreg:$0x1];
	p0 =	sne.s32 s2, $0x0  }
0x25d: {  	s3 =	rddreg [dreg:$0x2];
	[bflag:$0x3] =	sbarrier.arrive $0xFFFF;
	s2 =	simm.s32 @!p0 $0x1C11  }
0x25e: {  	[timem:s3], [sflag:s2] =	dma.local @!p0 [hbm:s0], s1  }
0x25f: {  	s0 =	simm.s32 @!p0 $0x11  }
0x260: {  	_ =	swait.ge @!p0 [sflag:s0], s1  }
0x261: {  	s1 =	ssub.s32 @!p0 $0x0, s1;
	[sflag:s0] =	ssyncset.done @!p0 $0x0  }
0x262: {  	[sflag:s0] =	ssyncadd.s32 @!p0 s1  }
0x263: {  	[bflag:$0x3] =	sbarrier.arrive $0xFFFF  }
0x264: {  	_ =	shalt  }

// kernel: kernel.8.cloned.1.call-start
scs
__scs_entry_jumppad:
0x0: {  	(pc) =	sbr.rel $0x88, $3  }
0x1: {  	(tag) =	ssettag $0x0;
	lr =	simm.s32 $0x1  }
0x2: {  	[smem:$0x3F9B] =	sst lr;
	_ =	strace $0xD0000000  }
0x3: {  	_ = 	snop  }
0x4: {  	_ = 	snop  }
0x5: {  	_ = 	snop  }
0x6: {  	_ = 	snop  }
0x7: {  	_ = 	snop  }
__scs_overlays_trampoline_lowered:
0x8: {  	[smem:$0x3FAA] =	sst s0  }
0x9: {  	[smem:$0x3FAB] =	sst s1  }
0xa: {  	[smem:$0x3FAC] =	sst s2  }
0xb: {  	[smem:$0x3FAD] =	sst s3  }
0xc: {  	[smem:$0x3FAE] =	sst s4  }
0xd: {  	[smem:$0x3FAF] =	sst s5  }
0xe: {  	[smem:$0x3FB0] =	sst s6  }
0xf: {  	[smem:$0x3FB1] =	sst s7  }
0x10: {  	[smem:$0x3FB2] =	sst s8  }
0x11: {  	[smem:$0x3FB3] =	sst s9;
	s0 =	simm.s32 @!p0 $0x0  }
0x12: {  	s1 =	sld [smem:$0x3F99];
	s0 =	simm.s32 @p0 $0x1  }
0x13: {  	[smem:$0x3FB4] =	sst s0;
	s0 =	simm.s32 @!p1 $0x0  }
0x14: {  	s2 =	sld [smem:$0x3F98];
	s0 =	simm.s32 @p1 $0x1  }
0x15: {  	[smem:$0x3FB5] =	sst s0;
	s0 =	simm.s32 @!p2 $0x0  }
0x16: {  	s3 =	sld [smem:$0x3FDB];
	s0 =	simm.s32 @p2 $0x1  }
0x17: {  	s4 =	simm.s32 $0x1BF5;
	[smem:$0x3FB7] =	sst s0  }
0x18: {  	s0 =	sld [smem:$0x3F9A];
	_ =	swait.ge [sflag:s4], $0x0  }
0x19: {  	s7 =	sld [smem:$0x3F9B]  }
0x1a: {  	s8 =	sadd.s32 $0xFFFFE003, lr  }
0x1b: {  	s9 =	sadd.s32 $0xFFFFFEF7, lr;
	s5 =	simm.s32 $0xFFFFFFFF;
	p2 =	slt.u32 s8, $0xFFFFF086  }
0x1c: {  	p1 =	slt.u32 s9, $0xF7A;
	s5 =	simm.s32 @!p2 $0x0  }
0x1d: {  	s5 =	simm.s32 @p1 $0x1;
	p0 =	seq.s32 s7, s2  }
0x1e: {  	s7 =	smul.u32 @!p0 $0xF7A, s2;
	p2 =	seq.s32 @!p0 s5, $0x0  }
0x1f: {  	s9 =	smul.u32 $0xF7A, s1;
	s8 =	simm.s32 @!p0 $0x1BF5;
	p2 =	por !p2, p0  }
0x20: {  	[sflag:s8] =	ssyncset.s32 @!p0 $0xFFFFF086;
	s6 =	sadd.s32 @!p0 s3, s7;
	s7 =	simm.s32 @!p0 $0x108  }
0x21: {  	s3 =	sadd.s32 s3, s9;
	s6 =	sadd.s32 @!p0 $0x88, s6;
	s7 =	simm.s32 @p2 $0x1082  }
0x22: {  	[simem:s7], [sflag:s8] =	dma.local @!p0 [hbm:s6], $0xF7A  }
0x23: {  	s9 =	sor.u32 $0xD0000000, s2;
	s6 =	simm.s32 $0x108;
	_ =	swait.ge @!p0 [sflag:s8], $0x0  }
0x24: {  	s3 =	sadd.s32 $0x88, s3;
	s6 =	simm.s32 @!p1 $0x1082;
	[sflag:s4] =	ssyncset.s32 $0xFFFFF086  }
0x25: {  	[simem:s6], [sflag:s4] =	dma.local [hbm:s3], $0xF7A  }
0x26: {  	[smem:$0x3F9B] =	sst s1;
	(tag) =	ssettag s2;
	_ =	strace s9  }
0x27: {  	s1 =	sld [smem:$0x3FAB]  }
0x28: {  	s2 =	sld [smem:$0x3FAC]  }
0x29: {  	s4 =	sld [smem:$0x3FAE]  }
0x2a: {  	p0 =	seq.s32 s5, $0x0;
	s5 =	sld [smem:$0x3FAF]  }
0x2b: {  	s6 =	sld [smem:$0x3FB0]  }
0x2c: {  	s7 =	sld [smem:$0x3FB1]  }
0x2d: {  	s3 =	simm.s32 $0x108;
	s8 =	sld [smem:$0x3FB2]  }
0x2e: {  	s3 =	simm.s32 @!p0 $0x1082;
	s9 =	sld [smem:$0x3FB3]  }
0x2f: {  	lr =	sadd.s32 s0, s3;
	s0 =	sld [smem:$0x3FAA]  }
0x30: {  	s3 =	sld [smem:$0x3FAD]  }
0x31: {  	[smem:$0x3FB6] =	sst s10  }
0x32: {  	s10 =	sld [smem:$0x3FB4];
	_ =	sdelay $0x3  }
0x33: {  	p0 =	seq.s32 s10, $0x1;
	s10 =	sld [smem:$0x3FB6];
	_ =	sdelay $0x3  }
0x34: {  	[smem:$0x3FB6] =	sst s10  }
0x35: {  	s10 =	sld [smem:$0x3FB5];
	_ =	sdelay $0x3  }
0x36: {  	p1 =	seq.s32 s10, $0x1;
	s10 =	sld [smem:$0x3FB6];
	_ =	sdelay $0x3  }
0x37: {  	[smem:$0x3FB6] =	sst s10  }
0x38: {  	s10 =	sld [smem:$0x3FB7]  }
0x39: {  	_ = 	snop;
	(pc) =	sbr.ind lr, $3  }
0x3a: {  	_ = 	snop  }
0x3b: {  	_ = 	snop  }
0x3c: {  	p2 =	seq.s32 s10, $0x1;
	s10 =	sld [smem:$0x3FB6]  }
0x3d: {  	_ =	shalt  }
0x3e: {  	_ =	shalt  }
0x3f: {  	_ =	shalt  }
0x40: {  	_ =	shalt  }
0x41: {  	_ =	shalt  }
0x42: {  	_ =	shalt  }
0x43: {  	_ =	shalt  }
0x44: {  	_ =	shalt  }
0x45: {  	_ =	shalt  }
0x46: {  	_ =	shalt  }
0x47: {  	_ =	shalt  }
0x48: {  	_ =	shalt  }
0x49: {  	_ =	shalt  }
0x4a: {  	_ =	shalt  }
0x4b: {  	_ =	shalt  }
0x4c: {  	_ =	shalt  }
0x4d: {  	_ =	shalt  }
0x4e: {  	_ =	shalt  }
0x4f: {  	_ =	shalt  }
0x50: {  	_ =	shalt  }
0x51: {  	_ =	shalt  }
0x52: {  	_ =	shalt  }
0x53: {  	_ =	shalt  }
0x54: {  	_ =	shalt  }
0x55: {  	_ =	shalt  }
0x56: {  	_ =	shalt  }
0x57: {  	_ =	shalt  }
0x58: {  	_ =	shalt  }
0x59: {  	_ =	shalt  }
0x5a: {  	_ =	shalt  }
0x5b: {  	_ =	shalt  }
0x5c: {  	_ =	shalt  }
0x5d: {  	_ =	shalt  }
0x5e: {  	_ =	shalt  }
0x5f: {  	_ =	shalt  }
0x60: {  	_ =	shalt  }
0x61: {  	_ =	shalt  }
0x62: {  	_ =	shalt  }
0x63: {  	_ =	shalt  }
0x64: {  	_ =	shalt  }
0x65: {  	_ =	shalt  }
0x66: {  	_ =	shalt  }
0x67: {  	_ =	shalt  }
0x68: {  	_ =	shalt  }
0x69: {  	_ =	shalt  }
0x6a: {  	_ =	shalt  }
0x6b: {  	_ =	shalt  }
0x6c: {  	_ =	shalt  }
0x6d: {  	_ =	shalt  }
0x6e: {  	_ =	shalt  }
0x6f: {  	_ =	shalt  }
0x70: {  	_ =	shalt  }
0x71: {  	_ =	shalt  }
0x72: {  	_ =	shalt  }
0x73: {  	_ =	shalt  }
0x74: {  	_ =	shalt  }
0x75: {  	_ =	shalt  }
0x76: {  	_ =	shalt  }
0x77: {  	_ =	shalt  }
0x78: {  	_ =	shalt  }
0x79: {  	_ =	shalt  }
0x7a: {  	_ =	shalt  }
0x7b: {  	_ =	shalt  }
0x7c: {  	_ =	shalt  }
0x7d: {  	_ =	shalt  }
0x7e: {  	_ =	shalt  }
0x7f: {  	_ =	shalt  }
0x80: {  	_ =	shalt  }
0x81: {  	_ =	shalt  }
0x82: {  	_ =	shalt  }
0x83: {  	_ =	shalt  }
0x84: {  	_ =	shalt  }
0x85: {  	_ =	shalt  }
0x86: {  	_ =	shalt  }
0x87: {  	_ =	shalt  }
.Lfunc_end0:
.L_simem_size_0:
called_computation_lowered:
.L_overlay_start_0:
0x88: {  	s2 =	sld [smem:$0x3FD9]  }
0x89: {  	s3 =	sld [smem:$0x3FFE];
	_ =	sdelay $0x1  }
0x8a: {  	s1 =	srdreg.scid  }
0x8b: {  	s0 =	sand.u32 $0x1, s1  }
0x8c: {  	s17 =	sshll.u32 s0, $0xA;
	s2 =	sadd.s32 s3, s2  }
0x8d: {  	s2 =	sadd.s32 s2, s17  }
0x8e: {  	[smem:$0x3FC2] =	sst s2  }
0x8f: {  	_ = 	snop  }
0x90: {  	s2 =	sld [smem:$0x3FD0];
	(tm) =	ssettm $0x1  }
0x91: {  	s18 =	sld [smem:$0x3FFB];
	_ =	sdelay $0x3  }
0x92: {  	_ =	strace s18  }
0x93: {  	s3 =	sld [smem:$0x3FFC];
	_ =	sdelay $0x3  }
0x94: {  	_ =	strace s3  }
0x95: {  	s3 =	sld [smem:$0x3FFD];
	_ =	sdelay $0x3  }
0x96: {  	_ =	strace s3  }
0x97: {  	_ =	strace $0x8FFFFFFF  }
0x98: {  	s19 =	sld [smem:$0x3FDB];
	_ =	sdelay $0x1  }
0x99: {  	s4 =	simm.s32 $_scs_section_size  }
0x9a: {  	s5 =	simm.s32 $_size__tile_overlayer_lowered;
	s6 =	simm.s32 $_tile_overlayer_lowered  }
0x9b: {  	s22 =	simm.s32 $0x1BFF;
	s21 =	sshll.u32 s6, $0x1;
	s3 =	sadd.s32 s4, s19  }
0x9c: {  	s7 =	simm.s32 $0x0;
	s20 =	sshll.u32 s5, $0x1;
	s5 =	sadd.s32 s21, s3  }
0x9d: {  	[timem:s7], [sflag:s22] =	dma.local [hbm:s5], s20  }
0x9e: {  	_ =	swait.ge [sflag:s22], s20  }
0x9f: {  	s4 =	ssub.s32 $0x0, s20;
	[sflag:s22] =	ssyncset.done $0x0  }
0xa0: {  	[sflag:s22] =	ssyncadd.s32 s4;
	_ =	sdelay $0x1  }
0xa1: {  	s23 =	simm.s32 $0x1B8B  }
0xa2: {  	_ =	swait.ge [sflag:s23], $0x1  }
0xa3: {  	[sflag:s23] =	ssyncset.done $0x0  }
0xa4: {  	s25 =	simm.s32 $0x1B8E;
	s24 =	sld [smem:$0x3FFE];
	[sflag:s23] =	ssyncadd.s32 $0xFFFFFFFF  }
0xa5: {  	s26 =	simm.s32 $execute0_lowered;
	[smem:$0x3FD2] =	sst s25  }
0xa6: {  	s5 =	sshll.u32 s26, $0x1;
	_ =	strace $0x80000046;
	[dreg:$0x1] =	wrdreg $0xFFFFFFFF  }
0xa7: {  	s28 =	simm.s32 $_size_execute0_lowered;
	s3 =	sadd.s32 s3, s5;
	[dreg:$0x0] =	wrdreg $0x0  }
0xa8: {  	s5 =	sshll.u32 s28, $0x1;
	[dreg:$0x2] =	wrdreg s3  }
0xa9: {  	[dreg:$0x3] =	wrdreg s5  }
0xaa: {  	[dreg:$0x4] =	wrdreg $0xC0  }
0xab: {  	_ =	task [dreg:s7], $0x5FFFF  }
0xac: {  	[dreg:$0x1] =	wrdreg $0xFFFFFFFF  }
0xad: {  	[dreg:$0x0] =	wrdreg $0x60  }
0xae: {  	[dreg:$0x2] =	wrdreg s2  }
0xaf: {  	[dreg:$0x3] =	wrdreg s24  }
0xb0: {  	[dreg:$0x4] =	wrdreg $0x57D00  }
0xb1: {  	[dreg:$0x5] =	wrdreg $0x9  }
0xb2: {  	_ =	task.clear_ibuf [dreg:s7], $0x6FFFF;
	_ =	strace $0x90000046  }
0xb3: {  	s29 =	simm.s32 $0x9;
	_ =	strace $0x80000048  }
0xb4: {  	_ =	swait.ge [sflag:s29], $0x1  }
0xb5: {  	[sflag:s29] =	ssyncadd.s32 $0xFFFFFFFF  }
0xb6: {  	_ =	strace $0x90000048  }
0xb7: {  	_ =	sfence  }
0xb8: {  	s30 =	sld [smem:$0x0];
	_ =	sdelay $0x2  }
0xb9: {  	s31 =	sshll.u32 s1, $0xD;
	s1 =	sshrl.u32 s1, $0x2  }
0xba: {  	s3 =	sand.u32 $0x4000, s31;
	s1 =	sadd.s32 s1, s30  }
0xbb: {  	s0 =	sor.u32 s3, s0;
	s1 =	sshll.u32 s1, $0x11  }
0xbc: {  	s0 =	sor.u32 s1, s0  }
0xbd: {  	s0 =	sadd.s32 $0x8F2B, s0  }
0xbe: {  	[sflag:s0] =	ssyncadd.remote.s32 $0x1  }
0xbf: {  	_ =	sfence.sel $0xFFFF  }
0xc0: {  	[dreg:$0x0] =	wrdreg $0xFFFFFFFF;
	(pc) =	sbr.abs _section_cstart, $3  }
0xc1: {  	[dreg:$0x1] =	wrdreg $0xFFFFFFFF  }
0xc2: {  	_ =	task.clear_ibuf [dreg:s7], $0x2FFFF;
	_ =	strace $0x9FFFFFFF  }
0xc3: {  	(tm) =	ssettm $0x7FFFFFFF  }
tec
execute0_lowered:
.L_overlay_start_1:
0x0: {  	(tag) =	ssettag $0x1  }
0x1: {  	s4 =	rddreg [dreg:$0x0]  }
0x2: {  	s1 =	srdreg.scid;
	s5 =	rddreg [dreg:$0x1]  }
0x3: {  	s0 =	stileid.u32;
	s2 =	rddreg [dreg:$0x2]  }
0x4: {  	s3 =	simm.s32 $0x0;
	s11 =	simm.s32 $0x2800;
	s7 =	smul.u32 $0x2800, s0  }
0x5: {  	s6 =	sand.u32 $0x1, s1;
	s1 =	rddreg [dreg:$0x3];
	s9 =	smul.u32 $0x5000, s0  }
0x6: {  	s14 =	simm.s32 $0x0;
	[smem:$0x7FF] =	sst s3;
	s8 =	smul.u32 $0x28000, s6  }
0x7: {  	s12 =	sshll.u32 s0, $0x6;
	s10 =	smul.u32 $0x2800, s6;
	_ =	strace $0x80000047  }
0x8: {  	s6 =	ssub.s32 $0x2, s6;
	s12 =	sor.u32 $0x1C01, s12;
	s8 =	sadd.s32 s7, s8  }
0x9: {  	s30 =	sshrl.u32 s6, $0x1;
	s9 =	sadd.s32 s10, s9;
	s8 =	sshrl.u32 s8, $0x3  }
0xa: {  	s10 =	ssub.s32 s6, s30;
	s9 =	sadd.s32 $0x50000, s9;
	s8 =	sadd.s32 s8, s5  }
0xb: {  	s31 =	sshrl.u32 s9, $0x3;
	s5 =	sadd.s32 s7, s2;
	s7 =	smax.u32 s10, $0x1  }
0xc: {  	s9 =	simm.s32 $0x2FD0;
	s10 =	simm.s32 $0x7D;
	s4 =	sadd.s32 s4, s31  }
0xd: {  	v0 =	vimm.f32 $1.000000000e+00;
	v1 =	vimm.f32 $0.0e+00;
	s6 =	sadd.s32 $0x3400, s8;
	s8 =	simm.s32 $0x1;
	s13 =	sshrl.u32 s5, $0x3  }
.LBB2_1:
0xe: {  	[tilespmem:s3], [sflag:$0x1] =	stream.linear.gather [hbm4b:s4+s3], $0x2800, $0x38;
	[tilespmem:$0x7FD0] =	vst v63  }
0xf: {  	_ =	swait.ge [sflag:s8], $0x2800  }
0x10: {  	[sflag:s8] =	ssyncset.done $0x0  }
0x11: {  	s15 =	simm.s32 $0x0;
	[sflag:s8] =	ssyncadd.s32 $0xFFFFD800  }
.LBB2_2:
0x12: {  	p0 =	sne.s32 s15, $0x1F00  }
.Ltmp0:
0x13: {  	_ = 	snop;
	(pc) =	sbr.rel @p0 .LBB2_2-.Ltmp0, $3  }
0x14: {  	_ =	sdelay $0x1  }
0x15: {  	s16 =	sshra.s32 s15, $0x2  }
0x16: {  	s15 =	sadd.s32 $0x40, s15;
	[tilespmem:s16+$0x2800] =	vst v0  }
0x17: {  	s15 =	simm.s32 $0x40;
	s16 =	simm.s32 $0x0  }
.LBB2_4:
0x18: {  	p0 =	sne.s32 s15, $0x9FC0;
	[tilespmem:s16+$0x2FD0] =	vst v1;
	s16 =	smov.u32 s15;
	s15 =	sadd.s32 $0x40, s15  }
.Ltmp1:
0x19: {  	(pc) =	sbr.rel @p0 .LBB2_4-.Ltmp1, $2  }
0x1a: {  	_ =	sdelay $0x2  }
0x1b: {  	s16 =	sshra.s32 s16, $0x2  }
0x1c: {  	[tilespmem:s16+$0x2FD0] =	vst v1  }
0x1d: {  	[spmem:s5] =	stream.linear.scatter [tilespmem:s9], [sflag:$0x1], $0x2800, $0x38;
	[tilespmem:$0x7FD0] =	vst v63  }
0x1e: {  	_ =	swait.ge [sflag:s8], $0x2800  }
0x1f: {  	[sflag:s8] =	ssyncset.done $0x0  }
0x20: {  	[sflag:s8] =	ssyncadd.s32 $0xFFFFD800  }
0x21: {  	s15 =	simm.s32 $0x0;
	[bflag:$0x0] =	sbarrier.arrive $0xFFFF  }
0x22: {  	[spmem:s2] =	stream.indirect.scatter.add.f32 [tilespmem:s11], [sflag:$0x1], $0x10, s15, s10, $0xb8;
	[tilespmem:$0x7FD0] =	vst v63  }
0x23: {  	_ =	swait.ge [sflag:s8], $0x7D0  }
0x24: {  	s15 =	simm.s32 $0x200;
	[sflag:s8] =	ssyncset.done $0x0  }
.LBB2_6:
0x25: {  	s16 =	sshra.s32 s15, $0x2;
	[sflag:s8] =	ssyncadd.s32 $0xFFFFF830;
	p0 =	sne.s32 s15, $0x9E00  }
0x26: {  	[spmem:s2] =	stream.indirect.scatter.add.f32 [tilespmem:s11], [sflag:$0x1], $0x10, s16, s10, $0xb8;
	[tilespmem:$0x7FD0] =	vst v63  }
.Ltmp2:
0x27: {  	_ = 	snop;
	(pc) =	sbr.rel @p0 .LBB2_6-.Ltmp2, $4  }
0x28: {  	_ = 	snop  }
0x29: {  	s15 =	sadd.s32 $0x200, s15  }
0x2a: {  	_ =	swait.ge [sflag:s8], $0x7D0  }
0x2b: {  	[sflag:s8] =	ssyncset.done $0x0  }
0x2c: {  	s14 =	sadd.s32 $0x1, s14  }
0x2d: {  	[sflag:s8] =	ssyncadd.s32 $0xFFFFF830;
	p0 =	sne.s32 s14, s7  }
.Ltmp3:
0x2e: {  	[bflag:$0x0] =	sbarrier.arrive $0xFFFF;
	(pc) =	sbr.rel @p0 .LBB2_1-.Ltmp3, $4  }
0x2f: {  	[hbm:s6], [sflag:s12] =	dma.local [spmem:s13], $0x500  }
0x30: {  	_ =	swait.ge [sflag:s8], $0x500  }
0x31: {  	[sflag:s8] =	ssyncset.done $0x0  }
0x32: {  	[sflag:s8] =	ssyncadd.s32 $0xFFFFFB00  }
0x33: {  	_ =	sfence.sel $0x180000  }
0x34: {  	[bflag:$0x0] =	sbarrier.arrive $0xFFFF  }
0x35: {  	p0 =	sne.s32 s0, $0x0;
	_ =	strace $0x90000047  }
0x36: {  	s0 =	sadd.s32 @!p0 $0x100000, s1;
	[bflag:$0x2] =	sbarrier.arrive $0xFFFF  }
0x37: {  	[sflag:s0] =	ssyncadd.tile.s32 @!p0 $0x1;
	_ =	shalt  }
.Lfunc_end2:
_tile_overlayer_lowered:
.L_overlay_start_2:
0x38: {  	(tag) =	ssettag $0x2  }
0x39: {  	s0 =	rddreg [dreg:$0x0];
	s2 =	stileid.u32  }
0x3a: {  	s1 =	rddreg [dreg:$0x1];
	p0 =	sne.s32 s2, $0x0  }
0x3b: {  	s3 =	rddreg [dreg:$0x2];
	[bflag:$0x3] =	sbarrier.arrive $0xFFFF;
	s2 =	simm.s32 @!p0 $0x1C01  }
0x3c: {  	[timem:s3], [sflag:s2] =	dma.local @!p0 [hbm:s0], s1  }
0x3d: {  	s0 =	simm.s32 @!p0 $0x1  }
0x3e: {  	_ =	swait.ge @!p0 [sflag:s0], s1  }
0x3f: {  	s1 =	ssub.s32 @!p0 $0x0, s1;
	[sflag:s0] =	ssyncset.done @!p0 $0x0  }
0x40: {  	[sflag:s0] =	ssyncadd.s32 @!p0 s1  }
0x41: {  	[bflag:$0x3] =	sbarrier.arrive $0xFFFF  }
0x42: {  	_ =	shalt  }

</sc_bundles>
